<compile_context>
chip_gen: v7x
topology: tpu7x:2x2x1
jax: 0.10.2.dev20260603
libtpu: 0.0.44.dev20260713+nightly
codegen_flags: <defaults>
</compile_context>

<pallas_src>
import functools

import jax
import jax.numpy as jnp
from jax import lax
from jax.experimental import pallas as pl
from jax.experimental.pallas import tpu as pltpu
from jax.experimental.pallas import tpu_sc as plsc

VOCAB = 100000
D = 64
BATCH = 1024
CTX = 10
LANES = 16
NIDS = BATCH * CTX

_INFO = plsc.get_sparse_core_info()
_NC, _NS = _INFO.num_cores, _INFO.num_subcores
_NW = _NC * _NS
_D_PER_W = D // _NW
_GCHUNK = 128
_NGCHUNK = NIDS // _GCHUNK


def _gather_mean_body(ids_hbm, et_hbm, out_hbm, idx_v, buf_v, mean_v, sem):
    wid = lax.axis_index("s") * _NC + lax.axis_index("c")
    pltpu.sync_copy(ids_hbm, idx_v)

    def one_dim(t, carry):
        d = wid * _D_PER_W + t
        row = et_hbm.at[d]
        copies = [
            pltpu.async_copy(
                row.at[idx_v.at[pl.ds(k * _GCHUNK, _GCHUNK)]],
                buf_v.at[pl.ds(k * _GCHUNK, _GCHUNK)],
                sem,
            )
            for k in range(_NGCHUNK)
        ]
        for c in copies:
            c.wait()

        def chunk(c, carry2):
            sl = pl.ds(c * LANES, LANES)
            acc = buf_v[pl.ds(c * LANES, LANES)]
            for j in range(1, CTX):
                acc = acc + buf_v[pl.ds(j * BATCH + c * LANES, LANES)]
            mean_v[t, sl] = acc * jnp.float32(1.0 / CTX)
            return carry2

        lax.fori_loop(0, BATCH // LANES, chunk, 0)
        return carry

    lax.fori_loop(0, _D_PER_W, one_dim, 0, unroll=True)
    pltpu.sync_copy(mean_v, out_hbm.at[pl.ds(wid * _D_PER_W, _D_PER_W)])


_gather_mean_t = functools.partial(
    pl.kernel,
    out_type=jax.ShapeDtypeStruct((D, BATCH), jnp.float32),
    mesh=plsc.VectorSubcoreMesh(core_axis_name="c", subcore_axis_name="s"),
    scratch_types=[
        pltpu.VMEM((NIDS,), jnp.int32),
        pltpu.VMEM((NIDS,), jnp.float32),
        pltpu.VMEM((_D_PER_W, BATCH), jnp.float32),
        pltpu.SemaphoreType.DMA,
    ],
    compiler_params=pltpu.CompilerParams(use_tc_tiling_on_sc=False),
)(_gather_mean_body)


_VB = 2048


def _proj_body(wt_ref, x_ref, out_ref):
    out_ref[...] = lax.dot_general(
        wt_ref[...].astype(jnp.bfloat16),
        x_ref[...],
        (((0,), (0,)), ((), ())),
        preferred_element_type=jnp.float32,
    )


def _project_t(wt, xt):
    return pl.pallas_call(
        _proj_body,
        grid=(pl.cdiv(VOCAB, _VB),),
        in_specs=[
            pl.BlockSpec((D, _VB), lambda i: (0, i)),
            pl.BlockSpec((D, BATCH), lambda i: (0, 0)),
        ],
        out_specs=pl.BlockSpec((_VB, BATCH), lambda i: (i, 0)),
        out_shape=jax.ShapeDtypeStruct((VOCAB, BATCH), jnp.float32),
        compiler_params=pltpu.CompilerParams(
            dimension_semantics=("arbitrary",),
            vmem_limit_bytes=100 * 1024 * 1024,
        ),
    )(wt, xt)


def kernel(context_ids, emb_table, out_weight):
    ids_cm = context_ids.T.reshape(NIDS).astype(jnp.int32)
    means_t = _gather_mean_t(ids_cm, emb_table.T)
    xt = means_t.astype(jnp.bfloat16)
    logits_t = _project_t(out_weight.T, xt)
    return logits_t.T

# --- scband reference (transcript-rebuilt; emitter-appended) ---
"""Pipeline reference for scband-word2-vec-89532888253178 (READ-ONLY COPY).

The authoritative reference and input builder live on the scoring server;
editing this copy changes nothing except your own understanding.
"""

import jax, jax.numpy as jnp
import numpy as np

VOCAB = 100000
D_MODEL = 64
BATCH = 1024
CTX_LEN = 10  # 2 * window_size

def setup_inputs(seed: int = 0) -> dict:
    key = jax.random.key(seed)
    k1, k2, k3 = jax.random.split(key, 3)
    context_ids = jax.random.randint(k1, (BATCH, CTX_LEN), 0, VOCAB)
    # nn.Embedding default init: N(0, 1)
    emb_table = jax.random.normal(k2, (VOCAB, D_MODEL), dtype=jnp.float32)
    # nn.Linear(d_model, vocab, bias=False) weight: [vocab, d_model], uniform(-1/sqrt(d), 1/sqrt(d))
    bound = 1.0 / np.sqrt(D_MODEL)
    out_weight = jax.random.uniform(k3, (VOCAB, D_MODEL), dtype=jnp.float32, minval=-bound, maxval=bound)
    return {"context_ids": context_ids, "emb_table": emb_table, "out_weight": out_weight}

def reference(context_ids, emb_table, out_weight):
    # CBOW forward step from _train_cbow:
    #   context_embeds = self.embeddings(context_tensor).mean(dim=1)
    #   logits = self.weight(context_embeds)
    ctx = jnp.take(emb_table, context_ids, axis=0)      # [B, L, d] gather
    context_embeds = ctx.mean(axis=1)                   # [B, d]
    logits = context_embeds @ out_weight.T              # [B, vocab]
    return logits

if __name__ == "__main__":
    import jax
    _d = setup_inputs()
    print(jax.jit(kernel)(*tuple(_d.values())))

</pallas_src>

<mosaic_0001>
#map = affine_map<(d0, d1) -> (0)>
#map1 = affine_map<(d0, d1) -> (0, 0)>
module attributes {stable_mosaic.version = 14 : i64} {
  func.func @_gather_mean_body(%arg0: i32, %arg1: i32, %arg2: memref<10240xi32, #tpu.memory_space<hbm>>, %arg3: memref<64x100000xf32, #tpu.memory_space<hbm>>, %arg4: memref<64x1024xf32, #tpu.memory_space<hbm>>, %arg5: memref<10240xi32, #tpu.memory_space<vmem>>, %arg6: memref<10240xf32, #tpu.memory_space<vmem>>, %arg7: memref<2x1024xf32, #tpu.memory_space<vmem>>, %arg8: memref<!tpu.dma_semaphore, #tpu.memory_space<semaphore_mem>>) attributes {dimension_semantics = [#tpu.dimension_semantics<core_parallel>, #tpu.dimension_semantics<subcore_parallel>], iteration_bounds = array<i64: 2, 16>, scalar_prefetch = 0 : i64, scratch_operands = 4 : i64, tpu.core_type = #tpu.core_type<sc_vector_subcore>, window_params = [{transform_indices = #map}, {transform_indices = #map1}, {transform_indices = #map1}]} {
    %mul3A = arith.constant 2 : i32
    %mul3A_0 = arith.muli %arg1, %mul3A : i32
    %add3A = arith.addi %mul3A_0, %arg0 : i32
    "tpu.region"() ({
      %run_scoped3A = tpu.sem_alloc : memref<!tpu.dma_semaphore, #tpu.memory_space<semaphore_mem>>
      tpu.enqueue_dma source(%arg2 : memref<10240xi32, #tpu.memory_space<hbm>>) target(%arg5 : memref<10240xi32, #tpu.memory_space<vmem>>) target_semaphore(%run_scoped3A : memref<!tpu.dma_semaphore, #tpu.memory_space<semaphore_mem>>)
      tpu.wait_dma2 semaphore(%run_scoped3A : memref<!tpu.dma_semaphore, #tpu.memory_space<semaphore_mem>>) src(%arg2 : memref<10240xi32, #tpu.memory_space<hbm>>) dst(%arg5 : memref<10240xi32, #tpu.memory_space<vmem>>)
      tpu.yield
    }) : () -> ()
    %scan3A = arith.constant 0 : i32
    %scan3A_1 = arith.constant 0 : i32
    %mul3A_2 = arith.constant 2 : i32
    %mul3A_3 = arith.muli %add3A, %mul3A_2 : i32
    %add3A_4 = arith.addi %mul3A_3, %scan3A_1 : i32
    %dma_start3A = arith.constant 0 : i32
    %dma_start3A_5 = tpu.memref_slice %arg6[%dma_start3A] : memref<10240xf32, #tpu.memory_space<vmem>> -> memref<128xf32, #tpu.memory_space<vmem>>
    %dma_start3A_6 = arith.constant 0 : i32
    %dma_start3A_7 = tpu.memref_slice %arg5[%dma_start3A_6] : memref<10240xi32, #tpu.memory_space<vmem>> -> memref<128xi32, #tpu.memory_space<vmem>>
    %dma_start3A_8 = arith.constant 0 : i32
    %dma_start3A_9 = tpu.memref_slice %arg3[%add3A_4, %dma_start3A_8] : memref<64x100000xf32, #tpu.memory_space<hbm>> -> memref<1x100000xf32, #tpu.memory_space<hbm>>
    %dma_start3A_10 = tpu.memref_squeeze %dma_start3A_9 : memref<1x100000xf32, #tpu.memory_space<hbm>> -> memref<100000xf32, #tpu.memory_space<hbm>>
    %dma_start3A_11 = arith.constant 0 : i32
    %dma_start3A_12 = tpu.memref_slice %dma_start3A_10[%dma_start3A_11] : memref<100000xf32, #tpu.memory_space<hbm>> -> memref<100000xf32, #tpu.memory_space<hbm>>
    tpu.enqueue_indirect_dma source(%dma_start3A_12 : memref<100000xf32, #tpu.memory_space<hbm>>) target(%dma_start3A_5 : memref<128xf32, #tpu.memory_space<vmem>>) offsets(%dma_start3A_7 : memref<128xi32, #tpu.memory_space<vmem>>) semaphore(%arg8 : memref<!tpu.dma_semaphore, #tpu.memory_space<semaphore_mem>>)
    %dma_start3A_13 = arith.constant 128 : i32
    %dma_start3A_14 = tpu.memref_slice %arg6[%dma_start3A_13] : memref<10240xf32, #tpu.memory_space<vmem>> -> memref<128xf32, #tpu.memory_space<vmem>>
    %dma_start3A_15 = arith.constant 128 : i32
    %dma_start3A_16 = tpu.memref_slice %arg5[%dma_start3A_15] : memref<10240xi32, #tpu.memory_space<vmem>> -> memref<128xi32, #tpu.memory_space<vmem>>
    %dma_start3A_17 = arith.constant 0 : i32
    %dma_start3A_18 = tpu.memref_slice %arg3[%add3A_4, %dma_start3A_17] : memref<64x100000xf32, #tpu.memory_space<hbm>> -> memref<1x100000xf32, #tpu.memory_space<hbm>>
    %dma_start3A_19 = tpu.memref_squeeze %dma_start3A_18 : memref<1x100000xf32, #tpu.memory_space<hbm>> -> memref<100000xf32, #tpu.memory_space<hbm>>
    %dma_start3A_20 = arith.constant 0 : i32
    %dma_start3A_21 = tpu.memref_slice %dma_start3A_19[%dma_start3A_20] : memref<100000xf32, #tpu.memory_space<hbm>> -> memref<100000xf32, #tpu.memory_space<hbm>>
    tpu.enqueue_indirect_dma source(%dma_start3A_21 : memref<100000xf32, #tpu.memory_space<hbm>>) target(%dma_start3A_14 : memref<128xf32, #tpu.memory_space<vmem>>) offsets(%dma_start3A_16 : memref<128xi32, #tpu.memory_space<vmem>>) semaphore(%arg8 : memref<!tpu.dma_semaphore, #tpu.memory_space<semaphore_mem>>)
    %dma_start3A_22 = arith.constant 256 : i32
    %dma_start3A_23 = tpu.memref_slice %arg6[%dma_start3A_22] : memref<10240xf32, #tpu.memory_space<vmem>> -> memref<128xf32, #tpu.memory_space<vmem>>
    %dma_start3A_24 = arith.constant 256 : i32
    %dma_start3A_25 = tpu.memref_slice %arg5[%dma_start3A_24] : memref<10240xi32, #tpu.memory_space<vmem>> -> memref<128xi32, #tpu.memory_space<vmem>>
    %dma_start3A_26 = arith.constant 0 : i32
    %dma_start3A_27 = tpu.memref_slice %arg3[%add3A_4, %dma_start3A_26] : memref<64x100000xf32, #tpu.memory_space<hbm>> -> memref<1x100000xf32, #tpu.memory_space<hbm>>
    %dma_start3A_28 = tpu.memref_squeeze %dma_start3A_27 : memref<1x100000xf32, #tpu.memory_space<hbm>> -> memref<100000xf32, #tpu.memory_space<hbm>>
    %dma_start3A_29 = arith.constant 0 : i32
    %dma_start3A_30 = tpu.memref_slice %dma_start3A_28[%dma_start3A_29] : memref<100000xf32, #tpu.memory_space<hbm>> -> memref<100000xf32, #tpu.memory_space<hbm>>
    tpu.enqueue_indirect_dma source(%dma_start3A_30 : memref<100000xf32, #tpu.memory_space<hbm>>) target(%dma_start3A_23 : memref<128xf32, #tpu.memory_space<vmem>>) offsets(%dma_start3A_25 : memref<128xi32, #tpu.memory_space<vmem>>) semaphore(%arg8 : memref<!tpu.dma_semaphore, #tpu.memory_space<semaphore_mem>>)
    %dma_start3A_31 = arith.constant 384 : i32
    %dma_start3A_32 = tpu.memref_slice %arg6[%dma_start3A_31] : memref<10240xf32, #tpu.memory_space<vmem>> -> memref<128xf32, #tpu.memory_space<vmem>>
    %dma_start3A_33 = arith.constant 384 : i32
    %dma_start3A_34 = tpu.memref_slice %arg5[%dma_start3A_33] : memref<10240xi32, #tpu.memory_space<vmem>> -> memref<128xi32, #tpu.memory_space<vmem>>
    %dma_start3A_35 = arith.constant 0 : i32
    %dma_start3A_36 = tpu.memref_slice %arg3[%add3A_4, %dma_start3A_35] : memref<64x100000xf32, #tpu.memory_space<hbm>> -> memref<1x100000xf32, #tpu.memory_space<hbm>>
    %dma_start3A_37 = tpu.memref_squeeze %dma_start3A_36 : memref<1x100000xf32, #tpu.memory_space<hbm>> -> memref<100000xf32, #tpu.memory_space<hbm>>
    %dma_start3A_38 = arith.constant 0 : i32
    %dma_start3A_39 = tpu.memref_slice %dma_start3A_37[%dma_start3A_38] : memref<100000xf32, #tpu.memory_space<hbm>> -> memref<100000xf32, #tpu.memory_space<hbm>>
    tpu.enqueue_indirect_dma source(%dma_start3A_39 : memref<100000xf32, #tpu.memory_space<hbm>>) target(%dma_start3A_32 : memref<128xf32, #tpu.memory_space<vmem>>) offsets(%dma_start3A_34 : memref<128xi32, #tpu.memory_space<vmem>>) semaphore(%arg8 : memref<!tpu.dma_semaphore, #tpu.memory_space<semaphore_mem>>)
    %dma_start3A_40 = arith.constant 512 : i32
    %dma_start3A_41 = tpu.memref_slice %arg6[%dma_start3A_40] : memref<10240xf32, #tpu.memory_space<vmem>> -> memref<128xf32, #tpu.memory_space<vmem>>
    %dma_start3A_42 = arith.constant 512 : i32
    %dma_start3A_43 = tpu.memref_slice %arg5[%dma_start3A_42] : memref<10240xi32, #tpu.memory_space<vmem>> -> memref<128xi32, #tpu.memory_space<vmem>>
    %dma_start3A_44 = arith.constant 0 : i32
    %dma_start3A_45 = tpu.memref_slice %arg3[%add3A_4, %dma_start3A_44] : memref<64x100000xf32, #tpu.memory_space<hbm>> -> memref<1x100000xf32, #tpu.memory_space<hbm>>
    %dma_start3A_46 = tpu.memref_squeeze %dma_start3A_45 : memref<1x100000xf32, #tpu.memory_space<hbm>> -> memref<100000xf32, #tpu.memory_space<hbm>>
    %dma_start3A_47 = arith.constant 0 : i32
    %dma_start3A_48 = tpu.memref_slice %dma_start3A_46[%dma_start3A_47] : memref<100000xf32, #tpu.memory_space<hbm>> -> memref<100000xf32, #tpu.memory_space<hbm>>
    tpu.enqueue_indirect_dma source(%dma_start3A_48 : memref<100000xf32, #tpu.memory_space<hbm>>) target(%dma_start3A_41 : memref<128xf32, #tpu.memory_space<vmem>>) offsets(%dma_start3A_43 : memref<128xi32, #tpu.memory_space<vmem>>) semaphore(%arg8 : memref<!tpu.dma_semaphore, #tpu.memory_space<semaphore_mem>>)
    %dma_start3A_49 = arith.constant 640 : i32
    %dma_start3A_50 = tpu.memref_slice %arg6[%dma_start3A_49] : memref<10240xf32, #tpu.memory_space<vmem>> -> memref<128xf32, #tpu.memory_space<vmem>>
    %dma_start3A_51 = arith.constant 640 : i32
    %dma_start3A_52 = tpu.memref_slice %arg5[%dma_start3A_51] : memref<10240xi32, #tpu.memory_space<vmem>> -> memref<128xi32, #tpu.memory_space<vmem>>
    %dma_start3A_53 = arith.constant 0 : i32
    %dma_start3A_54 = tpu.memref_slice %arg3[%add3A_4, %dma_start3A_53] : memref<64x100000xf32, #tpu.memory_space<hbm>> -> memref<1x100000xf32, #tpu.memory_space<hbm>>
    %dma_start3A_55 = tpu.memref_squeeze %dma_start3A_54 : memref<1x100000xf32, #tpu.memory_space<hbm>> -> memref<100000xf32, #tpu.memory_space<hbm>>
    %dma_start3A_56 = arith.constant 0 : i32
    %dma_start3A_57 = tpu.memref_slice %dma_start3A_55[%dma_start3A_56] : memref<100000xf32, #tpu.memory_space<hbm>> -> memref<100000xf32, #tpu.memory_space<hbm>>
    tpu.enqueue_indirect_dma source(%dma_start3A_57 : memref<100000xf32, #tpu.memory_space<hbm>>) target(%dma_start3A_50 : memref<128xf32, #tpu.memory_space<vmem>>) offsets(%dma_start3A_52 : memref<128xi32, #tpu.memory_space<vmem>>) semaphore(%arg8 : memref<!tpu.dma_semaphore, #tpu.memory_space<semaphore_mem>>)
    %dma_start3A_58 = arith.constant 768 : i32
    %dma_start3A_59 = tpu.memref_slice %arg6[%dma_start3A_58] : memref<10240xf32, #tpu.memory_space<vmem>> -> memref<128xf32, #tpu.memory_space<vmem>>
    %dma_start3A_60 = arith.constant 768 : i32
    %dma_start3A_61 = tpu.memref_slice %arg5[%dma_start3A_60] : memref<10240xi32, #tpu.memory_space<vmem>> -> memref<128xi32, #tpu.memory_space<vmem>>
    %dma_start3A_62 = arith.constant 0 : i32
    %dma_start3A_63 = tpu.memref_slice %arg3[%add3A_4, %dma_start3A_62] : memref<64x100000xf32, #tpu.memory_space<hbm>> -> memref<1x100000xf32, #tpu.memory_space<hbm>>
    %dma_start3A_64 = tpu.memref_squeeze %dma_start3A_63 : memref<1x100000xf32, #tpu.memory_space<hbm>> -> memref<100000xf32, #tpu.memory_space<hbm>>
    %dma_start3A_65 = arith.constant 0 : i32
    %dma_start3A_66 = tpu.memref_slice %dma_start3A_64[%dma_start3A_65] : memref<100000xf32, #tpu.memory_space<hbm>> -> memref<100000xf32, #tpu.memory_space<hbm>>
    tpu.enqueue_indirect_dma source(%dma_start3A_66 : memref<100000xf32, #tpu.memory_space<hbm>>) target(%dma_start3A_59 : memref<128xf32, #tpu.memory_space<vmem>>) offsets(%dma_start3A_61 : memref<128xi32, #tpu.memory_space<vmem>>) semaphore(%arg8 : memref<!tpu.dma_semaphore, #tpu.memory_space<semaphore_mem>>)
    %dma_start3A_67 = arith.constant 896 : i32
    %dma_start3A_68 = tpu.memref_slice %arg6[%dma_start3A_67] : memref<10240xf32, #tpu.memory_space<vmem>> -> memref<128xf32, #tpu.memory_space<vmem>>
    %dma_start3A_69 = arith.constant 896 : i32
    %dma_start3A_70 = tpu.memref_slice %arg5[%dma_start3A_69] : memref<10240xi32, #tpu.memory_space<vmem>> -> memref<128xi32, #tpu.memory_space<vmem>>
    %dma_start3A_71 = arith.constant 0 : i32
    %dma_start3A_72 = tpu.memref_slice %arg3[%add3A_4, %dma_start3A_71] : memref<64x100000xf32, #tpu.memory_space<hbm>> -> memref<1x100000xf32, #tpu.memory_space<hbm>>
    %dma_start3A_73 = tpu.memref_squeeze %dma_start3A_72 : memref<1x100000xf32, #tpu.memory_space<hbm>> -> memref<100000xf32, #tpu.memory_space<hbm>>
    %dma_start3A_74 = arith.constant 0 : i32
    %dma_start3A_75 = tpu.memref_slice %dma_start3A_73[%dma_start3A_74] : memref<100000xf32, #tpu.memory_space<hbm>> -> memref<100000xf32, #tpu.memory_space<hbm>>
    tpu.enqueue_indirect_dma source(%dma_start3A_75 : memref<100000xf32, #tpu.memory_space<hbm>>) target(%dma_start3A_68 : memref<128xf32, #tpu.memory_space<vmem>>) offsets(%dma_start3A_70 : memref<128xi32, #tpu.memory_space<vmem>>) semaphore(%arg8 : memref<!tpu.dma_semaphore, #tpu.memory_space<semaphore_mem>>)
    %dma_start3A_76 = arith.constant 1024 : i32
    %dma_start3A_77 = tpu.memref_slice %arg6[%dma_start3A_76] : memref<10240xf32, #tpu.memory_space<vmem>> -> memref<128xf32, #tpu.memory_space<vmem>>
    %dma_start3A_78 = arith.constant 1024 : i32
    %dma_start3A_79 = tpu.memref_slice %arg5[%dma_start3A_78] : memref<10240xi32, #tpu.memory_space<vmem>> -> memref<128xi32, #tpu.memory_space<vmem>>
    %dma_start3A_80 = arith.constant 0 : i32
    %dma_start3A_81 = tpu.memref_slice %arg3[%add3A_4, %dma_start3A_80] : memref<64x100000xf32, #tpu.memory_space<hbm>> -> memref<1x100000xf32, #tpu.memory_space<hbm>>
    %dma_start3A_82 = tpu.memref_squeeze %dma_start3A_81 : memref<1x100000xf32, #tpu.memory_space<hbm>> -> memref<100000xf32, #tpu.memory_space<hbm>>
    %dma_start3A_83 = arith.constant 0 : i32
    %dma_start3A_84 = tpu.memref_slice %dma_start3A_82[%dma_start3A_83] : memref<100000xf32, #tpu.memory_space<hbm>> -> memref<100000xf32, #tpu.memory_space<hbm>>
    tpu.enqueue_indirect_dma source(%dma_start3A_84 : memref<100000xf32, #tpu.memory_space<hbm>>) target(%dma_start3A_77 : memref<128xf32, #tpu.memory_space<vmem>>) offsets(%dma_start3A_79 : memref<128xi32, #tpu.memory_space<vmem>>) semaphore(%arg8 : memref<!tpu.dma_semaphore, #tpu.memory_space<semaphore_mem>>)
    %dma_start3A_85 = arith.constant 1152 : i32
    %dma_start3A_86 = tpu.memref_slice %arg6[%dma_start3A_85] : memref<10240xf32, #tpu.memory_space<vmem>> -> memref<128xf32, #tpu.memory_space<vmem>>
    %dma_start3A_87 = arith.constant 1152 : i32
    %dma_start3A_88 = tpu.memref_slice %arg5[%dma_start3A_87] : memref<10240xi32, #tpu.memory_space<vmem>> -> memref<128xi32, #tpu.memory_space<vmem>>
    %dma_start3A_89 = arith.constant 0 : i32
    %dma_start3A_90 = tpu.memref_slice %arg3[%add3A_4, %dma_start3A_89] : memref<64x100000xf32, #tpu.memory_space<hbm>> -> memref<1x100000xf32, #tpu.memory_space<hbm>>
    %dma_start3A_91 = tpu.memref_squeeze %dma_start3A_90 : memref<1x100000xf32, #tpu.memory_space<hbm>> -> memref<100000xf32, #tpu.memory_space<hbm>>
    %dma_start3A_92 = arith.constant 0 : i32
    %dma_start3A_93 = tpu.memref_slice %dma_start3A_91[%dma_start3A_92] : memref<100000xf32, #tpu.memory_space<hbm>> -> memref<100000xf32, #tpu.memory_space<hbm>>
    tpu.enqueue_indirect_dma source(%dma_start3A_93 : memref<100000xf32, #tpu.memory_space<hbm>>) target(%dma_start3A_86 : memref<128xf32, #tpu.memory_space<vmem>>) offsets(%dma_start3A_88 : memref<128xi32, #tpu.memory_space<vmem>>) semaphore(%arg8 : memref<!tpu.dma_semaphore, #tpu.memory_space<semaphore_mem>>)
    %dma_start3A_94 = arith.constant 1280 : i32
    %dma_start3A_95 = tpu.memref_slice %arg6[%dma_start3A_94] : memref<10240xf32, #tpu.memory_space<vmem>> -> memref<128xf32, #tpu.memory_space<vmem>>
    %dma_start3A_96 = arith.constant 1280 : i32
    %dma_start3A_97 = tpu.memref_slice %arg5[%dma_start3A_96] : memref<10240xi32, #tpu.memory_space<vmem>> -> memref<128xi32, #tpu.memory_space<vmem>>
    %dma_start3A_98 = arith.constant 0 : i32
    %dma_start3A_99 = tpu.memref_slice %arg3[%add3A_4, %dma_start3A_98] : memref<64x100000xf32, #tpu.memory_space<hbm>> -> memref<1x100000xf32, #tpu.memory_space<hbm>>
    %dma_start3A_100 = tpu.memref_squeeze %dma_start3A_99 : memref<1x100000xf32, #tpu.memory_space<hbm>> -> memref<100000xf32, #tpu.memory_space<hbm>>
    %dma_start3A_101 = arith.constant 0 : i32
    %dma_start3A_102 = tpu.memref_slice %dma_start3A_100[%dma_start3A_101] : memref<100000xf32, #tpu.memory_space<hbm>> -> memref<100000xf32, #tpu.memory_space<hbm>>
    tpu.enqueue_indirect_dma source(%dma_start3A_102 : memref<100000xf32, #tpu.memory_space<hbm>>) target(%dma_start3A_95 : memref<128xf32, #tpu.memory_space<vmem>>) offsets(%dma_start3A_97 : memref<128xi32, #tpu.memory_space<vmem>>) semaphore(%arg8 : memref<!tpu.dma_semaphore, #tpu.memory_space<semaphore_mem>>)
    %dma_start3A_103 = arith.constant 1408 : i32
    %dma_start3A_104 = tpu.memref_slice %arg6[%dma_start3A_103] : memref<10240xf32, #tpu.memory_space<vmem>> -> memref<128xf32, #tpu.memory_space<vmem>>
    %dma_start3A_105 = arith.constant 1408 : i32
    %dma_start3A_106 = tpu.memref_slice %arg5[%dma_start3A_105] : memref<10240xi32, #tpu.memory_space<vmem>> -> memref<128xi32, #tpu.memory_space<vmem>>
    %dma_start3A_107 = arith.constant 0 : i32
    %dma_start3A_108 = tpu.memref_slice %arg3[%add3A_4, %dma_start3A_107] : memref<64x100000xf32, #tpu.memory_space<hbm>> -> memref<1x100000xf32, #tpu.memory_space<hbm>>
    %dma_start3A_109 = tpu.memref_squeeze %dma_start3A_108 : memref<1x100000xf32, #tpu.memory_space<hbm>> -> memref<100000xf32, #tpu.memory_space<hbm>>
    %dma_start3A_110 = arith.constant 0 : i32
    %dma_start3A_111 = tpu.memref_slice %dma_start3A_109[%dma_start3A_110] : memref<100000xf32, #tpu.memory_space<hbm>> -> memref<100000xf32, #tpu.memory_space<hbm>>
    tpu.enqueue_indirect_dma source(%dma_start3A_111 : memref<100000xf32, #tpu.memory_space<hbm>>) target(%dma_start3A_104 : memref<128xf32, #tpu.memory_space<vmem>>) offsets(%dma_start3A_106 : memref<128xi32, #tpu.memory_space<vmem>>) semaphore(%arg8 : memref<!tpu.dma_semaphore, #tpu.memory_space<semaphore_mem>>)
    %dma_start3A_112 = arith.constant 1536 : i32
    %dma_start3A_113 = tpu.memref_slice %arg6[%dma_start3A_112] : memref<10240xf32, #tpu.memory_space<vmem>> -> memref<128xf32, #tpu.memory_space<vmem>>
    %dma_start3A_114 = arith.constant 1536 : i32
    %dma_start3A_115 = tpu.memref_slice %arg5[%dma_start3A_114] : memref<10240xi32, #tpu.memory_space<vmem>> -> memref<128xi32, #tpu.memory_space<vmem>>
    %dma_start3A_116 = arith.constant 0 : i32
    %dma_start3A_117 = tpu.memref_slice %arg3[%add3A_4, %dma_start3A_116] : memref<64x100000xf32, #tpu.memory_space<hbm>> -> memref<1x100000xf32, #tpu.memory_space<hbm>>
    %dma_start3A_118 = tpu.memref_squeeze %dma_start3A_117 : memref<1x100000xf32, #tpu.memory_space<hbm>> -> memref<100000xf32, #tpu.memory_space<hbm>>
    %dma_start3A_119 = arith.constant 0 : i32
    %dma_start3A_120 = tpu.memref_slice %dma_start3A_118[%dma_start3A_119] : memref<100000xf32, #tpu.memory_space<hbm>> -> memref<100000xf32, #tpu.memory_space<hbm>>
    tpu.enqueue_indirect_dma source(%dma_start3A_120 : memref<100000xf32, #tpu.memory_space<hbm>>) target(%dma_start3A_113 : memref<128xf32, #tpu.memory_space<vmem>>) offsets(%dma_start3A_115 : memref<128xi32, #tpu.memory_space<vmem>>) semaphore(%arg8 : memref<!tpu.dma_semaphore, #tpu.memory_space<semaphore_mem>>)
    %dma_start3A_121 = arith.constant 1664 : i32
    %dma_start3A_122 = tpu.memref_slice %arg6[%dma_start3A_121] : memref<10240xf32, #tpu.memory_space<vmem>> -> memref<128xf32, #tpu.memory_space<vmem>>
    %dma_start3A_123 = arith.constant 1664 : i32
    %dma_start3A_124 = tpu.memref_slice %arg5[%dma_start3A_123] : memref<10240xi32, #tpu.memory_space<vmem>> -> memref<128xi32, #tpu.memory_space<vmem>>
    %dma_start3A_125 = arith.constant 0 : i32
    %dma_start3A_126 = tpu.memref_slice %arg3[%add3A_4, %dma_start3A_125] : memref<64x100000xf32, #tpu.memory_space<hbm>> -> memref<1x100000xf32, #tpu.memory_space<hbm>>
    %dma_start3A_127 = tpu.memref_squeeze %dma_start3A_126 : memref<1x100000xf32, #tpu.memory_space<hbm>> -> memref<100000xf32, #tpu.memory_space<hbm>>
    %dma_start3A_128 = arith.constant 0 : i32
    %dma_start3A_129 = tpu.memref_slice %dma_start3A_127[%dma_start3A_128] : memref<100000xf32, #tpu.memory_space<hbm>> -> memref<100000xf32, #tpu.memory_space<hbm>>
    tpu.enqueue_indirect_dma source(%dma_start3A_129 : memref<100000xf32, #tpu.memory_space<hbm>>) target(%dma_start3A_122 : memref<128xf32, #tpu.memory_space<vmem>>) offsets(%dma_start3A_124 : memref<128xi32, #tpu.memory_space<vmem>>) semaphore(%arg8 : memref<!tpu.dma_semaphore, #tpu.memory_space<semaphore_mem>>)
    %dma_start3A_130 = arith.constant 1792 : i32
    %dma_start3A_131 = tpu.memref_slice %arg6[%dma_start3A_130] : memref<10240xf32, #tpu.memory_space<vmem>> -> memref<128xf32, #tpu.memory_space<vmem>>
    %dma_start3A_132 = arith.constant 1792 : i32
    %dma_start3A_133 = tpu.memref_slice %arg5[%dma_start3A_132] : memref<10240xi32, #tpu.memory_space<vmem>> -> memref<128xi32, #tpu.memory_space<vmem>>
    %dma_start3A_134 = arith.constant 0 : i32
    %dma_start3A_135 = tpu.memref_slice %arg3[%add3A_4, %dma_start3A_134] : memref<64x100000xf32, #tpu.memory_space<hbm>> -> memref<1x100000xf32, #tpu.memory_space<hbm>>
    %dma_start3A_136 = tpu.memref_squeeze %dma_start3A_135 : memref<1x100000xf32, #tpu.memory_space<hbm>> -> memref<100000xf32, #tpu.memory_space<hbm>>
    %dma_start3A_137 = arith.constant 0 : i32
    %dma_start3A_138 = tpu.memref_slice %dma_start3A_136[%dma_start3A_137] : memref<100000xf32, #tpu.memory_space<hbm>> -> memref<100000xf32, #tpu.memory_space<hbm>>
    tpu.enqueue_indirect_dma source(%dma_start3A_138 : memref<100000xf32, #tpu.memory_space<hbm>>) target(%dma_start3A_131 : memref<128xf32, #tpu.memory_space<vmem>>) offsets(%dma_start3A_133 : memref<128xi32, #tpu.memory_space<vmem>>) semaphore(%arg8 : memref<!tpu.dma_semaphore, #tpu.memory_space<semaphore_mem>>)
    %dma_start3A_139 = arith.constant 1920 : i32
    %dma_start3A_140 = tpu.memref_slice %arg6[%dma_start3A_139] : memref<10240xf32, #tpu.memory_space<vmem>> -> memref<128xf32, #tpu.memory_space<vmem>>
    %dma_start3A_141 = arith.constant 1920 : i32
    %dma_start3A_142 = tpu.memref_slice %arg5[%dma_start3A_141] : memref<10240xi32, #tpu.memory_space<vmem>> -> memref<128xi32, #tpu.memory_space<vmem>>
    %dma_start3A_143 = arith.constant 0 : i32
    %dma_start3A_144 = tpu.memref_slice %arg3[%add3A_4, %dma_start3A_143] : memref<64x100000xf32, #tpu.memory_space<hbm>> -> memref<1x100000xf32, #tpu.memory_space<hbm>>
    %dma_start3A_145 = tpu.memref_squeeze %dma_start3A_144 : memref<1x100000xf32, #tpu.memory_space<hbm>> -> memref<100000xf32, #tpu.memory_space<hbm>>
    %dma_start3A_146 = arith.constant 0 : i32
    %dma_start3A_147 = tpu.memref_slice %dma_start3A_145[%dma_start3A_146] : memref<100000xf32, #tpu.memory_space<hbm>> -> memref<100000xf32, #tpu.memory_space<hbm>>
    tpu.enqueue_indirect_dma source(%dma_start3A_147 : memref<100000xf32, #tpu.memory_space<hbm>>) target(%dma_start3A_140 : memref<128xf32, #tpu.memory_space<vmem>>) offsets(%dma_start3A_142 : memref<128xi32, #tpu.memory_space<vmem>>) semaphore(%arg8 : memref<!tpu.dma_semaphore, #tpu.memory_space<semaphore_mem>>)
    %dma_start3A_148 = arith.constant 2048 : i32
    %dma_start3A_149 = tpu.memref_slice %arg6[%dma_start3A_148] : memref<10240xf32, #tpu.memory_space<vmem>> -> memref<128xf32, #tpu.memory_space<vmem>>
    %dma_start3A_150 = arith.constant 2048 : i32
    %dma_start3A_151 = tpu.memref_slice %arg5[%dma_start3A_150] : memref<10240xi32, #tpu.memory_space<vmem>> -> memref<128xi32, #tpu.memory_space<vmem>>
    %dma_start3A_152 = arith.constant 0 : i32
    %dma_start3A_153 = tpu.memref_slice %arg3[%add3A_4, %dma_start3A_152] : memref<64x100000xf32, #tpu.memory_space<hbm>> -> memref<1x100000xf32, #tpu.memory_space<hbm>>
    %dma_start3A_154 = tpu.memref_squeeze %dma_start3A_153 : memref<1x100000xf32, #tpu.memory_space<hbm>> -> memref<100000xf32, #tpu.memory_space<hbm>>
    %dma_start3A_155 = arith.constant 0 : i32
    %dma_start3A_156 = tpu.memref_slice %dma_start3A_154[%dma_start3A_155] : memref<100000xf32, #tpu.memory_space<hbm>> -> memref<100000xf32, #tpu.memory_space<hbm>>
    tpu.enqueue_indirect_dma source(%dma_start3A_156 : memref<100000xf32, #tpu.memory_space<hbm>>) target(%dma_start3A_149 : memref<128xf32, #tpu.memory_space<vmem>>) offsets(%dma_start3A_151 : memref<128xi32, #tpu.memory_space<vmem>>) semaphore(%arg8 : memref<!tpu.dma_semaphore, #tpu.memory_space<semaphore_mem>>)
    %dma_start3A_157 = arith.constant 2176 : i32
    %dma_start3A_158 = tpu.memref_slice %arg6[%dma_start3A_157] : memref<10240xf32, #tpu.memory_space<vmem>> -> memref<128xf32, #tpu.memory_space<vmem>>
    %dma_start3A_159 = arith.constant 2176 : i32
    %dma_start3A_160 = tpu.memref_slice %arg5[%dma_start3A_159] : memref<10240xi32, #tpu.memory_space<vmem>> -> memref<128xi32, #tpu.memory_space<vmem>>
    %dma_start3A_161 = arith.constant 0 : i32
    %dma_start3A_162 = tpu.memref_slice %arg3[%add3A_4, %dma_start3A_161] : memref<64x100000xf32, #tpu.memory_space<hbm>> -> memref<1x100000xf32, #tpu.memory_space<hbm>>
    %dma_start3A_163 = tpu.memref_squeeze %dma_start3A_162 : memref<1x100000xf32, #tpu.memory_space<hbm>> -> memref<100000xf32, #tpu.memory_space<hbm>>
    %dma_start3A_164 = arith.constant 0 : i32
    %dma_start3A_165 = tpu.memref_slice %dma_start3A_163[%dma_start3A_164] : memref<100000xf32, #tpu.memory_space<hbm>> -> memref<100000xf32, #tpu.memory_space<hbm>>
    tpu.enqueue_indirect_dma source(%dma_start3A_165 : memref<100000xf32, #tpu.memory_space<hbm>>) target(%dma_start3A_158 : memref<128xf32, #tpu.memory_space<vmem>>) offsets(%dma_start3A_160 : memref<128xi32, #tpu.memory_space<vmem>>) semaphore(%arg8 : memref<!tpu.dma_semaphore, #tpu.memory_space<semaphore_mem>>)
    %dma_start3A_166 = arith.constant 2304 : i32
    %dma_start3A_167 = tpu.memref_slice %arg6[%dma_start3A_166] : memref<10240xf32, #tpu.memory_space<vmem>> -> memref<128xf32, #tpu.memory_space<vmem>>
    %dma_start3A_168 = arith.constant 2304 : i32
    %dma_start3A_169 = tpu.memref_slice %arg5[%dma_start3A_168] : memref<10240xi32, #tpu.memory_space<vmem>> -> memref<128xi32, #tpu.memory_space<vmem>>
    %dma_start3A_170 = arith.constant 0 : i32
    %dma_start3A_171 = tpu.memref_slice %arg3[%add3A_4, %dma_start3A_170] : memref<64x100000xf32, #tpu.memory_space<hbm>> -> memref<1x100000xf32, #tpu.memory_space<hbm>>
    %dma_start3A_172 = tpu.memref_squeeze %dma_start3A_171 : memref<1x100000xf32, #tpu.memory_space<hbm>> -> memref<100000xf32, #tpu.memory_space<hbm>>
    %dma_start3A_173 = arith.constant 0 : i32
    %dma_start3A_174 = tpu.memref_slice %dma_start3A_172[%dma_start3A_173] : memref<100000xf32, #tpu.memory_space<hbm>> -> memref<100000xf32, #tpu.memory_space<hbm>>
    tpu.enqueue_indirect_dma source(%dma_start3A_174 : memref<100000xf32, #tpu.memory_space<hbm>>) target(%dma_start3A_167 : memref<128xf32, #tpu.memory_space<vmem>>) offsets(%dma_start3A_169 : memref<128xi32, #tpu.memory_space<vmem>>) semaphore(%arg8 : memref<!tpu.dma_semaphore, #tpu.memory_space<semaphore_mem>>)
    %dma_start3A_175 = arith.constant 2432 : i32
    %dma_start3A_176 = tpu.memref_slice %arg6[%dma_start3A_175] : memref<10240xf32, #tpu.memory_space<vmem>> -> memref<128xf32, #tpu.memory_space<vmem>>
    %dma_start3A_177 = arith.constant 2432 : i32
    %dma_start3A_178 = tpu.memref_slice %arg5[%dma_start3A_177] : memref<10240xi32, #tpu.memory_space<vmem>> -> memref<128xi32, #tpu.memory_space<vmem>>
    %dma_start3A_179 = arith.constant 0 : i32
    %dma_start3A_180 = tpu.memref_slice %arg3[%add3A_4, %dma_start3A_179] : memref<64x100000xf32, #tpu.memory_space<hbm>> -> memref<1x100000xf32, #tpu.memory_space<hbm>>
    %dma_start3A_181 = tpu.memref_squeeze %dma_start3A_180 : memref<1x100000xf32, #tpu.memory_space<hbm>> -> memref<100000xf32, #tpu.memory_space<hbm>>
    %dma_start3A_182 = arith.constant 0 : i32
    %dma_start3A_183 = tpu.memref_slice %dma_start3A_181[%dma_start3A_182] : memref<100000xf32, #tpu.memory_space<hbm>> -> memref<100000xf32, #tpu.memory_space<hbm>>
    tpu.enqueue_indirect_dma source(%dma_start3A_183 : memref<100000xf32, #tpu.memory_space<hbm>>) target(%dma_start3A_176 : memref<128xf32, #tpu.memory_space<vmem>>) offsets(%dma_start3A_178 : memref<128xi32, #tpu.memory_space<vmem>>) semaphore(%arg8 : memref<!tpu.dma_semaphore, #tpu.memory_space<semaphore_mem>>)
    %dma_start3A_184 = arith.constant 2560 : i32
    %dma_start3A_185 = tpu.memref_slice %arg6[%dma_start3A_184] : memref<10240xf32, #tpu.memory_space<vmem>> -> memref<128xf32, #tpu.memory_space<vmem>>
    %dma_start3A_186 = arith.constant 2560 : i32
    %dma_start3A_187 = tpu.memref_slice %arg5[%dma_start3A_186] : memref<10240xi32, #tpu.memory_space<vmem>> -> memref<128xi32, #tpu.memory_space<vmem>>
    %dma_start3A_188 = arith.constant 0 : i32
    %dma_start3A_189 = tpu.memref_slice %arg3[%add3A_4, %dma_start3A_188] : memref<64x100000xf32, #tpu.memory_space<hbm>> -> memref<1x100000xf32, #tpu.memory_space<hbm>>
    %dma_start3A_190 = tpu.memref_squeeze %dma_start3A_189 : memref<1x100000xf32, #tpu.memory_space<hbm>> -> memref<100000xf32, #tpu.memory_space<hbm>>
    %dma_start3A_191 = arith.constant 0 : i32
    %dma_start3A_192 = tpu.memref_slice %dma_start3A_190[%dma_start3A_191] : memref<100000xf32, #tpu.memory_space<hbm>> -> memref<100000xf32, #tpu.memory_space<hbm>>
    tpu.enqueue_indirect_dma source(%dma_start3A_192 : memref<100000xf32, #tpu.memory_space<hbm>>) target(%dma_start3A_185 : memref<128xf32, #tpu.memory_space<vmem>>) offsets(%dma_start3A_187 : memref<128xi32, #tpu.memory_space<vmem>>) semaphore(%arg8 : memref<!tpu.dma_semaphore, #tpu.memory_space<semaphore_mem>>)
    %dma_start3A_193 = arith.constant 2688 : i32
    %dma_start3A_194 = tpu.memref_slice %arg6[%dma_start3A_193] : memref<10240xf32, #tpu.memory_space<vmem>> -> memref<128xf32, #tpu.memory_space<vmem>>
    %dma_start3A_195 = arith.constant 2688 : i32
    %dma_start3A_196 = tpu.memref_slice %arg5[%dma_start3A_195] : memref<10240xi32, #tpu.memory_space<vmem>> -> memref<128xi32, #tpu.memory_space<vmem>>
    %dma_start3A_197 = arith.constant 0 : i32
    %dma_start3A_198 = tpu.memref_slice %arg3[%add3A_4, %dma_start3A_197] : memref<64x100000xf32, #tpu.memory_space<hbm>> -> memref<1x100000xf32, #tpu.memory_space<hbm>>
    %dma_start3A_199 = tpu.memref_squeeze %dma_start3A_198 : memref<1x100000xf32, #tpu.memory_space<hbm>> -> memref<100000xf32, #tpu.memory_space<hbm>>
    %dma_start3A_200 = arith.constant 0 : i32
    %dma_start3A_201 = tpu.memref_slice %dma_start3A_199[%dma_start3A_200] : memref<100000xf32, #tpu.memory_space<hbm>> -> memref<100000xf32, #tpu.memory_space<hbm>>
    tpu.enqueue_indirect_dma source(%dma_start3A_201 : memref<100000xf32, #tpu.memory_space<hbm>>) target(%dma_start3A_194 : memref<128xf32, #tpu.memory_space<vmem>>) offsets(%dma_start3A_196 : memref<128xi32, #tpu.memory_space<vmem>>) semaphore(%arg8 : memref<!tpu.dma_semaphore, #tpu.memory_space<semaphore_mem>>)
    %dma_start3A_202 = arith.constant 2816 : i32
    %dma_start3A_203 = tpu.memref_slice %arg6[%dma_start3A_202] : memref<10240xf32, #tpu.memory_space<vmem>> -> memref<128xf32, #tpu.memory_space<vmem>>
    %dma_start3A_204 = arith.constant 2816 : i32
    %dma_start3A_205 = tpu.memref_slice %arg5[%dma_start3A_204] : memref<10240xi32, #tpu.memory_space<vmem>> -> memref<128xi32, #tpu.memory_space<vmem>>
    %dma_start3A_206 = arith.constant 0 : i32
    %dma_start3A_207 = tpu.memref_slice %arg3[%add3A_4, %dma_start3A_206] : memref<64x100000xf32, #tpu.memory_space<hbm>> -> memref<1x100000xf32, #tpu.memory_space<hbm>>
    %dma_start3A_208 = tpu.memref_squeeze %dma_start3A_207 : memref<1x100000xf32, #tpu.memory_space<hbm>> -> memref<100000xf32, #tpu.memory_space<hbm>>
    %dma_start3A_209 = arith.constant 0 : i32
    %dma_start3A_210 = tpu.memref_slice %dma_start3A_208[%dma_start3A_209] : memref<100000xf32, #tpu.memory_space<hbm>> -> memref<100000xf32, #tpu.memory_space<hbm>>
    tpu.enqueue_indirect_dma source(%dma_start3A_210 : memref<100000xf32, #tpu.memory_space<hbm>>) target(%dma_start3A_203 : memref<128xf32, #tpu.memory_space<vmem>>) offsets(%dma_start3A_205 : memref<128xi32, #tpu.memory_space<vmem>>) semaphore(%arg8 : memref<!tpu.dma_semaphore, #tpu.memory_space<semaphore_mem>>)
    %dma_start3A_211 = arith.constant 2944 : i32
    %dma_start3A_212 = tpu.memref_slice %arg6[%dma_start3A_211] : memref<10240xf32, #tpu.memory_space<vmem>> -> memref<128xf32, #tpu.memory_space<vmem>>
    %dma_start3A_213 = arith.constant 2944 : i32
    %dma_start3A_214 = tpu.memref_slice %arg5[%dma_start3A_213] : memref<10240xi32, #tpu.memory_space<vmem>> -> memref<128xi32, #tpu.memory_space<vmem>>
    %dma_start3A_215 = arith.constant 0 : i32
    %dma_start3A_216 = tpu.memref_slice %arg3[%add3A_4, %dma_start3A_215] : memref<64x100000xf32, #tpu.memory_space<hbm>> -> memref<1x100000xf32, #tpu.memory_space<hbm>>
    %dma_start3A_217 = tpu.memref_squeeze %dma_start3A_216 : memref<1x100000xf32, #tpu.memory_space<hbm>> -> memref<100000xf32, #tpu.memory_space<hbm>>
    %dma_start3A_218 = arith.constant 0 : i32
    %dma_start3A_219 = tpu.memref_slice %dma_start3A_217[%dma_start3A_218] : memref<100000xf32, #tpu.memory_space<hbm>> -> memref<100000xf32, #tpu.memory_space<hbm>>
    tpu.enqueue_indirect_dma source(%dma_start3A_219 : memref<100000xf32, #tpu.memory_space<hbm>>) target(%dma_start3A_212 : memref<128xf32, #tpu.memory_space<vmem>>) offsets(%dma_start3A_214 : memref<128xi32, #tpu.memory_space<vmem>>) semaphore(%arg8 : memref<!tpu.dma_semaphore, #tpu.memory_space<semaphore_mem>>)
    %dma_start3A_220 = arith.constant 3072 : i32
    %dma_start3A_221 = tpu.memref_slice %arg6[%dma_start3A_220] : memref<10240xf32, #tpu.memory_space<vmem>> -> memref<128xf32, #tpu.memory_space<vmem>>
    %dma_start3A_222 = arith.constant 3072 : i32
    %dma_start3A_223 = tpu.memref_slice %arg5[%dma_start3A_222] : memref<10240xi32, #tpu.memory_space<vmem>> -> memref<128xi32, #tpu.memory_space<vmem>>
    %dma_start3A_224 = arith.constant 0 : i32
    %dma_start3A_225 = tpu.memref_slice %arg3[%add3A_4, %dma_start3A_224] : memref<64x100000xf32, #tpu.memory_space<hbm>> -> memref<1x100000xf32, #tpu.memory_space<hbm>>
    %dma_start3A_226 = tpu.memref_squeeze %dma_start3A_225 : memref<1x100000xf32, #tpu.memory_space<hbm>> -> memref<100000xf32, #tpu.memory_space<hbm>>
    %dma_start3A_227 = arith.constant 0 : i32
    %dma_start3A_228 = tpu.memref_slice %dma_start3A_226[%dma_start3A_227] : memref<100000xf32, #tpu.memory_space<hbm>> -> memref<100000xf32, #tpu.memory_space<hbm>>
    tpu.enqueue_indirect_dma source(%dma_start3A_228 : memref<100000xf32, #tpu.memory_space<hbm>>) target(%dma_start3A_221 : memref<128xf32, #tpu.memory_space<vmem>>) offsets(%dma_start3A_223 : memref<128xi32, #tpu.memory_space<vmem>>) semaphore(%arg8 : memref<!tpu.dma_semaphore, #tpu.memory_space<semaphore_mem>>)
    %dma_start3A_229 = arith.constant 3200 : i32
    %dma_start3A_230 = tpu.memref_slice %arg6[%dma_start3A_229] : memref<10240xf32, #tpu.memory_space<vmem>> -> memref<128xf32, #tpu.memory_space<vmem>>
    %dma_start3A_231 = arith.constant 3200 : i32
    %dma_start3A_232 = tpu.memref_slice %arg5[%dma_start3A_231] : memref<10240xi32, #tpu.memory_space<vmem>> -> memref<128xi32, #tpu.memory_space<vmem>>
    %dma_start3A_233 = arith.constant 0 : i32
    %dma_start3A_234 = tpu.memref_slice %arg3[%add3A_4, %dma_start3A_233] : memref<64x100000xf32, #tpu.memory_space<hbm>> -> memref<1x100000xf32, #tpu.memory_space<hbm>>
    %dma_start3A_235 = tpu.memref_squeeze %dma_start3A_234 : memref<1x100000xf32, #tpu.memory_space<hbm>> -> memref<100000xf32, #tpu.memory_space<hbm>>
    %dma_start3A_236 = arith.constant 0 : i32
    %dma_start3A_237 = tpu.memref_slice %dma_start3A_235[%dma_start3A_236] : memref<100000xf32, #tpu.memory_space<hbm>> -> memref<100000xf32, #tpu.memory_space<hbm>>
    tpu.enqueue_indirect_dma source(%dma_start3A_237 : memref<100000xf32, #tpu.memory_space<hbm>>) target(%dma_start3A_230 : memref<128xf32, #tpu.memory_space<vmem>>) offsets(%dma_start3A_232 : memref<128xi32, #tpu.memory_space<vmem>>) semaphore(%arg8 : memref<!tpu.dma_semaphore, #tpu.memory_space<semaphore_mem>>)
    %dma_start3A_238 = arith.constant 3328 : i32
    %dma_start3A_239 = tpu.memref_slice %arg6[%dma_start3A_238] : memref<10240xf32, #tpu.memory_space<vmem>> -> memref<128xf32, #tpu.memory_space<vmem>>
    %dma_start3A_240 = arith.constant 3328 : i32
    %dma_start3A_241 = tpu.memref_slice %arg5[%dma_start3A_240] : memref<10240xi32, #tpu.memory_space<vmem>> -> memref<128xi32, #tpu.memory_space<vmem>>
    %dma_start3A_242 = arith.constant 0 : i32
    %dma_start3A_243 = tpu.memref_slice %arg3[%add3A_4, %dma_start3A_242] : memref<64x100000xf32, #tpu.memory_space<hbm>> -> memref<1x100000xf32, #tpu.memory_space<hbm>>
    %dma_start3A_244 = tpu.memref_squeeze %dma_start3A_243 : memref<1x100000xf32, #tpu.memory_space<hbm>> -> memref<100000xf32, #tpu.memory_space<hbm>>
    %dma_start3A_245 = arith.constant 0 : i32
    %dma_start3A_246 = tpu.memref_slice %dma_start3A_244[%dma_start3A_245] : memref<100000xf32, #tpu.memory_space<hbm>> -> memref<100000xf32, #tpu.memory_space<hbm>>
    tpu.enqueue_indirect_dma source(%dma_start3A_246 : memref<100000xf32, #tpu.memory_space<hbm>>) target(%dma_start3A_239 : memref<128xf32, #tpu.memory_space<vmem>>) offsets(%dma_start3A_241 : memref<128xi32, #tpu.memory_space<vmem>>) semaphore(%arg8 : memref<!tpu.dma_semaphore, #tpu.memory_space<semaphore_mem>>)
    %dma_start3A_247 = arith.constant 3456 : i32
    %dma_start3A_248 = tpu.memref_slice %arg6[%dma_start3A_247] : memref<10240xf32, #tpu.memory_space<vmem>> -> memref<128xf32, #tpu.memory_space<vmem>>
    %dma_start3A_249 = arith.constant 3456 : i32
    %dma_start3A_250 = tpu.memref_slice %arg5[%dma_start3A_249] : memref<10240xi32, #tpu.memory_space<vmem>> -> memref<128xi32, #tpu.memory_space<vmem>>
    %dma_start3A_251 = arith.constant 0 : i32
    %dma_start3A_252 = tpu.memref_slice %arg3[%add3A_4, %dma_start3A_251] : memref<64x100000xf32, #tpu.memory_space<hbm>> -> memref<1x100000xf32, #tpu.memory_space<hbm>>
    %dma_start3A_253 = tpu.memref_squeeze %dma_start3A_252 : memref<1x100000xf32, #tpu.memory_space<hbm>> -> memref<100000xf32, #tpu.memory_space<hbm>>
    %dma_start3A_254 = arith.constant 0 : i32
    %dma_start3A_255 = tpu.memref_slice %dma_start3A_253[%dma_start3A_254] : memref<100000xf32, #tpu.memory_space<hbm>> -> memref<100000xf32, #tpu.memory_space<hbm>>
    tpu.enqueue_indirect_dma source(%dma_start3A_255 : memref<100000xf32, #tpu.memory_space<hbm>>) target(%dma_start3A_248 : memref<128xf32, #tpu.memory_space<vmem>>) offsets(%dma_start3A_250 : memref<128xi32, #tpu.memory_space<vmem>>) semaphore(%arg8 : memref<!tpu.dma_semaphore, #tpu.memory_space<semaphore_mem>>)
    %dma_start3A_256 = arith.constant 3584 : i32
    %dma_start3A_257 = tpu.memref_slice %arg6[%dma_start3A_256] : memref<10240xf32, #tpu.memory_space<vmem>> -> memref<128xf32, #tpu.memory_space<vmem>>
    %dma_start3A_258 = arith.constant 3584 : i32
    %dma_start3A_259 = tpu.memref_slice %arg5[%dma_start3A_258] : memref<10240xi32, #tpu.memory_space<vmem>> -> memref<128xi32, #tpu.memory_space<vmem>>
    %dma_start3A_260 = arith.constant 0 : i32
    %dma_start3A_261 = tpu.memref_slice %arg3[%add3A_4, %dma_start3A_260] : memref<64x100000xf32, #tpu.memory_space<hbm>> -> memref<1x100000xf32, #tpu.memory_space<hbm>>
    %dma_start3A_262 = tpu.memref_squeeze %dma_start3A_261 : memref<1x100000xf32, #tpu.memory_space<hbm>> -> memref<100000xf32, #tpu.memory_space<hbm>>
    %dma_start3A_263 = arith.constant 0 : i32
    %dma_start3A_264 = tpu.memref_slice %dma_start3A_262[%dma_start3A_263] : memref<100000xf32, #tpu.memory_space<hbm>> -> memref<100000xf32, #tpu.memory_space<hbm>>
    tpu.enqueue_indirect_dma source(%dma_start3A_264 : memref<100000xf32, #tpu.memory_space<hbm>>) target(%dma_start3A_257 : memref<128xf32, #tpu.memory_space<vmem>>) offsets(%dma_start3A_259 : memref<128xi32, #tpu.memory_space<vmem>>) semaphore(%arg8 : memref<!tpu.dma_semaphore, #tpu.memory_space<semaphore_mem>>)
    %dma_start3A_265 = arith.constant 3712 : i32
    %dma_start3A_266 = tpu.memref_slice %arg6[%dma_start3A_265] : memref<10240xf32, #tpu.memory_space<vmem>> -> memref<128xf32, #tpu.memory_space<vmem>>
    %dma_start3A_267 = arith.constant 3712 : i32
    %dma_start3A_268 = tpu.memref_slice %arg5[%dma_start3A_267] : memref<10240xi32, #tpu.memory_space<vmem>> -> memref<128xi32, #tpu.memory_space<vmem>>
    %dma_start3A_269 = arith.constant 0 : i32
    %dma_start3A_270 = tpu.memref_slice %arg3[%add3A_4, %dma_start3A_269] : memref<64x100000xf32, #tpu.memory_space<hbm>> -> memref<1x100000xf32, #tpu.memory_space<hbm>>
    %dma_start3A_271 = tpu.memref_squeeze %dma_start3A_270 : memref<1x100000xf32, #tpu.memory_space<hbm>> -> memref<100000xf32, #tpu.memory_space<hbm>>
    %dma_start3A_272 = arith.constant 0 : i32
    %dma_start3A_273 = tpu.memref_slice %dma_start3A_271[%dma_start3A_272] : memref<100000xf32, #tpu.memory_space<hbm>> -> memref<100000xf32, #tpu.memory_space<hbm>>
    tpu.enqueue_indirect_dma source(%dma_start3A_273 : memref<100000xf32, #tpu.memory_space<hbm>>) target(%dma_start3A_266 : memref<128xf32, #tpu.memory_space<vmem>>) offsets(%dma_start3A_268 : memref<128xi32, #tpu.memory_space<vmem>>) semaphore(%arg8 : memref<!tpu.dma_semaphore, #tpu.memory_space<semaphore_mem>>)
    %dma_start3A_274 = arith.constant 3840 : i32
    %dma_start3A_275 = tpu.memref_slice %arg6[%dma_start3A_274] : memref<10240xf32, #tpu.memory_space<vmem>> -> memref<128xf32, #tpu.memory_space<vmem>>
    %dma_start3A_276 = arith.constant 3840 : i32
    %dma_start3A_277 = tpu.memref_slice %arg5[%dma_start3A_276] : memref<10240xi32, #tpu.memory_space<vmem>> -> memref<128xi32, #tpu.memory_space<vmem>>
    %dma_start3A_278 = arith.constant 0 : i32
    %dma_start3A_279 = tpu.memref_slice %arg3[%add3A_4, %dma_start3A_278] : memref<64x100000xf32, #tpu.memory_space<hbm>> -> memref<1x100000xf32, #tpu.memory_space<hbm>>
    %dma_start3A_280 = tpu.memref_squeeze %dma_start3A_279 : memref<1x100000xf32, #tpu.memory_space<hbm>> -> memref<100000xf32, #tpu.memory_space<hbm>>
    %dma_start3A_281 = arith.constant 0 : i32
    %dma_start3A_282 = tpu.memref_slice %dma_start3A_280[%dma_start3A_281] : memref<100000xf32, #tpu.memory_space<hbm>> -> memref<100000xf32, #tpu.memory_space<hbm>>
    tpu.enqueue_indirect_dma source(%dma_start3A_282 : memref<100000xf32, #tpu.memory_space<hbm>>) target(%dma_start3A_275 : memref<128xf32, #tpu.memory_space<vmem>>) offsets(%dma_start3A_277 : memref<128xi32, #tpu.memory_space<vmem>>) semaphore(%arg8 : memref<!tpu.dma_semaphore, #tpu.memory_space<semaphore_mem>>)
    %dma_start3A_283 = arith.constant 3968 : i32
    %dma_start3A_284 = tpu.memref_slice %arg6[%dma_start3A_283] : memref<10240xf32, #tpu.memory_space<vmem>> -> memref<128xf32, #tpu.memory_space<vmem>>
    %dma_start3A_285 = arith.constant 3968 : i32
    %dma_start3A_286 = tpu.memref_slice %arg5[%dma_start3A_285] : memref<10240xi32, #tpu.memory_space<vmem>> -> memref<128xi32, #tpu.memory_space<vmem>>
    %dma_start3A_287 = arith.constant 0 : i32
    %dma_start3A_288 = tpu.memref_slice %arg3[%add3A_4, %dma_start3A_287] : memref<64x100000xf32, #tpu.memory_space<hbm>> -> memref<1x100000xf32, #tpu.memory_space<hbm>>
    %dma_start3A_289 = tpu.memref_squeeze %dma_start3A_288 : memref<1x100000xf32, #tpu.memory_space<hbm>> -> memref<100000xf32, #tpu.memory_space<hbm>>
    %dma_start3A_290 = arith.constant 0 : i32
    %dma_start3A_291 = tpu.memref_slice %dma_start3A_289[%dma_start3A_290] : memref<100000xf32, #tpu.memory_space<hbm>> -> memref<100000xf32, #tpu.memory_space<hbm>>
    tpu.enqueue_indirect_dma source(%dma_start3A_291 : memref<100000xf32, #tpu.memory_space<hbm>>) target(%dma_start3A_284 : memref<128xf32, #tpu.memory_space<vmem>>) offsets(%dma_start3A_286 : memref<128xi32, #tpu.memory_space<vmem>>) semaphore(%arg8 : memref<!tpu.dma_semaphore, #tpu.memory_space<semaphore_mem>>)
    %dma_start3A_292 = arith.constant 4096 : i32
    %dma_start3A_293 = tpu.memref_slice %arg6[%dma_start3A_292] : memref<10240xf32, #tpu.memory_space<vmem>> -> memref<128xf32, #tpu.memory_space<vmem>>
    %dma_start3A_294 = arith.constant 4096 : i32
    %dma_start3A_295 = tpu.memref_slice %arg5[%dma_start3A_294] : memref<10240xi32, #tpu.memory_space<vmem>> -> memref<128xi32, #tpu.memory_space<vmem>>
    %dma_start3A_296 = arith.constant 0 : i32
    %dma_start3A_297 = tpu.memref_slice %arg3[%add3A_4, %dma_start3A_296] : memref<64x100000xf32, #tpu.memory_space<hbm>> -> memref<1x100000xf32, #tpu.memory_space<hbm>>
    %dma_start3A_298 = tpu.memref_squeeze %dma_start3A_297 : memref<1x100000xf32, #tpu.memory_space<hbm>> -> memref<100000xf32, #tpu.memory_space<hbm>>
    %dma_start3A_299 = arith.constant 0 : i32
    %dma_start3A_300 = tpu.memref_slice %dma_start3A_298[%dma_start3A_299] : memref<100000xf32, #tpu.memory_space<hbm>> -> memref<100000xf32, #tpu.memory_space<hbm>>
    tpu.enqueue_indirect_dma source(%dma_start3A_300 : memref<100000xf32, #tpu.memory_space<hbm>>) target(%dma_start3A_293 : memref<128xf32, #tpu.memory_space<vmem>>) offsets(%dma_start3A_295 : memref<128xi32, #tpu.memory_space<vmem>>) semaphore(%arg8 : memref<!tpu.dma_semaphore, #tpu.memory_space<semaphore_mem>>)
    %dma_start3A_301 = arith.constant 4224 : i32
    %dma_start3A_302 = tpu.memref_slice %arg6[%dma_start3A_301] : memref<10240xf32, #tpu.memory_space<vmem>> -> memref<128xf32, #tpu.memory_space<vmem>>
    %dma_start3A_303 = arith.constant 4224 : i32
    %dma_start3A_304 = tpu.memref_slice %arg5[%dma_start3A_303] : memref<10240xi32, #tpu.memory_space<vmem>> -> memref<128xi32, #tpu.memory_space<vmem>>
    %dma_start3A_305 = arith.constant 0 : i32
    %dma_start3A_306 = tpu.memref_slice %arg3[%add3A_4, %dma_start3A_305] : memref<64x100000xf32, #tpu.memory_space<hbm>> -> memref<1x100000xf32, #tpu.memory_space<hbm>>
    %dma_start3A_307 = tpu.memref_squeeze %dma_start3A_306 : memref<1x100000xf32, #tpu.memory_space<hbm>> -> memref<100000xf32, #tpu.memory_space<hbm>>
    %dma_start3A_308 = arith.constant 0 : i32
    %dma_start3A_309 = tpu.memref_slice %dma_start3A_307[%dma_start3A_308] : memref<100000xf32, #tpu.memory_space<hbm>> -> memref<100000xf32, #tpu.memory_space<hbm>>
    tpu.enqueue_indirect_dma source(%dma_start3A_309 : memref<100000xf32, #tpu.memory_space<hbm>>) target(%dma_start3A_302 : memref<128xf32, #tpu.memory_space<vmem>>) offsets(%dma_start3A_304 : memref<128xi32, #tpu.memory_space<vmem>>) semaphore(%arg8 : memref<!tpu.dma_semaphore, #tpu.memory_space<semaphore_mem>>)
    %dma_start3A_310 = arith.constant 4352 : i32
    %dma_start3A_311 = tpu.memref_slice %arg6[%dma_start3A_310] : memref<10240xf32, #tpu.memory_space<vmem>> -> memref<128xf32, #tpu.memory_space<vmem>>
    %dma_start3A_312 = arith.constant 4352 : i32
    %dma_start3A_313 = tpu.memref_slice %arg5[%dma_start3A_312] : memref<10240xi32, #tpu.memory_space<vmem>> -> memref<128xi32, #tpu.memory_space<vmem>>
    %dma_start3A_314 = arith.constant 0 : i32
    %dma_start3A_315 = tpu.memref_slice %arg3[%add3A_4, %dma_start3A_314] : memref<64x100000xf32, #tpu.memory_space<hbm>> -> memref<1x100000xf32, #tpu.memory_space<hbm>>
    %dma_start3A_316 = tpu.memref_squeeze %dma_start3A_315 : memref<1x100000xf32, #tpu.memory_space<hbm>> -> memref<100000xf32, #tpu.memory_space<hbm>>
    %dma_start3A_317 = arith.constant 0 : i32
    %dma_start3A_318 = tpu.memref_slice %dma_start3A_316[%dma_start3A_317] : memref<100000xf32, #tpu.memory_space<hbm>> -> memref<100000xf32, #tpu.memory_space<hbm>>
    tpu.enqueue_indirect_dma source(%dma_start3A_318 : memref<100000xf32, #tpu.memory_space<hbm>>) target(%dma_start3A_311 : memref<128xf32, #tpu.memory_space<vmem>>) offsets(%dma_start3A_313 : memref<128xi32, #tpu.memory_space<vmem>>) semaphore(%arg8 : memref<!tpu.dma_semaphore, #tpu.memory_space<semaphore_mem>>)
    %dma_start3A_319 = arith.constant 4480 : i32
    %dma_start3A_320 = tpu.memref_slice %arg6[%dma_start3A_319] : memref<10240xf32, #tpu.memory_space<vmem>> -> memref<128xf32, #tpu.memory_space<vmem>>
    %dma_start3A_321 = arith.constant 4480 : i32
    %dma_start3A_322 = tpu.memref_slice %arg5[%dma_start3A_321] : memref<10240xi32, #tpu.memory_space<vmem>> -> memref<128xi32, #tpu.memory_space<vmem>>
    %dma_start3A_323 = arith.constant 0 : i32
    %dma_start3A_324 = tpu.memref_slice %arg3[%add3A_4, %dma_start3A_323] : memref<64x100000xf32, #tpu.memory_space<hbm>> -> memref<1x100000xf32, #tpu.memory_space<hbm>>
    %dma_start3A_325 = tpu.memref_squeeze %dma_start3A_324 : memref<1x100000xf32, #tpu.memory_space<hbm>> -> memref<100000xf32, #tpu.memory_space<hbm>>
    %dma_start3A_326 = arith.constant 0 : i32
    %dma_start3A_327 = tpu.memref_slice %dma_start3A_325[%dma_start3A_326] : memref<100000xf32, #tpu.memory_space<hbm>> -> memref<100000xf32, #tpu.memory_space<hbm>>
    tpu.enqueue_indirect_dma source(%dma_start3A_327 : memref<100000xf32, #tpu.memory_space<hbm>>) target(%dma_start3A_320 : memref<128xf32, #tpu.memory_space<vmem>>) offsets(%dma_start3A_322 : memref<128xi32, #tpu.memory_space<vmem>>) semaphore(%arg8 : memref<!tpu.dma_semaphore, #tpu.memory_space<semaphore_mem>>)
    %dma_start3A_328 = arith.constant 4608 : i32
    %dma_start3A_329 = tpu.memref_slice %arg6[%dma_start3A_328] : memref<10240xf32, #tpu.memory_space<vmem>> -> memref<128xf32, #tpu.memory_space<vmem>>
    %dma_start3A_330 = arith.constant 4608 : i32
    %dma_start3A_331 = tpu.memref_slice %arg5[%dma_start3A_330] : memref<10240xi32, #tpu.memory_space<vmem>> -> memref<128xi32, #tpu.memory_space<vmem>>
    %dma_start3A_332 = arith.constant 0 : i32
    %dma_start3A_333 = tpu.memref_slice %arg3[%add3A_4, %dma_start3A_332] : memref<64x100000xf32, #tpu.memory_space<hbm>> -> memref<1x100000xf32, #tpu.memory_space<hbm>>
    %dma_start3A_334 = tpu.memref_squeeze %dma_start3A_333 : memref<1x100000xf32, #tpu.memory_space<hbm>> -> memref<100000xf32, #tpu.memory_space<hbm>>
    %dma_start3A_335 = arith.constant 0 : i32
    %dma_start3A_336 = tpu.memref_slice %dma_start3A_334[%dma_start3A_335] : memref<100000xf32, #tpu.memory_space<hbm>> -> memref<100000xf32, #tpu.memory_space<hbm>>
    tpu.enqueue_indirect_dma source(%dma_start3A_336 : memref<100000xf32, #tpu.memory_space<hbm>>) target(%dma_start3A_329 : memref<128xf32, #tpu.memory_space<vmem>>) offsets(%dma_start3A_331 : memref<128xi32, #tpu.memory_space<vmem>>) semaphore(%arg8 : memref<!tpu.dma_semaphore, #tpu.memory_space<semaphore_mem>>)
    %dma_start3A_337 = arith.constant 4736 : i32
    %dma_start3A_338 = tpu.memref_slice %arg6[%dma_start3A_337] : memref<10240xf32, #tpu.memory_space<vmem>> -> memref<128xf32, #tpu.memory_space<vmem>>
    %dma_start3A_339 = arith.constant 4736 : i32
    %dma_start3A_340 = tpu.memref_slice %arg5[%dma_start3A_339] : memref<10240xi32, #tpu.memory_space<vmem>> -> memref<128xi32, #tpu.memory_space<vmem>>
    %dma_start3A_341 = arith.constant 0 : i32
    %dma_start3A_342 = tpu.memref_slice %arg3[%add3A_4, %dma_start3A_341] : memref<64x100000xf32, #tpu.memory_space<hbm>> -> memref<1x100000xf32, #tpu.memory_space<hbm>>
    %dma_start3A_343 = tpu.memref_squeeze %dma_start3A_342 : memref<1x100000xf32, #tpu.memory_space<hbm>> -> memref<100000xf32, #tpu.memory_space<hbm>>
    %dma_start3A_344 = arith.constant 0 : i32
    %dma_start3A_345 = tpu.memref_slice %dma_start3A_343[%dma_start3A_344] : memref<100000xf32, #tpu.memory_space<hbm>> -> memref<100000xf32, #tpu.memory_space<hbm>>
    tpu.enqueue_indirect_dma source(%dma_start3A_345 : memref<100000xf32, #tpu.memory_space<hbm>>) target(%dma_start3A_338 : memref<128xf32, #tpu.memory_space<vmem>>) offsets(%dma_start3A_340 : memref<128xi32, #tpu.memory_space<vmem>>) semaphore(%arg8 : memref<!tpu.dma_semaphore, #tpu.memory_space<semaphore_mem>>)
    %dma_start3A_346 = arith.constant 4864 : i32
    %dma_start3A_347 = tpu.memref_slice %arg6[%dma_start3A_346] : memref<10240xf32, #tpu.memory_space<vmem>> -> memref<128xf32, #tpu.memory_space<vmem>>
    %dma_start3A_348 = arith.constant 4864 : i32
    %dma_start3A_349 = tpu.memref_slice %arg5[%dma_start3A_348] : memref<10240xi32, #tpu.memory_space<vmem>> -> memref<128xi32, #tpu.memory_space<vmem>>
    %dma_start3A_350 = arith.constant 0 : i32
    %dma_start3A_351 = tpu.memref_slice %arg3[%add3A_4, %dma_start3A_350] : memref<64x100000xf32, #tpu.memory_space<hbm>> -> memref<1x100000xf32, #tpu.memory_space<hbm>>
    %dma_start3A_352 = tpu.memref_squeeze %dma_start3A_351 : memref<1x100000xf32, #tpu.memory_space<hbm>> -> memref<100000xf32, #tpu.memory_space<hbm>>
    %dma_start3A_353 = arith.constant 0 : i32
    %dma_start3A_354 = tpu.memref_slice %dma_start3A_352[%dma_start3A_353] : memref<100000xf32, #tpu.memory_space<hbm>> -> memref<100000xf32, #tpu.memory_space<hbm>>
    tpu.enqueue_indirect_dma source(%dma_start3A_354 : memref<100000xf32, #tpu.memory_space<hbm>>) target(%dma_start3A_347 : memref<128xf32, #tpu.memory_space<vmem>>) offsets(%dma_start3A_349 : memref<128xi32, #tpu.memory_space<vmem>>) semaphore(%arg8 : memref<!tpu.dma_semaphore, #tpu.memory_space<semaphore_mem>>)
    %dma_start3A_355 = arith.constant 4992 : i32
    %dma_start3A_356 = tpu.memref_slice %arg6[%dma_start3A_355] : memref<10240xf32, #tpu.memory_space<vmem>> -> memref<128xf32, #tpu.memory_space<vmem>>
    %dma_start3A_357 = arith.constant 4992 : i32
    %dma_start3A_358 = tpu.memref_slice %arg5[%dma_start3A_357] : memref<10240xi32, #tpu.memory_space<vmem>> -> memref<128xi32, #tpu.memory_space<vmem>>
    %dma_start3A_359 = arith.constant 0 : i32
    %dma_start3A_360 = tpu.memref_slice %arg3[%add3A_4, %dma_start3A_359] : memref<64x100000xf32, #tpu.memory_space<hbm>> -> memref<1x100000xf32, #tpu.memory_space<hbm>>
    %dma_start3A_361 = tpu.memref_squeeze %dma_start3A_360 : memref<1x100000xf32, #tpu.memory_space<hbm>> -> memref<100000xf32, #tpu.memory_space<hbm>>
    %dma_start3A_362 = arith.constant 0 : i32
    %dma_start3A_363 = tpu.memref_slice %dma_start3A_361[%dma_start3A_362] : memref<100000xf32, #tpu.memory_space<hbm>> -> memref<100000xf32, #tpu.memory_space<hbm>>
    tpu.enqueue_indirect_dma source(%dma_start3A_363 : memref<100000xf32, #tpu.memory_space<hbm>>) target(%dma_start3A_356 : memref<128xf32, #tpu.memory_space<vmem>>) offsets(%dma_start3A_358 : memref<128xi32, #tpu.memory_space<vmem>>) semaphore(%arg8 : memref<!tpu.dma_semaphore, #tpu.memory_space<semaphore_mem>>)
    %dma_start3A_364 = arith.constant 5120 : i32
    %dma_start3A_365 = tpu.memref_slice %arg6[%dma_start3A_364] : memref<10240xf32, #tpu.memory_space<vmem>> -> memref<128xf32, #tpu.memory_space<vmem>>
    %dma_start3A_366 = arith.constant 5120 : i32
    %dma_start3A_367 = tpu.memref_slice %arg5[%dma_start3A_366] : memref<10240xi32, #tpu.memory_space<vmem>> -> memref<128xi32, #tpu.memory_space<vmem>>
    %dma_start3A_368 = arith.constant 0 : i32
    %dma_start3A_369 = tpu.memref_slice %arg3[%add3A_4, %dma_start3A_368] : memref<64x100000xf32, #tpu.memory_space<hbm>> -> memref<1x100000xf32, #tpu.memory_space<hbm>>
    %dma_start3A_370 = tpu.memref_squeeze %dma_start3A_369 : memref<1x100000xf32, #tpu.memory_space<hbm>> -> memref<100000xf32, #tpu.memory_space<hbm>>
    %dma_start3A_371 = arith.constant 0 : i32
    %dma_start3A_372 = tpu.memref_slice %dma_start3A_370[%dma_start3A_371] : memref<100000xf32, #tpu.memory_space<hbm>> -> memref<100000xf32, #tpu.memory_space<hbm>>
    tpu.enqueue_indirect_dma source(%dma_start3A_372 : memref<100000xf32, #tpu.memory_space<hbm>>) target(%dma_start3A_365 : memref<128xf32, #tpu.memory_space<vmem>>) offsets(%dma_start3A_367 : memref<128xi32, #tpu.memory_space<vmem>>) semaphore(%arg8 : memref<!tpu.dma_semaphore, #tpu.memory_space<semaphore_mem>>)
    %dma_start3A_373 = arith.constant 5248 : i32
    %dma_start3A_374 = tpu.memref_slice %arg6[%dma_start3A_373] : memref<10240xf32, #tpu.memory_space<vmem>> -> memref<128xf32, #tpu.memory_space<vmem>>
    %dma_start3A_375 = arith.constant 5248 : i32
    %dma_start3A_376 = tpu.memref_slice %arg5[%dma_start3A_375] : memref<10240xi32, #tpu.memory_space<vmem>> -> memref<128xi32, #tpu.memory_space<vmem>>
    %dma_start3A_377 = arith.constant 0 : i32
    %dma_start3A_378 = tpu.memref_slice %arg3[%add3A_4, %dma_start3A_377] : memref<64x100000xf32, #tpu.memory_space<hbm>> -> memref<1x100000xf32, #tpu.memory_space<hbm>>
    %dma_start3A_379 = tpu.memref_squeeze %dma_start3A_378 : memref<1x100000xf32, #tpu.memory_space<hbm>> -> memref<100000xf32, #tpu.memory_space<hbm>>
    %dma_start3A_380 = arith.constant 0 : i32
    %dma_start3A_381 = tpu.memref_slice %dma_start3A_379[%dma_start3A_380] : memref<100000xf32, #tpu.memory_space<hbm>> -> memref<100000xf32, #tpu.memory_space<hbm>>
    tpu.enqueue_indirect_dma source(%dma_start3A_381 : memref<100000xf32, #tpu.memory_space<hbm>>) target(%dma_start3A_374 : memref<128xf32, #tpu.memory_space<vmem>>) offsets(%dma_start3A_376 : memref<128xi32, #tpu.memory_space<vmem>>) semaphore(%arg8 : memref<!tpu.dma_semaphore, #tpu.memory_space<semaphore_mem>>)
    %dma_start3A_382 = arith.constant 5376 : i32
    %dma_start3A_383 = tpu.memref_slice %arg6[%dma_start3A_382] : memref<10240xf32, #tpu.memory_space<vmem>> -> memref<128xf32, #tpu.memory_space<vmem>>
    %dma_start3A_384 = arith.constant 5376 : i32
    %dma_start3A_385 = tpu.memref_slice %arg5[%dma_start3A_384] : memref<10240xi32, #tpu.memory_space<vmem>> -> memref<128xi32, #tpu.memory_space<vmem>>
    %dma_start3A_386 = arith.constant 0 : i32
    %dma_start3A_387 = tpu.memref_slice %arg3[%add3A_4, %dma_start3A_386] : memref<64x100000xf32, #tpu.memory_space<hbm>> -> memref<1x100000xf32, #tpu.memory_space<hbm>>
    %dma_start3A_388 = tpu.memref_squeeze %dma_start3A_387 : memref<1x100000xf32, #tpu.memory_space<hbm>> -> memref<100000xf32, #tpu.memory_space<hbm>>
    %dma_start3A_389 = arith.constant 0 : i32
    %dma_start3A_390 = tpu.memref_slice %dma_start3A_388[%dma_start3A_389] : memref<100000xf32, #tpu.memory_space<hbm>> -> memref<100000xf32, #tpu.memory_space<hbm>>
    tpu.enqueue_indirect_dma source(%dma_start3A_390 : memref<100000xf32, #tpu.memory_space<hbm>>) target(%dma_start3A_383 : memref<128xf32, #tpu.memory_space<vmem>>) offsets(%dma_start3A_385 : memref<128xi32, #tpu.memory_space<vmem>>) semaphore(%arg8 : memref<!tpu.dma_semaphore, #tpu.memory_space<semaphore_mem>>)
    %dma_start3A_391 = arith.constant 5504 : i32
    %dma_start3A_392 = tpu.memref_slice %arg6[%dma_start3A_391] : memref<10240xf32, #tpu.memory_space<vmem>> -> memref<128xf32, #tpu.memory_space<vmem>>
    %dma_start3A_393 = arith.constant 5504 : i32
    %dma_start3A_394 = tpu.memref_slice %arg5[%dma_start3A_393] : memref<10240xi32, #tpu.memory_space<vmem>> -> memref<128xi32, #tpu.memory_space<vmem>>
    %dma_start3A_395 = arith.constant 0 : i32
    %dma_start3A_396 = tpu.memref_slice %arg3[%add3A_4, %dma_start3A_395] : memref<64x100000xf32, #tpu.memory_space<hbm>> -> memref<1x100000xf32, #tpu.memory_space<hbm>>
    %dma_start3A_397 = tpu.memref_squeeze %dma_start3A_396 : memref<1x100000xf32, #tpu.memory_space<hbm>> -> memref<100000xf32, #tpu.memory_space<hbm>>
    %dma_start3A_398 = arith.constant 0 : i32
    %dma_start3A_399 = tpu.memref_slice %dma_start3A_397[%dma_start3A_398] : memref<100000xf32, #tpu.memory_space<hbm>> -> memref<100000xf32, #tpu.memory_space<hbm>>
    tpu.enqueue_indirect_dma source(%dma_start3A_399 : memref<100000xf32, #tpu.memory_space<hbm>>) target(%dma_start3A_392 : memref<128xf32, #tpu.memory_space<vmem>>) offsets(%dma_start3A_394 : memref<128xi32, #tpu.memory_space<vmem>>) semaphore(%arg8 : memref<!tpu.dma_semaphore, #tpu.memory_space<semaphore_mem>>)
    %dma_start3A_400 = arith.constant 5632 : i32
    %dma_start3A_401 = tpu.memref_slice %arg6[%dma_start3A_400] : memref<10240xf32, #tpu.memory_space<vmem>> -> memref<128xf32, #tpu.memory_space<vmem>>
    %dma_start3A_402 = arith.constant 5632 : i32
    %dma_start3A_403 = tpu.memref_slice %arg5[%dma_start3A_402] : memref<10240xi32, #tpu.memory_space<vmem>> -> memref<128xi32, #tpu.memory_space<vmem>>
    %dma_start3A_404 = arith.constant 0 : i32
    %dma_start3A_405 = tpu.memref_slice %arg3[%add3A_4, %dma_start3A_404] : memref<64x100000xf32, #tpu.memory_space<hbm>> -> memref<1x100000xf32, #tpu.memory_space<hbm>>
    %dma_start3A_406 = tpu.memref_squeeze %dma_start3A_405 : memref<1x100000xf32, #tpu.memory_space<hbm>> -> memref<100000xf32, #tpu.memory_space<hbm>>
    %dma_start3A_407 = arith.constant 0 : i32
    %dma_start3A_408 = tpu.memref_slice %dma_start3A_406[%dma_start3A_407] : memref<100000xf32, #tpu.memory_space<hbm>> -> memref<100000xf32, #tpu.memory_space<hbm>>
    tpu.enqueue_indirect_dma source(%dma_start3A_408 : memref<100000xf32, #tpu.memory_space<hbm>>) target(%dma_start3A_401 : memref<128xf32, #tpu.memory_space<vmem>>) offsets(%dma_start3A_403 : memref<128xi32, #tpu.memory_space<vmem>>) semaphore(%arg8 : memref<!tpu.dma_semaphore, #tpu.memory_space<semaphore_mem>>)
    %dma_start3A_409 = arith.constant 5760 : i32
    %dma_start3A_410 = tpu.memref_slice %arg6[%dma_start3A_409] : memref<10240xf32, #tpu.memory_space<vmem>> -> memref<128xf32, #tpu.memory_space<vmem>>
    %dma_start3A_411 = arith.constant 5760 : i32
    %dma_start3A_412 = tpu.memref_slice %arg5[%dma_start3A_411] : memref<10240xi32, #tpu.memory_space<vmem>> -> memref<128xi32, #tpu.memory_space<vmem>>
    %dma_start3A_413 = arith.constant 0 : i32
    %dma_start3A_414 = tpu.memref_slice %arg3[%add3A_4, %dma_start3A_413] : memref<64x100000xf32, #tpu.memory_space<hbm>> -> memref<1x100000xf32, #tpu.memory_space<hbm>>
    %dma_start3A_415 = tpu.memref_squeeze %dma_start3A_414 : memref<1x100000xf32, #tpu.memory_space<hbm>> -> memref<100000xf32, #tpu.memory_space<hbm>>
    %dma_start3A_416 = arith.constant 0 : i32
    %dma_start3A_417 = tpu.memref_slice %dma_start3A_415[%dma_start3A_416] : memref<100000xf32, #tpu.memory_space<hbm>> -> memref<100000xf32, #tpu.memory_space<hbm>>
    tpu.enqueue_indirect_dma source(%dma_start3A_417 : memref<100000xf32, #tpu.memory_space<hbm>>) target(%dma_start3A_410 : memref<128xf32, #tpu.memory_space<vmem>>) offsets(%dma_start3A_412 : memref<128xi32, #tpu.memory_space<vmem>>) semaphore(%arg8 : memref<!tpu.dma_semaphore, #tpu.memory_space<semaphore_mem>>)
    %dma_start3A_418 = arith.constant 5888 : i32
    %dma_start3A_419 = tpu.memref_slice %arg6[%dma_start3A_418] : memref<10240xf32, #tpu.memory_space<vmem>> -> memref<128xf32, #tpu.memory_space<vmem>>
    %dma_start3A_420 = arith.constant 5888 : i32
    %dma_start3A_421 = tpu.memref_slice %arg5[%dma_start3A_420] : memref<10240xi32, #tpu.memory_space<vmem>> -> memref<128xi32, #tpu.memory_space<vmem>>
    %dma_start3A_422 = arith.constant 0 : i32
    %dma_start3A_423 = tpu.memref_slice %arg3[%add3A_4, %dma_start3A_422] : memref<64x100000xf32, #tpu.memory_space<hbm>> -> memref<1x100000xf32, #tpu.memory_space<hbm>>
    %dma_start3A_424 = tpu.memref_squeeze %dma_start3A_423 : memref<1x100000xf32, #tpu.memory_space<hbm>> -> memref<100000xf32, #tpu.memory_space<hbm>>
    %dma_start3A_425 = arith.constant 0 : i32
    %dma_start3A_426 = tpu.memref_slice %dma_start3A_424[%dma_start3A_425] : memref<100000xf32, #tpu.memory_space<hbm>> -> memref<100000xf32, #tpu.memory_space<hbm>>
    tpu.enqueue_indirect_dma source(%dma_start3A_426 : memref<100000xf32, #tpu.memory_space<hbm>>) target(%dma_start3A_419 : memref<128xf32, #tpu.memory_space<vmem>>) offsets(%dma_start3A_421 : memref<128xi32, #tpu.memory_space<vmem>>) semaphore(%arg8 : memref<!tpu.dma_semaphore, #tpu.memory_space<semaphore_mem>>)
    %dma_start3A_427 = arith.constant 6016 : i32
    %dma_start3A_428 = tpu.memref_slice %arg6[%dma_start3A_427] : memref<10240xf32, #tpu.memory_space<vmem>> -> memref<128xf32, #tpu.memory_space<vmem>>
    %dma_start3A_429 = arith.constant 6016 : i32
    %dma_start3A_430 = tpu.memref_slice %arg5[%dma_start3A_429] : memref<10240xi32, #tpu.memory_space<vmem>> -> memref<128xi32, #tpu.memory_space<vmem>>
    %dma_start3A_431 = arith.constant 0 : i32
    %dma_start3A_432 = tpu.memref_slice %arg3[%add3A_4, %dma_start3A_431] : memref<64x100000xf32, #tpu.memory_space<hbm>> -> memref<1x100000xf32, #tpu.memory_space<hbm>>
    %dma_start3A_433 = tpu.memref_squeeze %dma_start3A_432 : memref<1x100000xf32, #tpu.memory_space<hbm>> -> memref<100000xf32, #tpu.memory_space<hbm>>
    %dma_start3A_434 = arith.constant 0 : i32
    %dma_start3A_435 = tpu.memref_slice %dma_start3A_433[%dma_start3A_434] : memref<100000xf32, #tpu.memory_space<hbm>> -> memref<100000xf32, #tpu.memory_space<hbm>>
    tpu.enqueue_indirect_dma source(%dma_start3A_435 : memref<100000xf32, #tpu.memory_space<hbm>>) target(%dma_start3A_428 : memref<128xf32, #tpu.memory_space<vmem>>) offsets(%dma_start3A_430 : memref<128xi32, #tpu.memory_space<vmem>>) semaphore(%arg8 : memref<!tpu.dma_semaphore, #tpu.memory_space<semaphore_mem>>)
    %dma_start3A_436 = arith.constant 6144 : i32
    %dma_start3A_437 = tpu.memref_slice %arg6[%dma_start3A_436] : memref<10240xf32, #tpu.memory_space<vmem>> -> memref<128xf32, #tpu.memory_space<vmem>>
    %dma_start3A_438 = arith.constant 6144 : i32
    %dma_start3A_439 = tpu.memref_slice %arg5[%dma_start3A_438] : memref<10240xi32, #tpu.memory_space<vmem>> -> memref<128xi32, #tpu.memory_space<vmem>>
    %dma_start3A_440 = arith.constant 0 : i32
    %dma_start3A_441 = tpu.memref_slice %arg3[%add3A_4, %dma_start3A_440] : memref<64x100000xf32, #tpu.memory_space<hbm>> -> memref<1x100000xf32, #tpu.memory_space<hbm>>
    %dma_start3A_442 = tpu.memref_squeeze %dma_start3A_441 : memref<1x100000xf32, #tpu.memory_space<hbm>> -> memref<100000xf32, #tpu.memory_space<hbm>>
    %dma_start3A_443 = arith.constant 0 : i32
    %dma_start3A_444 = tpu.memref_slice %dma_start3A_442[%dma_start3A_443] : memref<100000xf32, #tpu.memory_space<hbm>> -> memref<100000xf32, #tpu.memory_space<hbm>>
    tpu.enqueue_indirect_dma source(%dma_start3A_444 : memref<100000xf32, #tpu.memory_space<hbm>>) target(%dma_start3A_437 : memref<128xf32, #tpu.memory_space<vmem>>) offsets(%dma_start3A_439 : memref<128xi32, #tpu.memory_space<vmem>>) semaphore(%arg8 : memref<!tpu.dma_semaphore, #tpu.memory_space<semaphore_mem>>)
    %dma_start3A_445 = arith.constant 6272 : i32
    %dma_start3A_446 = tpu.memref_slice %arg6[%dma_start3A_445] : memref<10240xf32, #tpu.memory_space<vmem>> -> memref<128xf32, #tpu.memory_space<vmem>>
    %dma_start3A_447 = arith.constant 6272 : i32
    %dma_start3A_448 = tpu.memref_slice %arg5[%dma_start3A_447] : memref<10240xi32, #tpu.memory_space<vmem>> -> memref<128xi32, #tpu.memory_space<vmem>>
    %dma_start3A_449 = arith.constant 0 : i32
    %dma_start3A_450 = tpu.memref_slice %arg3[%add3A_4, %dma_start3A_449] : memref<64x100000xf32, #tpu.memory_space<hbm>> -> memref<1x100000xf32, #tpu.memory_space<hbm>>
    %dma_start3A_451 = tpu.memref_squeeze %dma_start3A_450 : memref<1x100000xf32, #tpu.memory_space<hbm>> -> memref<100000xf32, #tpu.memory_space<hbm>>
    %dma_start3A_452 = arith.constant 0 : i32
    %dma_start3A_453 = tpu.memref_slice %dma_start3A_451[%dma_start3A_452] : memref<100000xf32, #tpu.memory_space<hbm>> -> memref<100000xf32, #tpu.memory_space<hbm>>
    tpu.enqueue_indirect_dma source(%dma_start3A_453 : memref<100000xf32, #tpu.memory_space<hbm>>) target(%dma_start3A_446 : memref<128xf32, #tpu.memory_space<vmem>>) offsets(%dma_start3A_448 : memref<128xi32, #tpu.memory_space<vmem>>) semaphore(%arg8 : memref<!tpu.dma_semaphore, #tpu.memory_space<semaphore_mem>>)
    %dma_start3A_454 = arith.constant 6400 : i32
    %dma_start3A_455 = tpu.memref_slice %arg6[%dma_start3A_454] : memref<10240xf32, #tpu.memory_space<vmem>> -> memref<128xf32, #tpu.memory_space<vmem>>
    %dma_start3A_456 = arith.constant 6400 : i32
    %dma_start3A_457 = tpu.memref_slice %arg5[%dma_start3A_456] : memref<10240xi32, #tpu.memory_space<vmem>> -> memref<128xi32, #tpu.memory_space<vmem>>
    %dma_start3A_458 = arith.constant 0 : i32
    %dma_start3A_459 = tpu.memref_slice %arg3[%add3A_4, %dma_start3A_458] : memref<64x100000xf32, #tpu.memory_space<hbm>> -> memref<1x100000xf32, #tpu.memory_space<hbm>>
    %dma_start3A_460 = tpu.memref_squeeze %dma_start3A_459 : memref<1x100000xf32, #tpu.memory_space<hbm>> -> memref<100000xf32, #tpu.memory_space<hbm>>
    %dma_start3A_461 = arith.constant 0 : i32
    %dma_start3A_462 = tpu.memref_slice %dma_start3A_460[%dma_start3A_461] : memref<100000xf32, #tpu.memory_space<hbm>> -> memref<100000xf32, #tpu.memory_space<hbm>>
    tpu.enqueue_indirect_dma source(%dma_start3A_462 : memref<100000xf32, #tpu.memory_space<hbm>>) target(%dma_start3A_455 : memref<128xf32, #tpu.memory_space<vmem>>) offsets(%dma_start3A_457 : memref<128xi32, #tpu.memory_space<vmem>>) semaphore(%arg8 : memref<!tpu.dma_semaphore, #tpu.memory_space<semaphore_mem>>)
    %dma_start3A_463 = arith.constant 6528 : i32
    %dma_start3A_464 = tpu.memref_slice %arg6[%dma_start3A_463] : memref<10240xf32, #tpu.memory_space<vmem>> -> memref<128xf32, #tpu.memory_space<vmem>>
    %dma_start3A_465 = arith.constant 6528 : i32
    %dma_start3A_466 = tpu.memref_slice %arg5[%dma_start3A_465] : memref<10240xi32, #tpu.memory_space<vmem>> -> memref<128xi32, #tpu.memory_space<vmem>>
    %dma_start3A_467 = arith.constant 0 : i32
    %dma_start3A_468 = tpu.memref_slice %arg3[%add3A_4, %dma_start3A_467] : memref<64x100000xf32, #tpu.memory_space<hbm>> -> memref<1x100000xf32, #tpu.memory_space<hbm>>
    %dma_start3A_469 = tpu.memref_squeeze %dma_start3A_468 : memref<1x100000xf32, #tpu.memory_space<hbm>> -> memref<100000xf32, #tpu.memory_space<hbm>>
    %dma_start3A_470 = arith.constant 0 : i32
    %dma_start3A_471 = tpu.memref_slice %dma_start3A_469[%dma_start3A_470] : memref<100000xf32, #tpu.memory_space<hbm>> -> memref<100000xf32, #tpu.memory_space<hbm>>
    tpu.enqueue_indirect_dma source(%dma_start3A_471 : memref<100000xf32, #tpu.memory_space<hbm>>) target(%dma_start3A_464 : memref<128xf32, #tpu.memory_space<vmem>>) offsets(%dma_start3A_466 : memref<128xi32, #tpu.memory_space<vmem>>) semaphore(%arg8 : memref<!tpu.dma_semaphore, #tpu.memory_space<semaphore_mem>>)
    %dma_start3A_472 = arith.constant 6656 : i32
    %dma_start3A_473 = tpu.memref_slice %arg6[%dma_start3A_472] : memref<10240xf32, #tpu.memory_space<vmem>> -> memref<128xf32, #tpu.memory_space<vmem>>
    %dma_start3A_474 = arith.constant 6656 : i32
    %dma_start3A_475 = tpu.memref_slice %arg5[%dma_start3A_474] : memref<10240xi32, #tpu.memory_space<vmem>> -> memref<128xi32, #tpu.memory_space<vmem>>
    %dma_start3A_476 = arith.constant 0 : i32
    %dma_start3A_477 = tpu.memref_slice %arg3[%add3A_4, %dma_start3A_476] : memref<64x100000xf32, #tpu.memory_space<hbm>> -> memref<1x100000xf32, #tpu.memory_space<hbm>>
    %dma_start3A_478 = tpu.memref_squeeze %dma_start3A_477 : memref<1x100000xf32, #tpu.memory_space<hbm>> -> memref<100000xf32, #tpu.memory_space<hbm>>
    %dma_start3A_479 = arith.constant 0 : i32
    %dma_start3A_480 = tpu.memref_slice %dma_start3A_478[%dma_start3A_479] : memref<100000xf32, #tpu.memory_space<hbm>> -> memref<100000xf32, #tpu.memory_space<hbm>>
    tpu.enqueue_indirect_dma source(%dma_start3A_480 : memref<100000xf32, #tpu.memory_space<hbm>>) target(%dma_start3A_473 : memref<128xf32, #tpu.memory_space<vmem>>) offsets(%dma_start3A_475 : memref<128xi32, #tpu.memory_space<vmem>>) semaphore(%arg8 : memref<!tpu.dma_semaphore, #tpu.memory_space<semaphore_mem>>)
    %dma_start3A_481 = arith.constant 6784 : i32
    %dma_start3A_482 = tpu.memref_slice %arg6[%dma_start3A_481] : memref<10240xf32, #tpu.memory_space<vmem>> -> memref<128xf32, #tpu.memory_space<vmem>>
    %dma_start3A_483 = arith.constant 6784 : i32
    %dma_start3A_484 = tpu.memref_slice %arg5[%dma_start3A_483] : memref<10240xi32, #tpu.memory_space<vmem>> -> memref<128xi32, #tpu.memory_space<vmem>>
    %dma_start3A_485 = arith.constant 0 : i32
    %dma_start3A_486 = tpu.memref_slice %arg3[%add3A_4, %dma_start3A_485] : memref<64x100000xf32, #tpu.memory_space<hbm>> -> memref<1x100000xf32, #tpu.memory_space<hbm>>
    %dma_start3A_487 = tpu.memref_squeeze %dma_start3A_486 : memref<1x100000xf32, #tpu.memory_space<hbm>> -> memref<100000xf32, #tpu.memory_space<hbm>>
    %dma_start3A_488 = arith.constant 0 : i32
    %dma_start3A_489 = tpu.memref_slice %dma_start3A_487[%dma_start3A_488] : memref<100000xf32, #tpu.memory_space<hbm>> -> memref<100000xf32, #tpu.memory_space<hbm>>
    tpu.enqueue_indirect_dma source(%dma_start3A_489 : memref<100000xf32, #tpu.memory_space<hbm>>) target(%dma_start3A_482 : memref<128xf32, #tpu.memory_space<vmem>>) offsets(%dma_start3A_484 : memref<128xi32, #tpu.memory_space<vmem>>) semaphore(%arg8 : memref<!tpu.dma_semaphore, #tpu.memory_space<semaphore_mem>>)
    %dma_start3A_490 = arith.constant 6912 : i32
    %dma_start3A_491 = tpu.memref_slice %arg6[%dma_start3A_490] : memref<10240xf32, #tpu.memory_space<vmem>> -> memref<128xf32, #tpu.memory_space<vmem>>
    %dma_start3A_492 = arith.constant 6912 : i32
    %dma_start3A_493 = tpu.memref_slice %arg5[%dma_start3A_492] : memref<10240xi32, #tpu.memory_space<vmem>> -> memref<128xi32, #tpu.memory_space<vmem>>
    %dma_start3A_494 = arith.constant 0 : i32
    %dma_start3A_495 = tpu.memref_slice %arg3[%add3A_4, %dma_start3A_494] : memref<64x100000xf32, #tpu.memory_space<hbm>> -> memref<1x100000xf32, #tpu.memory_space<hbm>>
    %dma_start3A_496 = tpu.memref_squeeze %dma_start3A_495 : memref<1x100000xf32, #tpu.memory_space<hbm>> -> memref<100000xf32, #tpu.memory_space<hbm>>
    %dma_start3A_497 = arith.constant 0 : i32
    %dma_start3A_498 = tpu.memref_slice %dma_start3A_496[%dma_start3A_497] : memref<100000xf32, #tpu.memory_space<hbm>> -> memref<100000xf32, #tpu.memory_space<hbm>>
    tpu.enqueue_indirect_dma source(%dma_start3A_498 : memref<100000xf32, #tpu.memory_space<hbm>>) target(%dma_start3A_491 : memref<128xf32, #tpu.memory_space<vmem>>) offsets(%dma_start3A_493 : memref<128xi32, #tpu.memory_space<vmem>>) semaphore(%arg8 : memref<!tpu.dma_semaphore, #tpu.memory_space<semaphore_mem>>)
    %dma_start3A_499 = arith.constant 7040 : i32
    %dma_start3A_500 = tpu.memref_slice %arg6[%dma_start3A_499] : memref<10240xf32, #tpu.memory_space<vmem>> -> memref<128xf32, #tpu.memory_space<vmem>>
    %dma_start3A_501 = arith.constant 7040 : i32
    %dma_start3A_502 = tpu.memref_slice %arg5[%dma_start3A_501] : memref<10240xi32, #tpu.memory_space<vmem>> -> memref<128xi32, #tpu.memory_space<vmem>>
    %dma_start3A_503 = arith.constant 0 : i32
    %dma_start3A_504 = tpu.memref_slice %arg3[%add3A_4, %dma_start3A_503] : memref<64x100000xf32, #tpu.memory_space<hbm>> -> memref<1x100000xf32, #tpu.memory_space<hbm>>
    %dma_start3A_505 = tpu.memref_squeeze %dma_start3A_504 : memref<1x100000xf32, #tpu.memory_space<hbm>> -> memref<100000xf32, #tpu.memory_space<hbm>>
    %dma_start3A_506 = arith.constant 0 : i32
    %dma_start3A_507 = tpu.memref_slice %dma_start3A_505[%dma_start3A_506] : memref<100000xf32, #tpu.memory_space<hbm>> -> memref<100000xf32, #tpu.memory_space<hbm>>
    tpu.enqueue_indirect_dma source(%dma_start3A_507 : memref<100000xf32, #tpu.memory_space<hbm>>) target(%dma_start3A_500 : memref<128xf32, #tpu.memory_space<vmem>>) offsets(%dma_start3A_502 : memref<128xi32, #tpu.memory_space<vmem>>) semaphore(%arg8 : memref<!tpu.dma_semaphore, #tpu.memory_space<semaphore_mem>>)
    %dma_start3A_508 = arith.constant 7168 : i32
    %dma_start3A_509 = tpu.memref_slice %arg6[%dma_start3A_508] : memref<10240xf32, #tpu.memory_space<vmem>> -> memref<128xf32, #tpu.memory_space<vmem>>
    %dma_start3A_510 = arith.constant 7168 : i32
    %dma_start3A_511 = tpu.memref_slice %arg5[%dma_start3A_510] : memref<10240xi32, #tpu.memory_space<vmem>> -> memref<128xi32, #tpu.memory_space<vmem>>
    %dma_start3A_512 = arith.constant 0 : i32
    %dma_start3A_513 = tpu.memref_slice %arg3[%add3A_4, %dma_start3A_512] : memref<64x100000xf32, #tpu.memory_space<hbm>> -> memref<1x100000xf32, #tpu.memory_space<hbm>>
    %dma_start3A_514 = tpu.memref_squeeze %dma_start3A_513 : memref<1x100000xf32, #tpu.memory_space<hbm>> -> memref<100000xf32, #tpu.memory_space<hbm>>
    %dma_start3A_515 = arith.constant 0 : i32
    %dma_start3A_516 = tpu.memref_slice %dma_start3A_514[%dma_start3A_515] : memref<100000xf32, #tpu.memory_space<hbm>> -> memref<100000xf32, #tpu.memory_space<hbm>>
    tpu.enqueue_indirect_dma source(%dma_start3A_516 : memref<100000xf32, #tpu.memory_space<hbm>>) target(%dma_start3A_509 : memref<128xf32, #tpu.memory_space<vmem>>) offsets(%dma_start3A_511 : memref<128xi32, #tpu.memory_space<vmem>>) semaphore(%arg8 : memref<!tpu.dma_semaphore, #tpu.memory_space<semaphore_mem>>)
    %dma_start3A_517 = arith.constant 7296 : i32
    %dma_start3A_518 = tpu.memref_slice %arg6[%dma_start3A_517] : memref<10240xf32, #tpu.memory_space<vmem>> -> memref<128xf32, #tpu.memory_space<vmem>>
    %dma_start3A_519 = arith.constant 7296 : i32
    %dma_start3A_520 = tpu.memref_slice %arg5[%dma_start3A_519] : memref<10240xi32, #tpu.memory_space<vmem>> -> memref<128xi32, #tpu.memory_space<vmem>>
    %dma_start3A_521 = arith.constant 0 : i32
    %dma_start3A_522 = tpu.memref_slice %arg3[%add3A_4, %dma_start3A_521] : memref<64x100000xf32, #tpu.memory_space<hbm>> -> memref<1x100000xf32, #tpu.memory_space<hbm>>
    %dma_start3A_523 = tpu.memref_squeeze %dma_start3A_522 : memref<1x100000xf32, #tpu.memory_space<hbm>> -> memref<100000xf32, #tpu.memory_space<hbm>>
    %dma_start3A_524 = arith.constant 0 : i32
    %dma_start3A_525 = tpu.memref_slice %dma_start3A_523[%dma_start3A_524] : memref<100000xf32, #tpu.memory_space<hbm>> -> memref<100000xf32, #tpu.memory_space<hbm>>
    tpu.enqueue_indirect_dma source(%dma_start3A_525 : memref<100000xf32, #tpu.memory_space<hbm>>) target(%dma_start3A_518 : memref<128xf32, #tpu.memory_space<vmem>>) offsets(%dma_start3A_520 : memref<128xi32, #tpu.memory_space<vmem>>) semaphore(%arg8 : memref<!tpu.dma_semaphore, #tpu.memory_space<semaphore_mem>>)
    %dma_start3A_526 = arith.constant 7424 : i32
    %dma_start3A_527 = tpu.memref_slice %arg6[%dma_start3A_526] : memref<10240xf32, #tpu.memory_space<vmem>> -> memref<128xf32, #tpu.memory_space<vmem>>
    %dma_start3A_528 = arith.constant 7424 : i32
    %dma_start3A_529 = tpu.memref_slice %arg5[%dma_start3A_528] : memref<10240xi32, #tpu.memory_space<vmem>> -> memref<128xi32, #tpu.memory_space<vmem>>
    %dma_start3A_530 = arith.constant 0 : i32
    %dma_start3A_531 = tpu.memref_slice %arg3[%add3A_4, %dma_start3A_530] : memref<64x100000xf32, #tpu.memory_space<hbm>> -> memref<1x100000xf32, #tpu.memory_space<hbm>>
    %dma_start3A_532 = tpu.memref_squeeze %dma_start3A_531 : memref<1x100000xf32, #tpu.memory_space<hbm>> -> memref<100000xf32, #tpu.memory_space<hbm>>
    %dma_start3A_533 = arith.constant 0 : i32
    %dma_start3A_534 = tpu.memref_slice %dma_start3A_532[%dma_start3A_533] : memref<100000xf32, #tpu.memory_space<hbm>> -> memref<100000xf32, #tpu.memory_space<hbm>>
    tpu.enqueue_indirect_dma source(%dma_start3A_534 : memref<100000xf32, #tpu.memory_space<hbm>>) target(%dma_start3A_527 : memref<128xf32, #tpu.memory_space<vmem>>) offsets(%dma_start3A_529 : memref<128xi32, #tpu.memory_space<vmem>>) semaphore(%arg8 : memref<!tpu.dma_semaphore, #tpu.memory_space<semaphore_mem>>)
    %dma_start3A_535 = arith.constant 7552 : i32
    %dma_start3A_536 = tpu.memref_slice %arg6[%dma_start3A_535] : memref<10240xf32, #tpu.memory_space<vmem>> -> memref<128xf32, #tpu.memory_space<vmem>>
    %dma_start3A_537 = arith.constant 7552 : i32
    %dma_start3A_538 = tpu.memref_slice %arg5[%dma_start3A_537] : memref<10240xi32, #tpu.memory_space<vmem>> -> memref<128xi32, #tpu.memory_space<vmem>>
    %dma_start3A_539 = arith.constant 0 : i32
    %dma_start3A_540 = tpu.memref_slice %arg3[%add3A_4, %dma_start3A_539] : memref<64x100000xf32, #tpu.memory_space<hbm>> -> memref<1x100000xf32, #tpu.memory_space<hbm>>
    %dma_start3A_541 = tpu.memref_squeeze %dma_start3A_540 : memref<1x100000xf32, #tpu.memory_space<hbm>> -> memref<100000xf32, #tpu.memory_space<hbm>>
    %dma_start3A_542 = arith.constant 0 : i32
    %dma_start3A_543 = tpu.memref_slice %dma_start3A_541[%dma_start3A_542] : memref<100000xf32, #tpu.memory_space<hbm>> -> memref<100000xf32, #tpu.memory_space<hbm>>
    tpu.enqueue_indirect_dma source(%dma_start3A_543 : memref<100000xf32, #tpu.memory_space<hbm>>) target(%dma_start3A_536 : memref<128xf32, #tpu.memory_space<vmem>>) offsets(%dma_start3A_538 : memref<128xi32, #tpu.memory_space<vmem>>) semaphore(%arg8 : memref<!tpu.dma_semaphore, #tpu.memory_space<semaphore_mem>>)
    %dma_start3A_544 = arith.constant 7680 : i32
    %dma_start3A_545 = tpu.memref_slice %arg6[%dma_start3A_544] : memref<10240xf32, #tpu.memory_space<vmem>> -> memref<128xf32, #tpu.memory_space<vmem>>
    %dma_start3A_546 = arith.constant 7680 : i32
    %dma_start3A_547 = tpu.memref_slice %arg5[%dma_start3A_546] : memref<10240xi32, #tpu.memory_space<vmem>> -> memref<128xi32, #tpu.memory_space<vmem>>
    %dma_start3A_548 = arith.constant 0 : i32
    %dma_start3A_549 = tpu.memref_slice %arg3[%add3A_4, %dma_start3A_548] : memref<64x100000xf32, #tpu.memory_space<hbm>> -> memref<1x100000xf32, #tpu.memory_space<hbm>>
    %dma_start3A_550 = tpu.memref_squeeze %dma_start3A_549 : memref<1x100000xf32, #tpu.memory_space<hbm>> -> memref<100000xf32, #tpu.memory_space<hbm>>
    %dma_start3A_551 = arith.constant 0 : i32
    %dma_start3A_552 = tpu.memref_slice %dma_start3A_550[%dma_start3A_551] : memref<100000xf32, #tpu.memory_space<hbm>> -> memref<100000xf32, #tpu.memory_space<hbm>>
    tpu.enqueue_indirect_dma source(%dma_start3A_552 : memref<100000xf32, #tpu.memory_space<hbm>>) target(%dma_start3A_545 : memref<128xf32, #tpu.memory_space<vmem>>) offsets(%dma_start3A_547 : memref<128xi32, #tpu.memory_space<vmem>>) semaphore(%arg8 : memref<!tpu.dma_semaphore, #tpu.memory_space<semaphore_mem>>)
    %dma_start3A_553 = arith.constant 7808 : i32
    %dma_start3A_554 = tpu.memref_slice %arg6[%dma_start3A_553] : memref<10240xf32, #tpu.memory_space<vmem>> -> memref<128xf32, #tpu.memory_space<vmem>>
    %dma_start3A_555 = arith.constant 7808 : i32
    %dma_start3A_556 = tpu.memref_slice %arg5[%dma_start3A_555] : memref<10240xi32, #tpu.memory_space<vmem>> -> memref<128xi32, #tpu.memory_space<vmem>>
    %dma_start3A_557 = arith.constant 0 : i32
    %dma_start3A_558 = tpu.memref_slice %arg3[%add3A_4, %dma_start3A_557] : memref<64x100000xf32, #tpu.memory_space<hbm>> -> memref<1x100000xf32, #tpu.memory_space<hbm>>
    %dma_start3A_559 = tpu.memref_squeeze %dma_start3A_558 : memref<1x100000xf32, #tpu.memory_space<hbm>> -> memref<100000xf32, #tpu.memory_space<hbm>>
    %dma_start3A_560 = arith.constant 0 : i32
    %dma_start3A_561 = tpu.memref_slice %dma_start3A_559[%dma_start3A_560] : memref<100000xf32, #tpu.memory_space<hbm>> -> memref<100000xf32, #tpu.memory_space<hbm>>
    tpu.enqueue_indirect_dma source(%dma_start3A_561 : memref<100000xf32, #tpu.memory_space<hbm>>) target(%dma_start3A_554 : memref<128xf32, #tpu.memory_space<vmem>>) offsets(%dma_start3A_556 : memref<128xi32, #tpu.memory_space<vmem>>) semaphore(%arg8 : memref<!tpu.dma_semaphore, #tpu.memory_space<semaphore_mem>>)
    %dma_start3A_562 = arith.constant 7936 : i32
    %dma_start3A_563 = tpu.memref_slice %arg6[%dma_start3A_562] : memref<10240xf32, #tpu.memory_space<vmem>> -> memref<128xf32, #tpu.memory_space<vmem>>
    %dma_start3A_564 = arith.constant 7936 : i32
    %dma_start3A_565 = tpu.memref_slice %arg5[%dma_start3A_564] : memref<10240xi32, #tpu.memory_space<vmem>> -> memref<128xi32, #tpu.memory_space<vmem>>
    %dma_start3A_566 = arith.constant 0 : i32
    %dma_start3A_567 = tpu.memref_slice %arg3[%add3A_4, %dma_start3A_566] : memref<64x100000xf32, #tpu.memory_space<hbm>> -> memref<1x100000xf32, #tpu.memory_space<hbm>>
    %dma_start3A_568 = tpu.memref_squeeze %dma_start3A_567 : memref<1x100000xf32, #tpu.memory_space<hbm>> -> memref<100000xf32, #tpu.memory_space<hbm>>
    %dma_start3A_569 = arith.constant 0 : i32
    %dma_start3A_570 = tpu.memref_slice %dma_start3A_568[%dma_start3A_569] : memref<100000xf32, #tpu.memory_space<hbm>> -> memref<100000xf32, #tpu.memory_space<hbm>>
    tpu.enqueue_indirect_dma source(%dma_start3A_570 : memref<100000xf32, #tpu.memory_space<hbm>>) target(%dma_start3A_563 : memref<128xf32, #tpu.memory_space<vmem>>) offsets(%dma_start3A_565 : memref<128xi32, #tpu.memory_space<vmem>>) semaphore(%arg8 : memref<!tpu.dma_semaphore, #tpu.memory_space<semaphore_mem>>)
    %dma_start3A_571 = arith.constant 8064 : i32
    %dma_start3A_572 = tpu.memref_slice %arg6[%dma_start3A_571] : memref<10240xf32, #tpu.memory_space<vmem>> -> memref<128xf32, #tpu.memory_space<vmem>>
    %dma_start3A_573 = arith.constant 8064 : i32
    %dma_start3A_574 = tpu.memref_slice %arg5[%dma_start3A_573] : memref<10240xi32, #tpu.memory_space<vmem>> -> memref<128xi32, #tpu.memory_space<vmem>>
    %dma_start3A_575 = arith.constant 0 : i32
    %dma_start3A_576 = tpu.memref_slice %arg3[%add3A_4, %dma_start3A_575] : memref<64x100000xf32, #tpu.memory_space<hbm>> -> memref<1x100000xf32, #tpu.memory_space<hbm>>
    %dma_start3A_577 = tpu.memref_squeeze %dma_start3A_576 : memref<1x100000xf32, #tpu.memory_space<hbm>> -> memref<100000xf32, #tpu.memory_space<hbm>>
    %dma_start3A_578 = arith.constant 0 : i32
    %dma_start3A_579 = tpu.memref_slice %dma_start3A_577[%dma_start3A_578] : memref<100000xf32, #tpu.memory_space<hbm>> -> memref<100000xf32, #tpu.memory_space<hbm>>
    tpu.enqueue_indirect_dma source(%dma_start3A_579 : memref<100000xf32, #tpu.memory_space<hbm>>) target(%dma_start3A_572 : memref<128xf32, #tpu.memory_space<vmem>>) offsets(%dma_start3A_574 : memref<128xi32, #tpu.memory_space<vmem>>) semaphore(%arg8 : memref<!tpu.dma_semaphore, #tpu.memory_space<semaphore_mem>>)
    %dma_start3A_580 = arith.constant 8192 : i32
    %dma_start3A_581 = tpu.memref_slice %arg6[%dma_start3A_580] : memref<10240xf32, #tpu.memory_space<vmem>> -> memref<128xf32, #tpu.memory_space<vmem>>
    %dma_start3A_582 = arith.constant 8192 : i32
    %dma_start3A_583 = tpu.memref_slice %arg5[%dma_start3A_582] : memref<10240xi32, #tpu.memory_space<vmem>> -> memref<128xi32, #tpu.memory_space<vmem>>
    %dma_start3A_584 = arith.constant 0 : i32
    %dma_start3A_585 = tpu.memref_slice %arg3[%add3A_4, %dma_start3A_584] : memref<64x100000xf32, #tpu.memory_space<hbm>> -> memref<1x100000xf32, #tpu.memory_space<hbm>>
    %dma_start3A_586 = tpu.memref_squeeze %dma_start3A_585 : memref<1x100000xf32, #tpu.memory_space<hbm>> -> memref<100000xf32, #tpu.memory_space<hbm>>
    %dma_start3A_587 = arith.constant 0 : i32
    %dma_start3A_588 = tpu.memref_slice %dma_start3A_586[%dma_start3A_587] : memref<100000xf32, #tpu.memory_space<hbm>> -> memref<100000xf32, #tpu.memory_space<hbm>>
    tpu.enqueue_indirect_dma source(%dma_start3A_588 : memref<100000xf32, #tpu.memory_space<hbm>>) target(%dma_start3A_581 : memref<128xf32, #tpu.memory_space<vmem>>) offsets(%dma_start3A_583 : memref<128xi32, #tpu.memory_space<vmem>>) semaphore(%arg8 : memref<!tpu.dma_semaphore, #tpu.memory_space<semaphore_mem>>)
    %dma_start3A_589 = arith.constant 8320 : i32
    %dma_start3A_590 = tpu.memref_slice %arg6[%dma_start3A_589] : memref<10240xf32, #tpu.memory_space<vmem>> -> memref<128xf32, #tpu.memory_space<vmem>>
    %dma_start3A_591 = arith.constant 8320 : i32
    %dma_start3A_592 = tpu.memref_slice %arg5[%dma_start3A_591] : memref<10240xi32, #tpu.memory_space<vmem>> -> memref<128xi32, #tpu.memory_space<vmem>>
    %dma_start3A_593 = arith.constant 0 : i32
    %dma_start3A_594 = tpu.memref_slice %arg3[%add3A_4, %dma_start3A_593] : memref<64x100000xf32, #tpu.memory_space<hbm>> -> memref<1x100000xf32, #tpu.memory_space<hbm>>
    %dma_start3A_595 = tpu.memref_squeeze %dma_start3A_594 : memref<1x100000xf32, #tpu.memory_space<hbm>> -> memref<100000xf32, #tpu.memory_space<hbm>>
    %dma_start3A_596 = arith.constant 0 : i32
    %dma_start3A_597 = tpu.memref_slice %dma_start3A_595[%dma_start3A_596] : memref<100000xf32, #tpu.memory_space<hbm>> -> memref<100000xf32, #tpu.memory_space<hbm>>
    tpu.enqueue_indirect_dma source(%dma_start3A_597 : memref<100000xf32, #tpu.memory_space<hbm>>) target(%dma_start3A_590 : memref<128xf32, #tpu.memory_space<vmem>>) offsets(%dma_start3A_592 : memref<128xi32, #tpu.memory_space<vmem>>) semaphore(%arg8 : memref<!tpu.dma_semaphore, #tpu.memory_space<semaphore_mem>>)
    %dma_start3A_598 = arith.constant 8448 : i32
    %dma_start3A_599 = tpu.memref_slice %arg6[%dma_start3A_598] : memref<10240xf32, #tpu.memory_space<vmem>> -> memref<128xf32, #tpu.memory_space<vmem>>
    %dma_start3A_600 = arith.constant 8448 : i32
    %dma_start3A_601 = tpu.memref_slice %arg5[%dma_start3A_600] : memref<10240xi32, #tpu.memory_space<vmem>> -> memref<128xi32, #tpu.memory_space<vmem>>
    %dma_start3A_602 = arith.constant 0 : i32
    %dma_start3A_603 = tpu.memref_slice %arg3[%add3A_4, %dma_start3A_602] : memref<64x100000xf32, #tpu.memory_space<hbm>> -> memref<1x100000xf32, #tpu.memory_space<hbm>>
    %dma_start3A_604 = tpu.memref_squeeze %dma_start3A_603 : memref<1x100000xf32, #tpu.memory_space<hbm>> -> memref<100000xf32, #tpu.memory_space<hbm>>
    %dma_start3A_605 = arith.constant 0 : i32
    %dma_start3A_606 = tpu.memref_slice %dma_start3A_604[%dma_start3A_605] : memref<100000xf32, #tpu.memory_space<hbm>> -> memref<100000xf32, #tpu.memory_space<hbm>>
    tpu.enqueue_indirect_dma source(%dma_start3A_606 : memref<100000xf32, #tpu.memory_space<hbm>>) target(%dma_start3A_599 : memref<128xf32, #tpu.memory_space<vmem>>) offsets(%dma_start3A_601 : memref<128xi32, #tpu.memory_space<vmem>>) semaphore(%arg8 : memref<!tpu.dma_semaphore, #tpu.memory_space<semaphore_mem>>)
    %dma_start3A_607 = arith.constant 8576 : i32
    %dma_start3A_608 = tpu.memref_slice %arg6[%dma_start3A_607] : memref<10240xf32, #tpu.memory_space<vmem>> -> memref<128xf32, #tpu.memory_space<vmem>>
    %dma_start3A_609 = arith.constant 8576 : i32
    %dma_start3A_610 = tpu.memref_slice %arg5[%dma_start3A_609] : memref<10240xi32, #tpu.memory_space<vmem>> -> memref<128xi32, #tpu.memory_space<vmem>>
    %dma_start3A_611 = arith.constant 0 : i32
    %dma_start3A_612 = tpu.memref_slice %arg3[%add3A_4, %dma_start3A_611] : memref<64x100000xf32, #tpu.memory_space<hbm>> -> memref<1x100000xf32, #tpu.memory_space<hbm>>
    %dma_start3A_613 = tpu.memref_squeeze %dma_start3A_612 : memref<1x100000xf32, #tpu.memory_space<hbm>> -> memref<100000xf32, #tpu.memory_space<hbm>>
    %dma_start3A_614 = arith.constant 0 : i32
    %dma_start3A_615 = tpu.memref_slice %dma_start3A_613[%dma_start3A_614] : memref<100000xf32, #tpu.memory_space<hbm>> -> memref<100000xf32, #tpu.memory_space<hbm>>
    tpu.enqueue_indirect_dma source(%dma_start3A_615 : memref<100000xf32, #tpu.memory_space<hbm>>) target(%dma_start3A_608 : memref<128xf32, #tpu.memory_space<vmem>>) offsets(%dma_start3A_610 : memref<128xi32, #tpu.memory_space<vmem>>) semaphore(%arg8 : memref<!tpu.dma_semaphore, #tpu.memory_space<semaphore_mem>>)
    %dma_start3A_616 = arith.constant 8704 : i32
    %dma_start3A_617 = tpu.memref_slice %arg6[%dma_start3A_616] : memref<10240xf32, #tpu.memory_space<vmem>> -> memref<128xf32, #tpu.memory_space<vmem>>
    %dma_start3A_618 = arith.constant 8704 : i32
    %dma_start3A_619 = tpu.memref_slice %arg5[%dma_start3A_618] : memref<10240xi32, #tpu.memory_space<vmem>> -> memref<128xi32, #tpu.memory_space<vmem>>
    %dma_start3A_620 = arith.constant 0 : i32
    %dma_start3A_621 = tpu.memref_slice %arg3[%add3A_4, %dma_start3A_620] : memref<64x100000xf32, #tpu.memory_space<hbm>> -> memref<1x100000xf32, #tpu.memory_space<hbm>>
    %dma_start3A_622 = tpu.memref_squeeze %dma_start3A_621 : memref<1x100000xf32, #tpu.memory_space<hbm>> -> memref<100000xf32, #tpu.memory_space<hbm>>
    %dma_start3A_623 = arith.constant 0 : i32
    %dma_start3A_624 = tpu.memref_slice %dma_start3A_622[%dma_start3A_623] : memref<100000xf32, #tpu.memory_space<hbm>> -> memref<100000xf32, #tpu.memory_space<hbm>>
    tpu.enqueue_indirect_dma source(%dma_start3A_624 : memref<100000xf32, #tpu.memory_space<hbm>>) target(%dma_start3A_617 : memref<128xf32, #tpu.memory_space<vmem>>) offsets(%dma_start3A_619 : memref<128xi32, #tpu.memory_space<vmem>>) semaphore(%arg8 : memref<!tpu.dma_semaphore, #tpu.memory_space<semaphore_mem>>)
    %dma_start3A_625 = arith.constant 8832 : i32
    %dma_start3A_626 = tpu.memref_slice %arg6[%dma_start3A_625] : memref<10240xf32, #tpu.memory_space<vmem>> -> memref<128xf32, #tpu.memory_space<vmem>>
    %dma_start3A_627 = arith.constant 8832 : i32
    %dma_start3A_628 = tpu.memref_slice %arg5[%dma_start3A_627] : memref<10240xi32, #tpu.memory_space<vmem>> -> memref<128xi32, #tpu.memory_space<vmem>>
    %dma_start3A_629 = arith.constant 0 : i32
    %dma_start3A_630 = tpu.memref_slice %arg3[%add3A_4, %dma_start3A_629] : memref<64x100000xf32, #tpu.memory_space<hbm>> -> memref<1x100000xf32, #tpu.memory_space<hbm>>
    %dma_start3A_631 = tpu.memref_squeeze %dma_start3A_630 : memref<1x100000xf32, #tpu.memory_space<hbm>> -> memref<100000xf32, #tpu.memory_space<hbm>>
    %dma_start3A_632 = arith.constant 0 : i32
    %dma_start3A_633 = tpu.memref_slice %dma_start3A_631[%dma_start3A_632] : memref<100000xf32, #tpu.memory_space<hbm>> -> memref<100000xf32, #tpu.memory_space<hbm>>
    tpu.enqueue_indirect_dma source(%dma_start3A_633 : memref<100000xf32, #tpu.memory_space<hbm>>) target(%dma_start3A_626 : memref<128xf32, #tpu.memory_space<vmem>>) offsets(%dma_start3A_628 : memref<128xi32, #tpu.memory_space<vmem>>) semaphore(%arg8 : memref<!tpu.dma_semaphore, #tpu.memory_space<semaphore_mem>>)
    %dma_start3A_634 = arith.constant 8960 : i32
    %dma_start3A_635 = tpu.memref_slice %arg6[%dma_start3A_634] : memref<10240xf32, #tpu.memory_space<vmem>> -> memref<128xf32, #tpu.memory_space<vmem>>
    %dma_start3A_636 = arith.constant 8960 : i32
    %dma_start3A_637 = tpu.memref_slice %arg5[%dma_start3A_636] : memref<10240xi32, #tpu.memory_space<vmem>> -> memref<128xi32, #tpu.memory_space<vmem>>
    %dma_start3A_638 = arith.constant 0 : i32
    %dma_start3A_639 = tpu.memref_slice %arg3[%add3A_4, %dma_start3A_638] : memref<64x100000xf32, #tpu.memory_space<hbm>> -> memref<1x100000xf32, #tpu.memory_space<hbm>>
    %dma_start3A_640 = tpu.memref_squeeze %dma_start3A_639 : memref<1x100000xf32, #tpu.memory_space<hbm>> -> memref<100000xf32, #tpu.memory_space<hbm>>
    %dma_start3A_641 = arith.constant 0 : i32
    %dma_start3A_642 = tpu.memref_slice %dma_start3A_640[%dma_start3A_641] : memref<100000xf32, #tpu.memory_space<hbm>> -> memref<100000xf32, #tpu.memory_space<hbm>>
    tpu.enqueue_indirect_dma source(%dma_start3A_642 : memref<100000xf32, #tpu.memory_space<hbm>>) target(%dma_start3A_635 : memref<128xf32, #tpu.memory_space<vmem>>) offsets(%dma_start3A_637 : memref<128xi32, #tpu.memory_space<vmem>>) semaphore(%arg8 : memref<!tpu.dma_semaphore, #tpu.memory_space<semaphore_mem>>)
    %dma_start3A_643 = arith.constant 9088 : i32
    %dma_start3A_644 = tpu.memref_slice %arg6[%dma_start3A_643] : memref<10240xf32, #tpu.memory_space<vmem>> -> memref<128xf32, #tpu.memory_space<vmem>>
    %dma_start3A_645 = arith.constant 9088 : i32
    %dma_start3A_646 = tpu.memref_slice %arg5[%dma_start3A_645] : memref<10240xi32, #tpu.memory_space<vmem>> -> memref<128xi32, #tpu.memory_space<vmem>>
    %dma_start3A_647 = arith.constant 0 : i32
    %dma_start3A_648 = tpu.memref_slice %arg3[%add3A_4, %dma_start3A_647] : memref<64x100000xf32, #tpu.memory_space<hbm>> -> memref<1x100000xf32, #tpu.memory_space<hbm>>
    %dma_start3A_649 = tpu.memref_squeeze %dma_start3A_648 : memref<1x100000xf32, #tpu.memory_space<hbm>> -> memref<100000xf32, #tpu.memory_space<hbm>>
    %dma_start3A_650 = arith.constant 0 : i32
    %dma_start3A_651 = tpu.memref_slice %dma_start3A_649[%dma_start3A_650] : memref<100000xf32, #tpu.memory_space<hbm>> -> memref<100000xf32, #tpu.memory_space<hbm>>
    tpu.enqueue_indirect_dma source(%dma_start3A_651 : memref<100000xf32, #tpu.memory_space<hbm>>) target(%dma_start3A_644 : memref<128xf32, #tpu.memory_space<vmem>>) offsets(%dma_start3A_646 : memref<128xi32, #tpu.memory_space<vmem>>) semaphore(%arg8 : memref<!tpu.dma_semaphore, #tpu.memory_space<semaphore_mem>>)
    %dma_start3A_652 = arith.constant 9216 : i32
    %dma_start3A_653 = tpu.memref_slice %arg6[%dma_start3A_652] : memref<10240xf32, #tpu.memory_space<vmem>> -> memref<128xf32, #tpu.memory_space<vmem>>
    %dma_start3A_654 = arith.constant 9216 : i32
    %dma_start3A_655 = tpu.memref_slice %arg5[%dma_start3A_654] : memref<10240xi32, #tpu.memory_space<vmem>> -> memref<128xi32, #tpu.memory_space<vmem>>
    %dma_start3A_656 = arith.constant 0 : i32
    %dma_start3A_657 = tpu.memref_slice %arg3[%add3A_4, %dma_start3A_656] : memref<64x100000xf32, #tpu.memory_space<hbm>> -> memref<1x100000xf32, #tpu.memory_space<hbm>>
    %dma_start3A_658 = tpu.memref_squeeze %dma_start3A_657 : memref<1x100000xf32, #tpu.memory_space<hbm>> -> memref<100000xf32, #tpu.memory_space<hbm>>
    %dma_start3A_659 = arith.constant 0 : i32
    %dma_start3A_660 = tpu.memref_slice %dma_start3A_658[%dma_start3A_659] : memref<100000xf32, #tpu.memory_space<hbm>> -> memref<100000xf32, #tpu.memory_space<hbm>>
    tpu.enqueue_indirect_dma source(%dma_start3A_660 : memref<100000xf32, #tpu.memory_space<hbm>>) target(%dma_start3A_653 : memref<128xf32, #tpu.memory_space<vmem>>) offsets(%dma_start3A_655 : memref<128xi32, #tpu.memory_space<vmem>>) semaphore(%arg8 : memref<!tpu.dma_semaphore, #tpu.memory_space<semaphore_mem>>)
    %dma_start3A_661 = arith.constant 9344 : i32
    %dma_start3A_662 = tpu.memref_slice %arg6[%dma_start3A_661] : memref<10240xf32, #tpu.memory_space<vmem>> -> memref<128xf32, #tpu.memory_space<vmem>>
    %dma_start3A_663 = arith.constant 9344 : i32
    %dma_start3A_664 = tpu.memref_slice %arg5[%dma_start3A_663] : memref<10240xi32, #tpu.memory_space<vmem>> -> memref<128xi32, #tpu.memory_space<vmem>>
    %dma_start3A_665 = arith.constant 0 : i32
    %dma_start3A_666 = tpu.memref_slice %arg3[%add3A_4, %dma_start3A_665] : memref<64x100000xf32, #tpu.memory_space<hbm>> -> memref<1x100000xf32, #tpu.memory_space<hbm>>
    %dma_start3A_667 = tpu.memref_squeeze %dma_start3A_666 : memref<1x100000xf32, #tpu.memory_space<hbm>> -> memref<100000xf32, #tpu.memory_space<hbm>>
    %dma_start3A_668 = arith.constant 0 : i32
    %dma_start3A_669 = tpu.memref_slice %dma_start3A_667[%dma_start3A_668] : memref<100000xf32, #tpu.memory_space<hbm>> -> memref<100000xf32, #tpu.memory_space<hbm>>
    tpu.enqueue_indirect_dma source(%dma_start3A_669 : memref<100000xf32, #tpu.memory_space<hbm>>) target(%dma_start3A_662 : memref<128xf32, #tpu.memory_space<vmem>>) offsets(%dma_start3A_664 : memref<128xi32, #tpu.memory_space<vmem>>) semaphore(%arg8 : memref<!tpu.dma_semaphore, #tpu.memory_space<semaphore_mem>>)
    %dma_start3A_670 = arith.constant 9472 : i32
    %dma_start3A_671 = tpu.memref_slice %arg6[%dma_start3A_670] : memref<10240xf32, #tpu.memory_space<vmem>> -> memref<128xf32, #tpu.memory_space<vmem>>
    %dma_start3A_672 = arith.constant 9472 : i32
    %dma_start3A_673 = tpu.memref_slice %arg5[%dma_start3A_672] : memref<10240xi32, #tpu.memory_space<vmem>> -> memref<128xi32, #tpu.memory_space<vmem>>
    %dma_start3A_674 = arith.constant 0 : i32
    %dma_start3A_675 = tpu.memref_slice %arg3[%add3A_4, %dma_start3A_674] : memref<64x100000xf32, #tpu.memory_space<hbm>> -> memref<1x100000xf32, #tpu.memory_space<hbm>>
    %dma_start3A_676 = tpu.memref_squeeze %dma_start3A_675 : memref<1x100000xf32, #tpu.memory_space<hbm>> -> memref<100000xf32, #tpu.memory_space<hbm>>
    %dma_start3A_677 = arith.constant 0 : i32
    %dma_start3A_678 = tpu.memref_slice %dma_start3A_676[%dma_start3A_677] : memref<100000xf32, #tpu.memory_space<hbm>> -> memref<100000xf32, #tpu.memory_space<hbm>>
    tpu.enqueue_indirect_dma source(%dma_start3A_678 : memref<100000xf32, #tpu.memory_space<hbm>>) target(%dma_start3A_671 : memref<128xf32, #tpu.memory_space<vmem>>) offsets(%dma_start3A_673 : memref<128xi32, #tpu.memory_space<vmem>>) semaphore(%arg8 : memref<!tpu.dma_semaphore, #tpu.memory_space<semaphore_mem>>)
    %dma_start3A_679 = arith.constant 9600 : i32
    %dma_start3A_680 = tpu.memref_slice %arg6[%dma_start3A_679] : memref<10240xf32, #tpu.memory_space<vmem>> -> memref<128xf32, #tpu.memory_space<vmem>>
    %dma_start3A_681 = arith.constant 9600 : i32
    %dma_start3A_682 = tpu.memref_slice %arg5[%dma_start3A_681] : memref<10240xi32, #tpu.memory_space<vmem>> -> memref<128xi32, #tpu.memory_space<vmem>>
    %dma_start3A_683 = arith.constant 0 : i32
    %dma_start3A_684 = tpu.memref_slice %arg3[%add3A_4, %dma_start3A_683] : memref<64x100000xf32, #tpu.memory_space<hbm>> -> memref<1x100000xf32, #tpu.memory_space<hbm>>
    %dma_start3A_685 = tpu.memref_squeeze %dma_start3A_684 : memref<1x100000xf32, #tpu.memory_space<hbm>> -> memref<100000xf32, #tpu.memory_space<hbm>>
    %dma_start3A_686 = arith.constant 0 : i32
    %dma_start3A_687 = tpu.memref_slice %dma_start3A_685[%dma_start3A_686] : memref<100000xf32, #tpu.memory_space<hbm>> -> memref<100000xf32, #tpu.memory_space<hbm>>
    tpu.enqueue_indirect_dma source(%dma_start3A_687 : memref<100000xf32, #tpu.memory_space<hbm>>) target(%dma_start3A_680 : memref<128xf32, #tpu.memory_space<vmem>>) offsets(%dma_start3A_682 : memref<128xi32, #tpu.memory_space<vmem>>) semaphore(%arg8 : memref<!tpu.dma_semaphore, #tpu.memory_space<semaphore_mem>>)
    %dma_start3A_688 = arith.constant 9728 : i32
    %dma_start3A_689 = tpu.memref_slice %arg6[%dma_start3A_688] : memref<10240xf32, #tpu.memory_space<vmem>> -> memref<128xf32, #tpu.memory_space<vmem>>
    %dma_start3A_690 = arith.constant 9728 : i32
    %dma_start3A_691 = tpu.memref_slice %arg5[%dma_start3A_690] : memref<10240xi32, #tpu.memory_space<vmem>> -> memref<128xi32, #tpu.memory_space<vmem>>
    %dma_start3A_692 = arith.constant 0 : i32
    %dma_start3A_693 = tpu.memref_slice %arg3[%add3A_4, %dma_start3A_692] : memref<64x100000xf32, #tpu.memory_space<hbm>> -> memref<1x100000xf32, #tpu.memory_space<hbm>>
    %dma_start3A_694 = tpu.memref_squeeze %dma_start3A_693 : memref<1x100000xf32, #tpu.memory_space<hbm>> -> memref<100000xf32, #tpu.memory_space<hbm>>
    %dma_start3A_695 = arith.constant 0 : i32
    %dma_start3A_696 = tpu.memref_slice %dma_start3A_694[%dma_start3A_695] : memref<100000xf32, #tpu.memory_space<hbm>> -> memref<100000xf32, #tpu.memory_space<hbm>>
    tpu.enqueue_indirect_dma source(%dma_start3A_696 : memref<100000xf32, #tpu.memory_space<hbm>>) target(%dma_start3A_689 : memref<128xf32, #tpu.memory_space<vmem>>) offsets(%dma_start3A_691 : memref<128xi32, #tpu.memory_space<vmem>>) semaphore(%arg8 : memref<!tpu.dma_semaphore, #tpu.memory_space<semaphore_mem>>)
    %dma_start3A_697 = arith.constant 9856 : i32
    %dma_start3A_698 = tpu.memref_slice %arg6[%dma_start3A_697] : memref<10240xf32, #tpu.memory_space<vmem>> -> memref<128xf32, #tpu.memory_space<vmem>>
    %dma_start3A_699 = arith.constant 9856 : i32
    %dma_start3A_700 = tpu.memref_slice %arg5[%dma_start3A_699] : memref<10240xi32, #tpu.memory_space<vmem>> -> memref<128xi32, #tpu.memory_space<vmem>>
    %dma_start3A_701 = arith.constant 0 : i32
    %dma_start3A_702 = tpu.memref_slice %arg3[%add3A_4, %dma_start3A_701] : memref<64x100000xf32, #tpu.memory_space<hbm>> -> memref<1x100000xf32, #tpu.memory_space<hbm>>
    %dma_start3A_703 = tpu.memref_squeeze %dma_start3A_702 : memref<1x100000xf32, #tpu.memory_space<hbm>> -> memref<100000xf32, #tpu.memory_space<hbm>>
    %dma_start3A_704 = arith.constant 0 : i32
    %dma_start3A_705 = tpu.memref_slice %dma_start3A_703[%dma_start3A_704] : memref<100000xf32, #tpu.memory_space<hbm>> -> memref<100000xf32, #tpu.memory_space<hbm>>
    tpu.enqueue_indirect_dma source(%dma_start3A_705 : memref<100000xf32, #tpu.memory_space<hbm>>) target(%dma_start3A_698 : memref<128xf32, #tpu.memory_space<vmem>>) offsets(%dma_start3A_700 : memref<128xi32, #tpu.memory_space<vmem>>) semaphore(%arg8 : memref<!tpu.dma_semaphore, #tpu.memory_space<semaphore_mem>>)
    %dma_start3A_706 = arith.constant 9984 : i32
    %dma_start3A_707 = tpu.memref_slice %arg6[%dma_start3A_706] : memref<10240xf32, #tpu.memory_space<vmem>> -> memref<128xf32, #tpu.memory_space<vmem>>
    %dma_start3A_708 = arith.constant 9984 : i32
    %dma_start3A_709 = tpu.memref_slice %arg5[%dma_start3A_708] : memref<10240xi32, #tpu.memory_space<vmem>> -> memref<128xi32, #tpu.memory_space<vmem>>
    %dma_start3A_710 = arith.constant 0 : i32
    %dma_start3A_711 = tpu.memref_slice %arg3[%add3A_4, %dma_start3A_710] : memref<64x100000xf32, #tpu.memory_space<hbm>> -> memref<1x100000xf32, #tpu.memory_space<hbm>>
    %dma_start3A_712 = tpu.memref_squeeze %dma_start3A_711 : memref<1x100000xf32, #tpu.memory_space<hbm>> -> memref<100000xf32, #tpu.memory_space<hbm>>
    %dma_start3A_713 = arith.constant 0 : i32
    %dma_start3A_714 = tpu.memref_slice %dma_start3A_712[%dma_start3A_713] : memref<100000xf32, #tpu.memory_space<hbm>> -> memref<100000xf32, #tpu.memory_space<hbm>>
    tpu.enqueue_indirect_dma source(%dma_start3A_714 : memref<100000xf32, #tpu.memory_space<hbm>>) target(%dma_start3A_707 : memref<128xf32, #tpu.memory_space<vmem>>) offsets(%dma_start3A_709 : memref<128xi32, #tpu.memory_space<vmem>>) semaphore(%arg8 : memref<!tpu.dma_semaphore, #tpu.memory_space<semaphore_mem>>)
    %dma_start3A_715 = arith.constant 10112 : i32
    %dma_start3A_716 = tpu.memref_slice %arg6[%dma_start3A_715] : memref<10240xf32, #tpu.memory_space<vmem>> -> memref<128xf32, #tpu.memory_space<vmem>>
    %dma_start3A_717 = arith.constant 10112 : i32
    %dma_start3A_718 = tpu.memref_slice %arg5[%dma_start3A_717] : memref<10240xi32, #tpu.memory_space<vmem>> -> memref<128xi32, #tpu.memory_space<vmem>>
    %dma_start3A_719 = arith.constant 0 : i32
    %dma_start3A_720 = tpu.memref_slice %arg3[%add3A_4, %dma_start3A_719] : memref<64x100000xf32, #tpu.memory_space<hbm>> -> memref<1x100000xf32, #tpu.memory_space<hbm>>
    %dma_start3A_721 = tpu.memref_squeeze %dma_start3A_720 : memref<1x100000xf32, #tpu.memory_space<hbm>> -> memref<100000xf32, #tpu.memory_space<hbm>>
    %dma_start3A_722 = arith.constant 0 : i32
    %dma_start3A_723 = tpu.memref_slice %dma_start3A_721[%dma_start3A_722] : memref<100000xf32, #tpu.memory_space<hbm>> -> memref<100000xf32, #tpu.memory_space<hbm>>
    tpu.enqueue_indirect_dma source(%dma_start3A_723 : memref<100000xf32, #tpu.memory_space<hbm>>) target(%dma_start3A_716 : memref<128xf32, #tpu.memory_space<vmem>>) offsets(%dma_start3A_718 : memref<128xi32, #tpu.memory_space<vmem>>) semaphore(%arg8 : memref<!tpu.dma_semaphore, #tpu.memory_space<semaphore_mem>>)
    %dma_wait3A = arith.constant 0 : i32
    %dma_wait3A_724 = tpu.memref_slice %arg6[%dma_wait3A] : memref<10240xf32, #tpu.memory_space<vmem>> -> memref<128xf32, #tpu.memory_space<vmem>>
    %dma_wait3A_725 = arith.constant 0 : i32
    %dma_wait3A_726 = tpu.memref_slice %arg5[%dma_wait3A_725] : memref<10240xi32, #tpu.memory_space<vmem>> -> memref<128xi32, #tpu.memory_space<vmem>>
    %dma_wait3A_727 = arith.constant 0 : i32
    %dma_wait3A_728 = tpu.memref_slice %arg3[%add3A_4, %dma_wait3A_727] : memref<64x100000xf32, #tpu.memory_space<hbm>> -> memref<1x100000xf32, #tpu.memory_space<hbm>>
    %dma_wait3A_729 = tpu.memref_squeeze %dma_wait3A_728 : memref<1x100000xf32, #tpu.memory_space<hbm>> -> memref<100000xf32, #tpu.memory_space<hbm>>
    %dma_wait3A_730 = arith.constant 0 : i32
    %dma_wait3A_731 = tpu.memref_slice %dma_wait3A_729[%dma_wait3A_730] : memref<100000xf32, #tpu.memory_space<hbm>> -> memref<100000xf32, #tpu.memory_space<hbm>>
    tpu.wait_indirect_dma semaphore(%arg8 : memref<!tpu.dma_semaphore, #tpu.memory_space<semaphore_mem>>) src(%dma_wait3A_731 : memref<100000xf32, #tpu.memory_space<hbm>>) dst(%dma_wait3A_724 : memref<128xf32, #tpu.memory_space<vmem>>)
    %dma_wait3A_732 = arith.constant 128 : i32
    %dma_wait3A_733 = tpu.memref_slice %arg6[%dma_wait3A_732] : memref<10240xf32, #tpu.memory_space<vmem>> -> memref<128xf32, #tpu.memory_space<vmem>>
    %dma_wait3A_734 = arith.constant 128 : i32
    %dma_wait3A_735 = tpu.memref_slice %arg5[%dma_wait3A_734] : memref<10240xi32, #tpu.memory_space<vmem>> -> memref<128xi32, #tpu.memory_space<vmem>>
    %dma_wait3A_736 = arith.constant 0 : i32
    %dma_wait3A_737 = tpu.memref_slice %arg3[%add3A_4, %dma_wait3A_736] : memref<64x100000xf32, #tpu.memory_space<hbm>> -> memref<1x100000xf32, #tpu.memory_space<hbm>>
    %dma_wait3A_738 = tpu.memref_squeeze %dma_wait3A_737 : memref<1x100000xf32, #tpu.memory_space<hbm>> -> memref<100000xf32, #tpu.memory_space<hbm>>
    %dma_wait3A_739 = arith.constant 0 : i32
    %dma_wait3A_740 = tpu.memref_slice %dma_wait3A_738[%dma_wait3A_739] : memref<100000xf32, #tpu.memory_space<hbm>> -> memref<100000xf32, #tpu.memory_space<hbm>>
    tpu.wait_indirect_dma semaphore(%arg8 : memref<!tpu.dma_semaphore, #tpu.memory_space<semaphore_mem>>) src(%dma_wait3A_740 : memref<100000xf32, #tpu.memory_space<hbm>>) dst(%dma_wait3A_733 : memref<128xf32, #tpu.memory_space<vmem>>)
    %dma_wait3A_741 = arith.constant 256 : i32
    %dma_wait3A_742 = tpu.memref_slice %arg6[%dma_wait3A_741] : memref<10240xf32, #tpu.memory_space<vmem>> -> memref<128xf32, #tpu.memory_space<vmem>>
    %dma_wait3A_743 = arith.constant 256 : i32
    %dma_wait3A_744 = tpu.memref_slice %arg5[%dma_wait3A_743] : memref<10240xi32, #tpu.memory_space<vmem>> -> memref<128xi32, #tpu.memory_space<vmem>>
    %dma_wait3A_745 = arith.constant 0 : i32
    %dma_wait3A_746 = tpu.memref_slice %arg3[%add3A_4, %dma_wait3A_745] : memref<64x100000xf32, #tpu.memory_space<hbm>> -> memref<1x100000xf32, #tpu.memory_space<hbm>>
    %dma_wait3A_747 = tpu.memref_squeeze %dma_wait3A_746 : memref<1x100000xf32, #tpu.memory_space<hbm>> -> memref<100000xf32, #tpu.memory_space<hbm>>
    %dma_wait3A_748 = arith.constant 0 : i32
    %dma_wait3A_749 = tpu.memref_slice %dma_wait3A_747[%dma_wait3A_748] : memref<100000xf32, #tpu.memory_space<hbm>> -> memref<100000xf32, #tpu.memory_space<hbm>>
    tpu.wait_indirect_dma semaphore(%arg8 : memref<!tpu.dma_semaphore, #tpu.memory_space<semaphore_mem>>) src(%dma_wait3A_749 : memref<100000xf32, #tpu.memory_space<hbm>>) dst(%dma_wait3A_742 : memref<128xf32, #tpu.memory_space<vmem>>)
    %dma_wait3A_750 = arith.constant 384 : i32
    %dma_wait3A_751 = tpu.memref_slice %arg6[%dma_wait3A_750] : memref<10240xf32, #tpu.memory_space<vmem>> -> memref<128xf32, #tpu.memory_space<vmem>>
    %dma_wait3A_752 = arith.constant 384 : i32
    %dma_wait3A_753 = tpu.memref_slice %arg5[%dma_wait3A_752] : memref<10240xi32, #tpu.memory_space<vmem>> -> memref<128xi32, #tpu.memory_space<vmem>>
    %dma_wait3A_754 = arith.constant 0 : i32
    %dma_wait3A_755 = tpu.memref_slice %arg3[%add3A_4, %dma_wait3A_754] : memref<64x100000xf32, #tpu.memory_space<hbm>> -> memref<1x100000xf32, #tpu.memory_space<hbm>>
    %dma_wait3A_756 = tpu.memref_squeeze %dma_wait3A_755 : memref<1x100000xf32, #tpu.memory_space<hbm>> -> memref<100000xf32, #tpu.memory_space<hbm>>
    %dma_wait3A_757 = arith.constant 0 : i32
    %dma_wait3A_758 = tpu.memref_slice %dma_wait3A_756[%dma_wait3A_757] : memref<100000xf32, #tpu.memory_space<hbm>> -> memref<100000xf32, #tpu.memory_space<hbm>>
    tpu.wait_indirect_dma semaphore(%arg8 : memref<!tpu.dma_semaphore, #tpu.memory_space<semaphore_mem>>) src(%dma_wait3A_758 : memref<100000xf32, #tpu.memory_space<hbm>>) dst(%dma_wait3A_751 : memref<128xf32, #tpu.memory_space<vmem>>)
    %dma_wait3A_759 = arith.constant 512 : i32
    %dma_wait3A_760 = tpu.memref_slice %arg6[%dma_wait3A_759] : memref<10240xf32, #tpu.memory_space<vmem>> -> memref<128xf32, #tpu.memory_space<vmem>>
    %dma_wait3A_761 = arith.constant 512 : i32
    %dma_wait3A_762 = tpu.memref_slice %arg5[%dma_wait3A_761] : memref<10240xi32, #tpu.memory_space<vmem>> -> memref<128xi32, #tpu.memory_space<vmem>>
    %dma_wait3A_763 = arith.constant 0 : i32
    %dma_wait3A_764 = tpu.memref_slice %arg3[%add3A_4, %dma_wait3A_763] : memref<64x100000xf32, #tpu.memory_space<hbm>> -> memref<1x100000xf32, #tpu.memory_space<hbm>>
    %dma_wait3A_765 = tpu.memref_squeeze %dma_wait3A_764 : memref<1x100000xf32, #tpu.memory_space<hbm>> -> memref<100000xf32, #tpu.memory_space<hbm>>
    %dma_wait3A_766 = arith.constant 0 : i32
    %dma_wait3A_767 = tpu.memref_slice %dma_wait3A_765[%dma_wait3A_766] : memref<100000xf32, #tpu.memory_space<hbm>> -> memref<100000xf32, #tpu.memory_space<hbm>>
    tpu.wait_indirect_dma semaphore(%arg8 : memref<!tpu.dma_semaphore, #tpu.memory_space<semaphore_mem>>) src(%dma_wait3A_767 : memref<100000xf32, #tpu.memory_space<hbm>>) dst(%dma_wait3A_760 : memref<128xf32, #tpu.memory_space<vmem>>)
    %dma_wait3A_768 = arith.constant 640 : i32
    %dma_wait3A_769 = tpu.memref_slice %arg6[%dma_wait3A_768] : memref<10240xf32, #tpu.memory_space<vmem>> -> memref<128xf32, #tpu.memory_space<vmem>>
    %dma_wait3A_770 = arith.constant 640 : i32
    %dma_wait3A_771 = tpu.memref_slice %arg5[%dma_wait3A_770] : memref<10240xi32, #tpu.memory_space<vmem>> -> memref<128xi32, #tpu.memory_space<vmem>>
    %dma_wait3A_772 = arith.constant 0 : i32
    %dma_wait3A_773 = tpu.memref_slice %arg3[%add3A_4, %dma_wait3A_772] : memref<64x100000xf32, #tpu.memory_space<hbm>> -> memref<1x100000xf32, #tpu.memory_space<hbm>>
    %dma_wait3A_774 = tpu.memref_squeeze %dma_wait3A_773 : memref<1x100000xf32, #tpu.memory_space<hbm>> -> memref<100000xf32, #tpu.memory_space<hbm>>
    %dma_wait3A_775 = arith.constant 0 : i32
    %dma_wait3A_776 = tpu.memref_slice %dma_wait3A_774[%dma_wait3A_775] : memref<100000xf32, #tpu.memory_space<hbm>> -> memref<100000xf32, #tpu.memory_space<hbm>>
    tpu.wait_indirect_dma semaphore(%arg8 : memref<!tpu.dma_semaphore, #tpu.memory_space<semaphore_mem>>) src(%dma_wait3A_776 : memref<100000xf32, #tpu.memory_space<hbm>>) dst(%dma_wait3A_769 : memref<128xf32, #tpu.memory_space<vmem>>)
    %dma_wait3A_777 = arith.constant 768 : i32
    %dma_wait3A_778 = tpu.memref_slice %arg6[%dma_wait3A_777] : memref<10240xf32, #tpu.memory_space<vmem>> -> memref<128xf32, #tpu.memory_space<vmem>>
    %dma_wait3A_779 = arith.constant 768 : i32
    %dma_wait3A_780 = tpu.memref_slice %arg5[%dma_wait3A_779] : memref<10240xi32, #tpu.memory_space<vmem>> -> memref<128xi32, #tpu.memory_space<vmem>>
    %dma_wait3A_781 = arith.constant 0 : i32
    %dma_wait3A_782 = tpu.memref_slice %arg3[%add3A_4, %dma_wait3A_781] : memref<64x100000xf32, #tpu.memory_space<hbm>> -> memref<1x100000xf32, #tpu.memory_space<hbm>>
    %dma_wait3A_783 = tpu.memref_squeeze %dma_wait3A_782 : memref<1x100000xf32, #tpu.memory_space<hbm>> -> memref<100000xf32, #tpu.memory_space<hbm>>
    %dma_wait3A_784 = arith.constant 0 : i32
    %dma_wait3A_785 = tpu.memref_slice %dma_wait3A_783[%dma_wait3A_784] : memref<100000xf32, #tpu.memory_space<hbm>> -> memref<100000xf32, #tpu.memory_space<hbm>>
    tpu.wait_indirect_dma semaphore(%arg8 : memref<!tpu.dma_semaphore, #tpu.memory_space<semaphore_mem>>) src(%dma_wait3A_785 : memref<100000xf32, #tpu.memory_space<hbm>>) dst(%dma_wait3A_778 : memref<128xf32, #tpu.memory_space<vmem>>)
    %dma_wait3A_786 = arith.constant 896 : i32
    %dma_wait3A_787 = tpu.memref_slice %arg6[%dma_wait3A_786] : memref<10240xf32, #tpu.memory_space<vmem>> -> memref<128xf32, #tpu.memory_space<vmem>>
    %dma_wait3A_788 = arith.constant 896 : i32
    %dma_wait3A_789 = tpu.memref_slice %arg5[%dma_wait3A_788] : memref<10240xi32, #tpu.memory_space<vmem>> -> memref<128xi32, #tpu.memory_space<vmem>>
    %dma_wait3A_790 = arith.constant 0 : i32
    %dma_wait3A_791 = tpu.memref_slice %arg3[%add3A_4, %dma_wait3A_790] : memref<64x100000xf32, #tpu.memory_space<hbm>> -> memref<1x100000xf32, #tpu.memory_space<hbm>>
    %dma_wait3A_792 = tpu.memref_squeeze %dma_wait3A_791 : memref<1x100000xf32, #tpu.memory_space<hbm>> -> memref<100000xf32, #tpu.memory_space<hbm>>
    %dma_wait3A_793 = arith.constant 0 : i32
    %dma_wait3A_794 = tpu.memref_slice %dma_wait3A_792[%dma_wait3A_793] : memref<100000xf32, #tpu.memory_space<hbm>> -> memref<100000xf32, #tpu.memory_space<hbm>>
    tpu.wait_indirect_dma semaphore(%arg8 : memref<!tpu.dma_semaphore, #tpu.memory_space<semaphore_mem>>) src(%dma_wait3A_794 : memref<100000xf32, #tpu.memory_space<hbm>>) dst(%dma_wait3A_787 : memref<128xf32, #tpu.memory_space<vmem>>)
    %dma_wait3A_795 = arith.constant 1024 : i32
    %dma_wait3A_796 = tpu.memref_slice %arg6[%dma_wait3A_795] : memref<10240xf32, #tpu.memory_space<vmem>> -> memref<128xf32, #tpu.memory_space<vmem>>
    %dma_wait3A_797 = arith.constant 1024 : i32
    %dma_wait3A_798 = tpu.memref_slice %arg5[%dma_wait3A_797] : memref<10240xi32, #tpu.memory_space<vmem>> -> memref<128xi32, #tpu.memory_space<vmem>>
    %dma_wait3A_799 = arith.constant 0 : i32
    %dma_wait3A_800 = tpu.memref_slice %arg3[%add3A_4, %dma_wait3A_799] : memref<64x100000xf32, #tpu.memory_space<hbm>> -> memref<1x100000xf32, #tpu.memory_space<hbm>>
    %dma_wait3A_801 = tpu.memref_squeeze %dma_wait3A_800 : memref<1x100000xf32, #tpu.memory_space<hbm>> -> memref<100000xf32, #tpu.memory_space<hbm>>
    %dma_wait3A_802 = arith.constant 0 : i32
    %dma_wait3A_803 = tpu.memref_slice %dma_wait3A_801[%dma_wait3A_802] : memref<100000xf32, #tpu.memory_space<hbm>> -> memref<100000xf32, #tpu.memory_space<hbm>>
    tpu.wait_indirect_dma semaphore(%arg8 : memref<!tpu.dma_semaphore, #tpu.memory_space<semaphore_mem>>) src(%dma_wait3A_803 : memref<100000xf32, #tpu.memory_space<hbm>>) dst(%dma_wait3A_796 : memref<128xf32, #tpu.memory_space<vmem>>)
    %dma_wait3A_804 = arith.constant 1152 : i32
    %dma_wait3A_805 = tpu.memref_slice %arg6[%dma_wait3A_804] : memref<10240xf32, #tpu.memory_space<vmem>> -> memref<128xf32, #tpu.memory_space<vmem>>
    %dma_wait3A_806 = arith.constant 1152 : i32
    %dma_wait3A_807 = tpu.memref_slice %arg5[%dma_wait3A_806] : memref<10240xi32, #tpu.memory_space<vmem>> -> memref<128xi32, #tpu.memory_space<vmem>>
    %dma_wait3A_808 = arith.constant 0 : i32
    %dma_wait3A_809 = tpu.memref_slice %arg3[%add3A_4, %dma_wait3A_808] : memref<64x100000xf32, #tpu.memory_space<hbm>> -> memref<1x100000xf32, #tpu.memory_space<hbm>>
    %dma_wait3A_810 = tpu.memref_squeeze %dma_wait3A_809 : memref<1x100000xf32, #tpu.memory_space<hbm>> -> memref<100000xf32, #tpu.memory_space<hbm>>
    %dma_wait3A_811 = arith.constant 0 : i32
    %dma_wait3A_812 = tpu.memref_slice %dma_wait3A_810[%dma_wait3A_811] : memref<100000xf32, #tpu.memory_space<hbm>> -> memref<100000xf32, #tpu.memory_space<hbm>>
    tpu.wait_indirect_dma semaphore(%arg8 : memref<!tpu.dma_semaphore, #tpu.memory_space<semaphore_mem>>) src(%dma_wait3A_812 : memref<100000xf32, #tpu.memory_space<hbm>>) dst(%dma_wait3A_805 : memref<128xf32, #tpu.memory_space<vmem>>)
    %dma_wait3A_813 = arith.constant 1280 : i32
    %dma_wait3A_814 = tpu.memref_slice %arg6[%dma_wait3A_813] : memref<10240xf32, #tpu.memory_space<vmem>> -> memref<128xf32, #tpu.memory_space<vmem>>
    %dma_wait3A_815 = arith.constant 1280 : i32
    %dma_wait3A_816 = tpu.memref_slice %arg5[%dma_wait3A_815] : memref<10240xi32, #tpu.memory_space<vmem>> -> memref<128xi32, #tpu.memory_space<vmem>>
    %dma_wait3A_817 = arith.constant 0 : i32
    %dma_wait3A_818 = tpu.memref_slice %arg3[%add3A_4, %dma_wait3A_817] : memref<64x100000xf32, #tpu.memory_space<hbm>> -> memref<1x100000xf32, #tpu.memory_space<hbm>>
    %dma_wait3A_819 = tpu.memref_squeeze %dma_wait3A_818 : memref<1x100000xf32, #tpu.memory_space<hbm>> -> memref<100000xf32, #tpu.memory_space<hbm>>
    %dma_wait3A_820 = arith.constant 0 : i32
    %dma_wait3A_821 = tpu.memref_slice %dma_wait3A_819[%dma_wait3A_820] : memref<100000xf32, #tpu.memory_space<hbm>> -> memref<100000xf32, #tpu.memory_space<hbm>>
    tpu.wait_indirect_dma semaphore(%arg8 : memref<!tpu.dma_semaphore, #tpu.memory_space<semaphore_mem>>) src(%dma_wait3A_821 : memref<100000xf32, #tpu.memory_space<hbm>>) dst(%dma_wait3A_814 : memref<128xf32, #tpu.memory_space<vmem>>)
    %dma_wait3A_822 = arith.constant 1408 : i32
    %dma_wait3A_823 = tpu.memref_slice %arg6[%dma_wait3A_822] : memref<10240xf32, #tpu.memory_space<vmem>> -> memref<128xf32, #tpu.memory_space<vmem>>
    %dma_wait3A_824 = arith.constant 1408 : i32
    %dma_wait3A_825 = tpu.memref_slice %arg5[%dma_wait3A_824] : memref<10240xi32, #tpu.memory_space<vmem>> -> memref<128xi32, #tpu.memory_space<vmem>>
    %dma_wait3A_826 = arith.constant 0 : i32
    %dma_wait3A_827 = tpu.memref_slice %arg3[%add3A_4, %dma_wait3A_826] : memref<64x100000xf32, #tpu.memory_space<hbm>> -> memref<1x100000xf32, #tpu.memory_space<hbm>>
    %dma_wait3A_828 = tpu.memref_squeeze %dma_wait3A_827 : memref<1x100000xf32, #tpu.memory_space<hbm>> -> memref<100000xf32, #tpu.memory_space<hbm>>
    %dma_wait3A_829 = arith.constant 0 : i32
    %dma_wait3A_830 = tpu.memref_slice %dma_wait3A_828[%dma_wait3A_829] : memref<100000xf32, #tpu.memory_space<hbm>> -> memref<100000xf32, #tpu.memory_space<hbm>>
    tpu.wait_indirect_dma semaphore(%arg8 : memref<!tpu.dma_semaphore, #tpu.memory_space<semaphore_mem>>) src(%dma_wait3A_830 : memref<100000xf32, #tpu.memory_space<hbm>>) dst(%dma_wait3A_823 : memref<128xf32, #tpu.memory_space<vmem>>)
    %dma_wait3A_831 = arith.constant 1536 : i32
    %dma_wait3A_832 = tpu.memref_slice %arg6[%dma_wait3A_831] : memref<10240xf32, #tpu.memory_space<vmem>> -> memref<128xf32, #tpu.memory_space<vmem>>
    %dma_wait3A_833 = arith.constant 1536 : i32
    %dma_wait3A_834 = tpu.memref_slice %arg5[%dma_wait3A_833] : memref<10240xi32, #tpu.memory_space<vmem>> -> memref<128xi32, #tpu.memory_space<vmem>>
    %dma_wait3A_835 = arith.constant 0 : i32
    %dma_wait3A_836 = tpu.memref_slice %arg3[%add3A_4, %dma_wait3A_835] : memref<64x100000xf32, #tpu.memory_space<hbm>> -> memref<1x100000xf32, #tpu.memory_space<hbm>>
    %dma_wait3A_837 = tpu.memref_squeeze %dma_wait3A_836 : memref<1x100000xf32, #tpu.memory_space<hbm>> -> memref<100000xf32, #tpu.memory_space<hbm>>
    %dma_wait3A_838 = arith.constant 0 : i32
    %dma_wait3A_839 = tpu.memref_slice %dma_wait3A_837[%dma_wait3A_838] : memref<100000xf32, #tpu.memory_space<hbm>> -> memref<100000xf32, #tpu.memory_space<hbm>>
    tpu.wait_indirect_dma semaphore(%arg8 : memref<!tpu.dma_semaphore, #tpu.memory_space<semaphore_mem>>) src(%dma_wait3A_839 : memref<100000xf32, #tpu.memory_space<hbm>>) dst(%dma_wait3A_832 : memref<128xf32, #tpu.memory_space<vmem>>)
    %dma_wait3A_840 = arith.constant 1664 : i32
    %dma_wait3A_841 = tpu.memref_slice %arg6[%dma_wait3A_840] : memref<10240xf32, #tpu.memory_space<vmem>> -> memref<128xf32, #tpu.memory_space<vmem>>
    %dma_wait3A_842 = arith.constant 1664 : i32
    %dma_wait3A_843 = tpu.memref_slice %arg5[%dma_wait3A_842] : memref<10240xi32, #tpu.memory_space<vmem>> -> memref<128xi32, #tpu.memory_space<vmem>>
    %dma_wait3A_844 = arith.constant 0 : i32
    %dma_wait3A_845 = tpu.memref_slice %arg3[%add3A_4, %dma_wait3A_844] : memref<64x100000xf32, #tpu.memory_space<hbm>> -> memref<1x100000xf32, #tpu.memory_space<hbm>>
    %dma_wait3A_846 = tpu.memref_squeeze %dma_wait3A_845 : memref<1x100000xf32, #tpu.memory_space<hbm>> -> memref<100000xf32, #tpu.memory_space<hbm>>
    %dma_wait3A_847 = arith.constant 0 : i32
    %dma_wait3A_848 = tpu.memref_slice %dma_wait3A_846[%dma_wait3A_847] : memref<100000xf32, #tpu.memory_space<hbm>> -> memref<100000xf32, #tpu.memory_space<hbm>>
    tpu.wait_indirect_dma semaphore(%arg8 : memref<!tpu.dma_semaphore, #tpu.memory_space<semaphore_mem>>) src(%dma_wait3A_848 : memref<100000xf32, #tpu.memory_space<hbm>>) dst(%dma_wait3A_841 : memref<128xf32, #tpu.memory_space<vmem>>)
    %dma_wait3A_849 = arith.constant 1792 : i32
    %dma_wait3A_850 = tpu.memref_slice %arg6[%dma_wait3A_849] : memref<10240xf32, #tpu.memory_space<vmem>> -> memref<128xf32, #tpu.memory_space<vmem>>
    %dma_wait3A_851 = arith.constant 1792 : i32
    %dma_wait3A_852 = tpu.memref_slice %arg5[%dma_wait3A_851] : memref<10240xi32, #tpu.memory_space<vmem>> -> memref<128xi32, #tpu.memory_space<vmem>>
    %dma_wait3A_853 = arith.constant 0 : i32
    %dma_wait3A_854 = tpu.memref_slice %arg3[%add3A_4, %dma_wait3A_853] : memref<64x100000xf32, #tpu.memory_space<hbm>> -> memref<1x100000xf32, #tpu.memory_space<hbm>>
    %dma_wait3A_855 = tpu.memref_squeeze %dma_wait3A_854 : memref<1x100000xf32, #tpu.memory_space<hbm>> -> memref<100000xf32, #tpu.memory_space<hbm>>
    %dma_wait3A_856 = arith.constant 0 : i32
    %dma_wait3A_857 = tpu.memref_slice %dma_wait3A_855[%dma_wait3A_856] : memref<100000xf32, #tpu.memory_space<hbm>> -> memref<100000xf32, #tpu.memory_space<hbm>>
    tpu.wait_indirect_dma semaphore(%arg8 : memref<!tpu.dma_semaphore, #tpu.memory_space<semaphore_mem>>) src(%dma_wait3A_857 : memref<100000xf32, #tpu.memory_space<hbm>>) dst(%dma_wait3A_850 : memref<128xf32, #tpu.memory_space<vmem>>)
    %dma_wait3A_858 = arith.constant 1920 : i32
    %dma_wait3A_859 = tpu.memref_slice %arg6[%dma_wait3A_858] : memref<10240xf32, #tpu.memory_space<vmem>> -> memref<128xf32, #tpu.memory_space<vmem>>
    %dma_wait3A_860 = arith.constant 1920 : i32
    %dma_wait3A_861 = tpu.memref_slice %arg5[%dma_wait3A_860] : memref<10240xi32, #tpu.memory_space<vmem>> -> memref<128xi32, #tpu.memory_space<vmem>>
    %dma_wait3A_862 = arith.constant 0 : i32
    %dma_wait3A_863 = tpu.memref_slice %arg3[%add3A_4, %dma_wait3A_862] : memref<64x100000xf32, #tpu.memory_space<hbm>> -> memref<1x100000xf32, #tpu.memory_space<hbm>>
    %dma_wait3A_864 = tpu.memref_squeeze %dma_wait3A_863 : memref<1x100000xf32, #tpu.memory_space<hbm>> -> memref<100000xf32, #tpu.memory_space<hbm>>
    %dma_wait3A_865 = arith.constant 0 : i32
    %dma_wait3A_866 = tpu.memref_slice %dma_wait3A_864[%dma_wait3A_865] : memref<100000xf32, #tpu.memory_space<hbm>> -> memref<100000xf32, #tpu.memory_space<hbm>>
    tpu.wait_indirect_dma semaphore(%arg8 : memref<!tpu.dma_semaphore, #tpu.memory_space<semaphore_mem>>) src(%dma_wait3A_866 : memref<100000xf32, #tpu.memory_space<hbm>>) dst(%dma_wait3A_859 : memref<128xf32, #tpu.memory_space<vmem>>)
    %dma_wait3A_867 = arith.constant 2048 : i32
    %dma_wait3A_868 = tpu.memref_slice %arg6[%dma_wait3A_867] : memref<10240xf32, #tpu.memory_space<vmem>> -> memref<128xf32, #tpu.memory_space<vmem>>
    %dma_wait3A_869 = arith.constant 2048 : i32
    %dma_wait3A_870 = tpu.memref_slice %arg5[%dma_wait3A_869] : memref<10240xi32, #tpu.memory_space<vmem>> -> memref<128xi32, #tpu.memory_space<vmem>>
    %dma_wait3A_871 = arith.constant 0 : i32
    %dma_wait3A_872 = tpu.memref_slice %arg3[%add3A_4, %dma_wait3A_871] : memref<64x100000xf32, #tpu.memory_space<hbm>> -> memref<1x100000xf32, #tpu.memory_space<hbm>>
    %dma_wait3A_873 = tpu.memref_squeeze %dma_wait3A_872 : memref<1x100000xf32, #tpu.memory_space<hbm>> -> memref<100000xf32, #tpu.memory_space<hbm>>
    %dma_wait3A_874 = arith.constant 0 : i32
    %dma_wait3A_875 = tpu.memref_slice %dma_wait3A_873[%dma_wait3A_874] : memref<100000xf32, #tpu.memory_space<hbm>> -> memref<100000xf32, #tpu.memory_space<hbm>>
    tpu.wait_indirect_dma semaphore(%arg8 : memref<!tpu.dma_semaphore, #tpu.memory_space<semaphore_mem>>) src(%dma_wait3A_875 : memref<100000xf32, #tpu.memory_space<hbm>>) dst(%dma_wait3A_868 : memref<128xf32, #tpu.memory_space<vmem>>)
    %dma_wait3A_876 = arith.constant 2176 : i32
    %dma_wait3A_877 = tpu.memref_slice %arg6[%dma_wait3A_876] : memref<10240xf32, #tpu.memory_space<vmem>> -> memref<128xf32, #tpu.memory_space<vmem>>
    %dma_wait3A_878 = arith.constant 2176 : i32
    %dma_wait3A_879 = tpu.memref_slice %arg5[%dma_wait3A_878] : memref<10240xi32, #tpu.memory_space<vmem>> -> memref<128xi32, #tpu.memory_space<vmem>>
    %dma_wait3A_880 = arith.constant 0 : i32
    %dma_wait3A_881 = tpu.memref_slice %arg3[%add3A_4, %dma_wait3A_880] : memref<64x100000xf32, #tpu.memory_space<hbm>> -> memref<1x100000xf32, #tpu.memory_space<hbm>>
    %dma_wait3A_882 = tpu.memref_squeeze %dma_wait3A_881 : memref<1x100000xf32, #tpu.memory_space<hbm>> -> memref<100000xf32, #tpu.memory_space<hbm>>
    %dma_wait3A_883 = arith.constant 0 : i32
    %dma_wait3A_884 = tpu.memref_slice %dma_wait3A_882[%dma_wait3A_883] : memref<100000xf32, #tpu.memory_space<hbm>> -> memref<100000xf32, #tpu.memory_space<hbm>>
    tpu.wait_indirect_dma semaphore(%arg8 : memref<!tpu.dma_semaphore, #tpu.memory_space<semaphore_mem>>) src(%dma_wait3A_884 : memref<100000xf32, #tpu.memory_space<hbm>>) dst(%dma_wait3A_877 : memref<128xf32, #tpu.memory_space<vmem>>)
    %dma_wait3A_885 = arith.constant 2304 : i32
    %dma_wait3A_886 = tpu.memref_slice %arg6[%dma_wait3A_885] : memref<10240xf32, #tpu.memory_space<vmem>> -> memref<128xf32, #tpu.memory_space<vmem>>
    %dma_wait3A_887 = arith.constant 2304 : i32
    %dma_wait3A_888 = tpu.memref_slice %arg5[%dma_wait3A_887] : memref<10240xi32, #tpu.memory_space<vmem>> -> memref<128xi32, #tpu.memory_space<vmem>>
    %dma_wait3A_889 = arith.constant 0 : i32
    %dma_wait3A_890 = tpu.memref_slice %arg3[%add3A_4, %dma_wait3A_889] : memref<64x100000xf32, #tpu.memory_space<hbm>> -> memref<1x100000xf32, #tpu.memory_space<hbm>>
    %dma_wait3A_891 = tpu.memref_squeeze %dma_wait3A_890 : memref<1x100000xf32, #tpu.memory_space<hbm>> -> memref<100000xf32, #tpu.memory_space<hbm>>
    %dma_wait3A_892 = arith.constant 0 : i32
    %dma_wait3A_893 = tpu.memref_slice %dma_wait3A_891[%dma_wait3A_892] : memref<100000xf32, #tpu.memory_space<hbm>> -> memref<100000xf32, #tpu.memory_space<hbm>>
    tpu.wait_indirect_dma semaphore(%arg8 : memref<!tpu.dma_semaphore, #tpu.memory_space<semaphore_mem>>) src(%dma_wait3A_893 : memref<100000xf32, #tpu.memory_space<hbm>>) dst(%dma_wait3A_886 : memref<128xf32, #tpu.memory_space<vmem>>)
    %dma_wait3A_894 = arith.constant 2432 : i32
    %dma_wait3A_895 = tpu.memref_slice %arg6[%dma_wait3A_894] : memref<10240xf32, #tpu.memory_space<vmem>> -> memref<128xf32, #tpu.memory_space<vmem>>
    %dma_wait3A_896 = arith.constant 2432 : i32
    %dma_wait3A_897 = tpu.memref_slice %arg5[%dma_wait3A_896] : memref<10240xi32, #tpu.memory_space<vmem>> -> memref<128xi32, #tpu.memory_space<vmem>>
    %dma_wait3A_898 = arith.constant 0 : i32
    %dma_wait3A_899 = tpu.memref_slice %arg3[%add3A_4, %dma_wait3A_898] : memref<64x100000xf32, #tpu.memory_space<hbm>> -> memref<1x100000xf32, #tpu.memory_space<hbm>>
    %dma_wait3A_900 = tpu.memref_squeeze %dma_wait3A_899 : memref<1x100000xf32, #tpu.memory_space<hbm>> -> memref<100000xf32, #tpu.memory_space<hbm>>
    %dma_wait3A_901 = arith.constant 0 : i32
    %dma_wait3A_902 = tpu.memref_slice %dma_wait3A_900[%dma_wait3A_901] : memref<100000xf32, #tpu.memory_space<hbm>> -> memref<100000xf32, #tpu.memory_space<hbm>>
    tpu.wait_indirect_dma semaphore(%arg8 : memref<!tpu.dma_semaphore, #tpu.memory_space<semaphore_mem>>) src(%dma_wait3A_902 : memref<100000xf32, #tpu.memory_space<hbm>>) dst(%dma_wait3A_895 : memref<128xf32, #tpu.memory_space<vmem>>)
    %dma_wait3A_903 = arith.constant 2560 : i32
    %dma_wait3A_904 = tpu.memref_slice %arg6[%dma_wait3A_903] : memref<10240xf32, #tpu.memory_space<vmem>> -> memref<128xf32, #tpu.memory_space<vmem>>
    %dma_wait3A_905 = arith.constant 2560 : i32
    %dma_wait3A_906 = tpu.memref_slice %arg5[%dma_wait3A_905] : memref<10240xi32, #tpu.memory_space<vmem>> -> memref<128xi32, #tpu.memory_space<vmem>>
    %dma_wait3A_907 = arith.constant 0 : i32
    %dma_wait3A_908 = tpu.memref_slice %arg3[%add3A_4, %dma_wait3A_907] : memref<64x100000xf32, #tpu.memory_space<hbm>> -> memref<1x100000xf32, #tpu.memory_space<hbm>>
    %dma_wait3A_909 = tpu.memref_squeeze %dma_wait3A_908 : memref<1x100000xf32, #tpu.memory_space<hbm>> -> memref<100000xf32, #tpu.memory_space<hbm>>
    %dma_wait3A_910 = arith.constant 0 : i32
    %dma_wait3A_911 = tpu.memref_slice %dma_wait3A_909[%dma_wait3A_910] : memref<100000xf32, #tpu.memory_space<hbm>> -> memref<100000xf32, #tpu.memory_space<hbm>>
    tpu.wait_indirect_dma semaphore(%arg8 : memref<!tpu.dma_semaphore, #tpu.memory_space<semaphore_mem>>) src(%dma_wait3A_911 : memref<100000xf32, #tpu.memory_space<hbm>>) dst(%dma_wait3A_904 : memref<128xf32, #tpu.memory_space<vmem>>)
    %dma_wait3A_912 = arith.constant 2688 : i32
    %dma_wait3A_913 = tpu.memref_slice %arg6[%dma_wait3A_912] : memref<10240xf32, #tpu.memory_space<vmem>> -> memref<128xf32, #tpu.memory_space<vmem>>
    %dma_wait3A_914 = arith.constant 2688 : i32
    %dma_wait3A_915 = tpu.memref_slice %arg5[%dma_wait3A_914] : memref<10240xi32, #tpu.memory_space<vmem>> -> memref<128xi32, #tpu.memory_space<vmem>>
    %dma_wait3A_916 = arith.constant 0 : i32
    %dma_wait3A_917 = tpu.memref_slice %arg3[%add3A_4, %dma_wait3A_916] : memref<64x100000xf32, #tpu.memory_space<hbm>> -> memref<1x100000xf32, #tpu.memory_space<hbm>>
    %dma_wait3A_918 = tpu.memref_squeeze %dma_wait3A_917 : memref<1x100000xf32, #tpu.memory_space<hbm>> -> memref<100000xf32, #tpu.memory_space<hbm>>
    %dma_wait3A_919 = arith.constant 0 : i32
    %dma_wait3A_920 = tpu.memref_slice %dma_wait3A_918[%dma_wait3A_919] : memref<100000xf32, #tpu.memory_space<hbm>> -> memref<100000xf32, #tpu.memory_space<hbm>>
    tpu.wait_indirect_dma semaphore(%arg8 : memref<!tpu.dma_semaphore, #tpu.memory_space<semaphore_mem>>) src(%dma_wait3A_920 : memref<100000xf32, #tpu.memory_space<hbm>>) dst(%dma_wait3A_913 : memref<128xf32, #tpu.memory_space<vmem>>)
    %dma_wait3A_921 = arith.constant 2816 : i32
    %dma_wait3A_922 = tpu.memref_slice %arg6[%dma_wait3A_921] : memref<10240xf32, #tpu.memory_space<vmem>> -> memref<128xf32, #tpu.memory_space<vmem>>
    %dma_wait3A_923 = arith.constant 2816 : i32
    %dma_wait3A_924 = tpu.memref_slice %arg5[%dma_wait3A_923] : memref<10240xi32, #tpu.memory_space<vmem>> -> memref<128xi32, #tpu.memory_space<vmem>>
    %dma_wait3A_925 = arith.constant 0 : i32
    %dma_wait3A_926 = tpu.memref_slice %arg3[%add3A_4, %dma_wait3A_925] : memref<64x100000xf32, #tpu.memory_space<hbm>> -> memref<1x100000xf32, #tpu.memory_space<hbm>>
    %dma_wait3A_927 = tpu.memref_squeeze %dma_wait3A_926 : memref<1x100000xf32, #tpu.memory_space<hbm>> -> memref<100000xf32, #tpu.memory_space<hbm>>
    %dma_wait3A_928 = arith.constant 0 : i32
    %dma_wait3A_929 = tpu.memref_slice %dma_wait3A_927[%dma_wait3A_928] : memref<100000xf32, #tpu.memory_space<hbm>> -> memref<100000xf32, #tpu.memory_space<hbm>>
    tpu.wait_indirect_dma semaphore(%arg8 : memref<!tpu.dma_semaphore, #tpu.memory_space<semaphore_mem>>) src(%dma_wait3A_929 : memref<100000xf32, #tpu.memory_space<hbm>>) dst(%dma_wait3A_922 : memref<128xf32, #tpu.memory_space<vmem>>)
    %dma_wait3A_930 = arith.constant 2944 : i32
    %dma_wait3A_931 = tpu.memref_slice %arg6[%dma_wait3A_930] : memref<10240xf32, #tpu.memory_space<vmem>> -> memref<128xf32, #tpu.memory_space<vmem>>
    %dma_wait3A_932 = arith.constant 2944 : i32
    %dma_wait3A_933 = tpu.memref_slice %arg5[%dma_wait3A_932] : memref<10240xi32, #tpu.memory_space<vmem>> -> memref<128xi32, #tpu.memory_space<vmem>>
    %dma_wait3A_934 = arith.constant 0 : i32
    %dma_wait3A_935 = tpu.memref_slice %arg3[%add3A_4, %dma_wait3A_934] : memref<64x100000xf32, #tpu.memory_space<hbm>> -> memref<1x100000xf32, #tpu.memory_space<hbm>>
    %dma_wait3A_936 = tpu.memref_squeeze %dma_wait3A_935 : memref<1x100000xf32, #tpu.memory_space<hbm>> -> memref<100000xf32, #tpu.memory_space<hbm>>
    %dma_wait3A_937 = arith.constant 0 : i32
    %dma_wait3A_938 = tpu.memref_slice %dma_wait3A_936[%dma_wait3A_937] : memref<100000xf32, #tpu.memory_space<hbm>> -> memref<100000xf32, #tpu.memory_space<hbm>>
    tpu.wait_indirect_dma semaphore(%arg8 : memref<!tpu.dma_semaphore, #tpu.memory_space<semaphore_mem>>) src(%dma_wait3A_938 : memref<100000xf32, #tpu.memory_space<hbm>>) dst(%dma_wait3A_931 : memref<128xf32, #tpu.memory_space<vmem>>)
    %dma_wait3A_939 = arith.constant 3072 : i32
    %dma_wait3A_940 = tpu.memref_slice %arg6[%dma_wait3A_939] : memref<10240xf32, #tpu.memory_space<vmem>> -> memref<128xf32, #tpu.memory_space<vmem>>
    %dma_wait3A_941 = arith.constant 3072 : i32
    %dma_wait3A_942 = tpu.memref_slice %arg5[%dma_wait3A_941] : memref<10240xi32, #tpu.memory_space<vmem>> -> memref<128xi32, #tpu.memory_space<vmem>>
    %dma_wait3A_943 = arith.constant 0 : i32
    %dma_wait3A_944 = tpu.memref_slice %arg3[%add3A_4, %dma_wait3A_943] : memref<64x100000xf32, #tpu.memory_space<hbm>> -> memref<1x100000xf32, #tpu.memory_space<hbm>>
    %dma_wait3A_945 = tpu.memref_squeeze %dma_wait3A_944 : memref<1x100000xf32, #tpu.memory_space<hbm>> -> memref<100000xf32, #tpu.memory_space<hbm>>
    %dma_wait3A_946 = arith.constant 0 : i32
    %dma_wait3A_947 = tpu.memref_slice %dma_wait3A_945[%dma_wait3A_946] : memref<100000xf32, #tpu.memory_space<hbm>> -> memref<100000xf32, #tpu.memory_space<hbm>>
    tpu.wait_indirect_dma semaphore(%arg8 : memref<!tpu.dma_semaphore, #tpu.memory_space<semaphore_mem>>) src(%dma_wait3A_947 : memref<100000xf32, #tpu.memory_space<hbm>>) dst(%dma_wait3A_940 : memref<128xf32, #tpu.memory_space<vmem>>)
    %dma_wait3A_948 = arith.constant 3200 : i32
    %dma_wait3A_949 = tpu.memref_slice %arg6[%dma_wait3A_948] : memref<10240xf32, #tpu.memory_space<vmem>> -> memref<128xf32, #tpu.memory_space<vmem>>
    %dma_wait3A_950 = arith.constant 3200 : i32
    %dma_wait3A_951 = tpu.memref_slice %arg5[%dma_wait3A_950] : memref<10240xi32, #tpu.memory_space<vmem>> -> memref<128xi32, #tpu.memory_space<vmem>>
    %dma_wait3A_952 = arith.constant 0 : i32
    %dma_wait3A_953 = tpu.memref_slice %arg3[%add3A_4, %dma_wait3A_952] : memref<64x100000xf32, #tpu.memory_space<hbm>> -> memref<1x100000xf32, #tpu.memory_space<hbm>>
    %dma_wait3A_954 = tpu.memref_squeeze %dma_wait3A_953 : memref<1x100000xf32, #tpu.memory_space<hbm>> -> memref<100000xf32, #tpu.memory_space<hbm>>
    %dma_wait3A_955 = arith.constant 0 : i32
    %dma_wait3A_956 = tpu.memref_slice %dma_wait3A_954[%dma_wait3A_955] : memref<100000xf32, #tpu.memory_space<hbm>> -> memref<100000xf32, #tpu.memory_space<hbm>>
    tpu.wait_indirect_dma semaphore(%arg8 : memref<!tpu.dma_semaphore, #tpu.memory_space<semaphore_mem>>) src(%dma_wait3A_956 : memref<100000xf32, #tpu.memory_space<hbm>>) dst(%dma_wait3A_949 : memref<128xf32, #tpu.memory_space<vmem>>)
    %dma_wait3A_957 = arith.constant 3328 : i32
    %dma_wait3A_958 = tpu.memref_slice %arg6[%dma_wait3A_957] : memref<10240xf32, #tpu.memory_space<vmem>> -> memref<128xf32, #tpu.memory_space<vmem>>
    %dma_wait3A_959 = arith.constant 3328 : i32
    %dma_wait3A_960 = tpu.memref_slice %arg5[%dma_wait3A_959] : memref<10240xi32, #tpu.memory_space<vmem>> -> memref<128xi32, #tpu.memory_space<vmem>>
    %dma_wait3A_961 = arith.constant 0 : i32
    %dma_wait3A_962 = tpu.memref_slice %arg3[%add3A_4, %dma_wait3A_961] : memref<64x100000xf32, #tpu.memory_space<hbm>> -> memref<1x100000xf32, #tpu.memory_space<hbm>>
    %dma_wait3A_963 = tpu.memref_squeeze %dma_wait3A_962 : memref<1x100000xf32, #tpu.memory_space<hbm>> -> memref<100000xf32, #tpu.memory_space<hbm>>
    %dma_wait3A_964 = arith.constant 0 : i32
    %dma_wait3A_965 = tpu.memref_slice %dma_wait3A_963[%dma_wait3A_964] : memref<100000xf32, #tpu.memory_space<hbm>> -> memref<100000xf32, #tpu.memory_space<hbm>>
    tpu.wait_indirect_dma semaphore(%arg8 : memref<!tpu.dma_semaphore, #tpu.memory_space<semaphore_mem>>) src(%dma_wait3A_965 : memref<100000xf32, #tpu.memory_space<hbm>>) dst(%dma_wait3A_958 : memref<128xf32, #tpu.memory_space<vmem>>)
    %dma_wait3A_966 = arith.constant 3456 : i32
    %dma_wait3A_967 = tpu.memref_slice %arg6[%dma_wait3A_966] : memref<10240xf32, #tpu.memory_space<vmem>> -> memref<128xf32, #tpu.memory_space<vmem>>
    %dma_wait3A_968 = arith.constant 3456 : i32
    %dma_wait3A_969 = tpu.memref_slice %arg5[%dma_wait3A_968] : memref<10240xi32, #tpu.memory_space<vmem>> -> memref<128xi32, #tpu.memory_space<vmem>>
    %dma_wait3A_970 = arith.constant 0 : i32
    %dma_wait3A_971 = tpu.memref_slice %arg3[%add3A_4, %dma_wait3A_970] : memref<64x100000xf32, #tpu.memory_space<hbm>> -> memref<1x100000xf32, #tpu.memory_space<hbm>>
    %dma_wait3A_972 = tpu.memref_squeeze %dma_wait3A_971 : memref<1x100000xf32, #tpu.memory_space<hbm>> -> memref<100000xf32, #tpu.memory_space<hbm>>
    %dma_wait3A_973 = arith.constant 0 : i32
    %dma_wait3A_974 = tpu.memref_slice %dma_wait3A_972[%dma_wait3A_973] : memref<100000xf32, #tpu.memory_space<hbm>> -> memref<100000xf32, #tpu.memory_space<hbm>>
    tpu.wait_indirect_dma semaphore(%arg8 : memref<!tpu.dma_semaphore, #tpu.memory_space<semaphore_mem>>) src(%dma_wait3A_974 : memref<100000xf32, #tpu.memory_space<hbm>>) dst(%dma_wait3A_967 : memref<128xf32, #tpu.memory_space<vmem>>)
    %dma_wait3A_975 = arith.constant 3584 : i32
    %dma_wait3A_976 = tpu.memref_slice %arg6[%dma_wait3A_975] : memref<10240xf32, #tpu.memory_space<vmem>> -> memref<128xf32, #tpu.memory_space<vmem>>
    %dma_wait3A_977 = arith.constant 3584 : i32
    %dma_wait3A_978 = tpu.memref_slice %arg5[%dma_wait3A_977] : memref<10240xi32, #tpu.memory_space<vmem>> -> memref<128xi32, #tpu.memory_space<vmem>>
    %dma_wait3A_979 = arith.constant 0 : i32
    %dma_wait3A_980 = tpu.memref_slice %arg3[%add3A_4, %dma_wait3A_979] : memref<64x100000xf32, #tpu.memory_space<hbm>> -> memref<1x100000xf32, #tpu.memory_space<hbm>>
    %dma_wait3A_981 = tpu.memref_squeeze %dma_wait3A_980 : memref<1x100000xf32, #tpu.memory_space<hbm>> -> memref<100000xf32, #tpu.memory_space<hbm>>
    %dma_wait3A_982 = arith.constant 0 : i32
    %dma_wait3A_983 = tpu.memref_slice %dma_wait3A_981[%dma_wait3A_982] : memref<100000xf32, #tpu.memory_space<hbm>> -> memref<100000xf32, #tpu.memory_space<hbm>>
    tpu.wait_indirect_dma semaphore(%arg8 : memref<!tpu.dma_semaphore, #tpu.memory_space<semaphore_mem>>) src(%dma_wait3A_983 : memref<100000xf32, #tpu.memory_space<hbm>>) dst(%dma_wait3A_976 : memref<128xf32, #tpu.memory_space<vmem>>)
    %dma_wait3A_984 = arith.constant 3712 : i32
    %dma_wait3A_985 = tpu.memref_slice %arg6[%dma_wait3A_984] : memref<10240xf32, #tpu.memory_space<vmem>> -> memref<128xf32, #tpu.memory_space<vmem>>
    %dma_wait3A_986 = arith.constant 3712 : i32
    %dma_wait3A_987 = tpu.memref_slice %arg5[%dma_wait3A_986] : memref<10240xi32, #tpu.memory_space<vmem>> -> memref<128xi32, #tpu.memory_space<vmem>>
    %dma_wait3A_988 = arith.constant 0 : i32
    %dma_wait3A_989 = tpu.memref_slice %arg3[%add3A_4, %dma_wait3A_988] : memref<64x100000xf32, #tpu.memory_space<hbm>> -> memref<1x100000xf32, #tpu.memory_space<hbm>>
    %dma_wait3A_990 = tpu.memref_squeeze %dma_wait3A_989 : memref<1x100000xf32, #tpu.memory_space<hbm>> -> memref<100000xf32, #tpu.memory_space<hbm>>
    %dma_wait3A_991 = arith.constant 0 : i32
    %dma_wait3A_992 = tpu.memref_slice %dma_wait3A_990[%dma_wait3A_991] : memref<100000xf32, #tpu.memory_space<hbm>> -> memref<100000xf32, #tpu.memory_space<hbm>>
    tpu.wait_indirect_dma semaphore(%arg8 : memref<!tpu.dma_semaphore, #tpu.memory_space<semaphore_mem>>) src(%dma_wait3A_992 : memref<100000xf32, #tpu.memory_space<hbm>>) dst(%dma_wait3A_985 : memref<128xf32, #tpu.memory_space<vmem>>)
    %dma_wait3A_993 = arith.constant 3840 : i32
    %dma_wait3A_994 = tpu.memref_slice %arg6[%dma_wait3A_993] : memref<10240xf32, #tpu.memory_space<vmem>> -> memref<128xf32, #tpu.memory_space<vmem>>
    %dma_wait3A_995 = arith.constant 3840 : i32
    %dma_wait3A_996 = tpu.memref_slice %arg5[%dma_wait3A_995] : memref<10240xi32, #tpu.memory_space<vmem>> -> memref<128xi32, #tpu.memory_space<vmem>>
    %dma_wait3A_997 = arith.constant 0 : i32
    %dma_wait3A_998 = tpu.memref_slice %arg3[%add3A_4, %dma_wait3A_997] : memref<64x100000xf32, #tpu.memory_space<hbm>> -> memref<1x100000xf32, #tpu.memory_space<hbm>>
    %dma_wait3A_999 = tpu.memref_squeeze %dma_wait3A_998 : memref<1x100000xf32, #tpu.memory_space<hbm>> -> memref<100000xf32, #tpu.memory_space<hbm>>
    %dma_wait3A_1000 = arith.constant 0 : i32
    %dma_wait3A_1001 = tpu.memref_slice %dma_wait3A_999[%dma_wait3A_1000] : memref<100000xf32, #tpu.memory_space<hbm>> -> memref<100000xf32, #tpu.memory_space<hbm>>
    tpu.wait_indirect_dma semaphore(%arg8 : memref<!tpu.dma_semaphore, #tpu.memory_space<semaphore_mem>>) src(%dma_wait3A_1001 : memref<100000xf32, #tpu.memory_space<hbm>>) dst(%dma_wait3A_994 : memref<128xf32, #tpu.memory_space<vmem>>)
    %dma_wait3A_1002 = arith.constant 3968 : i32
    %dma_wait3A_1003 = tpu.memref_slice %arg6[%dma_wait3A_1002] : memref<10240xf32, #tpu.memory_space<vmem>> -> memref<128xf32, #tpu.memory_space<vmem>>
    %dma_wait3A_1004 = arith.constant 3968 : i32
    %dma_wait3A_1005 = tpu.memref_slice %arg5[%dma_wait3A_1004] : memref<10240xi32, #tpu.memory_space<vmem>> -> memref<128xi32, #tpu.memory_space<vmem>>
    %dma_wait3A_1006 = arith.constant 0 : i32
    %dma_wait3A_1007 = tpu.memref_slice %arg3[%add3A_4, %dma_wait3A_1006] : memref<64x100000xf32, #tpu.memory_space<hbm>> -> memref<1x100000xf32, #tpu.memory_space<hbm>>
    %dma_wait3A_1008 = tpu.memref_squeeze %dma_wait3A_1007 : memref<1x100000xf32, #tpu.memory_space<hbm>> -> memref<100000xf32, #tpu.memory_space<hbm>>
    %dma_wait3A_1009 = arith.constant 0 : i32
    %dma_wait3A_1010 = tpu.memref_slice %dma_wait3A_1008[%dma_wait3A_1009] : memref<100000xf32, #tpu.memory_space<hbm>> -> memref<100000xf32, #tpu.memory_space<hbm>>
    tpu.wait_indirect_dma semaphore(%arg8 : memref<!tpu.dma_semaphore, #tpu.memory_space<semaphore_mem>>) src(%dma_wait3A_1010 : memref<100000xf32, #tpu.memory_space<hbm>>) dst(%dma_wait3A_1003 : memref<128xf32, #tpu.memory_space<vmem>>)
    %dma_wait3A_1011 = arith.constant 4096 : i32
    %dma_wait3A_1012 = tpu.memref_slice %arg6[%dma_wait3A_1011] : memref<10240xf32, #tpu.memory_space<vmem>> -> memref<128xf32, #tpu.memory_space<vmem>>
    %dma_wait3A_1013 = arith.constant 4096 : i32
    %dma_wait3A_1014 = tpu.memref_slice %arg5[%dma_wait3A_1013] : memref<10240xi32, #tpu.memory_space<vmem>> -> memref<128xi32, #tpu.memory_space<vmem>>
    %dma_wait3A_1015 = arith.constant 0 : i32
    %dma_wait3A_1016 = tpu.memref_slice %arg3[%add3A_4, %dma_wait3A_1015] : memref<64x100000xf32, #tpu.memory_space<hbm>> -> memref<1x100000xf32, #tpu.memory_space<hbm>>
    %dma_wait3A_1017 = tpu.memref_squeeze %dma_wait3A_1016 : memref<1x100000xf32, #tpu.memory_space<hbm>> -> memref<100000xf32, #tpu.memory_space<hbm>>
    %dma_wait3A_1018 = arith.constant 0 : i32
    %dma_wait3A_1019 = tpu.memref_slice %dma_wait3A_1017[%dma_wait3A_1018] : memref<100000xf32, #tpu.memory_space<hbm>> -> memref<100000xf32, #tpu.memory_space<hbm>>
    tpu.wait_indirect_dma semaphore(%arg8 : memref<!tpu.dma_semaphore, #tpu.memory_space<semaphore_mem>>) src(%dma_wait3A_1019 : memref<100000xf32, #tpu.memory_space<hbm>>) dst(%dma_wait3A_1012 : memref<128xf32, #tpu.memory_space<vmem>>)
    %dma_wait3A_1020 = arith.constant 4224 : i32
    %dma_wait3A_1021 = tpu.memref_slice %arg6[%dma_wait3A_1020] : memref<10240xf32, #tpu.memory_space<vmem>> -> memref<128xf32, #tpu.memory_space<vmem>>
    %dma_wait3A_1022 = arith.constant 4224 : i32
    %dma_wait3A_1023 = tpu.memref_slice %arg5[%dma_wait3A_1022] : memref<10240xi32, #tpu.memory_space<vmem>> -> memref<128xi32, #tpu.memory_space<vmem>>
    %dma_wait3A_1024 = arith.constant 0 : i32
    %dma_wait3A_1025 = tpu.memref_slice %arg3[%add3A_4, %dma_wait3A_1024] : memref<64x100000xf32, #tpu.memory_space<hbm>> -> memref<1x100000xf32, #tpu.memory_space<hbm>>
    %dma_wait3A_1026 = tpu.memref_squeeze %dma_wait3A_1025 : memref<1x100000xf32, #tpu.memory_space<hbm>> -> memref<100000xf32, #tpu.memory_space<hbm>>
    %dma_wait3A_1027 = arith.constant 0 : i32
    %dma_wait3A_1028 = tpu.memref_slice %dma_wait3A_1026[%dma_wait3A_1027] : memref<100000xf32, #tpu.memory_space<hbm>> -> memref<100000xf32, #tpu.memory_space<hbm>>
    tpu.wait_indirect_dma semaphore(%arg8 : memref<!tpu.dma_semaphore, #tpu.memory_space<semaphore_mem>>) src(%dma_wait3A_1028 : memref<100000xf32, #tpu.memory_space<hbm>>) dst(%dma_wait3A_1021 : memref<128xf32, #tpu.memory_space<vmem>>)
    %dma_wait3A_1029 = arith.constant 4352 : i32
    %dma_wait3A_1030 = tpu.memref_slice %arg6[%dma_wait3A_1029] : memref<10240xf32, #tpu.memory_space<vmem>> -> memref<128xf32, #tpu.memory_space<vmem>>
    %dma_wait3A_1031 = arith.constant 4352 : i32
    %dma_wait3A_1032 = tpu.memref_slice %arg5[%dma_wait3A_1031] : memref<10240xi32, #tpu.memory_space<vmem>> -> memref<128xi32, #tpu.memory_space<vmem>>
    %dma_wait3A_1033 = arith.constant 0 : i32
    %dma_wait3A_1034 = tpu.memref_slice %arg3[%add3A_4, %dma_wait3A_1033] : memref<64x100000xf32, #tpu.memory_space<hbm>> -> memref<1x100000xf32, #tpu.memory_space<hbm>>
    %dma_wait3A_1035 = tpu.memref_squeeze %dma_wait3A_1034 : memref<1x100000xf32, #tpu.memory_space<hbm>> -> memref<100000xf32, #tpu.memory_space<hbm>>
    %dma_wait3A_1036 = arith.constant 0 : i32
    %dma_wait3A_1037 = tpu.memref_slice %dma_wait3A_1035[%dma_wait3A_1036] : memref<100000xf32, #tpu.memory_space<hbm>> -> memref<100000xf32, #tpu.memory_space<hbm>>
    tpu.wait_indirect_dma semaphore(%arg8 : memref<!tpu.dma_semaphore, #tpu.memory_space<semaphore_mem>>) src(%dma_wait3A_1037 : memref<100000xf32, #tpu.memory_space<hbm>>) dst(%dma_wait3A_1030 : memref<128xf32, #tpu.memory_space<vmem>>)
    %dma_wait3A_1038 = arith.constant 4480 : i32
    %dma_wait3A_1039 = tpu.memref_slice %arg6[%dma_wait3A_1038] : memref<10240xf32, #tpu.memory_space<vmem>> -> memref<128xf32, #tpu.memory_space<vmem>>
    %dma_wait3A_1040 = arith.constant 4480 : i32
    %dma_wait3A_1041 = tpu.memref_slice %arg5[%dma_wait3A_1040] : memref<10240xi32, #tpu.memory_space<vmem>> -> memref<128xi32, #tpu.memory_space<vmem>>
    %dma_wait3A_1042 = arith.constant 0 : i32
    %dma_wait3A_1043 = tpu.memref_slice %arg3[%add3A_4, %dma_wait3A_1042] : memref<64x100000xf32, #tpu.memory_space<hbm>> -> memref<1x100000xf32, #tpu.memory_space<hbm>>
    %dma_wait3A_1044 = tpu.memref_squeeze %dma_wait3A_1043 : memref<1x100000xf32, #tpu.memory_space<hbm>> -> memref<100000xf32, #tpu.memory_space<hbm>>
    %dma_wait3A_1045 = arith.constant 0 : i32
    %dma_wait3A_1046 = tpu.memref_slice %dma_wait3A_1044[%dma_wait3A_1045] : memref<100000xf32, #tpu.memory_space<hbm>> -> memref<100000xf32, #tpu.memory_space<hbm>>
    tpu.wait_indirect_dma semaphore(%arg8 : memref<!tpu.dma_semaphore, #tpu.memory_space<semaphore_mem>>) src(%dma_wait3A_1046 : memref<100000xf32, #tpu.memory_space<hbm>>) dst(%dma_wait3A_1039 : memref<128xf32, #tpu.memory_space<vmem>>)
    %dma_wait3A_1047 = arith.constant 4608 : i32
    %dma_wait3A_1048 = tpu.memref_slice %arg6[%dma_wait3A_1047] : memref<10240xf32, #tpu.memory_space<vmem>> -> memref<128xf32, #tpu.memory_space<vmem>>
    %dma_wait3A_1049 = arith.constant 4608 : i32
    %dma_wait3A_1050 = tpu.memref_slice %arg5[%dma_wait3A_1049] : memref<10240xi32, #tpu.memory_space<vmem>> -> memref<128xi32, #tpu.memory_space<vmem>>
    %dma_wait3A_1051 = arith.constant 0 : i32
    %dma_wait3A_1052 = tpu.memref_slice %arg3[%add3A_4, %dma_wait3A_1051] : memref<64x100000xf32, #tpu.memory_space<hbm>> -> memref<1x100000xf32, #tpu.memory_space<hbm>>
    %dma_wait3A_1053 = tpu.memref_squeeze %dma_wait3A_1052 : memref<1x100000xf32, #tpu.memory_space<hbm>> -> memref<100000xf32, #tpu.memory_space<hbm>>
    %dma_wait3A_1054 = arith.constant 0 : i32
    %dma_wait3A_1055 = tpu.memref_slice %dma_wait3A_1053[%dma_wait3A_1054] : memref<100000xf32, #tpu.memory_space<hbm>> -> memref<100000xf32, #tpu.memory_space<hbm>>
    tpu.wait_indirect_dma semaphore(%arg8 : memref<!tpu.dma_semaphore, #tpu.memory_space<semaphore_mem>>) src(%dma_wait3A_1055 : memref<100000xf32, #tpu.memory_space<hbm>>) dst(%dma_wait3A_1048 : memref<128xf32, #tpu.memory_space<vmem>>)
    %dma_wait3A_1056 = arith.constant 4736 : i32
    %dma_wait3A_1057 = tpu.memref_slice %arg6[%dma_wait3A_1056] : memref<10240xf32, #tpu.memory_space<vmem>> -> memref<128xf32, #tpu.memory_space<vmem>>
    %dma_wait3A_1058 = arith.constant 4736 : i32
    %dma_wait3A_1059 = tpu.memref_slice %arg5[%dma_wait3A_1058] : memref<10240xi32, #tpu.memory_space<vmem>> -> memref<128xi32, #tpu.memory_space<vmem>>
    %dma_wait3A_1060 = arith.constant 0 : i32
    %dma_wait3A_1061 = tpu.memref_slice %arg3[%add3A_4, %dma_wait3A_1060] : memref<64x100000xf32, #tpu.memory_space<hbm>> -> memref<1x100000xf32, #tpu.memory_space<hbm>>
    %dma_wait3A_1062 = tpu.memref_squeeze %dma_wait3A_1061 : memref<1x100000xf32, #tpu.memory_space<hbm>> -> memref<100000xf32, #tpu.memory_space<hbm>>
    %dma_wait3A_1063 = arith.constant 0 : i32
    %dma_wait3A_1064 = tpu.memref_slice %dma_wait3A_1062[%dma_wait3A_1063] : memref<100000xf32, #tpu.memory_space<hbm>> -> memref<100000xf32, #tpu.memory_space<hbm>>
    tpu.wait_indirect_dma semaphore(%arg8 : memref<!tpu.dma_semaphore, #tpu.memory_space<semaphore_mem>>) src(%dma_wait3A_1064 : memref<100000xf32, #tpu.memory_space<hbm>>) dst(%dma_wait3A_1057 : memref<128xf32, #tpu.memory_space<vmem>>)
    %dma_wait3A_1065 = arith.constant 4864 : i32
    %dma_wait3A_1066 = tpu.memref_slice %arg6[%dma_wait3A_1065] : memref<10240xf32, #tpu.memory_space<vmem>> -> memref<128xf32, #tpu.memory_space<vmem>>
    %dma_wait3A_1067 = arith.constant 4864 : i32
    %dma_wait3A_1068 = tpu.memref_slice %arg5[%dma_wait3A_1067] : memref<10240xi32, #tpu.memory_space<vmem>> -> memref<128xi32, #tpu.memory_space<vmem>>
    %dma_wait3A_1069 = arith.constant 0 : i32
    %dma_wait3A_1070 = tpu.memref_slice %arg3[%add3A_4, %dma_wait3A_1069] : memref<64x100000xf32, #tpu.memory_space<hbm>> -> memref<1x100000xf32, #tpu.memory_space<hbm>>
    %dma_wait3A_1071 = tpu.memref_squeeze %dma_wait3A_1070 : memref<1x100000xf32, #tpu.memory_space<hbm>> -> memref<100000xf32, #tpu.memory_space<hbm>>
    %dma_wait3A_1072 = arith.constant 0 : i32
    %dma_wait3A_1073 = tpu.memref_slice %dma_wait3A_1071[%dma_wait3A_1072] : memref<100000xf32, #tpu.memory_space<hbm>> -> memref<100000xf32, #tpu.memory_space<hbm>>
    tpu.wait_indirect_dma semaphore(%arg8 : memref<!tpu.dma_semaphore, #tpu.memory_space<semaphore_mem>>) src(%dma_wait3A_1073 : memref<100000xf32, #tpu.memory_space<hbm>>) dst(%dma_wait3A_1066 : memref<128xf32, #tpu.memory_space<vmem>>)
    %dma_wait3A_1074 = arith.constant 4992 : i32
    %dma_wait3A_1075 = tpu.memref_slice %arg6[%dma_wait3A_1074] : memref<10240xf32, #tpu.memory_space<vmem>> -> memref<128xf32, #tpu.memory_space<vmem>>
    %dma_wait3A_1076 = arith.constant 4992 : i32
    %dma_wait3A_1077 = tpu.memref_slice %arg5[%dma_wait3A_1076] : memref<10240xi32, #tpu.memory_space<vmem>> -> memref<128xi32, #tpu.memory_space<vmem>>
    %dma_wait3A_1078 = arith.constant 0 : i32
    %dma_wait3A_1079 = tpu.memref_slice %arg3[%add3A_4, %dma_wait3A_1078] : memref<64x100000xf32, #tpu.memory_space<hbm>> -> memref<1x100000xf32, #tpu.memory_space<hbm>>
    %dma_wait3A_1080 = tpu.memref_squeeze %dma_wait3A_1079 : memref<1x100000xf32, #tpu.memory_space<hbm>> -> memref<100000xf32, #tpu.memory_space<hbm>>
    %dma_wait3A_1081 = arith.constant 0 : i32
    %dma_wait3A_1082 = tpu.memref_slice %dma_wait3A_1080[%dma_wait3A_1081] : memref<100000xf32, #tpu.memory_space<hbm>> -> memref<100000xf32, #tpu.memory_space<hbm>>
    tpu.wait_indirect_dma semaphore(%arg8 : memref<!tpu.dma_semaphore, #tpu.memory_space<semaphore_mem>>) src(%dma_wait3A_1082 : memref<100000xf32, #tpu.memory_space<hbm>>) dst(%dma_wait3A_1075 : memref<128xf32, #tpu.memory_space<vmem>>)
    %dma_wait3A_1083 = arith.constant 5120 : i32
    %dma_wait3A_1084 = tpu.memref_slice %arg6[%dma_wait3A_1083] : memref<10240xf32, #tpu.memory_space<vmem>> -> memref<128xf32, #tpu.memory_space<vmem>>
    %dma_wait3A_1085 = arith.constant 5120 : i32
    %dma_wait3A_1086 = tpu.memref_slice %arg5[%dma_wait3A_1085] : memref<10240xi32, #tpu.memory_space<vmem>> -> memref<128xi32, #tpu.memory_space<vmem>>
    %dma_wait3A_1087 = arith.constant 0 : i32
    %dma_wait3A_1088 = tpu.memref_slice %arg3[%add3A_4, %dma_wait3A_1087] : memref<64x100000xf32, #tpu.memory_space<hbm>> -> memref<1x100000xf32, #tpu.memory_space<hbm>>
    %dma_wait3A_1089 = tpu.memref_squeeze %dma_wait3A_1088 : memref<1x100000xf32, #tpu.memory_space<hbm>> -> memref<100000xf32, #tpu.memory_space<hbm>>
    %dma_wait3A_1090 = arith.constant 0 : i32
    %dma_wait3A_1091 = tpu.memref_slice %dma_wait3A_1089[%dma_wait3A_1090] : memref<100000xf32, #tpu.memory_space<hbm>> -> memref<100000xf32, #tpu.memory_space<hbm>>
    tpu.wait_indirect_dma semaphore(%arg8 : memref<!tpu.dma_semaphore, #tpu.memory_space<semaphore_mem>>) src(%dma_wait3A_1091 : memref<100000xf32, #tpu.memory_space<hbm>>) dst(%dma_wait3A_1084 : memref<128xf32, #tpu.memory_space<vmem>>)
    %dma_wait3A_1092 = arith.constant 5248 : i32
    %dma_wait3A_1093 = tpu.memref_slice %arg6[%dma_wait3A_1092] : memref<10240xf32, #tpu.memory_space<vmem>> -> memref<128xf32, #tpu.memory_space<vmem>>
    %dma_wait3A_1094 = arith.constant 5248 : i32
    %dma_wait3A_1095 = tpu.memref_slice %arg5[%dma_wait3A_1094] : memref<10240xi32, #tpu.memory_space<vmem>> -> memref<128xi32, #tpu.memory_space<vmem>>
    %dma_wait3A_1096 = arith.constant 0 : i32
    %dma_wait3A_1097 = tpu.memref_slice %arg3[%add3A_4, %dma_wait3A_1096] : memref<64x100000xf32, #tpu.memory_space<hbm>> -> memref<1x100000xf32, #tpu.memory_space<hbm>>
    %dma_wait3A_1098 = tpu.memref_squeeze %dma_wait3A_1097 : memref<1x100000xf32, #tpu.memory_space<hbm>> -> memref<100000xf32, #tpu.memory_space<hbm>>
    %dma_wait3A_1099 = arith.constant 0 : i32
    %dma_wait3A_1100 = tpu.memref_slice %dma_wait3A_1098[%dma_wait3A_1099] : memref<100000xf32, #tpu.memory_space<hbm>> -> memref<100000xf32, #tpu.memory_space<hbm>>
    tpu.wait_indirect_dma semaphore(%arg8 : memref<!tpu.dma_semaphore, #tpu.memory_space<semaphore_mem>>) src(%dma_wait3A_1100 : memref<100000xf32, #tpu.memory_space<hbm>>) dst(%dma_wait3A_1093 : memref<128xf32, #tpu.memory_space<vmem>>)
    %dma_wait3A_1101 = arith.constant 5376 : i32
    %dma_wait3A_1102 = tpu.memref_slice %arg6[%dma_wait3A_1101] : memref<10240xf32, #tpu.memory_space<vmem>> -> memref<128xf32, #tpu.memory_space<vmem>>
    %dma_wait3A_1103 = arith.constant 5376 : i32
    %dma_wait3A_1104 = tpu.memref_slice %arg5[%dma_wait3A_1103] : memref<10240xi32, #tpu.memory_space<vmem>> -> memref<128xi32, #tpu.memory_space<vmem>>
    %dma_wait3A_1105 = arith.constant 0 : i32
    %dma_wait3A_1106 = tpu.memref_slice %arg3[%add3A_4, %dma_wait3A_1105] : memref<64x100000xf32, #tpu.memory_space<hbm>> -> memref<1x100000xf32, #tpu.memory_space<hbm>>
    %dma_wait3A_1107 = tpu.memref_squeeze %dma_wait3A_1106 : memref<1x100000xf32, #tpu.memory_space<hbm>> -> memref<100000xf32, #tpu.memory_space<hbm>>
    %dma_wait3A_1108 = arith.constant 0 : i32
    %dma_wait3A_1109 = tpu.memref_slice %dma_wait3A_1107[%dma_wait3A_1108] : memref<100000xf32, #tpu.memory_space<hbm>> -> memref<100000xf32, #tpu.memory_space<hbm>>
    tpu.wait_indirect_dma semaphore(%arg8 : memref<!tpu.dma_semaphore, #tpu.memory_space<semaphore_mem>>) src(%dma_wait3A_1109 : memref<100000xf32, #tpu.memory_space<hbm>>) dst(%dma_wait3A_1102 : memref<128xf32, #tpu.memory_space<vmem>>)
    %dma_wait3A_1110 = arith.constant 5504 : i32
    %dma_wait3A_1111 = tpu.memref_slice %arg6[%dma_wait3A_1110] : memref<10240xf32, #tpu.memory_space<vmem>> -> memref<128xf32, #tpu.memory_space<vmem>>
    %dma_wait3A_1112 = arith.constant 5504 : i32
    %dma_wait3A_1113 = tpu.memref_slice %arg5[%dma_wait3A_1112] : memref<10240xi32, #tpu.memory_space<vmem>> -> memref<128xi32, #tpu.memory_space<vmem>>
    %dma_wait3A_1114 = arith.constant 0 : i32
    %dma_wait3A_1115 = tpu.memref_slice %arg3[%add3A_4, %dma_wait3A_1114] : memref<64x100000xf32, #tpu.memory_space<hbm>> -> memref<1x100000xf32, #tpu.memory_space<hbm>>
    %dma_wait3A_1116 = tpu.memref_squeeze %dma_wait3A_1115 : memref<1x100000xf32, #tpu.memory_space<hbm>> -> memref<100000xf32, #tpu.memory_space<hbm>>
    %dma_wait3A_1117 = arith.constant 0 : i32
    %dma_wait3A_1118 = tpu.memref_slice %dma_wait3A_1116[%dma_wait3A_1117] : memref<100000xf32, #tpu.memory_space<hbm>> -> memref<100000xf32, #tpu.memory_space<hbm>>
    tpu.wait_indirect_dma semaphore(%arg8 : memref<!tpu.dma_semaphore, #tpu.memory_space<semaphore_mem>>) src(%dma_wait3A_1118 : memref<100000xf32, #tpu.memory_space<hbm>>) dst(%dma_wait3A_1111 : memref<128xf32, #tpu.memory_space<vmem>>)
    %dma_wait3A_1119 = arith.constant 5632 : i32
    %dma_wait3A_1120 = tpu.memref_slice %arg6[%dma_wait3A_1119] : memref<10240xf32, #tpu.memory_space<vmem>> -> memref<128xf32, #tpu.memory_space<vmem>>
    %dma_wait3A_1121 = arith.constant 5632 : i32
    %dma_wait3A_1122 = tpu.memref_slice %arg5[%dma_wait3A_1121] : memref<10240xi32, #tpu.memory_space<vmem>> -> memref<128xi32, #tpu.memory_space<vmem>>
    %dma_wait3A_1123 = arith.constant 0 : i32
    %dma_wait3A_1124 = tpu.memref_slice %arg3[%add3A_4, %dma_wait3A_1123] : memref<64x100000xf32, #tpu.memory_space<hbm>> -> memref<1x100000xf32, #tpu.memory_space<hbm>>
    %dma_wait3A_1125 = tpu.memref_squeeze %dma_wait3A_1124 : memref<1x100000xf32, #tpu.memory_space<hbm>> -> memref<100000xf32, #tpu.memory_space<hbm>>
    %dma_wait3A_1126 = arith.constant 0 : i32
    %dma_wait3A_1127 = tpu.memref_slice %dma_wait3A_1125[%dma_wait3A_1126] : memref<100000xf32, #tpu.memory_space<hbm>> -> memref<100000xf32, #tpu.memory_space<hbm>>
    tpu.wait_indirect_dma semaphore(%arg8 : memref<!tpu.dma_semaphore, #tpu.memory_space<semaphore_mem>>) src(%dma_wait3A_1127 : memref<100000xf32, #tpu.memory_space<hbm>>) dst(%dma_wait3A_1120 : memref<128xf32, #tpu.memory_space<vmem>>)
    %dma_wait3A_1128 = arith.constant 5760 : i32
    %dma_wait3A_1129 = tpu.memref_slice %arg6[%dma_wait3A_1128] : memref<10240xf32, #tpu.memory_space<vmem>> -> memref<128xf32, #tpu.memory_space<vmem>>
    %dma_wait3A_1130 = arith.constant 5760 : i32
    %dma_wait3A_1131 = tpu.memref_slice %arg5[%dma_wait3A_1130] : memref<10240xi32, #tpu.memory_space<vmem>> -> memref<128xi32, #tpu.memory_space<vmem>>
    %dma_wait3A_1132 = arith.constant 0 : i32
    %dma_wait3A_1133 = tpu.memref_slice %arg3[%add3A_4, %dma_wait3A_1132] : memref<64x100000xf32, #tpu.memory_space<hbm>> -> memref<1x100000xf32, #tpu.memory_space<hbm>>
    %dma_wait3A_1134 = tpu.memref_squeeze %dma_wait3A_1133 : memref<1x100000xf32, #tpu.memory_space<hbm>> -> memref<100000xf32, #tpu.memory_space<hbm>>
    %dma_wait3A_1135 = arith.constant 0 : i32
    %dma_wait3A_1136 = tpu.memref_slice %dma_wait3A_1134[%dma_wait3A_1135] : memref<100000xf32, #tpu.memory_space<hbm>> -> memref<100000xf32, #tpu.memory_space<hbm>>
    tpu.wait_indirect_dma semaphore(%arg8 : memref<!tpu.dma_semaphore, #tpu.memory_space<semaphore_mem>>) src(%dma_wait3A_1136 : memref<100000xf32, #tpu.memory_space<hbm>>) dst(%dma_wait3A_1129 : memref<128xf32, #tpu.memory_space<vmem>>)
    %dma_wait3A_1137 = arith.constant 5888 : i32
    %dma_wait3A_1138 = tpu.memref_slice %arg6[%dma_wait3A_1137] : memref<10240xf32, #tpu.memory_space<vmem>> -> memref<128xf32, #tpu.memory_space<vmem>>
    %dma_wait3A_1139 = arith.constant 5888 : i32
    %dma_wait3A_1140 = tpu.memref_slice %arg5[%dma_wait3A_1139] : memref<10240xi32, #tpu.memory_space<vmem>> -> memref<128xi32, #tpu.memory_space<vmem>>
    %dma_wait3A_1141 = arith.constant 0 : i32
    %dma_wait3A_1142 = tpu.memref_slice %arg3[%add3A_4, %dma_wait3A_1141] : memref<64x100000xf32, #tpu.memory_space<hbm>> -> memref<1x100000xf32, #tpu.memory_space<hbm>>
    %dma_wait3A_1143 = tpu.memref_squeeze %dma_wait3A_1142 : memref<1x100000xf32, #tpu.memory_space<hbm>> -> memref<100000xf32, #tpu.memory_space<hbm>>
    %dma_wait3A_1144 = arith.constant 0 : i32
    %dma_wait3A_1145 = tpu.memref_slice %dma_wait3A_1143[%dma_wait3A_1144] : memref<100000xf32, #tpu.memory_space<hbm>> -> memref<100000xf32, #tpu.memory_space<hbm>>
    tpu.wait_indirect_dma semaphore(%arg8 : memref<!tpu.dma_semaphore, #tpu.memory_space<semaphore_mem>>) src(%dma_wait3A_1145 : memref<100000xf32, #tpu.memory_space<hbm>>) dst(%dma_wait3A_1138 : memref<128xf32, #tpu.memory_space<vmem>>)
    %dma_wait3A_1146 = arith.constant 6016 : i32
    %dma_wait3A_1147 = tpu.memref_slice %arg6[%dma_wait3A_1146] : memref<10240xf32, #tpu.memory_space<vmem>> -> memref<128xf32, #tpu.memory_space<vmem>>
    %dma_wait3A_1148 = arith.constant 6016 : i32
    %dma_wait3A_1149 = tpu.memref_slice %arg5[%dma_wait3A_1148] : memref<10240xi32, #tpu.memory_space<vmem>> -> memref<128xi32, #tpu.memory_space<vmem>>
    %dma_wait3A_1150 = arith.constant 0 : i32
    %dma_wait3A_1151 = tpu.memref_slice %arg3[%add3A_4, %dma_wait3A_1150] : memref<64x100000xf32, #tpu.memory_space<hbm>> -> memref<1x100000xf32, #tpu.memory_space<hbm>>
    %dma_wait3A_1152 = tpu.memref_squeeze %dma_wait3A_1151 : memref<1x100000xf32, #tpu.memory_space<hbm>> -> memref<100000xf32, #tpu.memory_space<hbm>>
    %dma_wait3A_1153 = arith.constant 0 : i32
    %dma_wait3A_1154 = tpu.memref_slice %dma_wait3A_1152[%dma_wait3A_1153] : memref<100000xf32, #tpu.memory_space<hbm>> -> memref<100000xf32, #tpu.memory_space<hbm>>
    tpu.wait_indirect_dma semaphore(%arg8 : memref<!tpu.dma_semaphore, #tpu.memory_space<semaphore_mem>>) src(%dma_wait3A_1154 : memref<100000xf32, #tpu.memory_space<hbm>>) dst(%dma_wait3A_1147 : memref<128xf32, #tpu.memory_space<vmem>>)
    %dma_wait3A_1155 = arith.constant 6144 : i32
    %dma_wait3A_1156 = tpu.memref_slice %arg6[%dma_wait3A_1155] : memref<10240xf32, #tpu.memory_space<vmem>> -> memref<128xf32, #tpu.memory_space<vmem>>
    %dma_wait3A_1157 = arith.constant 6144 : i32
    %dma_wait3A_1158 = tpu.memref_slice %arg5[%dma_wait3A_1157] : memref<10240xi32, #tpu.memory_space<vmem>> -> memref<128xi32, #tpu.memory_space<vmem>>
    %dma_wait3A_1159 = arith.constant 0 : i32
    %dma_wait3A_1160 = tpu.memref_slice %arg3[%add3A_4, %dma_wait3A_1159] : memref<64x100000xf32, #tpu.memory_space<hbm>> -> memref<1x100000xf32, #tpu.memory_space<hbm>>
    %dma_wait3A_1161 = tpu.memref_squeeze %dma_wait3A_1160 : memref<1x100000xf32, #tpu.memory_space<hbm>> -> memref<100000xf32, #tpu.memory_space<hbm>>
    %dma_wait3A_1162 = arith.constant 0 : i32
    %dma_wait3A_1163 = tpu.memref_slice %dma_wait3A_1161[%dma_wait3A_1162] : memref<100000xf32, #tpu.memory_space<hbm>> -> memref<100000xf32, #tpu.memory_space<hbm>>
    tpu.wait_indirect_dma semaphore(%arg8 : memref<!tpu.dma_semaphore, #tpu.memory_space<semaphore_mem>>) src(%dma_wait3A_1163 : memref<100000xf32, #tpu.memory_space<hbm>>) dst(%dma_wait3A_1156 : memref<128xf32, #tpu.memory_space<vmem>>)
    %dma_wait3A_1164 = arith.constant 6272 : i32
    %dma_wait3A_1165 = tpu.memref_slice %arg6[%dma_wait3A_1164] : memref<10240xf32, #tpu.memory_space<vmem>> -> memref<128xf32, #tpu.memory_space<vmem>>
    %dma_wait3A_1166 = arith.constant 6272 : i32
    %dma_wait3A_1167 = tpu.memref_slice %arg5[%dma_wait3A_1166] : memref<10240xi32, #tpu.memory_space<vmem>> -> memref<128xi32, #tpu.memory_space<vmem>>
    %dma_wait3A_1168 = arith.constant 0 : i32
    %dma_wait3A_1169 = tpu.memref_slice %arg3[%add3A_4, %dma_wait3A_1168] : memref<64x100000xf32, #tpu.memory_space<hbm>> -> memref<1x100000xf32, #tpu.memory_space<hbm>>
    %dma_wait3A_1170 = tpu.memref_squeeze %dma_wait3A_1169 : memref<1x100000xf32, #tpu.memory_space<hbm>> -> memref<100000xf32, #tpu.memory_space<hbm>>
    %dma_wait3A_1171 = arith.constant 0 : i32
    %dma_wait3A_1172 = tpu.memref_slice %dma_wait3A_1170[%dma_wait3A_1171] : memref<100000xf32, #tpu.memory_space<hbm>> -> memref<100000xf32, #tpu.memory_space<hbm>>
    tpu.wait_indirect_dma semaphore(%arg8 : memref<!tpu.dma_semaphore, #tpu.memory_space<semaphore_mem>>) src(%dma_wait3A_1172 : memref<100000xf32, #tpu.memory_space<hbm>>) dst(%dma_wait3A_1165 : memref<128xf32, #tpu.memory_space<vmem>>)
    %dma_wait3A_1173 = arith.constant 6400 : i32
    %dma_wait3A_1174 = tpu.memref_slice %arg6[%dma_wait3A_1173] : memref<10240xf32, #tpu.memory_space<vmem>> -> memref<128xf32, #tpu.memory_space<vmem>>
    %dma_wait3A_1175 = arith.constant 6400 : i32
    %dma_wait3A_1176 = tpu.memref_slice %arg5[%dma_wait3A_1175] : memref<10240xi32, #tpu.memory_space<vmem>> -> memref<128xi32, #tpu.memory_space<vmem>>
    %dma_wait3A_1177 = arith.constant 0 : i32
    %dma_wait3A_1178 = tpu.memref_slice %arg3[%add3A_4, %dma_wait3A_1177] : memref<64x100000xf32, #tpu.memory_space<hbm>> -> memref<1x100000xf32, #tpu.memory_space<hbm>>
    %dma_wait3A_1179 = tpu.memref_squeeze %dma_wait3A_1178 : memref<1x100000xf32, #tpu.memory_space<hbm>> -> memref<100000xf32, #tpu.memory_space<hbm>>
    %dma_wait3A_1180 = arith.constant 0 : i32
    %dma_wait3A_1181 = tpu.memref_slice %dma_wait3A_1179[%dma_wait3A_1180] : memref<100000xf32, #tpu.memory_space<hbm>> -> memref<100000xf32, #tpu.memory_space<hbm>>
    tpu.wait_indirect_dma semaphore(%arg8 : memref<!tpu.dma_semaphore, #tpu.memory_space<semaphore_mem>>) src(%dma_wait3A_1181 : memref<100000xf32, #tpu.memory_space<hbm>>) dst(%dma_wait3A_1174 : memref<128xf32, #tpu.memory_space<vmem>>)
    %dma_wait3A_1182 = arith.constant 6528 : i32
    %dma_wait3A_1183 = tpu.memref_slice %arg6[%dma_wait3A_1182] : memref<10240xf32, #tpu.memory_space<vmem>> -> memref<128xf32, #tpu.memory_space<vmem>>
    %dma_wait3A_1184 = arith.constant 6528 : i32
    %dma_wait3A_1185 = tpu.memref_slice %arg5[%dma_wait3A_1184] : memref<10240xi32, #tpu.memory_space<vmem>> -> memref<128xi32, #tpu.memory_space<vmem>>
    %dma_wait3A_1186 = arith.constant 0 : i32
    %dma_wait3A_1187 = tpu.memref_slice %arg3[%add3A_4, %dma_wait3A_1186] : memref<64x100000xf32, #tpu.memory_space<hbm>> -> memref<1x100000xf32, #tpu.memory_space<hbm>>
    %dma_wait3A_1188 = tpu.memref_squeeze %dma_wait3A_1187 : memref<1x100000xf32, #tpu.memory_space<hbm>> -> memref<100000xf32, #tpu.memory_space<hbm>>
    %dma_wait3A_1189 = arith.constant 0 : i32
    %dma_wait3A_1190 = tpu.memref_slice %dma_wait3A_1188[%dma_wait3A_1189] : memref<100000xf32, #tpu.memory_space<hbm>> -> memref<100000xf32, #tpu.memory_space<hbm>>
    tpu.wait_indirect_dma semaphore(%arg8 : memref<!tpu.dma_semaphore, #tpu.memory_space<semaphore_mem>>) src(%dma_wait3A_1190 : memref<100000xf32, #tpu.memory_space<hbm>>) dst(%dma_wait3A_1183 : memref<128xf32, #tpu.memory_space<vmem>>)
    %dma_wait3A_1191 = arith.constant 6656 : i32
    %dma_wait3A_1192 = tpu.memref_slice %arg6[%dma_wait3A_1191] : memref<10240xf32, #tpu.memory_space<vmem>> -> memref<128xf32, #tpu.memory_space<vmem>>
    %dma_wait3A_1193 = arith.constant 6656 : i32
    %dma_wait3A_1194 = tpu.memref_slice %arg5[%dma_wait3A_1193] : memref<10240xi32, #tpu.memory_space<vmem>> -> memref<128xi32, #tpu.memory_space<vmem>>
    %dma_wait3A_1195 = arith.constant 0 : i32
    %dma_wait3A_1196 = tpu.memref_slice %arg3[%add3A_4, %dma_wait3A_1195] : memref<64x100000xf32, #tpu.memory_space<hbm>> -> memref<1x100000xf32, #tpu.memory_space<hbm>>
    %dma_wait3A_1197 = tpu.memref_squeeze %dma_wait3A_1196 : memref<1x100000xf32, #tpu.memory_space<hbm>> -> memref<100000xf32, #tpu.memory_space<hbm>>
    %dma_wait3A_1198 = arith.constant 0 : i32
    %dma_wait3A_1199 = tpu.memref_slice %dma_wait3A_1197[%dma_wait3A_1198] : memref<100000xf32, #tpu.memory_space<hbm>> -> memref<100000xf32, #tpu.memory_space<hbm>>
    tpu.wait_indirect_dma semaphore(%arg8 : memref<!tpu.dma_semaphore, #tpu.memory_space<semaphore_mem>>) src(%dma_wait3A_1199 : memref<100000xf32, #tpu.memory_space<hbm>>) dst(%dma_wait3A_1192 : memref<128xf32, #tpu.memory_space<vmem>>)
    %dma_wait3A_1200 = arith.constant 6784 : i32
    %dma_wait3A_1201 = tpu.memref_slice %arg6[%dma_wait3A_1200] : memref<10240xf32, #tpu.memory_space<vmem>> -> memref<128xf32, #tpu.memory_space<vmem>>
    %dma_wait3A_1202 = arith.constant 6784 : i32
    %dma_wait3A_1203 = tpu.memref_slice %arg5[%dma_wait3A_1202] : memref<10240xi32, #tpu.memory_space<vmem>> -> memref<128xi32, #tpu.memory_space<vmem>>
    %dma_wait3A_1204 = arith.constant 0 : i32
    %dma_wait3A_1205 = tpu.memref_slice %arg3[%add3A_4, %dma_wait3A_1204] : memref<64x100000xf32, #tpu.memory_space<hbm>> -> memref<1x100000xf32, #tpu.memory_space<hbm>>
    %dma_wait3A_1206 = tpu.memref_squeeze %dma_wait3A_1205 : memref<1x100000xf32, #tpu.memory_space<hbm>> -> memref<100000xf32, #tpu.memory_space<hbm>>
    %dma_wait3A_1207 = arith.constant 0 : i32
    %dma_wait3A_1208 = tpu.memref_slice %dma_wait3A_1206[%dma_wait3A_1207] : memref<100000xf32, #tpu.memory_space<hbm>> -> memref<100000xf32, #tpu.memory_space<hbm>>
    tpu.wait_indirect_dma semaphore(%arg8 : memref<!tpu.dma_semaphore, #tpu.memory_space<semaphore_mem>>) src(%dma_wait3A_1208 : memref<100000xf32, #tpu.memory_space<hbm>>) dst(%dma_wait3A_1201 : memref<128xf32, #tpu.memory_space<vmem>>)
    %dma_wait3A_1209 = arith.constant 6912 : i32
    %dma_wait3A_1210 = tpu.memref_slice %arg6[%dma_wait3A_1209] : memref<10240xf32, #tpu.memory_space<vmem>> -> memref<128xf32, #tpu.memory_space<vmem>>
    %dma_wait3A_1211 = arith.constant 6912 : i32
    %dma_wait3A_1212 = tpu.memref_slice %arg5[%dma_wait3A_1211] : memref<10240xi32, #tpu.memory_space<vmem>> -> memref<128xi32, #tpu.memory_space<vmem>>
    %dma_wait3A_1213 = arith.constant 0 : i32
    %dma_wait3A_1214 = tpu.memref_slice %arg3[%add3A_4, %dma_wait3A_1213] : memref<64x100000xf32, #tpu.memory_space<hbm>> -> memref<1x100000xf32, #tpu.memory_space<hbm>>
    %dma_wait3A_1215 = tpu.memref_squeeze %dma_wait3A_1214 : memref<1x100000xf32, #tpu.memory_space<hbm>> -> memref<100000xf32, #tpu.memory_space<hbm>>
    %dma_wait3A_1216 = arith.constant 0 : i32
    %dma_wait3A_1217 = tpu.memref_slice %dma_wait3A_1215[%dma_wait3A_1216] : memref<100000xf32, #tpu.memory_space<hbm>> -> memref<100000xf32, #tpu.memory_space<hbm>>
    tpu.wait_indirect_dma semaphore(%arg8 : memref<!tpu.dma_semaphore, #tpu.memory_space<semaphore_mem>>) src(%dma_wait3A_1217 : memref<100000xf32, #tpu.memory_space<hbm>>) dst(%dma_wait3A_1210 : memref<128xf32, #tpu.memory_space<vmem>>)
    %dma_wait3A_1218 = arith.constant 7040 : i32
    %dma_wait3A_1219 = tpu.memref_slice %arg6[%dma_wait3A_1218] : memref<10240xf32, #tpu.memory_space<vmem>> -> memref<128xf32, #tpu.memory_space<vmem>>
    %dma_wait3A_1220 = arith.constant 7040 : i32
    %dma_wait3A_1221 = tpu.memref_slice %arg5[%dma_wait3A_1220] : memref<10240xi32, #tpu.memory_space<vmem>> -> memref<128xi32, #tpu.memory_space<vmem>>
    %dma_wait3A_1222 = arith.constant 0 : i32
    %dma_wait3A_1223 = tpu.memref_slice %arg3[%add3A_4, %dma_wait3A_1222] : memref<64x100000xf32, #tpu.memory_space<hbm>> -> memref<1x100000xf32, #tpu.memory_space<hbm>>
    %dma_wait3A_1224 = tpu.memref_squeeze %dma_wait3A_1223 : memref<1x100000xf32, #tpu.memory_space<hbm>> -> memref<100000xf32, #tpu.memory_space<hbm>>
    %dma_wait3A_1225 = arith.constant 0 : i32
    %dma_wait3A_1226 = tpu.memref_slice %dma_wait3A_1224[%dma_wait3A_1225] : memref<100000xf32, #tpu.memory_space<hbm>> -> memref<100000xf32, #tpu.memory_space<hbm>>
    tpu.wait_indirect_dma semaphore(%arg8 : memref<!tpu.dma_semaphore, #tpu.memory_space<semaphore_mem>>) src(%dma_wait3A_1226 : memref<100000xf32, #tpu.memory_space<hbm>>) dst(%dma_wait3A_1219 : memref<128xf32, #tpu.memory_space<vmem>>)
    %dma_wait3A_1227 = arith.constant 7168 : i32
    %dma_wait3A_1228 = tpu.memref_slice %arg6[%dma_wait3A_1227] : memref<10240xf32, #tpu.memory_space<vmem>> -> memref<128xf32, #tpu.memory_space<vmem>>
    %dma_wait3A_1229 = arith.constant 7168 : i32
    %dma_wait3A_1230 = tpu.memref_slice %arg5[%dma_wait3A_1229] : memref<10240xi32, #tpu.memory_space<vmem>> -> memref<128xi32, #tpu.memory_space<vmem>>
    %dma_wait3A_1231 = arith.constant 0 : i32
    %dma_wait3A_1232 = tpu.memref_slice %arg3[%add3A_4, %dma_wait3A_1231] : memref<64x100000xf32, #tpu.memory_space<hbm>> -> memref<1x100000xf32, #tpu.memory_space<hbm>>
    %dma_wait3A_1233 = tpu.memref_squeeze %dma_wait3A_1232 : memref<1x100000xf32, #tpu.memory_space<hbm>> -> memref<100000xf32, #tpu.memory_space<hbm>>
    %dma_wait3A_1234 = arith.constant 0 : i32
    %dma_wait3A_1235 = tpu.memref_slice %dma_wait3A_1233[%dma_wait3A_1234] : memref<100000xf32, #tpu.memory_space<hbm>> -> memref<100000xf32, #tpu.memory_space<hbm>>
    tpu.wait_indirect_dma semaphore(%arg8 : memref<!tpu.dma_semaphore, #tpu.memory_space<semaphore_mem>>) src(%dma_wait3A_1235 : memref<100000xf32, #tpu.memory_space<hbm>>) dst(%dma_wait3A_1228 : memref<128xf32, #tpu.memory_space<vmem>>)
    %dma_wait3A_1236 = arith.constant 7296 : i32
    %dma_wait3A_1237 = tpu.memref_slice %arg6[%dma_wait3A_1236] : memref<10240xf32, #tpu.memory_space<vmem>> -> memref<128xf32, #tpu.memory_space<vmem>>
    %dma_wait3A_1238 = arith.constant 7296 : i32
    %dma_wait3A_1239 = tpu.memref_slice %arg5[%dma_wait3A_1238] : memref<10240xi32, #tpu.memory_space<vmem>> -> memref<128xi32, #tpu.memory_space<vmem>>
    %dma_wait3A_1240 = arith.constant 0 : i32
    %dma_wait3A_1241 = tpu.memref_slice %arg3[%add3A_4, %dma_wait3A_1240] : memref<64x100000xf32, #tpu.memory_space<hbm>> -> memref<1x100000xf32, #tpu.memory_space<hbm>>
    %dma_wait3A_1242 = tpu.memref_squeeze %dma_wait3A_1241 : memref<1x100000xf32, #tpu.memory_space<hbm>> -> memref<100000xf32, #tpu.memory_space<hbm>>
    %dma_wait3A_1243 = arith.constant 0 : i32
    %dma_wait3A_1244 = tpu.memref_slice %dma_wait3A_1242[%dma_wait3A_1243] : memref<100000xf32, #tpu.memory_space<hbm>> -> memref<100000xf32, #tpu.memory_space<hbm>>
    tpu.wait_indirect_dma semaphore(%arg8 : memref<!tpu.dma_semaphore, #tpu.memory_space<semaphore_mem>>) src(%dma_wait3A_1244 : memref<100000xf32, #tpu.memory_space<hbm>>) dst(%dma_wait3A_1237 : memref<128xf32, #tpu.memory_space<vmem>>)
    %dma_wait3A_1245 = arith.constant 7424 : i32
    %dma_wait3A_1246 = tpu.memref_slice %arg6[%dma_wait3A_1245] : memref<10240xf32, #tpu.memory_space<vmem>> -> memref<128xf32, #tpu.memory_space<vmem>>
    %dma_wait3A_1247 = arith.constant 7424 : i32
    %dma_wait3A_1248 = tpu.memref_slice %arg5[%dma_wait3A_1247] : memref<10240xi32, #tpu.memory_space<vmem>> -> memref<128xi32, #tpu.memory_space<vmem>>
    %dma_wait3A_1249 = arith.constant 0 : i32
    %dma_wait3A_1250 = tpu.memref_slice %arg3[%add3A_4, %dma_wait3A_1249] : memref<64x100000xf32, #tpu.memory_space<hbm>> -> memref<1x100000xf32, #tpu.memory_space<hbm>>
    %dma_wait3A_1251 = tpu.memref_squeeze %dma_wait3A_1250 : memref<1x100000xf32, #tpu.memory_space<hbm>> -> memref<100000xf32, #tpu.memory_space<hbm>>
    %dma_wait3A_1252 = arith.constant 0 : i32
    %dma_wait3A_1253 = tpu.memref_slice %dma_wait3A_1251[%dma_wait3A_1252] : memref<100000xf32, #tpu.memory_space<hbm>> -> memref<100000xf32, #tpu.memory_space<hbm>>
    tpu.wait_indirect_dma semaphore(%arg8 : memref<!tpu.dma_semaphore, #tpu.memory_space<semaphore_mem>>) src(%dma_wait3A_1253 : memref<100000xf32, #tpu.memory_space<hbm>>) dst(%dma_wait3A_1246 : memref<128xf32, #tpu.memory_space<vmem>>)
    %dma_wait3A_1254 = arith.constant 7552 : i32
    %dma_wait3A_1255 = tpu.memref_slice %arg6[%dma_wait3A_1254] : memref<10240xf32, #tpu.memory_space<vmem>> -> memref<128xf32, #tpu.memory_space<vmem>>
    %dma_wait3A_1256 = arith.constant 7552 : i32
    %dma_wait3A_1257 = tpu.memref_slice %arg5[%dma_wait3A_1256] : memref<10240xi32, #tpu.memory_space<vmem>> -> memref<128xi32, #tpu.memory_space<vmem>>
    %dma_wait3A_1258 = arith.constant 0 : i32
    %dma_wait3A_1259 = tpu.memref_slice %arg3[%add3A_4, %dma_wait3A_1258] : memref<64x100000xf32, #tpu.memory_space<hbm>> -> memref<1x100000xf32, #tpu.memory_space<hbm>>
    %dma_wait3A_1260 = tpu.memref_squeeze %dma_wait3A_1259 : memref<1x100000xf32, #tpu.memory_space<hbm>> -> memref<100000xf32, #tpu.memory_space<hbm>>
    %dma_wait3A_1261 = arith.constant 0 : i32
    %dma_wait3A_1262 = tpu.memref_slice %dma_wait3A_1260[%dma_wait3A_1261] : memref<100000xf32, #tpu.memory_space<hbm>> -> memref<100000xf32, #tpu.memory_space<hbm>>
    tpu.wait_indirect_dma semaphore(%arg8 : memref<!tpu.dma_semaphore, #tpu.memory_space<semaphore_mem>>) src(%dma_wait3A_1262 : memref<100000xf32, #tpu.memory_space<hbm>>) dst(%dma_wait3A_1255 : memref<128xf32, #tpu.memory_space<vmem>>)
    %dma_wait3A_1263 = arith.constant 7680 : i32
    %dma_wait3A_1264 = tpu.memref_slice %arg6[%dma_wait3A_1263] : memref<10240xf32, #tpu.memory_space<vmem>> -> memref<128xf32, #tpu.memory_space<vmem>>
    %dma_wait3A_1265 = arith.constant 7680 : i32
    %dma_wait3A_1266 = tpu.memref_slice %arg5[%dma_wait3A_1265] : memref<10240xi32, #tpu.memory_space<vmem>> -> memref<128xi32, #tpu.memory_space<vmem>>
    %dma_wait3A_1267 = arith.constant 0 : i32
    %dma_wait3A_1268 = tpu.memref_slice %arg3[%add3A_4, %dma_wait3A_1267] : memref<64x100000xf32, #tpu.memory_space<hbm>> -> memref<1x100000xf32, #tpu.memory_space<hbm>>
    %dma_wait3A_1269 = tpu.memref_squeeze %dma_wait3A_1268 : memref<1x100000xf32, #tpu.memory_space<hbm>> -> memref<100000xf32, #tpu.memory_space<hbm>>
    %dma_wait3A_1270 = arith.constant 0 : i32
    %dma_wait3A_1271 = tpu.memref_slice %dma_wait3A_1269[%dma_wait3A_1270] : memref<100000xf32, #tpu.memory_space<hbm>> -> memref<100000xf32, #tpu.memory_space<hbm>>
    tpu.wait_indirect_dma semaphore(%arg8 : memref<!tpu.dma_semaphore, #tpu.memory_space<semaphore_mem>>) src(%dma_wait3A_1271 : memref<100000xf32, #tpu.memory_space<hbm>>) dst(%dma_wait3A_1264 : memref<128xf32, #tpu.memory_space<vmem>>)
    %dma_wait3A_1272 = arith.constant 7808 : i32
    %dma_wait3A_1273 = tpu.memref_slice %arg6[%dma_wait3A_1272] : memref<10240xf32, #tpu.memory_space<vmem>> -> memref<128xf32, #tpu.memory_space<vmem>>
    %dma_wait3A_1274 = arith.constant 7808 : i32
    %dma_wait3A_1275 = tpu.memref_slice %arg5[%dma_wait3A_1274] : memref<10240xi32, #tpu.memory_space<vmem>> -> memref<128xi32, #tpu.memory_space<vmem>>
    %dma_wait3A_1276 = arith.constant 0 : i32
    %dma_wait3A_1277 = tpu.memref_slice %arg3[%add3A_4, %dma_wait3A_1276] : memref<64x100000xf32, #tpu.memory_space<hbm>> -> memref<1x100000xf32, #tpu.memory_space<hbm>>
    %dma_wait3A_1278 = tpu.memref_squeeze %dma_wait3A_1277 : memref<1x100000xf32, #tpu.memory_space<hbm>> -> memref<100000xf32, #tpu.memory_space<hbm>>
    %dma_wait3A_1279 = arith.constant 0 : i32
    %dma_wait3A_1280 = tpu.memref_slice %dma_wait3A_1278[%dma_wait3A_1279] : memref<100000xf32, #tpu.memory_space<hbm>> -> memref<100000xf32, #tpu.memory_space<hbm>>
    tpu.wait_indirect_dma semaphore(%arg8 : memref<!tpu.dma_semaphore, #tpu.memory_space<semaphore_mem>>) src(%dma_wait3A_1280 : memref<100000xf32, #tpu.memory_space<hbm>>) dst(%dma_wait3A_1273 : memref<128xf32, #tpu.memory_space<vmem>>)
    %dma_wait3A_1281 = arith.constant 7936 : i32
    %dma_wait3A_1282 = tpu.memref_slice %arg6[%dma_wait3A_1281] : memref<10240xf32, #tpu.memory_space<vmem>> -> memref<128xf32, #tpu.memory_space<vmem>>
    %dma_wait3A_1283 = arith.constant 7936 : i32
    %dma_wait3A_1284 = tpu.memref_slice %arg5[%dma_wait3A_1283] : memref<10240xi32, #tpu.memory_space<vmem>> -> memref<128xi32, #tpu.memory_space<vmem>>
    %dma_wait3A_1285 = arith.constant 0 : i32
    %dma_wait3A_1286 = tpu.memref_slice %arg3[%add3A_4, %dma_wait3A_1285] : memref<64x100000xf32, #tpu.memory_space<hbm>> -> memref<1x100000xf32, #tpu.memory_space<hbm>>
    %dma_wait3A_1287 = tpu.memref_squeeze %dma_wait3A_1286 : memref<1x100000xf32, #tpu.memory_space<hbm>> -> memref<100000xf32, #tpu.memory_space<hbm>>
    %dma_wait3A_1288 = arith.constant 0 : i32
    %dma_wait3A_1289 = tpu.memref_slice %dma_wait3A_1287[%dma_wait3A_1288] : memref<100000xf32, #tpu.memory_space<hbm>> -> memref<100000xf32, #tpu.memory_space<hbm>>
    tpu.wait_indirect_dma semaphore(%arg8 : memref<!tpu.dma_semaphore, #tpu.memory_space<semaphore_mem>>) src(%dma_wait3A_1289 : memref<100000xf32, #tpu.memory_space<hbm>>) dst(%dma_wait3A_1282 : memref<128xf32, #tpu.memory_space<vmem>>)
    %dma_wait3A_1290 = arith.constant 8064 : i32
    %dma_wait3A_1291 = tpu.memref_slice %arg6[%dma_wait3A_1290] : memref<10240xf32, #tpu.memory_space<vmem>> -> memref<128xf32, #tpu.memory_space<vmem>>
    %dma_wait3A_1292 = arith.constant 8064 : i32
    %dma_wait3A_1293 = tpu.memref_slice %arg5[%dma_wait3A_1292] : memref<10240xi32, #tpu.memory_space<vmem>> -> memref<128xi32, #tpu.memory_space<vmem>>
    %dma_wait3A_1294 = arith.constant 0 : i32
    %dma_wait3A_1295 = tpu.memref_slice %arg3[%add3A_4, %dma_wait3A_1294] : memref<64x100000xf32, #tpu.memory_space<hbm>> -> memref<1x100000xf32, #tpu.memory_space<hbm>>
    %dma_wait3A_1296 = tpu.memref_squeeze %dma_wait3A_1295 : memref<1x100000xf32, #tpu.memory_space<hbm>> -> memref<100000xf32, #tpu.memory_space<hbm>>
    %dma_wait3A_1297 = arith.constant 0 : i32
    %dma_wait3A_1298 = tpu.memref_slice %dma_wait3A_1296[%dma_wait3A_1297] : memref<100000xf32, #tpu.memory_space<hbm>> -> memref<100000xf32, #tpu.memory_space<hbm>>
    tpu.wait_indirect_dma semaphore(%arg8 : memref<!tpu.dma_semaphore, #tpu.memory_space<semaphore_mem>>) src(%dma_wait3A_1298 : memref<100000xf32, #tpu.memory_space<hbm>>) dst(%dma_wait3A_1291 : memref<128xf32, #tpu.memory_space<vmem>>)
    %dma_wait3A_1299 = arith.constant 8192 : i32
    %dma_wait3A_1300 = tpu.memref_slice %arg6[%dma_wait3A_1299] : memref<10240xf32, #tpu.memory_space<vmem>> -> memref<128xf32, #tpu.memory_space<vmem>>
    %dma_wait3A_1301 = arith.constant 8192 : i32
    %dma_wait3A_1302 = tpu.memref_slice %arg5[%dma_wait3A_1301] : memref<10240xi32, #tpu.memory_space<vmem>> -> memref<128xi32, #tpu.memory_space<vmem>>
    %dma_wait3A_1303 = arith.constant 0 : i32
    %dma_wait3A_1304 = tpu.memref_slice %arg3[%add3A_4, %dma_wait3A_1303] : memref<64x100000xf32, #tpu.memory_space<hbm>> -> memref<1x100000xf32, #tpu.memory_space<hbm>>
    %dma_wait3A_1305 = tpu.memref_squeeze %dma_wait3A_1304 : memref<1x100000xf32, #tpu.memory_space<hbm>> -> memref<100000xf32, #tpu.memory_space<hbm>>
    %dma_wait3A_1306 = arith.constant 0 : i32
    %dma_wait3A_1307 = tpu.memref_slice %dma_wait3A_1305[%dma_wait3A_1306] : memref<100000xf32, #tpu.memory_space<hbm>> -> memref<100000xf32, #tpu.memory_space<hbm>>
    tpu.wait_indirect_dma semaphore(%arg8 : memref<!tpu.dma_semaphore, #tpu.memory_space<semaphore_mem>>) src(%dma_wait3A_1307 : memref<100000xf32, #tpu.memory_space<hbm>>) dst(%dma_wait3A_1300 : memref<128xf32, #tpu.memory_space<vmem>>)
    %dma_wait3A_1308 = arith.constant 8320 : i32
    %dma_wait3A_1309 = tpu.memref_slice %arg6[%dma_wait3A_1308] : memref<10240xf32, #tpu.memory_space<vmem>> -> memref<128xf32, #tpu.memory_space<vmem>>
    %dma_wait3A_1310 = arith.constant 8320 : i32
    %dma_wait3A_1311 = tpu.memref_slice %arg5[%dma_wait3A_1310] : memref<10240xi32, #tpu.memory_space<vmem>> -> memref<128xi32, #tpu.memory_space<vmem>>
    %dma_wait3A_1312 = arith.constant 0 : i32
    %dma_wait3A_1313 = tpu.memref_slice %arg3[%add3A_4, %dma_wait3A_1312] : memref<64x100000xf32, #tpu.memory_space<hbm>> -> memref<1x100000xf32, #tpu.memory_space<hbm>>
    %dma_wait3A_1314 = tpu.memref_squeeze %dma_wait3A_1313 : memref<1x100000xf32, #tpu.memory_space<hbm>> -> memref<100000xf32, #tpu.memory_space<hbm>>
    %dma_wait3A_1315 = arith.constant 0 : i32
    %dma_wait3A_1316 = tpu.memref_slice %dma_wait3A_1314[%dma_wait3A_1315] : memref<100000xf32, #tpu.memory_space<hbm>> -> memref<100000xf32, #tpu.memory_space<hbm>>
    tpu.wait_indirect_dma semaphore(%arg8 : memref<!tpu.dma_semaphore, #tpu.memory_space<semaphore_mem>>) src(%dma_wait3A_1316 : memref<100000xf32, #tpu.memory_space<hbm>>) dst(%dma_wait3A_1309 : memref<128xf32, #tpu.memory_space<vmem>>)
    %dma_wait3A_1317 = arith.constant 8448 : i32
    %dma_wait3A_1318 = tpu.memref_slice %arg6[%dma_wait3A_1317] : memref<10240xf32, #tpu.memory_space<vmem>> -> memref<128xf32, #tpu.memory_space<vmem>>
    %dma_wait3A_1319 = arith.constant 8448 : i32
    %dma_wait3A_1320 = tpu.memref_slice %arg5[%dma_wait3A_1319] : memref<10240xi32, #tpu.memory_space<vmem>> -> memref<128xi32, #tpu.memory_space<vmem>>
    %dma_wait3A_1321 = arith.constant 0 : i32
    %dma_wait3A_1322 = tpu.memref_slice %arg3[%add3A_4, %dma_wait3A_1321] : memref<64x100000xf32, #tpu.memory_space<hbm>> -> memref<1x100000xf32, #tpu.memory_space<hbm>>
    %dma_wait3A_1323 = tpu.memref_squeeze %dma_wait3A_1322 : memref<1x100000xf32, #tpu.memory_space<hbm>> -> memref<100000xf32, #tpu.memory_space<hbm>>
    %dma_wait3A_1324 = arith.constant 0 : i32
    %dma_wait3A_1325 = tpu.memref_slice %dma_wait3A_1323[%dma_wait3A_1324] : memref<100000xf32, #tpu.memory_space<hbm>> -> memref<100000xf32, #tpu.memory_space<hbm>>
    tpu.wait_indirect_dma semaphore(%arg8 : memref<!tpu.dma_semaphore, #tpu.memory_space<semaphore_mem>>) src(%dma_wait3A_1325 : memref<100000xf32, #tpu.memory_space<hbm>>) dst(%dma_wait3A_1318 : memref<128xf32, #tpu.memory_space<vmem>>)
    %dma_wait3A_1326 = arith.constant 8576 : i32
    %dma_wait3A_1327 = tpu.memref_slice %arg6[%dma_wait3A_1326] : memref<10240xf32, #tpu.memory_space<vmem>> -> memref<128xf32, #tpu.memory_space<vmem>>
    %dma_wait3A_1328 = arith.constant 8576 : i32
    %dma_wait3A_1329 = tpu.memref_slice %arg5[%dma_wait3A_1328] : memref<10240xi32, #tpu.memory_space<vmem>> -> memref<128xi32, #tpu.memory_space<vmem>>
    %dma_wait3A_1330 = arith.constant 0 : i32
    %dma_wait3A_1331 = tpu.memref_slice %arg3[%add3A_4, %dma_wait3A_1330] : memref<64x100000xf32, #tpu.memory_space<hbm>> -> memref<1x100000xf32, #tpu.memory_space<hbm>>
    %dma_wait3A_1332 = tpu.memref_squeeze %dma_wait3A_1331 : memref<1x100000xf32, #tpu.memory_space<hbm>> -> memref<100000xf32, #tpu.memory_space<hbm>>
    %dma_wait3A_1333 = arith.constant 0 : i32
    %dma_wait3A_1334 = tpu.memref_slice %dma_wait3A_1332[%dma_wait3A_1333] : memref<100000xf32, #tpu.memory_space<hbm>> -> memref<100000xf32, #tpu.memory_space<hbm>>
    tpu.wait_indirect_dma semaphore(%arg8 : memref<!tpu.dma_semaphore, #tpu.memory_space<semaphore_mem>>) src(%dma_wait3A_1334 : memref<100000xf32, #tpu.memory_space<hbm>>) dst(%dma_wait3A_1327 : memref<128xf32, #tpu.memory_space<vmem>>)
    %dma_wait3A_1335 = arith.constant 8704 : i32
    %dma_wait3A_1336 = tpu.memref_slice %arg6[%dma_wait3A_1335] : memref<10240xf32, #tpu.memory_space<vmem>> -> memref<128xf32, #tpu.memory_space<vmem>>
    %dma_wait3A_1337 = arith.constant 8704 : i32
    %dma_wait3A_1338 = tpu.memref_slice %arg5[%dma_wait3A_1337] : memref<10240xi32, #tpu.memory_space<vmem>> -> memref<128xi32, #tpu.memory_space<vmem>>
    %dma_wait3A_1339 = arith.constant 0 : i32
    %dma_wait3A_1340 = tpu.memref_slice %arg3[%add3A_4, %dma_wait3A_1339] : memref<64x100000xf32, #tpu.memory_space<hbm>> -> memref<1x100000xf32, #tpu.memory_space<hbm>>
    %dma_wait3A_1341 = tpu.memref_squeeze %dma_wait3A_1340 : memref<1x100000xf32, #tpu.memory_space<hbm>> -> memref<100000xf32, #tpu.memory_space<hbm>>
    %dma_wait3A_1342 = arith.constant 0 : i32
    %dma_wait3A_1343 = tpu.memref_slice %dma_wait3A_1341[%dma_wait3A_1342] : memref<100000xf32, #tpu.memory_space<hbm>> -> memref<100000xf32, #tpu.memory_space<hbm>>
    tpu.wait_indirect_dma semaphore(%arg8 : memref<!tpu.dma_semaphore, #tpu.memory_space<semaphore_mem>>) src(%dma_wait3A_1343 : memref<100000xf32, #tpu.memory_space<hbm>>) dst(%dma_wait3A_1336 : memref<128xf32, #tpu.memory_space<vmem>>)
    %dma_wait3A_1344 = arith.constant 8832 : i32
    %dma_wait3A_1345 = tpu.memref_slice %arg6[%dma_wait3A_1344] : memref<10240xf32, #tpu.memory_space<vmem>> -> memref<128xf32, #tpu.memory_space<vmem>>
    %dma_wait3A_1346 = arith.constant 8832 : i32
    %dma_wait3A_1347 = tpu.memref_slice %arg5[%dma_wait3A_1346] : memref<10240xi32, #tpu.memory_space<vmem>> -> memref<128xi32, #tpu.memory_space<vmem>>
    %dma_wait3A_1348 = arith.constant 0 : i32
    %dma_wait3A_1349 = tpu.memref_slice %arg3[%add3A_4, %dma_wait3A_1348] : memref<64x100000xf32, #tpu.memory_space<hbm>> -> memref<1x100000xf32, #tpu.memory_space<hbm>>
    %dma_wait3A_1350 = tpu.memref_squeeze %dma_wait3A_1349 : memref<1x100000xf32, #tpu.memory_space<hbm>> -> memref<100000xf32, #tpu.memory_space<hbm>>
    %dma_wait3A_1351 = arith.constant 0 : i32
    %dma_wait3A_1352 = tpu.memref_slice %dma_wait3A_1350[%dma_wait3A_1351] : memref<100000xf32, #tpu.memory_space<hbm>> -> memref<100000xf32, #tpu.memory_space<hbm>>
    tpu.wait_indirect_dma semaphore(%arg8 : memref<!tpu.dma_semaphore, #tpu.memory_space<semaphore_mem>>) src(%dma_wait3A_1352 : memref<100000xf32, #tpu.memory_space<hbm>>) dst(%dma_wait3A_1345 : memref<128xf32, #tpu.memory_space<vmem>>)
    %dma_wait3A_1353 = arith.constant 8960 : i32
    %dma_wait3A_1354 = tpu.memref_slice %arg6[%dma_wait3A_1353] : memref<10240xf32, #tpu.memory_space<vmem>> -> memref<128xf32, #tpu.memory_space<vmem>>
    %dma_wait3A_1355 = arith.constant 8960 : i32
    %dma_wait3A_1356 = tpu.memref_slice %arg5[%dma_wait3A_1355] : memref<10240xi32, #tpu.memory_space<vmem>> -> memref<128xi32, #tpu.memory_space<vmem>>
    %dma_wait3A_1357 = arith.constant 0 : i32
    %dma_wait3A_1358 = tpu.memref_slice %arg3[%add3A_4, %dma_wait3A_1357] : memref<64x100000xf32, #tpu.memory_space<hbm>> -> memref<1x100000xf32, #tpu.memory_space<hbm>>
    %dma_wait3A_1359 = tpu.memref_squeeze %dma_wait3A_1358 : memref<1x100000xf32, #tpu.memory_space<hbm>> -> memref<100000xf32, #tpu.memory_space<hbm>>
    %dma_wait3A_1360 = arith.constant 0 : i32
    %dma_wait3A_1361 = tpu.memref_slice %dma_wait3A_1359[%dma_wait3A_1360] : memref<100000xf32, #tpu.memory_space<hbm>> -> memref<100000xf32, #tpu.memory_space<hbm>>
    tpu.wait_indirect_dma semaphore(%arg8 : memref<!tpu.dma_semaphore, #tpu.memory_space<semaphore_mem>>) src(%dma_wait3A_1361 : memref<100000xf32, #tpu.memory_space<hbm>>) dst(%dma_wait3A_1354 : memref<128xf32, #tpu.memory_space<vmem>>)
    %dma_wait3A_1362 = arith.constant 9088 : i32
    %dma_wait3A_1363 = tpu.memref_slice %arg6[%dma_wait3A_1362] : memref<10240xf32, #tpu.memory_space<vmem>> -> memref<128xf32, #tpu.memory_space<vmem>>
    %dma_wait3A_1364 = arith.constant 9088 : i32
    %dma_wait3A_1365 = tpu.memref_slice %arg5[%dma_wait3A_1364] : memref<10240xi32, #tpu.memory_space<vmem>> -> memref<128xi32, #tpu.memory_space<vmem>>
    %dma_wait3A_1366 = arith.constant 0 : i32
    %dma_wait3A_1367 = tpu.memref_slice %arg3[%add3A_4, %dma_wait3A_1366] : memref<64x100000xf32, #tpu.memory_space<hbm>> -> memref<1x100000xf32, #tpu.memory_space<hbm>>
    %dma_wait3A_1368 = tpu.memref_squeeze %dma_wait3A_1367 : memref<1x100000xf32, #tpu.memory_space<hbm>> -> memref<100000xf32, #tpu.memory_space<hbm>>
    %dma_wait3A_1369 = arith.constant 0 : i32
    %dma_wait3A_1370 = tpu.memref_slice %dma_wait3A_1368[%dma_wait3A_1369] : memref<100000xf32, #tpu.memory_space<hbm>> -> memref<100000xf32, #tpu.memory_space<hbm>>
    tpu.wait_indirect_dma semaphore(%arg8 : memref<!tpu.dma_semaphore, #tpu.memory_space<semaphore_mem>>) src(%dma_wait3A_1370 : memref<100000xf32, #tpu.memory_space<hbm>>) dst(%dma_wait3A_1363 : memref<128xf32, #tpu.memory_space<vmem>>)
    %dma_wait3A_1371 = arith.constant 9216 : i32
    %dma_wait3A_1372 = tpu.memref_slice %arg6[%dma_wait3A_1371] : memref<10240xf32, #tpu.memory_space<vmem>> -> memref<128xf32, #tpu.memory_space<vmem>>
    %dma_wait3A_1373 = arith.constant 9216 : i32
    %dma_wait3A_1374 = tpu.memref_slice %arg5[%dma_wait3A_1373] : memref<10240xi32, #tpu.memory_space<vmem>> -> memref<128xi32, #tpu.memory_space<vmem>>
    %dma_wait3A_1375 = arith.constant 0 : i32
    %dma_wait3A_1376 = tpu.memref_slice %arg3[%add3A_4, %dma_wait3A_1375] : memref<64x100000xf32, #tpu.memory_space<hbm>> -> memref<1x100000xf32, #tpu.memory_space<hbm>>
    %dma_wait3A_1377 = tpu.memref_squeeze %dma_wait3A_1376 : memref<1x100000xf32, #tpu.memory_space<hbm>> -> memref<100000xf32, #tpu.memory_space<hbm>>
    %dma_wait3A_1378 = arith.constant 0 : i32
    %dma_wait3A_1379 = tpu.memref_slice %dma_wait3A_1377[%dma_wait3A_1378] : memref<100000xf32, #tpu.memory_space<hbm>> -> memref<100000xf32, #tpu.memory_space<hbm>>
    tpu.wait_indirect_dma semaphore(%arg8 : memref<!tpu.dma_semaphore, #tpu.memory_space<semaphore_mem>>) src(%dma_wait3A_1379 : memref<100000xf32, #tpu.memory_space<hbm>>) dst(%dma_wait3A_1372 : memref<128xf32, #tpu.memory_space<vmem>>)
    %dma_wait3A_1380 = arith.constant 9344 : i32
    %dma_wait3A_1381 = tpu.memref_slice %arg6[%dma_wait3A_1380] : memref<10240xf32, #tpu.memory_space<vmem>> -> memref<128xf32, #tpu.memory_space<vmem>>
    %dma_wait3A_1382 = arith.constant 9344 : i32
    %dma_wait3A_1383 = tpu.memref_slice %arg5[%dma_wait3A_1382] : memref<10240xi32, #tpu.memory_space<vmem>> -> memref<128xi32, #tpu.memory_space<vmem>>
    %dma_wait3A_1384 = arith.constant 0 : i32
    %dma_wait3A_1385 = tpu.memref_slice %arg3[%add3A_4, %dma_wait3A_1384] : memref<64x100000xf32, #tpu.memory_space<hbm>> -> memref<1x100000xf32, #tpu.memory_space<hbm>>
    %dma_wait3A_1386 = tpu.memref_squeeze %dma_wait3A_1385 : memref<1x100000xf32, #tpu.memory_space<hbm>> -> memref<100000xf32, #tpu.memory_space<hbm>>
    %dma_wait3A_1387 = arith.constant 0 : i32
    %dma_wait3A_1388 = tpu.memref_slice %dma_wait3A_1386[%dma_wait3A_1387] : memref<100000xf32, #tpu.memory_space<hbm>> -> memref<100000xf32, #tpu.memory_space<hbm>>
    tpu.wait_indirect_dma semaphore(%arg8 : memref<!tpu.dma_semaphore, #tpu.memory_space<semaphore_mem>>) src(%dma_wait3A_1388 : memref<100000xf32, #tpu.memory_space<hbm>>) dst(%dma_wait3A_1381 : memref<128xf32, #tpu.memory_space<vmem>>)
    %dma_wait3A_1389 = arith.constant 9472 : i32
    %dma_wait3A_1390 = tpu.memref_slice %arg6[%dma_wait3A_1389] : memref<10240xf32, #tpu.memory_space<vmem>> -> memref<128xf32, #tpu.memory_space<vmem>>
    %dma_wait3A_1391 = arith.constant 9472 : i32
    %dma_wait3A_1392 = tpu.memref_slice %arg5[%dma_wait3A_1391] : memref<10240xi32, #tpu.memory_space<vmem>> -> memref<128xi32, #tpu.memory_space<vmem>>
    %dma_wait3A_1393 = arith.constant 0 : i32
    %dma_wait3A_1394 = tpu.memref_slice %arg3[%add3A_4, %dma_wait3A_1393] : memref<64x100000xf32, #tpu.memory_space<hbm>> -> memref<1x100000xf32, #tpu.memory_space<hbm>>
    %dma_wait3A_1395 = tpu.memref_squeeze %dma_wait3A_1394 : memref<1x100000xf32, #tpu.memory_space<hbm>> -> memref<100000xf32, #tpu.memory_space<hbm>>
    %dma_wait3A_1396 = arith.constant 0 : i32
    %dma_wait3A_1397 = tpu.memref_slice %dma_wait3A_1395[%dma_wait3A_1396] : memref<100000xf32, #tpu.memory_space<hbm>> -> memref<100000xf32, #tpu.memory_space<hbm>>
    tpu.wait_indirect_dma semaphore(%arg8 : memref<!tpu.dma_semaphore, #tpu.memory_space<semaphore_mem>>) src(%dma_wait3A_1397 : memref<100000xf32, #tpu.memory_space<hbm>>) dst(%dma_wait3A_1390 : memref<128xf32, #tpu.memory_space<vmem>>)
    %dma_wait3A_1398 = arith.constant 9600 : i32
    %dma_wait3A_1399 = tpu.memref_slice %arg6[%dma_wait3A_1398] : memref<10240xf32, #tpu.memory_space<vmem>> -> memref<128xf32, #tpu.memory_space<vmem>>
    %dma_wait3A_1400 = arith.constant 9600 : i32
    %dma_wait3A_1401 = tpu.memref_slice %arg5[%dma_wait3A_1400] : memref<10240xi32, #tpu.memory_space<vmem>> -> memref<128xi32, #tpu.memory_space<vmem>>
    %dma_wait3A_1402 = arith.constant 0 : i32
    %dma_wait3A_1403 = tpu.memref_slice %arg3[%add3A_4, %dma_wait3A_1402] : memref<64x100000xf32, #tpu.memory_space<hbm>> -> memref<1x100000xf32, #tpu.memory_space<hbm>>
    %dma_wait3A_1404 = tpu.memref_squeeze %dma_wait3A_1403 : memref<1x100000xf32, #tpu.memory_space<hbm>> -> memref<100000xf32, #tpu.memory_space<hbm>>
    %dma_wait3A_1405 = arith.constant 0 : i32
    %dma_wait3A_1406 = tpu.memref_slice %dma_wait3A_1404[%dma_wait3A_1405] : memref<100000xf32, #tpu.memory_space<hbm>> -> memref<100000xf32, #tpu.memory_space<hbm>>
    tpu.wait_indirect_dma semaphore(%arg8 : memref<!tpu.dma_semaphore, #tpu.memory_space<semaphore_mem>>) src(%dma_wait3A_1406 : memref<100000xf32, #tpu.memory_space<hbm>>) dst(%dma_wait3A_1399 : memref<128xf32, #tpu.memory_space<vmem>>)
    %dma_wait3A_1407 = arith.constant 9728 : i32
    %dma_wait3A_1408 = tpu.memref_slice %arg6[%dma_wait3A_1407] : memref<10240xf32, #tpu.memory_space<vmem>> -> memref<128xf32, #tpu.memory_space<vmem>>
    %dma_wait3A_1409 = arith.constant 9728 : i32
    %dma_wait3A_1410 = tpu.memref_slice %arg5[%dma_wait3A_1409] : memref<10240xi32, #tpu.memory_space<vmem>> -> memref<128xi32, #tpu.memory_space<vmem>>
    %dma_wait3A_1411 = arith.constant 0 : i32
    %dma_wait3A_1412 = tpu.memref_slice %arg3[%add3A_4, %dma_wait3A_1411] : memref<64x100000xf32, #tpu.memory_space<hbm>> -> memref<1x100000xf32, #tpu.memory_space<hbm>>
    %dma_wait3A_1413 = tpu.memref_squeeze %dma_wait3A_1412 : memref<1x100000xf32, #tpu.memory_space<hbm>> -> memref<100000xf32, #tpu.memory_space<hbm>>
    %dma_wait3A_1414 = arith.constant 0 : i32
    %dma_wait3A_1415 = tpu.memref_slice %dma_wait3A_1413[%dma_wait3A_1414] : memref<100000xf32, #tpu.memory_space<hbm>> -> memref<100000xf32, #tpu.memory_space<hbm>>
    tpu.wait_indirect_dma semaphore(%arg8 : memref<!tpu.dma_semaphore, #tpu.memory_space<semaphore_mem>>) src(%dma_wait3A_1415 : memref<100000xf32, #tpu.memory_space<hbm>>) dst(%dma_wait3A_1408 : memref<128xf32, #tpu.memory_space<vmem>>)
    %dma_wait3A_1416 = arith.constant 9856 : i32
    %dma_wait3A_1417 = tpu.memref_slice %arg6[%dma_wait3A_1416] : memref<10240xf32, #tpu.memory_space<vmem>> -> memref<128xf32, #tpu.memory_space<vmem>>
    %dma_wait3A_1418 = arith.constant 9856 : i32
    %dma_wait3A_1419 = tpu.memref_slice %arg5[%dma_wait3A_1418] : memref<10240xi32, #tpu.memory_space<vmem>> -> memref<128xi32, #tpu.memory_space<vmem>>
    %dma_wait3A_1420 = arith.constant 0 : i32
    %dma_wait3A_1421 = tpu.memref_slice %arg3[%add3A_4, %dma_wait3A_1420] : memref<64x100000xf32, #tpu.memory_space<hbm>> -> memref<1x100000xf32, #tpu.memory_space<hbm>>
    %dma_wait3A_1422 = tpu.memref_squeeze %dma_wait3A_1421 : memref<1x100000xf32, #tpu.memory_space<hbm>> -> memref<100000xf32, #tpu.memory_space<hbm>>
    %dma_wait3A_1423 = arith.constant 0 : i32
    %dma_wait3A_1424 = tpu.memref_slice %dma_wait3A_1422[%dma_wait3A_1423] : memref<100000xf32, #tpu.memory_space<hbm>> -> memref<100000xf32, #tpu.memory_space<hbm>>
    tpu.wait_indirect_dma semaphore(%arg8 : memref<!tpu.dma_semaphore, #tpu.memory_space<semaphore_mem>>) src(%dma_wait3A_1424 : memref<100000xf32, #tpu.memory_space<hbm>>) dst(%dma_wait3A_1417 : memref<128xf32, #tpu.memory_space<vmem>>)
    %dma_wait3A_1425 = arith.constant 9984 : i32
    %dma_wait3A_1426 = tpu.memref_slice %arg6[%dma_wait3A_1425] : memref<10240xf32, #tpu.memory_space<vmem>> -> memref<128xf32, #tpu.memory_space<vmem>>
    %dma_wait3A_1427 = arith.constant 9984 : i32
    %dma_wait3A_1428 = tpu.memref_slice %arg5[%dma_wait3A_1427] : memref<10240xi32, #tpu.memory_space<vmem>> -> memref<128xi32, #tpu.memory_space<vmem>>
    %dma_wait3A_1429 = arith.constant 0 : i32
    %dma_wait3A_1430 = tpu.memref_slice %arg3[%add3A_4, %dma_wait3A_1429] : memref<64x100000xf32, #tpu.memory_space<hbm>> -> memref<1x100000xf32, #tpu.memory_space<hbm>>
    %dma_wait3A_1431 = tpu.memref_squeeze %dma_wait3A_1430 : memref<1x100000xf32, #tpu.memory_space<hbm>> -> memref<100000xf32, #tpu.memory_space<hbm>>
    %dma_wait3A_1432 = arith.constant 0 : i32
    %dma_wait3A_1433 = tpu.memref_slice %dma_wait3A_1431[%dma_wait3A_1432] : memref<100000xf32, #tpu.memory_space<hbm>> -> memref<100000xf32, #tpu.memory_space<hbm>>
    tpu.wait_indirect_dma semaphore(%arg8 : memref<!tpu.dma_semaphore, #tpu.memory_space<semaphore_mem>>) src(%dma_wait3A_1433 : memref<100000xf32, #tpu.memory_space<hbm>>) dst(%dma_wait3A_1426 : memref<128xf32, #tpu.memory_space<vmem>>)
    %dma_wait3A_1434 = arith.constant 10112 : i32
    %dma_wait3A_1435 = tpu.memref_slice %arg6[%dma_wait3A_1434] : memref<10240xf32, #tpu.memory_space<vmem>> -> memref<128xf32, #tpu.memory_space<vmem>>
    %dma_wait3A_1436 = arith.constant 10112 : i32
    %dma_wait3A_1437 = tpu.memref_slice %arg5[%dma_wait3A_1436] : memref<10240xi32, #tpu.memory_space<vmem>> -> memref<128xi32, #tpu.memory_space<vmem>>
    %dma_wait3A_1438 = arith.constant 0 : i32
    %dma_wait3A_1439 = tpu.memref_slice %arg3[%add3A_4, %dma_wait3A_1438] : memref<64x100000xf32, #tpu.memory_space<hbm>> -> memref<1x100000xf32, #tpu.memory_space<hbm>>
    %dma_wait3A_1440 = tpu.memref_squeeze %dma_wait3A_1439 : memref<1x100000xf32, #tpu.memory_space<hbm>> -> memref<100000xf32, #tpu.memory_space<hbm>>
    %dma_wait3A_1441 = arith.constant 0 : i32
    %dma_wait3A_1442 = tpu.memref_slice %dma_wait3A_1440[%dma_wait3A_1441] : memref<100000xf32, #tpu.memory_space<hbm>> -> memref<100000xf32, #tpu.memory_space<hbm>>
    tpu.wait_indirect_dma semaphore(%arg8 : memref<!tpu.dma_semaphore, #tpu.memory_space<semaphore_mem>>) src(%dma_wait3A_1442 : memref<100000xf32, #tpu.memory_space<hbm>>) dst(%dma_wait3A_1435 : memref<128xf32, #tpu.memory_space<vmem>>)
    %scan3A_1443 = arith.constant 0 : i32
    %scan3A_1444 = arith.constant 0 : i32
    %scan3A_1445 = arith.constant 64 : i32
    %scan3A_1446 = arith.addi %scan3A_1444, %scan3A_1445 : i32
    %scan3A_1447 = arith.constant 1 : i32
    scf.for %scan3A_2902 = %scan3A_1444 to %scan3A_1446 step %scan3A_1447  : i32 {
      %mul3A_2903 = arith.constant 16 : i32
      %mul3A_2904 = arith.muli %scan3A_2902, %mul3A_2903 : i32
      %mul3A_2905 = arith.constant 16 : i32
      %mul3A_2906 = arith.muli %scan3A_2902, %mul3A_2905 : i32
      %get3A = arith.index_cast %mul3A_2906 : i32 to index
      %get3A_2907 = tpu.vector_load %arg6[%get3A] {strides = array<i32>} : memref<10240xf32, #tpu.memory_space<vmem>>, vector<16xf32>,
      %get3A_2908 = vector.shape_cast %get3A_2907 : vector<16xf32> to vector<16xf32>
      %mul3A_2909 = arith.constant 16 : i32
      %mul3A_2910 = arith.muli %scan3A_2902, %mul3A_2909 : i32
      %add3A_2911 = arith.constant 1024 : i32
      %add3A_2912 = arith.addi %add3A_2911, %mul3A_2910 : i32
      %get3A_2913 = arith.index_cast %add3A_2912 : i32 to index
      %get3A_2914 = tpu.vector_load %arg6[%get3A_2913] {strides = array<i32>} : memref<10240xf32, #tpu.memory_space<vmem>>, vector<16xf32>,
      %get3A_2915 = vector.shape_cast %get3A_2914 : vector<16xf32> to vector<16xf32>
      %add3A_2916 = arith.addf %get3A_2908, %get3A_2915 : vector<16xf32>
      %mul3A_2917 = arith.constant 16 : i32
      %mul3A_2918 = arith.muli %scan3A_2902, %mul3A_2917 : i32
      %add3A_2919 = arith.constant 2048 : i32
      %add3A_2920 = arith.addi %add3A_2919, %mul3A_2918 : i32
      %get3A_2921 = arith.index_cast %add3A_2920 : i32 to index
      %get3A_2922 = tpu.vector_load %arg6[%get3A_2921] {strides = array<i32>} : memref<10240xf32, #tpu.memory_space<vmem>>, vector<16xf32>,
      %get3A_2923 = vector.shape_cast %get3A_2922 : vector<16xf32> to vector<16xf32>
      %add3A_2924 = arith.addf %add3A_2916, %get3A_2923 : vector<16xf32>
      %mul3A_2925 = arith.constant 16 : i32
      %mul3A_2926 = arith.muli %scan3A_2902, %mul3A_2925 : i32
      %add3A_2927 = arith.constant 3072 : i32
      %add3A_2928 = arith.addi %add3A_2927, %mul3A_2926 : i32
      %get3A_2929 = arith.index_cast %add3A_2928 : i32 to index
      %get3A_2930 = tpu.vector_load %arg6[%get3A_2929] {strides = array<i32>} : memref<10240xf32, #tpu.memory_space<vmem>>, vector<16xf32>,
      %get3A_2931 = vector.shape_cast %get3A_2930 : vector<16xf32> to vector<16xf32>
      %add3A_2932 = arith.addf %add3A_2924, %get3A_2931 : vector<16xf32>
      %mul3A_2933 = arith.constant 16 : i32
      %mul3A_2934 = arith.muli %scan3A_2902, %mul3A_2933 : i32
      %add3A_2935 = arith.constant 4096 : i32
      %add3A_2936 = arith.addi %add3A_2935, %mul3A_2934 : i32
      %get3A_2937 = arith.index_cast %add3A_2936 : i32 to index
      %get3A_2938 = tpu.vector_load %arg6[%get3A_2937] {strides = array<i32>} : memref<10240xf32, #tpu.memory_space<vmem>>, vector<16xf32>,
      %get3A_2939 = vector.shape_cast %get3A_2938 : vector<16xf32> to vector<16xf32>
      %add3A_2940 = arith.addf %add3A_2932, %get3A_2939 : vector<16xf32>
      %mul3A_2941 = arith.constant 16 : i32
      %mul3A_2942 = arith.muli %scan3A_2902, %mul3A_2941 : i32
      %add3A_2943 = arith.constant 5120 : i32
      %add3A_2944 = arith.addi %add3A_2943, %mul3A_2942 : i32
      %get3A_2945 = arith.index_cast %add3A_2944 : i32 to index
      %get3A_2946 = tpu.vector_load %arg6[%get3A_2945] {strides = array<i32>} : memref<10240xf32, #tpu.memory_space<vmem>>, vector<16xf32>,
      %get3A_2947 = vector.shape_cast %get3A_2946 : vector<16xf32> to vector<16xf32>
      %add3A_2948 = arith.addf %add3A_2940, %get3A_2947 : vector<16xf32>
      %mul3A_2949 = arith.constant 16 : i32
      %mul3A_2950 = arith.muli %scan3A_2902, %mul3A_2949 : i32
      %add3A_2951 = arith.constant 6144 : i32
      %add3A_2952 = arith.addi %add3A_2951, %mul3A_2950 : i32
      %get3A_2953 = arith.index_cast %add3A_2952 : i32 to index
      %get3A_2954 = tpu.vector_load %arg6[%get3A_2953] {strides = array<i32>} : memref<10240xf32, #tpu.memory_space<vmem>>, vector<16xf32>,
      %get3A_2955 = vector.shape_cast %get3A_2954 : vector<16xf32> to vector<16xf32>
      %add3A_2956 = arith.addf %add3A_2948, %get3A_2955 : vector<16xf32>
      %mul3A_2957 = arith.constant 16 : i32
      %mul3A_2958 = arith.muli %scan3A_2902, %mul3A_2957 : i32
      %add3A_2959 = arith.constant 7168 : i32
      %add3A_2960 = arith.addi %add3A_2959, %mul3A_2958 : i32
      %get3A_2961 = arith.index_cast %add3A_2960 : i32 to index
      %get3A_2962 = tpu.vector_load %arg6[%get3A_2961] {strides = array<i32>} : memref<10240xf32, #tpu.memory_space<vmem>>, vector<16xf32>,
      %get3A_2963 = vector.shape_cast %get3A_2962 : vector<16xf32> to vector<16xf32>
      %add3A_2964 = arith.addf %add3A_2956, %get3A_2963 : vector<16xf32>
      %mul3A_2965 = arith.constant 16 : i32
      %mul3A_2966 = arith.muli %scan3A_2902, %mul3A_2965 : i32
      %add3A_2967 = arith.constant 8192 : i32
      %add3A_2968 = arith.addi %add3A_2967, %mul3A_2966 : i32
      %get3A_2969 = arith.index_cast %add3A_2968 : i32 to index
      %get3A_2970 = tpu.vector_load %arg6[%get3A_2969] {strides = array<i32>} : memref<10240xf32, #tpu.memory_space<vmem>>, vector<16xf32>,
      %get3A_2971 = vector.shape_cast %get3A_2970 : vector<16xf32> to vector<16xf32>
      %add3A_2972 = arith.addf %add3A_2964, %get3A_2971 : vector<16xf32>
      %mul3A_2973 = arith.constant 16 : i32
      %mul3A_2974 = arith.muli %scan3A_2902, %mul3A_2973 : i32
      %add3A_2975 = arith.constant 9216 : i32
      %add3A_2976 = arith.addi %add3A_2975, %mul3A_2974 : i32
      %get3A_2977 = arith.index_cast %add3A_2976 : i32 to index
      %get3A_2978 = tpu.vector_load %arg6[%get3A_2977] {strides = array<i32>} : memref<10240xf32, #tpu.memory_space<vmem>>, vector<16xf32>,
      %get3A_2979 = vector.shape_cast %get3A_2978 : vector<16xf32> to vector<16xf32>
      %add3A_2980 = arith.addf %add3A_2972, %get3A_2979 : vector<16xf32>
      %mul3A_2981 = arith.constant 1.000000e-01 : f32
      %mul3A_2982 = vector.broadcast %mul3A_2981 : f32 to vector<16xf32>
      %mul3A_2983 = arith.mulf %add3A_2980, %mul3A_2982 : vector<16xf32>
      %swap3A = arith.index_cast %scan3A_1 : i32 to index
      %swap3A_2984 = arith.index_cast %mul3A_2904 : i32 to index
      %swap3A_2985 = tpu.vector_load %arg7[%swap3A, %swap3A_2984] {strides = array<i32>} : memref<2x1024xf32, #tpu.memory_space<vmem>>, vector<1x16xf32>,
      %swap3A_2986 = vector.shape_cast %swap3A_2985 : vector<1x16xf32> to vector<16xf32>
      %swap3A_2987 = vector.shape_cast %mul3A_2983 : vector<16xf32> to vector<1x16xf32>
      tpu.vector_store %arg7[%swap3A, %swap3A_2984], %swap3A_2987 {strides = array<i32>} : memref<2x1024xf32, #tpu.memory_space<vmem>>, vector<1x16xf32>,
    }
    %scan3A_1448 = arith.constant 64 : i32
    %scan3A_1449 = arith.constant 1 : i32
    %mul3A_1450 = arith.constant 2 : i32
    %mul3A_1451 = arith.muli %add3A, %mul3A_1450 : i32
    %add3A_1452 = arith.addi %mul3A_1451, %scan3A_1449 : i32
    %dma_start3A_1453 = arith.constant 0 : i32
    %dma_start3A_1454 = tpu.memref_slice %arg6[%dma_start3A_1453] : memref<10240xf32, #tpu.memory_space<vmem>> -> memref<128xf32, #tpu.memory_space<vmem>>
    %dma_start3A_1455 = arith.constant 0 : i32
    %dma_start3A_1456 = tpu.memref_slice %arg5[%dma_start3A_1455] : memref<10240xi32, #tpu.memory_space<vmem>> -> memref<128xi32, #tpu.memory_space<vmem>>
    %dma_start3A_1457 = arith.constant 0 : i32
    %dma_start3A_1458 = tpu.memref_slice %arg3[%add3A_1452, %dma_start3A_1457] : memref<64x100000xf32, #tpu.memory_space<hbm>> -> memref<1x100000xf32, #tpu.memory_space<hbm>>
    %dma_start3A_1459 = tpu.memref_squeeze %dma_start3A_1458 : memref<1x100000xf32, #tpu.memory_space<hbm>> -> memref<100000xf32, #tpu.memory_space<hbm>>
    %dma_start3A_1460 = arith.constant 0 : i32
    %dma_start3A_1461 = tpu.memref_slice %dma_start3A_1459[%dma_start3A_1460] : memref<100000xf32, #tpu.memory_space<hbm>> -> memref<100000xf32, #tpu.memory_space<hbm>>
    tpu.enqueue_indirect_dma source(%dma_start3A_1461 : memref<100000xf32, #tpu.memory_space<hbm>>) target(%dma_start3A_1454 : memref<128xf32, #tpu.memory_space<vmem>>) offsets(%dma_start3A_1456 : memref<128xi32, #tpu.memory_space<vmem>>) semaphore(%arg8 : memref<!tpu.dma_semaphore, #tpu.memory_space<semaphore_mem>>)
    %dma_start3A_1462 = arith.constant 128 : i32
    %dma_start3A_1463 = tpu.memref_slice %arg6[%dma_start3A_1462] : memref<10240xf32, #tpu.memory_space<vmem>> -> memref<128xf32, #tpu.memory_space<vmem>>
    %dma_start3A_1464 = arith.constant 128 : i32
    %dma_start3A_1465 = tpu.memref_slice %arg5[%dma_start3A_1464] : memref<10240xi32, #tpu.memory_space<vmem>> -> memref<128xi32, #tpu.memory_space<vmem>>
    %dma_start3A_1466 = arith.constant 0 : i32
    %dma_start3A_1467 = tpu.memref_slice %arg3[%add3A_1452, %dma_start3A_1466] : memref<64x100000xf32, #tpu.memory_space<hbm>> -> memref<1x100000xf32, #tpu.memory_space<hbm>>
    %dma_start3A_1468 = tpu.memref_squeeze %dma_start3A_1467 : memref<1x100000xf32, #tpu.memory_space<hbm>> -> memref<100000xf32, #tpu.memory_space<hbm>>
    %dma_start3A_1469 = arith.constant 0 : i32
    %dma_start3A_1470 = tpu.memref_slice %dma_start3A_1468[%dma_start3A_1469] : memref<100000xf32, #tpu.memory_space<hbm>> -> memref<100000xf32, #tpu.memory_space<hbm>>
    tpu.enqueue_indirect_dma source(%dma_start3A_1470 : memref<100000xf32, #tpu.memory_space<hbm>>) target(%dma_start3A_1463 : memref<128xf32, #tpu.memory_space<vmem>>) offsets(%dma_start3A_1465 : memref<128xi32, #tpu.memory_space<vmem>>) semaphore(%arg8 : memref<!tpu.dma_semaphore, #tpu.memory_space<semaphore_mem>>)
    %dma_start3A_1471 = arith.constant 256 : i32
    %dma_start3A_1472 = tpu.memref_slice %arg6[%dma_start3A_1471] : memref<10240xf32, #tpu.memory_space<vmem>> -> memref<128xf32, #tpu.memory_space<vmem>>
    %dma_start3A_1473 = arith.constant 256 : i32
    %dma_start3A_1474 = tpu.memref_slice %arg5[%dma_start3A_1473] : memref<10240xi32, #tpu.memory_space<vmem>> -> memref<128xi32, #tpu.memory_space<vmem>>
    %dma_start3A_1475 = arith.constant 0 : i32
    %dma_start3A_1476 = tpu.memref_slice %arg3[%add3A_1452, %dma_start3A_1475] : memref<64x100000xf32, #tpu.memory_space<hbm>> -> memref<1x100000xf32, #tpu.memory_space<hbm>>
    %dma_start3A_1477 = tpu.memref_squeeze %dma_start3A_1476 : memref<1x100000xf32, #tpu.memory_space<hbm>> -> memref<100000xf32, #tpu.memory_space<hbm>>
    %dma_start3A_1478 = arith.constant 0 : i32
    %dma_start3A_1479 = tpu.memref_slice %dma_start3A_1477[%dma_start3A_1478] : memref<100000xf32, #tpu.memory_space<hbm>> -> memref<100000xf32, #tpu.memory_space<hbm>>
    tpu.enqueue_indirect_dma source(%dma_start3A_1479 : memref<100000xf32, #tpu.memory_space<hbm>>) target(%dma_start3A_1472 : memref<128xf32, #tpu.memory_space<vmem>>) offsets(%dma_start3A_1474 : memref<128xi32, #tpu.memory_space<vmem>>) semaphore(%arg8 : memref<!tpu.dma_semaphore, #tpu.memory_space<semaphore_mem>>)
    %dma_start3A_1480 = arith.constant 384 : i32
    %dma_start3A_1481 = tpu.memref_slice %arg6[%dma_start3A_1480] : memref<10240xf32, #tpu.memory_space<vmem>> -> memref<128xf32, #tpu.memory_space<vmem>>
    %dma_start3A_1482 = arith.constant 384 : i32
    %dma_start3A_1483 = tpu.memref_slice %arg5[%dma_start3A_1482] : memref<10240xi32, #tpu.memory_space<vmem>> -> memref<128xi32, #tpu.memory_space<vmem>>
    %dma_start3A_1484 = arith.constant 0 : i32
    %dma_start3A_1485 = tpu.memref_slice %arg3[%add3A_1452, %dma_start3A_1484] : memref<64x100000xf32, #tpu.memory_space<hbm>> -> memref<1x100000xf32, #tpu.memory_space<hbm>>
    %dma_start3A_1486 = tpu.memref_squeeze %dma_start3A_1485 : memref<1x100000xf32, #tpu.memory_space<hbm>> -> memref<100000xf32, #tpu.memory_space<hbm>>
    %dma_start3A_1487 = arith.constant 0 : i32
    %dma_start3A_1488 = tpu.memref_slice %dma_start3A_1486[%dma_start3A_1487] : memref<100000xf32, #tpu.memory_space<hbm>> -> memref<100000xf32, #tpu.memory_space<hbm>>
    tpu.enqueue_indirect_dma source(%dma_start3A_1488 : memref<100000xf32, #tpu.memory_space<hbm>>) target(%dma_start3A_1481 : memref<128xf32, #tpu.memory_space<vmem>>) offsets(%dma_start3A_1483 : memref<128xi32, #tpu.memory_space<vmem>>) semaphore(%arg8 : memref<!tpu.dma_semaphore, #tpu.memory_space<semaphore_mem>>)
    %dma_start3A_1489 = arith.constant 512 : i32
    %dma_start3A_1490 = tpu.memref_slice %arg6[%dma_start3A_1489] : memref<10240xf32, #tpu.memory_space<vmem>> -> memref<128xf32, #tpu.memory_space<vmem>>
    %dma_start3A_1491 = arith.constant 512 : i32
    %dma_start3A_1492 = tpu.memref_slice %arg5[%dma_start3A_1491] : memref<10240xi32, #tpu.memory_space<vmem>> -> memref<128xi32, #tpu.memory_space<vmem>>
    %dma_start3A_1493 = arith.constant 0 : i32
    %dma_start3A_1494 = tpu.memref_slice %arg3[%add3A_1452, %dma_start3A_1493] : memref<64x100000xf32, #tpu.memory_space<hbm>> -> memref<1x100000xf32, #tpu.memory_space<hbm>>
    %dma_start3A_1495 = tpu.memref_squeeze %dma_start3A_1494 : memref<1x100000xf32, #tpu.memory_space<hbm>> -> memref<100000xf32, #tpu.memory_space<hbm>>
    %dma_start3A_1496 = arith.constant 0 : i32
    %dma_start3A_1497 = tpu.memref_slice %dma_start3A_1495[%dma_start3A_1496] : memref<100000xf32, #tpu.memory_space<hbm>> -> memref<100000xf32, #tpu.memory_space<hbm>>
    tpu.enqueue_indirect_dma source(%dma_start3A_1497 : memref<100000xf32, #tpu.memory_space<hbm>>) target(%dma_start3A_1490 : memref<128xf32, #tpu.memory_space<vmem>>) offsets(%dma_start3A_1492 : memref<128xi32, #tpu.memory_space<vmem>>) semaphore(%arg8 : memref<!tpu.dma_semaphore, #tpu.memory_space<semaphore_mem>>)
    %dma_start3A_1498 = arith.constant 640 : i32
    %dma_start3A_1499 = tpu.memref_slice %arg6[%dma_start3A_1498] : memref<10240xf32, #tpu.memory_space<vmem>> -> memref<128xf32, #tpu.memory_space<vmem>>
    %dma_start3A_1500 = arith.constant 640 : i32
    %dma_start3A_1501 = tpu.memref_slice %arg5[%dma_start3A_1500] : memref<10240xi32, #tpu.memory_space<vmem>> -> memref<128xi32, #tpu.memory_space<vmem>>
    %dma_start3A_1502 = arith.constant 0 : i32
    %dma_start3A_1503 = tpu.memref_slice %arg3[%add3A_1452, %dma_start3A_1502] : memref<64x100000xf32, #tpu.memory_space<hbm>> -> memref<1x100000xf32, #tpu.memory_space<hbm>>
    %dma_start3A_1504 = tpu.memref_squeeze %dma_start3A_1503 : memref<1x100000xf32, #tpu.memory_space<hbm>> -> memref<100000xf32, #tpu.memory_space<hbm>>
    %dma_start3A_1505 = arith.constant 0 : i32
    %dma_start3A_1506 = tpu.memref_slice %dma_start3A_1504[%dma_start3A_1505] : memref<100000xf32, #tpu.memory_space<hbm>> -> memref<100000xf32, #tpu.memory_space<hbm>>
    tpu.enqueue_indirect_dma source(%dma_start3A_1506 : memref<100000xf32, #tpu.memory_space<hbm>>) target(%dma_start3A_1499 : memref<128xf32, #tpu.memory_space<vmem>>) offsets(%dma_start3A_1501 : memref<128xi32, #tpu.memory_space<vmem>>) semaphore(%arg8 : memref<!tpu.dma_semaphore, #tpu.memory_space<semaphore_mem>>)
    %dma_start3A_1507 = arith.constant 768 : i32
    %dma_start3A_1508 = tpu.memref_slice %arg6[%dma_start3A_1507] : memref<10240xf32, #tpu.memory_space<vmem>> -> memref<128xf32, #tpu.memory_space<vmem>>
    %dma_start3A_1509 = arith.constant 768 : i32
    %dma_start3A_1510 = tpu.memref_slice %arg5[%dma_start3A_1509] : memref<10240xi32, #tpu.memory_space<vmem>> -> memref<128xi32, #tpu.memory_space<vmem>>
    %dma_start3A_1511 = arith.constant 0 : i32
    %dma_start3A_1512 = tpu.memref_slice %arg3[%add3A_1452, %dma_start3A_1511] : memref<64x100000xf32, #tpu.memory_space<hbm>> -> memref<1x100000xf32, #tpu.memory_space<hbm>>
    %dma_start3A_1513 = tpu.memref_squeeze %dma_start3A_1512 : memref<1x100000xf32, #tpu.memory_space<hbm>> -> memref<100000xf32, #tpu.memory_space<hbm>>
    %dma_start3A_1514 = arith.constant 0 : i32
    %dma_start3A_1515 = tpu.memref_slice %dma_start3A_1513[%dma_start3A_1514] : memref<100000xf32, #tpu.memory_space<hbm>> -> memref<100000xf32, #tpu.memory_space<hbm>>
    tpu.enqueue_indirect_dma source(%dma_start3A_1515 : memref<100000xf32, #tpu.memory_space<hbm>>) target(%dma_start3A_1508 : memref<128xf32, #tpu.memory_space<vmem>>) offsets(%dma_start3A_1510 : memref<128xi32, #tpu.memory_space<vmem>>) semaphore(%arg8 : memref<!tpu.dma_semaphore, #tpu.memory_space<semaphore_mem>>)
    %dma_start3A_1516 = arith.constant 896 : i32
    %dma_start3A_1517 = tpu.memref_slice %arg6[%dma_start3A_1516] : memref<10240xf32, #tpu.memory_space<vmem>> -> memref<128xf32, #tpu.memory_space<vmem>>
    %dma_start3A_1518 = arith.constant 896 : i32
    %dma_start3A_1519 = tpu.memref_slice %arg5[%dma_start3A_1518] : memref<10240xi32, #tpu.memory_space<vmem>> -> memref<128xi32, #tpu.memory_space<vmem>>
    %dma_start3A_1520 = arith.constant 0 : i32
    %dma_start3A_1521 = tpu.memref_slice %arg3[%add3A_1452, %dma_start3A_1520] : memref<64x100000xf32, #tpu.memory_space<hbm>> -> memref<1x100000xf32, #tpu.memory_space<hbm>>
    %dma_start3A_1522 = tpu.memref_squeeze %dma_start3A_1521 : memref<1x100000xf32, #tpu.memory_space<hbm>> -> memref<100000xf32, #tpu.memory_space<hbm>>
    %dma_start3A_1523 = arith.constant 0 : i32
    %dma_start3A_1524 = tpu.memref_slice %dma_start3A_1522[%dma_start3A_1523] : memref<100000xf32, #tpu.memory_space<hbm>> -> memref<100000xf32, #tpu.memory_space<hbm>>
    tpu.enqueue_indirect_dma source(%dma_start3A_1524 : memref<100000xf32, #tpu.memory_space<hbm>>) target(%dma_start3A_1517 : memref<128xf32, #tpu.memory_space<vmem>>) offsets(%dma_start3A_1519 : memref<128xi32, #tpu.memory_space<vmem>>) semaphore(%arg8 : memref<!tpu.dma_semaphore, #tpu.memory_space<semaphore_mem>>)
    %dma_start3A_1525 = arith.constant 1024 : i32
    %dma_start3A_1526 = tpu.memref_slice %arg6[%dma_start3A_1525] : memref<10240xf32, #tpu.memory_space<vmem>> -> memref<128xf32, #tpu.memory_space<vmem>>
    %dma_start3A_1527 = arith.constant 1024 : i32
    %dma_start3A_1528 = tpu.memref_slice %arg5[%dma_start3A_1527] : memref<10240xi32, #tpu.memory_space<vmem>> -> memref<128xi32, #tpu.memory_space<vmem>>
    %dma_start3A_1529 = arith.constant 0 : i32
    %dma_start3A_1530 = tpu.memref_slice %arg3[%add3A_1452, %dma_start3A_1529] : memref<64x100000xf32, #tpu.memory_space<hbm>> -> memref<1x100000xf32, #tpu.memory_space<hbm>>
    %dma_start3A_1531 = tpu.memref_squeeze %dma_start3A_1530 : memref<1x100000xf32, #tpu.memory_space<hbm>> -> memref<100000xf32, #tpu.memory_space<hbm>>
    %dma_start3A_1532 = arith.constant 0 : i32
    %dma_start3A_1533 = tpu.memref_slice %dma_start3A_1531[%dma_start3A_1532] : memref<100000xf32, #tpu.memory_space<hbm>> -> memref<100000xf32, #tpu.memory_space<hbm>>
    tpu.enqueue_indirect_dma source(%dma_start3A_1533 : memref<100000xf32, #tpu.memory_space<hbm>>) target(%dma_start3A_1526 : memref<128xf32, #tpu.memory_space<vmem>>) offsets(%dma_start3A_1528 : memref<128xi32, #tpu.memory_space<vmem>>) semaphore(%arg8 : memref<!tpu.dma_semaphore, #tpu.memory_space<semaphore_mem>>)
    %dma_start3A_1534 = arith.constant 1152 : i32
    %dma_start3A_1535 = tpu.memref_slice %arg6[%dma_start3A_1534] : memref<10240xf32, #tpu.memory_space<vmem>> -> memref<128xf32, #tpu.memory_space<vmem>>
    %dma_start3A_1536 = arith.constant 1152 : i32
    %dma_start3A_1537 = tpu.memref_slice %arg5[%dma_start3A_1536] : memref<10240xi32, #tpu.memory_space<vmem>> -> memref<128xi32, #tpu.memory_space<vmem>>
    %dma_start3A_1538 = arith.constant 0 : i32
    %dma_start3A_1539 = tpu.memref_slice %arg3[%add3A_1452, %dma_start3A_1538] : memref<64x100000xf32, #tpu.memory_space<hbm>> -> memref<1x100000xf32, #tpu.memory_space<hbm>>
    %dma_start3A_1540 = tpu.memref_squeeze %dma_start3A_1539 : memref<1x100000xf32, #tpu.memory_space<hbm>> -> memref<100000xf32, #tpu.memory_space<hbm>>
    %dma_start3A_1541 = arith.constant 0 : i32
    %dma_start3A_1542 = tpu.memref_slice %dma_start3A_1540[%dma_start3A_1541] : memref<100000xf32, #tpu.memory_space<hbm>> -> memref<100000xf32, #tpu.memory_space<hbm>>
    tpu.enqueue_indirect_dma source(%dma_start3A_1542 : memref<100000xf32, #tpu.memory_space<hbm>>) target(%dma_start3A_1535 : memref<128xf32, #tpu.memory_space<vmem>>) offsets(%dma_start3A_1537 : memref<128xi32, #tpu.memory_space<vmem>>) semaphore(%arg8 : memref<!tpu.dma_semaphore, #tpu.memory_space<semaphore_mem>>)
    %dma_start3A_1543 = arith.constant 1280 : i32
    %dma_start3A_1544 = tpu.memref_slice %arg6[%dma_start3A_1543] : memref<10240xf32, #tpu.memory_space<vmem>> -> memref<128xf32, #tpu.memory_space<vmem>>
    %dma_start3A_1545 = arith.constant 1280 : i32
    %dma_start3A_1546 = tpu.memref_slice %arg5[%dma_start3A_1545] : memref<10240xi32, #tpu.memory_space<vmem>> -> memref<128xi32, #tpu.memory_space<vmem>>
    %dma_start3A_1547 = arith.constant 0 : i32
    %dma_start3A_1548 = tpu.memref_slice %arg3[%add3A_1452, %dma_start3A_1547] : memref<64x100000xf32, #tpu.memory_space<hbm>> -> memref<1x100000xf32, #tpu.memory_space<hbm>>
    %dma_start3A_1549 = tpu.memref_squeeze %dma_start3A_1548 : memref<1x100000xf32, #tpu.memory_space<hbm>> -> memref<100000xf32, #tpu.memory_space<hbm>>
    %dma_start3A_1550 = arith.constant 0 : i32
    %dma_start3A_1551 = tpu.memref_slice %dma_start3A_1549[%dma_start3A_1550] : memref<100000xf32, #tpu.memory_space<hbm>> -> memref<100000xf32, #tpu.memory_space<hbm>>
    tpu.enqueue_indirect_dma source(%dma_start3A_1551 : memref<100000xf32, #tpu.memory_space<hbm>>) target(%dma_start3A_1544 : memref<128xf32, #tpu.memory_space<vmem>>) offsets(%dma_start3A_1546 : memref<128xi32, #tpu.memory_space<vmem>>) semaphore(%arg8 : memref<!tpu.dma_semaphore, #tpu.memory_space<semaphore_mem>>)
    %dma_start3A_1552 = arith.constant 1408 : i32
    %dma_start3A_1553 = tpu.memref_slice %arg6[%dma_start3A_1552] : memref<10240xf32, #tpu.memory_space<vmem>> -> memref<128xf32, #tpu.memory_space<vmem>>
    %dma_start3A_1554 = arith.constant 1408 : i32
    %dma_start3A_1555 = tpu.memref_slice %arg5[%dma_start3A_1554] : memref<10240xi32, #tpu.memory_space<vmem>> -> memref<128xi32, #tpu.memory_space<vmem>>
    %dma_start3A_1556 = arith.constant 0 : i32
    %dma_start3A_1557 = tpu.memref_slice %arg3[%add3A_1452, %dma_start3A_1556] : memref<64x100000xf32, #tpu.memory_space<hbm>> -> memref<1x100000xf32, #tpu.memory_space<hbm>>
    %dma_start3A_1558 = tpu.memref_squeeze %dma_start3A_1557 : memref<1x100000xf32, #tpu.memory_space<hbm>> -> memref<100000xf32, #tpu.memory_space<hbm>>
    %dma_start3A_1559 = arith.constant 0 : i32
    %dma_start3A_1560 = tpu.memref_slice %dma_start3A_1558[%dma_start3A_1559] : memref<100000xf32, #tpu.memory_space<hbm>> -> memref<100000xf32, #tpu.memory_space<hbm>>
    tpu.enqueue_indirect_dma source(%dma_start3A_1560 : memref<100000xf32, #tpu.memory_space<hbm>>) target(%dma_start3A_1553 : memref<128xf32, #tpu.memory_space<vmem>>) offsets(%dma_start3A_1555 : memref<128xi32, #tpu.memory_space<vmem>>) semaphore(%arg8 : memref<!tpu.dma_semaphore, #tpu.memory_space<semaphore_mem>>)
    %dma_start3A_1561 = arith.constant 1536 : i32
    %dma_start3A_1562 = tpu.memref_slice %arg6[%dma_start3A_1561] : memref<10240xf32, #tpu.memory_space<vmem>> -> memref<128xf32, #tpu.memory_space<vmem>>
    %dma_start3A_1563 = arith.constant 1536 : i32
    %dma_start3A_1564 = tpu.memref_slice %arg5[%dma_start3A_1563] : memref<10240xi32, #tpu.memory_space<vmem>> -> memref<128xi32, #tpu.memory_space<vmem>>
    %dma_start3A_1565 = arith.constant 0 : i32
    %dma_start3A_1566 = tpu.memref_slice %arg3[%add3A_1452, %dma_start3A_1565] : memref<64x100000xf32, #tpu.memory_space<hbm>> -> memref<1x100000xf32, #tpu.memory_space<hbm>>
    %dma_start3A_1567 = tpu.memref_squeeze %dma_start3A_1566 : memref<1x100000xf32, #tpu.memory_space<hbm>> -> memref<100000xf32, #tpu.memory_space<hbm>>
    %dma_start3A_1568 = arith.constant 0 : i32
    %dma_start3A_1569 = tpu.memref_slice %dma_start3A_1567[%dma_start3A_1568] : memref<100000xf32, #tpu.memory_space<hbm>> -> memref<100000xf32, #tpu.memory_space<hbm>>
    tpu.enqueue_indirect_dma source(%dma_start3A_1569 : memref<100000xf32, #tpu.memory_space<hbm>>) target(%dma_start3A_1562 : memref<128xf32, #tpu.memory_space<vmem>>) offsets(%dma_start3A_1564 : memref<128xi32, #tpu.memory_space<vmem>>) semaphore(%arg8 : memref<!tpu.dma_semaphore, #tpu.memory_space<semaphore_mem>>)
    %dma_start3A_1570 = arith.constant 1664 : i32
    %dma_start3A_1571 = tpu.memref_slice %arg6[%dma_start3A_1570] : memref<10240xf32, #tpu.memory_space<vmem>> -> memref<128xf32, #tpu.memory_space<vmem>>
    %dma_start3A_1572 = arith.constant 1664 : i32
    %dma_start3A_1573 = tpu.memref_slice %arg5[%dma_start3A_1572] : memref<10240xi32, #tpu.memory_space<vmem>> -> memref<128xi32, #tpu.memory_space<vmem>>
    %dma_start3A_1574 = arith.constant 0 : i32
    %dma_start3A_1575 = tpu.memref_slice %arg3[%add3A_1452, %dma_start3A_1574] : memref<64x100000xf32, #tpu.memory_space<hbm>> -> memref<1x100000xf32, #tpu.memory_space<hbm>>
    %dma_start3A_1576 = tpu.memref_squeeze %dma_start3A_1575 : memref<1x100000xf32, #tpu.memory_space<hbm>> -> memref<100000xf32, #tpu.memory_space<hbm>>
    %dma_start3A_1577 = arith.constant 0 : i32
    %dma_start3A_1578 = tpu.memref_slice %dma_start3A_1576[%dma_start3A_1577] : memref<100000xf32, #tpu.memory_space<hbm>> -> memref<100000xf32, #tpu.memory_space<hbm>>
    tpu.enqueue_indirect_dma source(%dma_start3A_1578 : memref<100000xf32, #tpu.memory_space<hbm>>) target(%dma_start3A_1571 : memref<128xf32, #tpu.memory_space<vmem>>) offsets(%dma_start3A_1573 : memref<128xi32, #tpu.memory_space<vmem>>) semaphore(%arg8 : memref<!tpu.dma_semaphore, #tpu.memory_space<semaphore_mem>>)
    %dma_start3A_1579 = arith.constant 1792 : i32
    %dma_start3A_1580 = tpu.memref_slice %arg6[%dma_start3A_1579] : memref<10240xf32, #tpu.memory_space<vmem>> -> memref<128xf32, #tpu.memory_space<vmem>>
    %dma_start3A_1581 = arith.constant 1792 : i32
    %dma_start3A_1582 = tpu.memref_slice %arg5[%dma_start3A_1581] : memref<10240xi32, #tpu.memory_space<vmem>> -> memref<128xi32, #tpu.memory_space<vmem>>
    %dma_start3A_1583 = arith.constant 0 : i32
    %dma_start3A_1584 = tpu.memref_slice %arg3[%add3A_1452, %dma_start3A_1583] : memref<64x100000xf32, #tpu.memory_space<hbm>> -> memref<1x100000xf32, #tpu.memory_space<hbm>>
    %dma_start3A_1585 = tpu.memref_squeeze %dma_start3A_1584 : memref<1x100000xf32, #tpu.memory_space<hbm>> -> memref<100000xf32, #tpu.memory_space<hbm>>
    %dma_start3A_1586 = arith.constant 0 : i32
    %dma_start3A_1587 = tpu.memref_slice %dma_start3A_1585[%dma_start3A_1586] : memref<100000xf32, #tpu.memory_space<hbm>> -> memref<100000xf32, #tpu.memory_space<hbm>>
    tpu.enqueue_indirect_dma source(%dma_start3A_1587 : memref<100000xf32, #tpu.memory_space<hbm>>) target(%dma_start3A_1580 : memref<128xf32, #tpu.memory_space<vmem>>) offsets(%dma_start3A_1582 : memref<128xi32, #tpu.memory_space<vmem>>) semaphore(%arg8 : memref<!tpu.dma_semaphore, #tpu.memory_space<semaphore_mem>>)
    %dma_start3A_1588 = arith.constant 1920 : i32
    %dma_start3A_1589 = tpu.memref_slice %arg6[%dma_start3A_1588] : memref<10240xf32, #tpu.memory_space<vmem>> -> memref<128xf32, #tpu.memory_space<vmem>>
    %dma_start3A_1590 = arith.constant 1920 : i32
    %dma_start3A_1591 = tpu.memref_slice %arg5[%dma_start3A_1590] : memref<10240xi32, #tpu.memory_space<vmem>> -> memref<128xi32, #tpu.memory_space<vmem>>
    %dma_start3A_1592 = arith.constant 0 : i32
    %dma_start3A_1593 = tpu.memref_slice %arg3[%add3A_1452, %dma_start3A_1592] : memref<64x100000xf32, #tpu.memory_space<hbm>> -> memref<1x100000xf32, #tpu.memory_space<hbm>>
    %dma_start3A_1594 = tpu.memref_squeeze %dma_start3A_1593 : memref<1x100000xf32, #tpu.memory_space<hbm>> -> memref<100000xf32, #tpu.memory_space<hbm>>
    %dma_start3A_1595 = arith.constant 0 : i32
    %dma_start3A_1596 = tpu.memref_slice %dma_start3A_1594[%dma_start3A_1595] : memref<100000xf32, #tpu.memory_space<hbm>> -> memref<100000xf32, #tpu.memory_space<hbm>>
    tpu.enqueue_indirect_dma source(%dma_start3A_1596 : memref<100000xf32, #tpu.memory_space<hbm>>) target(%dma_start3A_1589 : memref<128xf32, #tpu.memory_space<vmem>>) offsets(%dma_start3A_1591 : memref<128xi32, #tpu.memory_space<vmem>>) semaphore(%arg8 : memref<!tpu.dma_semaphore, #tpu.memory_space<semaphore_mem>>)
    %dma_start3A_1597 = arith.constant 2048 : i32
    %dma_start3A_1598 = tpu.memref_slice %arg6[%dma_start3A_1597] : memref<10240xf32, #tpu.memory_space<vmem>> -> memref<128xf32, #tpu.memory_space<vmem>>
    %dma_start3A_1599 = arith.constant 2048 : i32
    %dma_start3A_1600 = tpu.memref_slice %arg5[%dma_start3A_1599] : memref<10240xi32, #tpu.memory_space<vmem>> -> memref<128xi32, #tpu.memory_space<vmem>>
    %dma_start3A_1601 = arith.constant 0 : i32
    %dma_start3A_1602 = tpu.memref_slice %arg3[%add3A_1452, %dma_start3A_1601] : memref<64x100000xf32, #tpu.memory_space<hbm>> -> memref<1x100000xf32, #tpu.memory_space<hbm>>
    %dma_start3A_1603 = tpu.memref_squeeze %dma_start3A_1602 : memref<1x100000xf32, #tpu.memory_space<hbm>> -> memref<100000xf32, #tpu.memory_space<hbm>>
    %dma_start3A_1604 = arith.constant 0 : i32
    %dma_start3A_1605 = tpu.memref_slice %dma_start3A_1603[%dma_start3A_1604] : memref<100000xf32, #tpu.memory_space<hbm>> -> memref<100000xf32, #tpu.memory_space<hbm>>
    tpu.enqueue_indirect_dma source(%dma_start3A_1605 : memref<100000xf32, #tpu.memory_space<hbm>>) target(%dma_start3A_1598 : memref<128xf32, #tpu.memory_space<vmem>>) offsets(%dma_start3A_1600 : memref<128xi32, #tpu.memory_space<vmem>>) semaphore(%arg8 : memref<!tpu.dma_semaphore, #tpu.memory_space<semaphore_mem>>)
    %dma_start3A_1606 = arith.constant 2176 : i32
    %dma_start3A_1607 = tpu.memref_slice %arg6[%dma_start3A_1606] : memref<10240xf32, #tpu.memory_space<vmem>> -> memref<128xf32, #tpu.memory_space<vmem>>
    %dma_start3A_1608 = arith.constant 2176 : i32
    %dma_start3A_1609 = tpu.memref_slice %arg5[%dma_start3A_1608] : memref<10240xi32, #tpu.memory_space<vmem>> -> memref<128xi32, #tpu.memory_space<vmem>>
    %dma_start3A_1610 = arith.constant 0 : i32
    %dma_start3A_1611 = tpu.memref_slice %arg3[%add3A_1452, %dma_start3A_1610] : memref<64x100000xf32, #tpu.memory_space<hbm>> -> memref<1x100000xf32, #tpu.memory_space<hbm>>
    %dma_start3A_1612 = tpu.memref_squeeze %dma_start3A_1611 : memref<1x100000xf32, #tpu.memory_space<hbm>> -> memref<100000xf32, #tpu.memory_space<hbm>>
    %dma_start3A_1613 = arith.constant 0 : i32
    %dma_start3A_1614 = tpu.memref_slice %dma_start3A_1612[%dma_start3A_1613] : memref<100000xf32, #tpu.memory_space<hbm>> -> memref<100000xf32, #tpu.memory_space<hbm>>
    tpu.enqueue_indirect_dma source(%dma_start3A_1614 : memref<100000xf32, #tpu.memory_space<hbm>>) target(%dma_start3A_1607 : memref<128xf32, #tpu.memory_space<vmem>>) offsets(%dma_start3A_1609 : memref<128xi32, #tpu.memory_space<vmem>>) semaphore(%arg8 : memref<!tpu.dma_semaphore, #tpu.memory_space<semaphore_mem>>)
    %dma_start3A_1615 = arith.constant 2304 : i32
    %dma_start3A_1616 = tpu.memref_slice %arg6[%dma_start3A_1615] : memref<10240xf32, #tpu.memory_space<vmem>> -> memref<128xf32, #tpu.memory_space<vmem>>
    %dma_start3A_1617 = arith.constant 2304 : i32
    %dma_start3A_1618 = tpu.memref_slice %arg5[%dma_start3A_1617] : memref<10240xi32, #tpu.memory_space<vmem>> -> memref<128xi32, #tpu.memory_space<vmem>>
    %dma_start3A_1619 = arith.constant 0 : i32
    %dma_start3A_1620 = tpu.memref_slice %arg3[%add3A_1452, %dma_start3A_1619] : memref<64x100000xf32, #tpu.memory_space<hbm>> -> memref<1x100000xf32, #tpu.memory_space<hbm>>
    %dma_start3A_1621 = tpu.memref_squeeze %dma_start3A_1620 : memref<1x100000xf32, #tpu.memory_space<hbm>> -> memref<100000xf32, #tpu.memory_space<hbm>>
    %dma_start3A_1622 = arith.constant 0 : i32
    %dma_start3A_1623 = tpu.memref_slice %dma_start3A_1621[%dma_start3A_1622] : memref<100000xf32, #tpu.memory_space<hbm>> -> memref<100000xf32, #tpu.memory_space<hbm>>
    tpu.enqueue_indirect_dma source(%dma_start3A_1623 : memref<100000xf32, #tpu.memory_space<hbm>>) target(%dma_start3A_1616 : memref<128xf32, #tpu.memory_space<vmem>>) offsets(%dma_start3A_1618 : memref<128xi32, #tpu.memory_space<vmem>>) semaphore(%arg8 : memref<!tpu.dma_semaphore, #tpu.memory_space<semaphore_mem>>)
    %dma_start3A_1624 = arith.constant 2432 : i32
    %dma_start3A_1625 = tpu.memref_slice %arg6[%dma_start3A_1624] : memref<10240xf32, #tpu.memory_space<vmem>> -> memref<128xf32, #tpu.memory_space<vmem>>
    %dma_start3A_1626 = arith.constant 2432 : i32
    %dma_start3A_1627 = tpu.memref_slice %arg5[%dma_start3A_1626] : memref<10240xi32, #tpu.memory_space<vmem>> -> memref<128xi32, #tpu.memory_space<vmem>>
    %dma_start3A_1628 = arith.constant 0 : i32
    %dma_start3A_1629 = tpu.memref_slice %arg3[%add3A_1452, %dma_start3A_1628] : memref<64x100000xf32, #tpu.memory_space<hbm>> -> memref<1x100000xf32, #tpu.memory_space<hbm>>
    %dma_start3A_1630 = tpu.memref_squeeze %dma_start3A_1629 : memref<1x100000xf32, #tpu.memory_space<hbm>> -> memref<100000xf32, #tpu.memory_space<hbm>>
    %dma_start3A_1631 = arith.constant 0 : i32
    %dma_start3A_1632 = tpu.memref_slice %dma_start3A_1630[%dma_start3A_1631] : memref<100000xf32, #tpu.memory_space<hbm>> -> memref<100000xf32, #tpu.memory_space<hbm>>
    tpu.enqueue_indirect_dma source(%dma_start3A_1632 : memref<100000xf32, #tpu.memory_space<hbm>>) target(%dma_start3A_1625 : memref<128xf32, #tpu.memory_space<vmem>>) offsets(%dma_start3A_1627 : memref<128xi32, #tpu.memory_space<vmem>>) semaphore(%arg8 : memref<!tpu.dma_semaphore, #tpu.memory_space<semaphore_mem>>)
    %dma_start3A_1633 = arith.constant 2560 : i32
    %dma_start3A_1634 = tpu.memref_slice %arg6[%dma_start3A_1633] : memref<10240xf32, #tpu.memory_space<vmem>> -> memref<128xf32, #tpu.memory_space<vmem>>
    %dma_start3A_1635 = arith.constant 2560 : i32
    %dma_start3A_1636 = tpu.memref_slice %arg5[%dma_start3A_1635] : memref<10240xi32, #tpu.memory_space<vmem>> -> memref<128xi32, #tpu.memory_space<vmem>>
    %dma_start3A_1637 = arith.constant 0 : i32
    %dma_start3A_1638 = tpu.memref_slice %arg3[%add3A_1452, %dma_start3A_1637] : memref<64x100000xf32, #tpu.memory_space<hbm>> -> memref<1x100000xf32, #tpu.memory_space<hbm>>
    %dma_start3A_1639 = tpu.memref_squeeze %dma_start3A_1638 : memref<1x100000xf32, #tpu.memory_space<hbm>> -> memref<100000xf32, #tpu.memory_space<hbm>>
    %dma_start3A_1640 = arith.constant 0 : i32
    %dma_start3A_1641 = tpu.memref_slice %dma_start3A_1639[%dma_start3A_1640] : memref<100000xf32, #tpu.memory_space<hbm>> -> memref<100000xf32, #tpu.memory_space<hbm>>
    tpu.enqueue_indirect_dma source(%dma_start3A_1641 : memref<100000xf32, #tpu.memory_space<hbm>>) target(%dma_start3A_1634 : memref<128xf32, #tpu.memory_space<vmem>>) offsets(%dma_start3A_1636 : memref<128xi32, #tpu.memory_space<vmem>>) semaphore(%arg8 : memref<!tpu.dma_semaphore, #tpu.memory_space<semaphore_mem>>)
    %dma_start3A_1642 = arith.constant 2688 : i32
    %dma_start3A_1643 = tpu.memref_slice %arg6[%dma_start3A_1642] : memref<10240xf32, #tpu.memory_space<vmem>> -> memref<128xf32, #tpu.memory_space<vmem>>
    %dma_start3A_1644 = arith.constant 2688 : i32
    %dma_start3A_1645 = tpu.memref_slice %arg5[%dma_start3A_1644] : memref<10240xi32, #tpu.memory_space<vmem>> -> memref<128xi32, #tpu.memory_space<vmem>>
    %dma_start3A_1646 = arith.constant 0 : i32
    %dma_start3A_1647 = tpu.memref_slice %arg3[%add3A_1452, %dma_start3A_1646] : memref<64x100000xf32, #tpu.memory_space<hbm>> -> memref<1x100000xf32, #tpu.memory_space<hbm>>
    %dma_start3A_1648 = tpu.memref_squeeze %dma_start3A_1647 : memref<1x100000xf32, #tpu.memory_space<hbm>> -> memref<100000xf32, #tpu.memory_space<hbm>>
    %dma_start3A_1649 = arith.constant 0 : i32
    %dma_start3A_1650 = tpu.memref_slice %dma_start3A_1648[%dma_start3A_1649] : memref<100000xf32, #tpu.memory_space<hbm>> -> memref<100000xf32, #tpu.memory_space<hbm>>
    tpu.enqueue_indirect_dma source(%dma_start3A_1650 : memref<100000xf32, #tpu.memory_space<hbm>>) target(%dma_start3A_1643 : memref<128xf32, #tpu.memory_space<vmem>>) offsets(%dma_start3A_1645 : memref<128xi32, #tpu.memory_space<vmem>>) semaphore(%arg8 : memref<!tpu.dma_semaphore, #tpu.memory_space<semaphore_mem>>)
    %dma_start3A_1651 = arith.constant 2816 : i32
    %dma_start3A_1652 = tpu.memref_slice %arg6[%dma_start3A_1651] : memref<10240xf32, #tpu.memory_space<vmem>> -> memref<128xf32, #tpu.memory_space<vmem>>
    %dma_start3A_1653 = arith.constant 2816 : i32
    %dma_start3A_1654 = tpu.memref_slice %arg5[%dma_start3A_1653] : memref<10240xi32, #tpu.memory_space<vmem>> -> memref<128xi32, #tpu.memory_space<vmem>>
    %dma_start3A_1655 = arith.constant 0 : i32
    %dma_start3A_1656 = tpu.memref_slice %arg3[%add3A_1452, %dma_start3A_1655] : memref<64x100000xf32, #tpu.memory_space<hbm>> -> memref<1x100000xf32, #tpu.memory_space<hbm>>
    %dma_start3A_1657 = tpu.memref_squeeze %dma_start3A_1656 : memref<1x100000xf32, #tpu.memory_space<hbm>> -> memref<100000xf32, #tpu.memory_space<hbm>>
    %dma_start3A_1658 = arith.constant 0 : i32
    %dma_start3A_1659 = tpu.memref_slice %dma_start3A_1657[%dma_start3A_1658] : memref<100000xf32, #tpu.memory_space<hbm>> -> memref<100000xf32, #tpu.memory_space<hbm>>
    tpu.enqueue_indirect_dma source(%dma_start3A_1659 : memref<100000xf32, #tpu.memory_space<hbm>>) target(%dma_start3A_1652 : memref<128xf32, #tpu.memory_space<vmem>>) offsets(%dma_start3A_1654 : memref<128xi32, #tpu.memory_space<vmem>>) semaphore(%arg8 : memref<!tpu.dma_semaphore, #tpu.memory_space<semaphore_mem>>)
    %dma_start3A_1660 = arith.constant 2944 : i32
    %dma_start3A_1661 = tpu.memref_slice %arg6[%dma_start3A_1660] : memref<10240xf32, #tpu.memory_space<vmem>> -> memref<128xf32, #tpu.memory_space<vmem>>
    %dma_start3A_1662 = arith.constant 2944 : i32
    %dma_start3A_1663 = tpu.memref_slice %arg5[%dma_start3A_1662] : memref<10240xi32, #tpu.memory_space<vmem>> -> memref<128xi32, #tpu.memory_space<vmem>>
    %dma_start3A_1664 = arith.constant 0 : i32
    %dma_start3A_1665 = tpu.memref_slice %arg3[%add3A_1452, %dma_start3A_1664] : memref<64x100000xf32, #tpu.memory_space<hbm>> -> memref<1x100000xf32, #tpu.memory_space<hbm>>
    %dma_start3A_1666 = tpu.memref_squeeze %dma_start3A_1665 : memref<1x100000xf32, #tpu.memory_space<hbm>> -> memref<100000xf32, #tpu.memory_space<hbm>>
    %dma_start3A_1667 = arith.constant 0 : i32
    %dma_start3A_1668 = tpu.memref_slice %dma_start3A_1666[%dma_start3A_1667] : memref<100000xf32, #tpu.memory_space<hbm>> -> memref<100000xf32, #tpu.memory_space<hbm>>
    tpu.enqueue_indirect_dma source(%dma_start3A_1668 : memref<100000xf32, #tpu.memory_space<hbm>>) target(%dma_start3A_1661 : memref<128xf32, #tpu.memory_space<vmem>>) offsets(%dma_start3A_1663 : memref<128xi32, #tpu.memory_space<vmem>>) semaphore(%arg8 : memref<!tpu.dma_semaphore, #tpu.memory_space<semaphore_mem>>)
    %dma_start3A_1669 = arith.constant 3072 : i32
    %dma_start3A_1670 = tpu.memref_slice %arg6[%dma_start3A_1669] : memref<10240xf32, #tpu.memory_space<vmem>> -> memref<128xf32, #tpu.memory_space<vmem>>
    %dma_start3A_1671 = arith.constant 3072 : i32
    %dma_start3A_1672 = tpu.memref_slice %arg5[%dma_start3A_1671] : memref<10240xi32, #tpu.memory_space<vmem>> -> memref<128xi32, #tpu.memory_space<vmem>>
    %dma_start3A_1673 = arith.constant 0 : i32
    %dma_start3A_1674 = tpu.memref_slice %arg3[%add3A_1452, %dma_start3A_1673] : memref<64x100000xf32, #tpu.memory_space<hbm>> -> memref<1x100000xf32, #tpu.memory_space<hbm>>
    %dma_start3A_1675 = tpu.memref_squeeze %dma_start3A_1674 : memref<1x100000xf32, #tpu.memory_space<hbm>> -> memref<100000xf32, #tpu.memory_space<hbm>>
    %dma_start3A_1676 = arith.constant 0 : i32
    %dma_start3A_1677 = tpu.memref_slice %dma_start3A_1675[%dma_start3A_1676] : memref<100000xf32, #tpu.memory_space<hbm>> -> memref<100000xf32, #tpu.memory_space<hbm>>
    tpu.enqueue_indirect_dma source(%dma_start3A_1677 : memref<100000xf32, #tpu.memory_space<hbm>>) target(%dma_start3A_1670 : memref<128xf32, #tpu.memory_space<vmem>>) offsets(%dma_start3A_1672 : memref<128xi32, #tpu.memory_space<vmem>>) semaphore(%arg8 : memref<!tpu.dma_semaphore, #tpu.memory_space<semaphore_mem>>)
    %dma_start3A_1678 = arith.constant 3200 : i32
    %dma_start3A_1679 = tpu.memref_slice %arg6[%dma_start3A_1678] : memref<10240xf32, #tpu.memory_space<vmem>> -> memref<128xf32, #tpu.memory_space<vmem>>
    %dma_start3A_1680 = arith.constant 3200 : i32
    %dma_start3A_1681 = tpu.memref_slice %arg5[%dma_start3A_1680] : memref<10240xi32, #tpu.memory_space<vmem>> -> memref<128xi32, #tpu.memory_space<vmem>>
    %dma_start3A_1682 = arith.constant 0 : i32
    %dma_start3A_1683 = tpu.memref_slice %arg3[%add3A_1452, %dma_start3A_1682] : memref<64x100000xf32, #tpu.memory_space<hbm>> -> memref<1x100000xf32, #tpu.memory_space<hbm>>
    %dma_start3A_1684 = tpu.memref_squeeze %dma_start3A_1683 : memref<1x100000xf32, #tpu.memory_space<hbm>> -> memref<100000xf32, #tpu.memory_space<hbm>>
    %dma_start3A_1685 = arith.constant 0 : i32
    %dma_start3A_1686 = tpu.memref_slice %dma_start3A_1684[%dma_start3A_1685] : memref<100000xf32, #tpu.memory_space<hbm>> -> memref<100000xf32, #tpu.memory_space<hbm>>
    tpu.enqueue_indirect_dma source(%dma_start3A_1686 : memref<100000xf32, #tpu.memory_space<hbm>>) target(%dma_start3A_1679 : memref<128xf32, #tpu.memory_space<vmem>>) offsets(%dma_start3A_1681 : memref<128xi32, #tpu.memory_space<vmem>>) semaphore(%arg8 : memref<!tpu.dma_semaphore, #tpu.memory_space<semaphore_mem>>)
    %dma_start3A_1687 = arith.constant 3328 : i32
    %dma_start3A_1688 = tpu.memref_slice %arg6[%dma_start3A_1687] : memref<10240xf32, #tpu.memory_space<vmem>> -> memref<128xf32, #tpu.memory_space<vmem>>
    %dma_start3A_1689 = arith.constant 3328 : i32
    %dma_start3A_1690 = tpu.memref_slice %arg5[%dma_start3A_1689] : memref<10240xi32, #tpu.memory_space<vmem>> -> memref<128xi32, #tpu.memory_space<vmem>>
    %dma_start3A_1691 = arith.constant 0 : i32
    %dma_start3A_1692 = tpu.memref_slice %arg3[%add3A_1452, %dma_start3A_1691] : memref<64x100000xf32, #tpu.memory_space<hbm>> -> memref<1x100000xf32, #tpu.memory_space<hbm>>
    %dma_start3A_1693 = tpu.memref_squeeze %dma_start3A_1692 : memref<1x100000xf32, #tpu.memory_space<hbm>> -> memref<100000xf32, #tpu.memory_space<hbm>>
    %dma_start3A_1694 = arith.constant 0 : i32
    %dma_start3A_1695 = tpu.memref_slice %dma_start3A_1693[%dma_start3A_1694] : memref<100000xf32, #tpu.memory_space<hbm>> -> memref<100000xf32, #tpu.memory_space<hbm>>
    tpu.enqueue_indirect_dma source(%dma_start3A_1695 : memref<100000xf32, #tpu.memory_space<hbm>>) target(%dma_start3A_1688 : memref<128xf32, #tpu.memory_space<vmem>>) offsets(%dma_start3A_1690 : memref<128xi32, #tpu.memory_space<vmem>>) semaphore(%arg8 : memref<!tpu.dma_semaphore, #tpu.memory_space<semaphore_mem>>)
    %dma_start3A_1696 = arith.constant 3456 : i32
    %dma_start3A_1697 = tpu.memref_slice %arg6[%dma_start3A_1696] : memref<10240xf32, #tpu.memory_space<vmem>> -> memref<128xf32, #tpu.memory_space<vmem>>
    %dma_start3A_1698 = arith.constant 3456 : i32
    %dma_start3A_1699 = tpu.memref_slice %arg5[%dma_start3A_1698] : memref<10240xi32, #tpu.memory_space<vmem>> -> memref<128xi32, #tpu.memory_space<vmem>>
    %dma_start3A_1700 = arith.constant 0 : i32
    %dma_start3A_1701 = tpu.memref_slice %arg3[%add3A_1452, %dma_start3A_1700] : memref<64x100000xf32, #tpu.memory_space<hbm>> -> memref<1x100000xf32, #tpu.memory_space<hbm>>
    %dma_start3A_1702 = tpu.memref_squeeze %dma_start3A_1701 : memref<1x100000xf32, #tpu.memory_space<hbm>> -> memref<100000xf32, #tpu.memory_space<hbm>>
    %dma_start3A_1703 = arith.constant 0 : i32
    %dma_start3A_1704 = tpu.memref_slice %dma_start3A_1702[%dma_start3A_1703] : memref<100000xf32, #tpu.memory_space<hbm>> -> memref<100000xf32, #tpu.memory_space<hbm>>
    tpu.enqueue_indirect_dma source(%dma_start3A_1704 : memref<100000xf32, #tpu.memory_space<hbm>>) target(%dma_start3A_1697 : memref<128xf32, #tpu.memory_space<vmem>>) offsets(%dma_start3A_1699 : memref<128xi32, #tpu.memory_space<vmem>>) semaphore(%arg8 : memref<!tpu.dma_semaphore, #tpu.memory_space<semaphore_mem>>)
    %dma_start3A_1705 = arith.constant 3584 : i32
    %dma_start3A_1706 = tpu.memref_slice %arg6[%dma_start3A_1705] : memref<10240xf32, #tpu.memory_space<vmem>> -> memref<128xf32, #tpu.memory_space<vmem>>
    %dma_start3A_1707 = arith.constant 3584 : i32
    %dma_start3A_1708 = tpu.memref_slice %arg5[%dma_start3A_1707] : memref<10240xi32, #tpu.memory_space<vmem>> -> memref<128xi32, #tpu.memory_space<vmem>>
    %dma_start3A_1709 = arith.constant 0 : i32
    %dma_start3A_1710 = tpu.memref_slice %arg3[%add3A_1452, %dma_start3A_1709] : memref<64x100000xf32, #tpu.memory_space<hbm>> -> memref<1x100000xf32, #tpu.memory_space<hbm>>
    %dma_start3A_1711 = tpu.memref_squeeze %dma_start3A_1710 : memref<1x100000xf32, #tpu.memory_space<hbm>> -> memref<100000xf32, #tpu.memory_space<hbm>>
    %dma_start3A_1712 = arith.constant 0 : i32
    %dma_start3A_1713 = tpu.memref_slice %dma_start3A_1711[%dma_start3A_1712] : memref<100000xf32, #tpu.memory_space<hbm>> -> memref<100000xf32, #tpu.memory_space<hbm>>
    tpu.enqueue_indirect_dma source(%dma_start3A_1713 : memref<100000xf32, #tpu.memory_space<hbm>>) target(%dma_start3A_1706 : memref<128xf32, #tpu.memory_space<vmem>>) offsets(%dma_start3A_1708 : memref<128xi32, #tpu.memory_space<vmem>>) semaphore(%arg8 : memref<!tpu.dma_semaphore, #tpu.memory_space<semaphore_mem>>)
    %dma_start3A_1714 = arith.constant 3712 : i32
    %dma_start3A_1715 = tpu.memref_slice %arg6[%dma_start3A_1714] : memref<10240xf32, #tpu.memory_space<vmem>> -> memref<128xf32, #tpu.memory_space<vmem>>
    %dma_start3A_1716 = arith.constant 3712 : i32
    %dma_start3A_1717 = tpu.memref_slice %arg5[%dma_start3A_1716] : memref<10240xi32, #tpu.memory_space<vmem>> -> memref<128xi32, #tpu.memory_space<vmem>>
    %dma_start3A_1718 = arith.constant 0 : i32
    %dma_start3A_1719 = tpu.memref_slice %arg3[%add3A_1452, %dma_start3A_1718] : memref<64x100000xf32, #tpu.memory_space<hbm>> -> memref<1x100000xf32, #tpu.memory_space<hbm>>
    %dma_start3A_1720 = tpu.memref_squeeze %dma_start3A_1719 : memref<1x100000xf32, #tpu.memory_space<hbm>> -> memref<100000xf32, #tpu.memory_space<hbm>>
    %dma_start3A_1721 = arith.constant 0 : i32
    %dma_start3A_1722 = tpu.memref_slice %dma_start3A_1720[%dma_start3A_1721] : memref<100000xf32, #tpu.memory_space<hbm>> -> memref<100000xf32, #tpu.memory_space<hbm>>
    tpu.enqueue_indirect_dma source(%dma_start3A_1722 : memref<100000xf32, #tpu.memory_space<hbm>>) target(%dma_start3A_1715 : memref<128xf32, #tpu.memory_space<vmem>>) offsets(%dma_start3A_1717 : memref<128xi32, #tpu.memory_space<vmem>>) semaphore(%arg8 : memref<!tpu.dma_semaphore, #tpu.memory_space<semaphore_mem>>)
    %dma_start3A_1723 = arith.constant 3840 : i32
    %dma_start3A_1724 = tpu.memref_slice %arg6[%dma_start3A_1723] : memref<10240xf32, #tpu.memory_space<vmem>> -> memref<128xf32, #tpu.memory_space<vmem>>
    %dma_start3A_1725 = arith.constant 3840 : i32
    %dma_start3A_1726 = tpu.memref_slice %arg5[%dma_start3A_1725] : memref<10240xi32, #tpu.memory_space<vmem>> -> memref<128xi32, #tpu.memory_space<vmem>>
    %dma_start3A_1727 = arith.constant 0 : i32
    %dma_start3A_1728 = tpu.memref_slice %arg3[%add3A_1452, %dma_start3A_1727] : memref<64x100000xf32, #tpu.memory_space<hbm>> -> memref<1x100000xf32, #tpu.memory_space<hbm>>
    %dma_start3A_1729 = tpu.memref_squeeze %dma_start3A_1728 : memref<1x100000xf32, #tpu.memory_space<hbm>> -> memref<100000xf32, #tpu.memory_space<hbm>>
    %dma_start3A_1730 = arith.constant 0 : i32
    %dma_start3A_1731 = tpu.memref_slice %dma_start3A_1729[%dma_start3A_1730] : memref<100000xf32, #tpu.memory_space<hbm>> -> memref<100000xf32, #tpu.memory_space<hbm>>
    tpu.enqueue_indirect_dma source(%dma_start3A_1731 : memref<100000xf32, #tpu.memory_space<hbm>>) target(%dma_start3A_1724 : memref<128xf32, #tpu.memory_space<vmem>>) offsets(%dma_start3A_1726 : memref<128xi32, #tpu.memory_space<vmem>>) semaphore(%arg8 : memref<!tpu.dma_semaphore, #tpu.memory_space<semaphore_mem>>)
    %dma_start3A_1732 = arith.constant 3968 : i32
    %dma_start3A_1733 = tpu.memref_slice %arg6[%dma_start3A_1732] : memref<10240xf32, #tpu.memory_space<vmem>> -> memref<128xf32, #tpu.memory_space<vmem>>
    %dma_start3A_1734 = arith.constant 3968 : i32
    %dma_start3A_1735 = tpu.memref_slice %arg5[%dma_start3A_1734] : memref<10240xi32, #tpu.memory_space<vmem>> -> memref<128xi32, #tpu.memory_space<vmem>>
    %dma_start3A_1736 = arith.constant 0 : i32
    %dma_start3A_1737 = tpu.memref_slice %arg3[%add3A_1452, %dma_start3A_1736] : memref<64x100000xf32, #tpu.memory_space<hbm>> -> memref<1x100000xf32, #tpu.memory_space<hbm>>
    %dma_start3A_1738 = tpu.memref_squeeze %dma_start3A_1737 : memref<1x100000xf32, #tpu.memory_space<hbm>> -> memref<100000xf32, #tpu.memory_space<hbm>>
    %dma_start3A_1739 = arith.constant 0 : i32
    %dma_start3A_1740 = tpu.memref_slice %dma_start3A_1738[%dma_start3A_1739] : memref<100000xf32, #tpu.memory_space<hbm>> -> memref<100000xf32, #tpu.memory_space<hbm>>
    tpu.enqueue_indirect_dma source(%dma_start3A_1740 : memref<100000xf32, #tpu.memory_space<hbm>>) target(%dma_start3A_1733 : memref<128xf32, #tpu.memory_space<vmem>>) offsets(%dma_start3A_1735 : memref<128xi32, #tpu.memory_space<vmem>>) semaphore(%arg8 : memref<!tpu.dma_semaphore, #tpu.memory_space<semaphore_mem>>)
    %dma_start3A_1741 = arith.constant 4096 : i32
    %dma_start3A_1742 = tpu.memref_slice %arg6[%dma_start3A_1741] : memref<10240xf32, #tpu.memory_space<vmem>> -> memref<128xf32, #tpu.memory_space<vmem>>
    %dma_start3A_1743 = arith.constant 4096 : i32
    %dma_start3A_1744 = tpu.memref_slice %arg5[%dma_start3A_1743] : memref<10240xi32, #tpu.memory_space<vmem>> -> memref<128xi32, #tpu.memory_space<vmem>>
    %dma_start3A_1745 = arith.constant 0 : i32
    %dma_start3A_1746 = tpu.memref_slice %arg3[%add3A_1452, %dma_start3A_1745] : memref<64x100000xf32, #tpu.memory_space<hbm>> -> memref<1x100000xf32, #tpu.memory_space<hbm>>
    %dma_start3A_1747 = tpu.memref_squeeze %dma_start3A_1746 : memref<1x100000xf32, #tpu.memory_space<hbm>> -> memref<100000xf32, #tpu.memory_space<hbm>>
    %dma_start3A_1748 = arith.constant 0 : i32
    %dma_start3A_1749 = tpu.memref_slice %dma_start3A_1747[%dma_start3A_1748] : memref<100000xf32, #tpu.memory_space<hbm>> -> memref<100000xf32, #tpu.memory_space<hbm>>
    tpu.enqueue_indirect_dma source(%dma_start3A_1749 : memref<100000xf32, #tpu.memory_space<hbm>>) target(%dma_start3A_1742 : memref<128xf32, #tpu.memory_space<vmem>>) offsets(%dma_start3A_1744 : memref<128xi32, #tpu.memory_space<vmem>>) semaphore(%arg8 : memref<!tpu.dma_semaphore, #tpu.memory_space<semaphore_mem>>)
    %dma_start3A_1750 = arith.constant 4224 : i32
    %dma_start3A_1751 = tpu.memref_slice %arg6[%dma_start3A_1750] : memref<10240xf32, #tpu.memory_space<vmem>> -> memref<128xf32, #tpu.memory_space<vmem>>
    %dma_start3A_1752 = arith.constant 4224 : i32
    %dma_start3A_1753 = tpu.memref_slice %arg5[%dma_start3A_1752] : memref<10240xi32, #tpu.memory_space<vmem>> -> memref<128xi32, #tpu.memory_space<vmem>>
    %dma_start3A_1754 = arith.constant 0 : i32
    %dma_start3A_1755 = tpu.memref_slice %arg3[%add3A_1452, %dma_start3A_1754] : memref<64x100000xf32, #tpu.memory_space<hbm>> -> memref<1x100000xf32, #tpu.memory_space<hbm>>
    %dma_start3A_1756 = tpu.memref_squeeze %dma_start3A_1755 : memref<1x100000xf32, #tpu.memory_space<hbm>> -> memref<100000xf32, #tpu.memory_space<hbm>>
    %dma_start3A_1757 = arith.constant 0 : i32
    %dma_start3A_1758 = tpu.memref_slice %dma_start3A_1756[%dma_start3A_1757] : memref<100000xf32, #tpu.memory_space<hbm>> -> memref<100000xf32, #tpu.memory_space<hbm>>
    tpu.enqueue_indirect_dma source(%dma_start3A_1758 : memref<100000xf32, #tpu.memory_space<hbm>>) target(%dma_start3A_1751 : memref<128xf32, #tpu.memory_space<vmem>>) offsets(%dma_start3A_1753 : memref<128xi32, #tpu.memory_space<vmem>>) semaphore(%arg8 : memref<!tpu.dma_semaphore, #tpu.memory_space<semaphore_mem>>)
    %dma_start3A_1759 = arith.constant 4352 : i32
    %dma_start3A_1760 = tpu.memref_slice %arg6[%dma_start3A_1759] : memref<10240xf32, #tpu.memory_space<vmem>> -> memref<128xf32, #tpu.memory_space<vmem>>
    %dma_start3A_1761 = arith.constant 4352 : i32
    %dma_start3A_1762 = tpu.memref_slice %arg5[%dma_start3A_1761] : memref<10240xi32, #tpu.memory_space<vmem>> -> memref<128xi32, #tpu.memory_space<vmem>>
    %dma_start3A_1763 = arith.constant 0 : i32
    %dma_start3A_1764 = tpu.memref_slice %arg3[%add3A_1452, %dma_start3A_1763] : memref<64x100000xf32, #tpu.memory_space<hbm>> -> memref<1x100000xf32, #tpu.memory_space<hbm>>
    %dma_start3A_1765 = tpu.memref_squeeze %dma_start3A_1764 : memref<1x100000xf32, #tpu.memory_space<hbm>> -> memref<100000xf32, #tpu.memory_space<hbm>>
    %dma_start3A_1766 = arith.constant 0 : i32
    %dma_start3A_1767 = tpu.memref_slice %dma_start3A_1765[%dma_start3A_1766] : memref<100000xf32, #tpu.memory_space<hbm>> -> memref<100000xf32, #tpu.memory_space<hbm>>
    tpu.enqueue_indirect_dma source(%dma_start3A_1767 : memref<100000xf32, #tpu.memory_space<hbm>>) target(%dma_start3A_1760 : memref<128xf32, #tpu.memory_space<vmem>>) offsets(%dma_start3A_1762 : memref<128xi32, #tpu.memory_space<vmem>>) semaphore(%arg8 : memref<!tpu.dma_semaphore, #tpu.memory_space<semaphore_mem>>)
    %dma_start3A_1768 = arith.constant 4480 : i32
    %dma_start3A_1769 = tpu.memref_slice %arg6[%dma_start3A_1768] : memref<10240xf32, #tpu.memory_space<vmem>> -> memref<128xf32, #tpu.memory_space<vmem>>
    %dma_start3A_1770 = arith.constant 4480 : i32
    %dma_start3A_1771 = tpu.memref_slice %arg5[%dma_start3A_1770] : memref<10240xi32, #tpu.memory_space<vmem>> -> memref<128xi32, #tpu.memory_space<vmem>>
    %dma_start3A_1772 = arith.constant 0 : i32
    %dma_start3A_1773 = tpu.memref_slice %arg3[%add3A_1452, %dma_start3A_1772] : memref<64x100000xf32, #tpu.memory_space<hbm>> -> memref<1x100000xf32, #tpu.memory_space<hbm>>
    %dma_start3A_1774 = tpu.memref_squeeze %dma_start3A_1773 : memref<1x100000xf32, #tpu.memory_space<hbm>> -> memref<100000xf32, #tpu.memory_space<hbm>>
    %dma_start3A_1775 = arith.constant 0 : i32
    %dma_start3A_1776 = tpu.memref_slice %dma_start3A_1774[%dma_start3A_1775] : memref<100000xf32, #tpu.memory_space<hbm>> -> memref<100000xf32, #tpu.memory_space<hbm>>
    tpu.enqueue_indirect_dma source(%dma_start3A_1776 : memref<100000xf32, #tpu.memory_space<hbm>>) target(%dma_start3A_1769 : memref<128xf32, #tpu.memory_space<vmem>>) offsets(%dma_start3A_1771 : memref<128xi32, #tpu.memory_space<vmem>>) semaphore(%arg8 : memref<!tpu.dma_semaphore, #tpu.memory_space<semaphore_mem>>)
    %dma_start3A_1777 = arith.constant 4608 : i32
    %dma_start3A_1778 = tpu.memref_slice %arg6[%dma_start3A_1777] : memref<10240xf32, #tpu.memory_space<vmem>> -> memref<128xf32, #tpu.memory_space<vmem>>
    %dma_start3A_1779 = arith.constant 4608 : i32
    %dma_start3A_1780 = tpu.memref_slice %arg5[%dma_start3A_1779] : memref<10240xi32, #tpu.memory_space<vmem>> -> memref<128xi32, #tpu.memory_space<vmem>>
    %dma_start3A_1781 = arith.constant 0 : i32
    %dma_start3A_1782 = tpu.memref_slice %arg3[%add3A_1452, %dma_start3A_1781] : memref<64x100000xf32, #tpu.memory_space<hbm>> -> memref<1x100000xf32, #tpu.memory_space<hbm>>
    %dma_start3A_1783 = tpu.memref_squeeze %dma_start3A_1782 : memref<1x100000xf32, #tpu.memory_space<hbm>> -> memref<100000xf32, #tpu.memory_space<hbm>>
    %dma_start3A_1784 = arith.constant 0 : i32
    %dma_start3A_1785 = tpu.memref_slice %dma_start3A_1783[%dma_start3A_1784] : memref<100000xf32, #tpu.memory_space<hbm>> -> memref<100000xf32, #tpu.memory_space<hbm>>
    tpu.enqueue_indirect_dma source(%dma_start3A_1785 : memref<100000xf32, #tpu.memory_space<hbm>>) target(%dma_start3A_1778 : memref<128xf32, #tpu.memory_space<vmem>>) offsets(%dma_start3A_1780 : memref<128xi32, #tpu.memory_space<vmem>>) semaphore(%arg8 : memref<!tpu.dma_semaphore, #tpu.memory_space<semaphore_mem>>)
    %dma_start3A_1786 = arith.constant 4736 : i32
    %dma_start3A_1787 = tpu.memref_slice %arg6[%dma_start3A_1786] : memref<10240xf32, #tpu.memory_space<vmem>> -> memref<128xf32, #tpu.memory_space<vmem>>
    %dma_start3A_1788 = arith.constant 4736 : i32
    %dma_start3A_1789 = tpu.memref_slice %arg5[%dma_start3A_1788] : memref<10240xi32, #tpu.memory_space<vmem>> -> memref<128xi32, #tpu.memory_space<vmem>>
    %dma_start3A_1790 = arith.constant 0 : i32
    %dma_start3A_1791 = tpu.memref_slice %arg3[%add3A_1452, %dma_start3A_1790] : memref<64x100000xf32, #tpu.memory_space<hbm>> -> memref<1x100000xf32, #tpu.memory_space<hbm>>
    %dma_start3A_1792 = tpu.memref_squeeze %dma_start3A_1791 : memref<1x100000xf32, #tpu.memory_space<hbm>> -> memref<100000xf32, #tpu.memory_space<hbm>>
    %dma_start3A_1793 = arith.constant 0 : i32
    %dma_start3A_1794 = tpu.memref_slice %dma_start3A_1792[%dma_start3A_1793] : memref<100000xf32, #tpu.memory_space<hbm>> -> memref<100000xf32, #tpu.memory_space<hbm>>
    tpu.enqueue_indirect_dma source(%dma_start3A_1794 : memref<100000xf32, #tpu.memory_space<hbm>>) target(%dma_start3A_1787 : memref<128xf32, #tpu.memory_space<vmem>>) offsets(%dma_start3A_1789 : memref<128xi32, #tpu.memory_space<vmem>>) semaphore(%arg8 : memref<!tpu.dma_semaphore, #tpu.memory_space<semaphore_mem>>)
    %dma_start3A_1795 = arith.constant 4864 : i32
    %dma_start3A_1796 = tpu.memref_slice %arg6[%dma_start3A_1795] : memref<10240xf32, #tpu.memory_space<vmem>> -> memref<128xf32, #tpu.memory_space<vmem>>
    %dma_start3A_1797 = arith.constant 4864 : i32
    %dma_start3A_1798 = tpu.memref_slice %arg5[%dma_start3A_1797] : memref<10240xi32, #tpu.memory_space<vmem>> -> memref<128xi32, #tpu.memory_space<vmem>>
    %dma_start3A_1799 = arith.constant 0 : i32
    %dma_start3A_1800 = tpu.memref_slice %arg3[%add3A_1452, %dma_start3A_1799] : memref<64x100000xf32, #tpu.memory_space<hbm>> -> memref<1x100000xf32, #tpu.memory_space<hbm>>
    %dma_start3A_1801 = tpu.memref_squeeze %dma_start3A_1800 : memref<1x100000xf32, #tpu.memory_space<hbm>> -> memref<100000xf32, #tpu.memory_space<hbm>>
    %dma_start3A_1802 = arith.constant 0 : i32
    %dma_start3A_1803 = tpu.memref_slice %dma_start3A_1801[%dma_start3A_1802] : memref<100000xf32, #tpu.memory_space<hbm>> -> memref<100000xf32, #tpu.memory_space<hbm>>
    tpu.enqueue_indirect_dma source(%dma_start3A_1803 : memref<100000xf32, #tpu.memory_space<hbm>>) target(%dma_start3A_1796 : memref<128xf32, #tpu.memory_space<vmem>>) offsets(%dma_start3A_1798 : memref<128xi32, #tpu.memory_space<vmem>>) semaphore(%arg8 : memref<!tpu.dma_semaphore, #tpu.memory_space<semaphore_mem>>)
    %dma_start3A_1804 = arith.constant 4992 : i32
    %dma_start3A_1805 = tpu.memref_slice %arg6[%dma_start3A_1804] : memref<10240xf32, #tpu.memory_space<vmem>> -> memref<128xf32, #tpu.memory_space<vmem>>
    %dma_start3A_1806 = arith.constant 4992 : i32
    %dma_start3A_1807 = tpu.memref_slice %arg5[%dma_start3A_1806] : memref<10240xi32, #tpu.memory_space<vmem>> -> memref<128xi32, #tpu.memory_space<vmem>>
    %dma_start3A_1808 = arith.constant 0 : i32
    %dma_start3A_1809 = tpu.memref_slice %arg3[%add3A_1452, %dma_start3A_1808] : memref<64x100000xf32, #tpu.memory_space<hbm>> -> memref<1x100000xf32, #tpu.memory_space<hbm>>
    %dma_start3A_1810 = tpu.memref_squeeze %dma_start3A_1809 : memref<1x100000xf32, #tpu.memory_space<hbm>> -> memref<100000xf32, #tpu.memory_space<hbm>>
    %dma_start3A_1811 = arith.constant 0 : i32
    %dma_start3A_1812 = tpu.memref_slice %dma_start3A_1810[%dma_start3A_1811] : memref<100000xf32, #tpu.memory_space<hbm>> -> memref<100000xf32, #tpu.memory_space<hbm>>
    tpu.enqueue_indirect_dma source(%dma_start3A_1812 : memref<100000xf32, #tpu.memory_space<hbm>>) target(%dma_start3A_1805 : memref<128xf32, #tpu.memory_space<vmem>>) offsets(%dma_start3A_1807 : memref<128xi32, #tpu.memory_space<vmem>>) semaphore(%arg8 : memref<!tpu.dma_semaphore, #tpu.memory_space<semaphore_mem>>)
    %dma_start3A_1813 = arith.constant 5120 : i32
    %dma_start3A_1814 = tpu.memref_slice %arg6[%dma_start3A_1813] : memref<10240xf32, #tpu.memory_space<vmem>> -> memref<128xf32, #tpu.memory_space<vmem>>
    %dma_start3A_1815 = arith.constant 5120 : i32
    %dma_start3A_1816 = tpu.memref_slice %arg5[%dma_start3A_1815] : memref<10240xi32, #tpu.memory_space<vmem>> -> memref<128xi32, #tpu.memory_space<vmem>>
    %dma_start3A_1817 = arith.constant 0 : i32
    %dma_start3A_1818 = tpu.memref_slice %arg3[%add3A_1452, %dma_start3A_1817] : memref<64x100000xf32, #tpu.memory_space<hbm>> -> memref<1x100000xf32, #tpu.memory_space<hbm>>
    %dma_start3A_1819 = tpu.memref_squeeze %dma_start3A_1818 : memref<1x100000xf32, #tpu.memory_space<hbm>> -> memref<100000xf32, #tpu.memory_space<hbm>>
    %dma_start3A_1820 = arith.constant 0 : i32
    %dma_start3A_1821 = tpu.memref_slice %dma_start3A_1819[%dma_start3A_1820] : memref<100000xf32, #tpu.memory_space<hbm>> -> memref<100000xf32, #tpu.memory_space<hbm>>
    tpu.enqueue_indirect_dma source(%dma_start3A_1821 : memref<100000xf32, #tpu.memory_space<hbm>>) target(%dma_start3A_1814 : memref<128xf32, #tpu.memory_space<vmem>>) offsets(%dma_start3A_1816 : memref<128xi32, #tpu.memory_space<vmem>>) semaphore(%arg8 : memref<!tpu.dma_semaphore, #tpu.memory_space<semaphore_mem>>)
    %dma_start3A_1822 = arith.constant 5248 : i32
    %dma_start3A_1823 = tpu.memref_slice %arg6[%dma_start3A_1822] : memref<10240xf32, #tpu.memory_space<vmem>> -> memref<128xf32, #tpu.memory_space<vmem>>
    %dma_start3A_1824 = arith.constant 5248 : i32
    %dma_start3A_1825 = tpu.memref_slice %arg5[%dma_start3A_1824] : memref<10240xi32, #tpu.memory_space<vmem>> -> memref<128xi32, #tpu.memory_space<vmem>>
    %dma_start3A_1826 = arith.constant 0 : i32
    %dma_start3A_1827 = tpu.memref_slice %arg3[%add3A_1452, %dma_start3A_1826] : memref<64x100000xf32, #tpu.memory_space<hbm>> -> memref<1x100000xf32, #tpu.memory_space<hbm>>
    %dma_start3A_1828 = tpu.memref_squeeze %dma_start3A_1827 : memref<1x100000xf32, #tpu.memory_space<hbm>> -> memref<100000xf32, #tpu.memory_space<hbm>>
    %dma_start3A_1829 = arith.constant 0 : i32
    %dma_start3A_1830 = tpu.memref_slice %dma_start3A_1828[%dma_start3A_1829] : memref<100000xf32, #tpu.memory_space<hbm>> -> memref<100000xf32, #tpu.memory_space<hbm>>
    tpu.enqueue_indirect_dma source(%dma_start3A_1830 : memref<100000xf32, #tpu.memory_space<hbm>>) target(%dma_start3A_1823 : memref<128xf32, #tpu.memory_space<vmem>>) offsets(%dma_start3A_1825 : memref<128xi32, #tpu.memory_space<vmem>>) semaphore(%arg8 : memref<!tpu.dma_semaphore, #tpu.memory_space<semaphore_mem>>)
    %dma_start3A_1831 = arith.constant 5376 : i32
    %dma_start3A_1832 = tpu.memref_slice %arg6[%dma_start3A_1831] : memref<10240xf32, #tpu.memory_space<vmem>> -> memref<128xf32, #tpu.memory_space<vmem>>
    %dma_start3A_1833 = arith.constant 5376 : i32
    %dma_start3A_1834 = tpu.memref_slice %arg5[%dma_start3A_1833] : memref<10240xi32, #tpu.memory_space<vmem>> -> memref<128xi32, #tpu.memory_space<vmem>>
    %dma_start3A_1835 = arith.constant 0 : i32
    %dma_start3A_1836 = tpu.memref_slice %arg3[%add3A_1452, %dma_start3A_1835] : memref<64x100000xf32, #tpu.memory_space<hbm>> -> memref<1x100000xf32, #tpu.memory_space<hbm>>
    %dma_start3A_1837 = tpu.memref_squeeze %dma_start3A_1836 : memref<1x100000xf32, #tpu.memory_space<hbm>> -> memref<100000xf32, #tpu.memory_space<hbm>>
    %dma_start3A_1838 = arith.constant 0 : i32
    %dma_start3A_1839 = tpu.memref_slice %dma_start3A_1837[%dma_start3A_1838] : memref<100000xf32, #tpu.memory_space<hbm>> -> memref<100000xf32, #tpu.memory_space<hbm>>
    tpu.enqueue_indirect_dma source(%dma_start3A_1839 : memref<100000xf32, #tpu.memory_space<hbm>>) target(%dma_start3A_1832 : memref<128xf32, #tpu.memory_space<vmem>>) offsets(%dma_start3A_1834 : memref<128xi32, #tpu.memory_space<vmem>>) semaphore(%arg8 : memref<!tpu.dma_semaphore, #tpu.memory_space<semaphore_mem>>)
    %dma_start3A_1840 = arith.constant 5504 : i32
    %dma_start3A_1841 = tpu.memref_slice %arg6[%dma_start3A_1840] : memref<10240xf32, #tpu.memory_space<vmem>> -> memref<128xf32, #tpu.memory_space<vmem>>
    %dma_start3A_1842 = arith.constant 5504 : i32
    %dma_start3A_1843 = tpu.memref_slice %arg5[%dma_start3A_1842] : memref<10240xi32, #tpu.memory_space<vmem>> -> memref<128xi32, #tpu.memory_space<vmem>>
    %dma_start3A_1844 = arith.constant 0 : i32
    %dma_start3A_1845 = tpu.memref_slice %arg3[%add3A_1452, %dma_start3A_1844] : memref<64x100000xf32, #tpu.memory_space<hbm>> -> memref<1x100000xf32, #tpu.memory_space<hbm>>
    %dma_start3A_1846 = tpu.memref_squeeze %dma_start3A_1845 : memref<1x100000xf32, #tpu.memory_space<hbm>> -> memref<100000xf32, #tpu.memory_space<hbm>>
    %dma_start3A_1847 = arith.constant 0 : i32
    %dma_start3A_1848 = tpu.memref_slice %dma_start3A_1846[%dma_start3A_1847] : memref<100000xf32, #tpu.memory_space<hbm>> -> memref<100000xf32, #tpu.memory_space<hbm>>
    tpu.enqueue_indirect_dma source(%dma_start3A_1848 : memref<100000xf32, #tpu.memory_space<hbm>>) target(%dma_start3A_1841 : memref<128xf32, #tpu.memory_space<vmem>>) offsets(%dma_start3A_1843 : memref<128xi32, #tpu.memory_space<vmem>>) semaphore(%arg8 : memref<!tpu.dma_semaphore, #tpu.memory_space<semaphore_mem>>)
    %dma_start3A_1849 = arith.constant 5632 : i32
    %dma_start3A_1850 = tpu.memref_slice %arg6[%dma_start3A_1849] : memref<10240xf32, #tpu.memory_space<vmem>> -> memref<128xf32, #tpu.memory_space<vmem>>
    %dma_start3A_1851 = arith.constant 5632 : i32
    %dma_start3A_1852 = tpu.memref_slice %arg5[%dma_start3A_1851] : memref<10240xi32, #tpu.memory_space<vmem>> -> memref<128xi32, #tpu.memory_space<vmem>>
    %dma_start3A_1853 = arith.constant 0 : i32
    %dma_start3A_1854 = tpu.memref_slice %arg3[%add3A_1452, %dma_start3A_1853] : memref<64x100000xf32, #tpu.memory_space<hbm>> -> memref<1x100000xf32, #tpu.memory_space<hbm>>
    %dma_start3A_1855 = tpu.memref_squeeze %dma_start3A_1854 : memref<1x100000xf32, #tpu.memory_space<hbm>> -> memref<100000xf32, #tpu.memory_space<hbm>>
    %dma_start3A_1856 = arith.constant 0 : i32
    %dma_start3A_1857 = tpu.memref_slice %dma_start3A_1855[%dma_start3A_1856] : memref<100000xf32, #tpu.memory_space<hbm>> -> memref<100000xf32, #tpu.memory_space<hbm>>
    tpu.enqueue_indirect_dma source(%dma_start3A_1857 : memref<100000xf32, #tpu.memory_space<hbm>>) target(%dma_start3A_1850 : memref<128xf32, #tpu.memory_space<vmem>>) offsets(%dma_start3A_1852 : memref<128xi32, #tpu.memory_space<vmem>>) semaphore(%arg8 : memref<!tpu.dma_semaphore, #tpu.memory_space<semaphore_mem>>)
    %dma_start3A_1858 = arith.constant 5760 : i32
    %dma_start3A_1859 = tpu.memref_slice %arg6[%dma_start3A_1858] : memref<10240xf32, #tpu.memory_space<vmem>> -> memref<128xf32, #tpu.memory_space<vmem>>
    %dma_start3A_1860 = arith.constant 5760 : i32
    %dma_start3A_1861 = tpu.memref_slice %arg5[%dma_start3A_1860] : memref<10240xi32, #tpu.memory_space<vmem>> -> memref<128xi32, #tpu.memory_space<vmem>>
    %dma_start3A_1862 = arith.constant 0 : i32
    %dma_start3A_1863 = tpu.memref_slice %arg3[%add3A_1452, %dma_start3A_1862] : memref<64x100000xf32, #tpu.memory_space<hbm>> -> memref<1x100000xf32, #tpu.memory_space<hbm>>
    %dma_start3A_1864 = tpu.memref_squeeze %dma_start3A_1863 : memref<1x100000xf32, #tpu.memory_space<hbm>> -> memref<100000xf32, #tpu.memory_space<hbm>>
    %dma_start3A_1865 = arith.constant 0 : i32
    %dma_start3A_1866 = tpu.memref_slice %dma_start3A_1864[%dma_start3A_1865] : memref<100000xf32, #tpu.memory_space<hbm>> -> memref<100000xf32, #tpu.memory_space<hbm>>
    tpu.enqueue_indirect_dma source(%dma_start3A_1866 : memref<100000xf32, #tpu.memory_space<hbm>>) target(%dma_start3A_1859 : memref<128xf32, #tpu.memory_space<vmem>>) offsets(%dma_start3A_1861 : memref<128xi32, #tpu.memory_space<vmem>>) semaphore(%arg8 : memref<!tpu.dma_semaphore, #tpu.memory_space<semaphore_mem>>)
    %dma_start3A_1867 = arith.constant 5888 : i32
    %dma_start3A_1868 = tpu.memref_slice %arg6[%dma_start3A_1867] : memref<10240xf32, #tpu.memory_space<vmem>> -> memref<128xf32, #tpu.memory_space<vmem>>
    %dma_start3A_1869 = arith.constant 5888 : i32
    %dma_start3A_1870 = tpu.memref_slice %arg5[%dma_start3A_1869] : memref<10240xi32, #tpu.memory_space<vmem>> -> memref<128xi32, #tpu.memory_space<vmem>>
    %dma_start3A_1871 = arith.constant 0 : i32
    %dma_start3A_1872 = tpu.memref_slice %arg3[%add3A_1452, %dma_start3A_1871] : memref<64x100000xf32, #tpu.memory_space<hbm>> -> memref<1x100000xf32, #tpu.memory_space<hbm>>
    %dma_start3A_1873 = tpu.memref_squeeze %dma_start3A_1872 : memref<1x100000xf32, #tpu.memory_space<hbm>> -> memref<100000xf32, #tpu.memory_space<hbm>>
    %dma_start3A_1874 = arith.constant 0 : i32
    %dma_start3A_1875 = tpu.memref_slice %dma_start3A_1873[%dma_start3A_1874] : memref<100000xf32, #tpu.memory_space<hbm>> -> memref<100000xf32, #tpu.memory_space<hbm>>
    tpu.enqueue_indirect_dma source(%dma_start3A_1875 : memref<100000xf32, #tpu.memory_space<hbm>>) target(%dma_start3A_1868 : memref<128xf32, #tpu.memory_space<vmem>>) offsets(%dma_start3A_1870 : memref<128xi32, #tpu.memory_space<vmem>>) semaphore(%arg8 : memref<!tpu.dma_semaphore, #tpu.memory_space<semaphore_mem>>)
    %dma_start3A_1876 = arith.constant 6016 : i32
    %dma_start3A_1877 = tpu.memref_slice %arg6[%dma_start3A_1876] : memref<10240xf32, #tpu.memory_space<vmem>> -> memref<128xf32, #tpu.memory_space<vmem>>
    %dma_start3A_1878 = arith.constant 6016 : i32
    %dma_start3A_1879 = tpu.memref_slice %arg5[%dma_start3A_1878] : memref<10240xi32, #tpu.memory_space<vmem>> -> memref<128xi32, #tpu.memory_space<vmem>>
    %dma_start3A_1880 = arith.constant 0 : i32
    %dma_start3A_1881 = tpu.memref_slice %arg3[%add3A_1452, %dma_start3A_1880] : memref<64x100000xf32, #tpu.memory_space<hbm>> -> memref<1x100000xf32, #tpu.memory_space<hbm>>
    %dma_start3A_1882 = tpu.memref_squeeze %dma_start3A_1881 : memref<1x100000xf32, #tpu.memory_space<hbm>> -> memref<100000xf32, #tpu.memory_space<hbm>>
    %dma_start3A_1883 = arith.constant 0 : i32
    %dma_start3A_1884 = tpu.memref_slice %dma_start3A_1882[%dma_start3A_1883] : memref<100000xf32, #tpu.memory_space<hbm>> -> memref<100000xf32, #tpu.memory_space<hbm>>
    tpu.enqueue_indirect_dma source(%dma_start3A_1884 : memref<100000xf32, #tpu.memory_space<hbm>>) target(%dma_start3A_1877 : memref<128xf32, #tpu.memory_space<vmem>>) offsets(%dma_start3A_1879 : memref<128xi32, #tpu.memory_space<vmem>>) semaphore(%arg8 : memref<!tpu.dma_semaphore, #tpu.memory_space<semaphore_mem>>)
    %dma_start3A_1885 = arith.constant 6144 : i32
    %dma_start3A_1886 = tpu.memref_slice %arg6[%dma_start3A_1885] : memref<10240xf32, #tpu.memory_space<vmem>> -> memref<128xf32, #tpu.memory_space<vmem>>
    %dma_start3A_1887 = arith.constant 6144 : i32
    %dma_start3A_1888 = tpu.memref_slice %arg5[%dma_start3A_1887] : memref<10240xi32, #tpu.memory_space<vmem>> -> memref<128xi32, #tpu.memory_space<vmem>>
    %dma_start3A_1889 = arith.constant 0 : i32
    %dma_start3A_1890 = tpu.memref_slice %arg3[%add3A_1452, %dma_start3A_1889] : memref<64x100000xf32, #tpu.memory_space<hbm>> -> memref<1x100000xf32, #tpu.memory_space<hbm>>
    %dma_start3A_1891 = tpu.memref_squeeze %dma_start3A_1890 : memref<1x100000xf32, #tpu.memory_space<hbm>> -> memref<100000xf32, #tpu.memory_space<hbm>>
    %dma_start3A_1892 = arith.constant 0 : i32
    %dma_start3A_1893 = tpu.memref_slice %dma_start3A_1891[%dma_start3A_1892] : memref<100000xf32, #tpu.memory_space<hbm>> -> memref<100000xf32, #tpu.memory_space<hbm>>
    tpu.enqueue_indirect_dma source(%dma_start3A_1893 : memref<100000xf32, #tpu.memory_space<hbm>>) target(%dma_start3A_1886 : memref<128xf32, #tpu.memory_space<vmem>>) offsets(%dma_start3A_1888 : memref<128xi32, #tpu.memory_space<vmem>>) semaphore(%arg8 : memref<!tpu.dma_semaphore, #tpu.memory_space<semaphore_mem>>)
    %dma_start3A_1894 = arith.constant 6272 : i32
    %dma_start3A_1895 = tpu.memref_slice %arg6[%dma_start3A_1894] : memref<10240xf32, #tpu.memory_space<vmem>> -> memref<128xf32, #tpu.memory_space<vmem>>
    %dma_start3A_1896 = arith.constant 6272 : i32
    %dma_start3A_1897 = tpu.memref_slice %arg5[%dma_start3A_1896] : memref<10240xi32, #tpu.memory_space<vmem>> -> memref<128xi32, #tpu.memory_space<vmem>>
    %dma_start3A_1898 = arith.constant 0 : i32
    %dma_start3A_1899 = tpu.memref_slice %arg3[%add3A_1452, %dma_start3A_1898] : memref<64x100000xf32, #tpu.memory_space<hbm>> -> memref<1x100000xf32, #tpu.memory_space<hbm>>
    %dma_start3A_1900 = tpu.memref_squeeze %dma_start3A_1899 : memref<1x100000xf32, #tpu.memory_space<hbm>> -> memref<100000xf32, #tpu.memory_space<hbm>>
    %dma_start3A_1901 = arith.constant 0 : i32
    %dma_start3A_1902 = tpu.memref_slice %dma_start3A_1900[%dma_start3A_1901] : memref<100000xf32, #tpu.memory_space<hbm>> -> memref<100000xf32, #tpu.memory_space<hbm>>
    tpu.enqueue_indirect_dma source(%dma_start3A_1902 : memref<100000xf32, #tpu.memory_space<hbm>>) target(%dma_start3A_1895 : memref<128xf32, #tpu.memory_space<vmem>>) offsets(%dma_start3A_1897 : memref<128xi32, #tpu.memory_space<vmem>>) semaphore(%arg8 : memref<!tpu.dma_semaphore, #tpu.memory_space<semaphore_mem>>)
    %dma_start3A_1903 = arith.constant 6400 : i32
    %dma_start3A_1904 = tpu.memref_slice %arg6[%dma_start3A_1903] : memref<10240xf32, #tpu.memory_space<vmem>> -> memref<128xf32, #tpu.memory_space<vmem>>
    %dma_start3A_1905 = arith.constant 6400 : i32
    %dma_start3A_1906 = tpu.memref_slice %arg5[%dma_start3A_1905] : memref<10240xi32, #tpu.memory_space<vmem>> -> memref<128xi32, #tpu.memory_space<vmem>>
    %dma_start3A_1907 = arith.constant 0 : i32
    %dma_start3A_1908 = tpu.memref_slice %arg3[%add3A_1452, %dma_start3A_1907] : memref<64x100000xf32, #tpu.memory_space<hbm>> -> memref<1x100000xf32, #tpu.memory_space<hbm>>
    %dma_start3A_1909 = tpu.memref_squeeze %dma_start3A_1908 : memref<1x100000xf32, #tpu.memory_space<hbm>> -> memref<100000xf32, #tpu.memory_space<hbm>>
    %dma_start3A_1910 = arith.constant 0 : i32
    %dma_start3A_1911 = tpu.memref_slice %dma_start3A_1909[%dma_start3A_1910] : memref<100000xf32, #tpu.memory_space<hbm>> -> memref<100000xf32, #tpu.memory_space<hbm>>
    tpu.enqueue_indirect_dma source(%dma_start3A_1911 : memref<100000xf32, #tpu.memory_space<hbm>>) target(%dma_start3A_1904 : memref<128xf32, #tpu.memory_space<vmem>>) offsets(%dma_start3A_1906 : memref<128xi32, #tpu.memory_space<vmem>>) semaphore(%arg8 : memref<!tpu.dma_semaphore, #tpu.memory_space<semaphore_mem>>)
    %dma_start3A_1912 = arith.constant 6528 : i32
    %dma_start3A_1913 = tpu.memref_slice %arg6[%dma_start3A_1912] : memref<10240xf32, #tpu.memory_space<vmem>> -> memref<128xf32, #tpu.memory_space<vmem>>
    %dma_start3A_1914 = arith.constant 6528 : i32
    %dma_start3A_1915 = tpu.memref_slice %arg5[%dma_start3A_1914] : memref<10240xi32, #tpu.memory_space<vmem>> -> memref<128xi32, #tpu.memory_space<vmem>>
    %dma_start3A_1916 = arith.constant 0 : i32
    %dma_start3A_1917 = tpu.memref_slice %arg3[%add3A_1452, %dma_start3A_1916] : memref<64x100000xf32, #tpu.memory_space<hbm>> -> memref<1x100000xf32, #tpu.memory_space<hbm>>
    %dma_start3A_1918 = tpu.memref_squeeze %dma_start3A_1917 : memref<1x100000xf32, #tpu.memory_space<hbm>> -> memref<100000xf32, #tpu.memory_space<hbm>>
    %dma_start3A_1919 = arith.constant 0 : i32
    %dma_start3A_1920 = tpu.memref_slice %dma_start3A_1918[%dma_start3A_1919] : memref<100000xf32, #tpu.memory_space<hbm>> -> memref<100000xf32, #tpu.memory_space<hbm>>
    tpu.enqueue_indirect_dma source(%dma_start3A_1920 : memref<100000xf32, #tpu.memory_space<hbm>>) target(%dma_start3A_1913 : memref<128xf32, #tpu.memory_space<vmem>>) offsets(%dma_start3A_1915 : memref<128xi32, #tpu.memory_space<vmem>>) semaphore(%arg8 : memref<!tpu.dma_semaphore, #tpu.memory_space<semaphore_mem>>)
    %dma_start3A_1921 = arith.constant 6656 : i32
    %dma_start3A_1922 = tpu.memref_slice %arg6[%dma_start3A_1921] : memref<10240xf32, #tpu.memory_space<vmem>> -> memref<128xf32, #tpu.memory_space<vmem>>
    %dma_start3A_1923 = arith.constant 6656 : i32
    %dma_start3A_1924 = tpu.memref_slice %arg5[%dma_start3A_1923] : memref<10240xi32, #tpu.memory_space<vmem>> -> memref<128xi32, #tpu.memory_space<vmem>>
    %dma_start3A_1925 = arith.constant 0 : i32
    %dma_start3A_1926 = tpu.memref_slice %arg3[%add3A_1452, %dma_start3A_1925] : memref<64x100000xf32, #tpu.memory_space<hbm>> -> memref<1x100000xf32, #tpu.memory_space<hbm>>
    %dma_start3A_1927 = tpu.memref_squeeze %dma_start3A_1926 : memref<1x100000xf32, #tpu.memory_space<hbm>> -> memref<100000xf32, #tpu.memory_space<hbm>>
    %dma_start3A_1928 = arith.constant 0 : i32
    %dma_start3A_1929 = tpu.memref_slice %dma_start3A_1927[%dma_start3A_1928] : memref<100000xf32, #tpu.memory_space<hbm>> -> memref<100000xf32, #tpu.memory_space<hbm>>
    tpu.enqueue_indirect_dma source(%dma_start3A_1929 : memref<100000xf32, #tpu.memory_space<hbm>>) target(%dma_start3A_1922 : memref<128xf32, #tpu.memory_space<vmem>>) offsets(%dma_start3A_1924 : memref<128xi32, #tpu.memory_space<vmem>>) semaphore(%arg8 : memref<!tpu.dma_semaphore, #tpu.memory_space<semaphore_mem>>)
    %dma_start3A_1930 = arith.constant 6784 : i32
    %dma_start3A_1931 = tpu.memref_slice %arg6[%dma_start3A_1930] : memref<10240xf32, #tpu.memory_space<vmem>> -> memref<128xf32, #tpu.memory_space<vmem>>
    %dma_start3A_1932 = arith.constant 6784 : i32
    %dma_start3A_1933 = tpu.memref_slice %arg5[%dma_start3A_1932] : memref<10240xi32, #tpu.memory_space<vmem>> -> memref<128xi32, #tpu.memory_space<vmem>>
    %dma_start3A_1934 = arith.constant 0 : i32
    %dma_start3A_1935 = tpu.memref_slice %arg3[%add3A_1452, %dma_start3A_1934] : memref<64x100000xf32, #tpu.memory_space<hbm>> -> memref<1x100000xf32, #tpu.memory_space<hbm>>
    %dma_start3A_1936 = tpu.memref_squeeze %dma_start3A_1935 : memref<1x100000xf32, #tpu.memory_space<hbm>> -> memref<100000xf32, #tpu.memory_space<hbm>>
    %dma_start3A_1937 = arith.constant 0 : i32
    %dma_start3A_1938 = tpu.memref_slice %dma_start3A_1936[%dma_start3A_1937] : memref<100000xf32, #tpu.memory_space<hbm>> -> memref<100000xf32, #tpu.memory_space<hbm>>
    tpu.enqueue_indirect_dma source(%dma_start3A_1938 : memref<100000xf32, #tpu.memory_space<hbm>>) target(%dma_start3A_1931 : memref<128xf32, #tpu.memory_space<vmem>>) offsets(%dma_start3A_1933 : memref<128xi32, #tpu.memory_space<vmem>>) semaphore(%arg8 : memref<!tpu.dma_semaphore, #tpu.memory_space<semaphore_mem>>)
    %dma_start3A_1939 = arith.constant 6912 : i32
    %dma_start3A_1940 = tpu.memref_slice %arg6[%dma_start3A_1939] : memref<10240xf32, #tpu.memory_space<vmem>> -> memref<128xf32, #tpu.memory_space<vmem>>
    %dma_start3A_1941 = arith.constant 6912 : i32
    %dma_start3A_1942 = tpu.memref_slice %arg5[%dma_start3A_1941] : memref<10240xi32, #tpu.memory_space<vmem>> -> memref<128xi32, #tpu.memory_space<vmem>>
    %dma_start3A_1943 = arith.constant 0 : i32
    %dma_start3A_1944 = tpu.memref_slice %arg3[%add3A_1452, %dma_start3A_1943] : memref<64x100000xf32, #tpu.memory_space<hbm>> -> memref<1x100000xf32, #tpu.memory_space<hbm>>
    %dma_start3A_1945 = tpu.memref_squeeze %dma_start3A_1944 : memref<1x100000xf32, #tpu.memory_space<hbm>> -> memref<100000xf32, #tpu.memory_space<hbm>>
    %dma_start3A_1946 = arith.constant 0 : i32
    %dma_start3A_1947 = tpu.memref_slice %dma_start3A_1945[%dma_start3A_1946] : memref<100000xf32, #tpu.memory_space<hbm>> -> memref<100000xf32, #tpu.memory_space<hbm>>
    tpu.enqueue_indirect_dma source(%dma_start3A_1947 : memref<100000xf32, #tpu.memory_space<hbm>>) target(%dma_start3A_1940 : memref<128xf32, #tpu.memory_space<vmem>>) offsets(%dma_start3A_1942 : memref<128xi32, #tpu.memory_space<vmem>>) semaphore(%arg8 : memref<!tpu.dma_semaphore, #tpu.memory_space<semaphore_mem>>)
    %dma_start3A_1948 = arith.constant 7040 : i32
    %dma_start3A_1949 = tpu.memref_slice %arg6[%dma_start3A_1948] : memref<10240xf32, #tpu.memory_space<vmem>> -> memref<128xf32, #tpu.memory_space<vmem>>
    %dma_start3A_1950 = arith.constant 7040 : i32
    %dma_start3A_1951 = tpu.memref_slice %arg5[%dma_start3A_1950] : memref<10240xi32, #tpu.memory_space<vmem>> -> memref<128xi32, #tpu.memory_space<vmem>>
    %dma_start3A_1952 = arith.constant 0 : i32
    %dma_start3A_1953 = tpu.memref_slice %arg3[%add3A_1452, %dma_start3A_1952] : memref<64x100000xf32, #tpu.memory_space<hbm>> -> memref<1x100000xf32, #tpu.memory_space<hbm>>
    %dma_start3A_1954 = tpu.memref_squeeze %dma_start3A_1953 : memref<1x100000xf32, #tpu.memory_space<hbm>> -> memref<100000xf32, #tpu.memory_space<hbm>>
    %dma_start3A_1955 = arith.constant 0 : i32
    %dma_start3A_1956 = tpu.memref_slice %dma_start3A_1954[%dma_start3A_1955] : memref<100000xf32, #tpu.memory_space<hbm>> -> memref<100000xf32, #tpu.memory_space<hbm>>
    tpu.enqueue_indirect_dma source(%dma_start3A_1956 : memref<100000xf32, #tpu.memory_space<hbm>>) target(%dma_start3A_1949 : memref<128xf32, #tpu.memory_space<vmem>>) offsets(%dma_start3A_1951 : memref<128xi32, #tpu.memory_space<vmem>>) semaphore(%arg8 : memref<!tpu.dma_semaphore, #tpu.memory_space<semaphore_mem>>)
    %dma_start3A_1957 = arith.constant 7168 : i32
    %dma_start3A_1958 = tpu.memref_slice %arg6[%dma_start3A_1957] : memref<10240xf32, #tpu.memory_space<vmem>> -> memref<128xf32, #tpu.memory_space<vmem>>
    %dma_start3A_1959 = arith.constant 7168 : i32
    %dma_start3A_1960 = tpu.memref_slice %arg5[%dma_start3A_1959] : memref<10240xi32, #tpu.memory_space<vmem>> -> memref<128xi32, #tpu.memory_space<vmem>>
    %dma_start3A_1961 = arith.constant 0 : i32
    %dma_start3A_1962 = tpu.memref_slice %arg3[%add3A_1452, %dma_start3A_1961] : memref<64x100000xf32, #tpu.memory_space<hbm>> -> memref<1x100000xf32, #tpu.memory_space<hbm>>
    %dma_start3A_1963 = tpu.memref_squeeze %dma_start3A_1962 : memref<1x100000xf32, #tpu.memory_space<hbm>> -> memref<100000xf32, #tpu.memory_space<hbm>>
    %dma_start3A_1964 = arith.constant 0 : i32
    %dma_start3A_1965 = tpu.memref_slice %dma_start3A_1963[%dma_start3A_1964] : memref<100000xf32, #tpu.memory_space<hbm>> -> memref<100000xf32, #tpu.memory_space<hbm>>
    tpu.enqueue_indirect_dma source(%dma_start3A_1965 : memref<100000xf32, #tpu.memory_space<hbm>>) target(%dma_start3A_1958 : memref<128xf32, #tpu.memory_space<vmem>>) offsets(%dma_start3A_1960 : memref<128xi32, #tpu.memory_space<vmem>>) semaphore(%arg8 : memref<!tpu.dma_semaphore, #tpu.memory_space<semaphore_mem>>)
    %dma_start3A_1966 = arith.constant 7296 : i32
    %dma_start3A_1967 = tpu.memref_slice %arg6[%dma_start3A_1966] : memref<10240xf32, #tpu.memory_space<vmem>> -> memref<128xf32, #tpu.memory_space<vmem>>
    %dma_start3A_1968 = arith.constant 7296 : i32
    %dma_start3A_1969 = tpu.memref_slice %arg5[%dma_start3A_1968] : memref<10240xi32, #tpu.memory_space<vmem>> -> memref<128xi32, #tpu.memory_space<vmem>>
    %dma_start3A_1970 = arith.constant 0 : i32
    %dma_start3A_1971 = tpu.memref_slice %arg3[%add3A_1452, %dma_start3A_1970] : memref<64x100000xf32, #tpu.memory_space<hbm>> -> memref<1x100000xf32, #tpu.memory_space<hbm>>
    %dma_start3A_1972 = tpu.memref_squeeze %dma_start3A_1971 : memref<1x100000xf32, #tpu.memory_space<hbm>> -> memref<100000xf32, #tpu.memory_space<hbm>>
    %dma_start3A_1973 = arith.constant 0 : i32
    %dma_start3A_1974 = tpu.memref_slice %dma_start3A_1972[%dma_start3A_1973] : memref<100000xf32, #tpu.memory_space<hbm>> -> memref<100000xf32, #tpu.memory_space<hbm>>
    tpu.enqueue_indirect_dma source(%dma_start3A_1974 : memref<100000xf32, #tpu.memory_space<hbm>>) target(%dma_start3A_1967 : memref<128xf32, #tpu.memory_space<vmem>>) offsets(%dma_start3A_1969 : memref<128xi32, #tpu.memory_space<vmem>>) semaphore(%arg8 : memref<!tpu.dma_semaphore, #tpu.memory_space<semaphore_mem>>)
    %dma_start3A_1975 = arith.constant 7424 : i32
    %dma_start3A_1976 = tpu.memref_slice %arg6[%dma_start3A_1975] : memref<10240xf32, #tpu.memory_space<vmem>> -> memref<128xf32, #tpu.memory_space<vmem>>
    %dma_start3A_1977 = arith.constant 7424 : i32
    %dma_start3A_1978 = tpu.memref_slice %arg5[%dma_start3A_1977] : memref<10240xi32, #tpu.memory_space<vmem>> -> memref<128xi32, #tpu.memory_space<vmem>>
    %dma_start3A_1979 = arith.constant 0 : i32
    %dma_start3A_1980 = tpu.memref_slice %arg3[%add3A_1452, %dma_start3A_1979] : memref<64x100000xf32, #tpu.memory_space<hbm>> -> memref<1x100000xf32, #tpu.memory_space<hbm>>
    %dma_start3A_1981 = tpu.memref_squeeze %dma_start3A_1980 : memref<1x100000xf32, #tpu.memory_space<hbm>> -> memref<100000xf32, #tpu.memory_space<hbm>>
    %dma_start3A_1982 = arith.constant 0 : i32
    %dma_start3A_1983 = tpu.memref_slice %dma_start3A_1981[%dma_start3A_1982] : memref<100000xf32, #tpu.memory_space<hbm>> -> memref<100000xf32, #tpu.memory_space<hbm>>
    tpu.enqueue_indirect_dma source(%dma_start3A_1983 : memref<100000xf32, #tpu.memory_space<hbm>>) target(%dma_start3A_1976 : memref<128xf32, #tpu.memory_space<vmem>>) offsets(%dma_start3A_1978 : memref<128xi32, #tpu.memory_space<vmem>>) semaphore(%arg8 : memref<!tpu.dma_semaphore, #tpu.memory_space<semaphore_mem>>)
    %dma_start3A_1984 = arith.constant 7552 : i32
    %dma_start3A_1985 = tpu.memref_slice %arg6[%dma_start3A_1984] : memref<10240xf32, #tpu.memory_space<vmem>> -> memref<128xf32, #tpu.memory_space<vmem>>
    %dma_start3A_1986 = arith.constant 7552 : i32
    %dma_start3A_1987 = tpu.memref_slice %arg5[%dma_start3A_1986] : memref<10240xi32, #tpu.memory_space<vmem>> -> memref<128xi32, #tpu.memory_space<vmem>>
    %dma_start3A_1988 = arith.constant 0 : i32
    %dma_start3A_1989 = tpu.memref_slice %arg3[%add3A_1452, %dma_start3A_1988] : memref<64x100000xf32, #tpu.memory_space<hbm>> -> memref<1x100000xf32, #tpu.memory_space<hbm>>
    %dma_start3A_1990 = tpu.memref_squeeze %dma_start3A_1989 : memref<1x100000xf32, #tpu.memory_space<hbm>> -> memref<100000xf32, #tpu.memory_space<hbm>>
    %dma_start3A_1991 = arith.constant 0 : i32
    %dma_start3A_1992 = tpu.memref_slice %dma_start3A_1990[%dma_start3A_1991] : memref<100000xf32, #tpu.memory_space<hbm>> -> memref<100000xf32, #tpu.memory_space<hbm>>
    tpu.enqueue_indirect_dma source(%dma_start3A_1992 : memref<100000xf32, #tpu.memory_space<hbm>>) target(%dma_start3A_1985 : memref<128xf32, #tpu.memory_space<vmem>>) offsets(%dma_start3A_1987 : memref<128xi32, #tpu.memory_space<vmem>>) semaphore(%arg8 : memref<!tpu.dma_semaphore, #tpu.memory_space<semaphore_mem>>)
    %dma_start3A_1993 = arith.constant 7680 : i32
    %dma_start3A_1994 = tpu.memref_slice %arg6[%dma_start3A_1993] : memref<10240xf32, #tpu.memory_space<vmem>> -> memref<128xf32, #tpu.memory_space<vmem>>
    %dma_start3A_1995 = arith.constant 7680 : i32
    %dma_start3A_1996 = tpu.memref_slice %arg5[%dma_start3A_1995] : memref<10240xi32, #tpu.memory_space<vmem>> -> memref<128xi32, #tpu.memory_space<vmem>>
    %dma_start3A_1997 = arith.constant 0 : i32
    %dma_start3A_1998 = tpu.memref_slice %arg3[%add3A_1452, %dma_start3A_1997] : memref<64x100000xf32, #tpu.memory_space<hbm>> -> memref<1x100000xf32, #tpu.memory_space<hbm>>
    %dma_start3A_1999 = tpu.memref_squeeze %dma_start3A_1998 : memref<1x100000xf32, #tpu.memory_space<hbm>> -> memref<100000xf32, #tpu.memory_space<hbm>>
    %dma_start3A_2000 = arith.constant 0 : i32
    %dma_start3A_2001 = tpu.memref_slice %dma_start3A_1999[%dma_start3A_2000] : memref<100000xf32, #tpu.memory_space<hbm>> -> memref<100000xf32, #tpu.memory_space<hbm>>
    tpu.enqueue_indirect_dma source(%dma_start3A_2001 : memref<100000xf32, #tpu.memory_space<hbm>>) target(%dma_start3A_1994 : memref<128xf32, #tpu.memory_space<vmem>>) offsets(%dma_start3A_1996 : memref<128xi32, #tpu.memory_space<vmem>>) semaphore(%arg8 : memref<!tpu.dma_semaphore, #tpu.memory_space<semaphore_mem>>)
    %dma_start3A_2002 = arith.constant 7808 : i32
    %dma_start3A_2003 = tpu.memref_slice %arg6[%dma_start3A_2002] : memref<10240xf32, #tpu.memory_space<vmem>> -> memref<128xf32, #tpu.memory_space<vmem>>
    %dma_start3A_2004 = arith.constant 7808 : i32
    %dma_start3A_2005 = tpu.memref_slice %arg5[%dma_start3A_2004] : memref<10240xi32, #tpu.memory_space<vmem>> -> memref<128xi32, #tpu.memory_space<vmem>>
    %dma_start3A_2006 = arith.constant 0 : i32
    %dma_start3A_2007 = tpu.memref_slice %arg3[%add3A_1452, %dma_start3A_2006] : memref<64x100000xf32, #tpu.memory_space<hbm>> -> memref<1x100000xf32, #tpu.memory_space<hbm>>
    %dma_start3A_2008 = tpu.memref_squeeze %dma_start3A_2007 : memref<1x100000xf32, #tpu.memory_space<hbm>> -> memref<100000xf32, #tpu.memory_space<hbm>>
    %dma_start3A_2009 = arith.constant 0 : i32
    %dma_start3A_2010 = tpu.memref_slice %dma_start3A_2008[%dma_start3A_2009] : memref<100000xf32, #tpu.memory_space<hbm>> -> memref<100000xf32, #tpu.memory_space<hbm>>
    tpu.enqueue_indirect_dma source(%dma_start3A_2010 : memref<100000xf32, #tpu.memory_space<hbm>>) target(%dma_start3A_2003 : memref<128xf32, #tpu.memory_space<vmem>>) offsets(%dma_start3A_2005 : memref<128xi32, #tpu.memory_space<vmem>>) semaphore(%arg8 : memref<!tpu.dma_semaphore, #tpu.memory_space<semaphore_mem>>)
    %dma_start3A_2011 = arith.constant 7936 : i32
    %dma_start3A_2012 = tpu.memref_slice %arg6[%dma_start3A_2011] : memref<10240xf32, #tpu.memory_space<vmem>> -> memref<128xf32, #tpu.memory_space<vmem>>
    %dma_start3A_2013 = arith.constant 7936 : i32
    %dma_start3A_2014 = tpu.memref_slice %arg5[%dma_start3A_2013] : memref<10240xi32, #tpu.memory_space<vmem>> -> memref<128xi32, #tpu.memory_space<vmem>>
    %dma_start3A_2015 = arith.constant 0 : i32
    %dma_start3A_2016 = tpu.memref_slice %arg3[%add3A_1452, %dma_start3A_2015] : memref<64x100000xf32, #tpu.memory_space<hbm>> -> memref<1x100000xf32, #tpu.memory_space<hbm>>
    %dma_start3A_2017 = tpu.memref_squeeze %dma_start3A_2016 : memref<1x100000xf32, #tpu.memory_space<hbm>> -> memref<100000xf32, #tpu.memory_space<hbm>>
    %dma_start3A_2018 = arith.constant 0 : i32
    %dma_start3A_2019 = tpu.memref_slice %dma_start3A_2017[%dma_start3A_2018] : memref<100000xf32, #tpu.memory_space<hbm>> -> memref<100000xf32, #tpu.memory_space<hbm>>
    tpu.enqueue_indirect_dma source(%dma_start3A_2019 : memref<100000xf32, #tpu.memory_space<hbm>>) target(%dma_start3A_2012 : memref<128xf32, #tpu.memory_space<vmem>>) offsets(%dma_start3A_2014 : memref<128xi32, #tpu.memory_space<vmem>>) semaphore(%arg8 : memref<!tpu.dma_semaphore, #tpu.memory_space<semaphore_mem>>)
    %dma_start3A_2020 = arith.constant 8064 : i32
    %dma_start3A_2021 = tpu.memref_slice %arg6[%dma_start3A_2020] : memref<10240xf32, #tpu.memory_space<vmem>> -> memref<128xf32, #tpu.memory_space<vmem>>
    %dma_start3A_2022 = arith.constant 8064 : i32
    %dma_start3A_2023 = tpu.memref_slice %arg5[%dma_start3A_2022] : memref<10240xi32, #tpu.memory_space<vmem>> -> memref<128xi32, #tpu.memory_space<vmem>>
    %dma_start3A_2024 = arith.constant 0 : i32
    %dma_start3A_2025 = tpu.memref_slice %arg3[%add3A_1452, %dma_start3A_2024] : memref<64x100000xf32, #tpu.memory_space<hbm>> -> memref<1x100000xf32, #tpu.memory_space<hbm>>
    %dma_start3A_2026 = tpu.memref_squeeze %dma_start3A_2025 : memref<1x100000xf32, #tpu.memory_space<hbm>> -> memref<100000xf32, #tpu.memory_space<hbm>>
    %dma_start3A_2027 = arith.constant 0 : i32
    %dma_start3A_2028 = tpu.memref_slice %dma_start3A_2026[%dma_start3A_2027] : memref<100000xf32, #tpu.memory_space<hbm>> -> memref<100000xf32, #tpu.memory_space<hbm>>
    tpu.enqueue_indirect_dma source(%dma_start3A_2028 : memref<100000xf32, #tpu.memory_space<hbm>>) target(%dma_start3A_2021 : memref<128xf32, #tpu.memory_space<vmem>>) offsets(%dma_start3A_2023 : memref<128xi32, #tpu.memory_space<vmem>>) semaphore(%arg8 : memref<!tpu.dma_semaphore, #tpu.memory_space<semaphore_mem>>)
    %dma_start3A_2029 = arith.constant 8192 : i32
    %dma_start3A_2030 = tpu.memref_slice %arg6[%dma_start3A_2029] : memref<10240xf32, #tpu.memory_space<vmem>> -> memref<128xf32, #tpu.memory_space<vmem>>
    %dma_start3A_2031 = arith.constant 8192 : i32
    %dma_start3A_2032 = tpu.memref_slice %arg5[%dma_start3A_2031] : memref<10240xi32, #tpu.memory_space<vmem>> -> memref<128xi32, #tpu.memory_space<vmem>>
    %dma_start3A_2033 = arith.constant 0 : i32
    %dma_start3A_2034 = tpu.memref_slice %arg3[%add3A_1452, %dma_start3A_2033] : memref<64x100000xf32, #tpu.memory_space<hbm>> -> memref<1x100000xf32, #tpu.memory_space<hbm>>
    %dma_start3A_2035 = tpu.memref_squeeze %dma_start3A_2034 : memref<1x100000xf32, #tpu.memory_space<hbm>> -> memref<100000xf32, #tpu.memory_space<hbm>>
    %dma_start3A_2036 = arith.constant 0 : i32
    %dma_start3A_2037 = tpu.memref_slice %dma_start3A_2035[%dma_start3A_2036] : memref<100000xf32, #tpu.memory_space<hbm>> -> memref<100000xf32, #tpu.memory_space<hbm>>
    tpu.enqueue_indirect_dma source(%dma_start3A_2037 : memref<100000xf32, #tpu.memory_space<hbm>>) target(%dma_start3A_2030 : memref<128xf32, #tpu.memory_space<vmem>>) offsets(%dma_start3A_2032 : memref<128xi32, #tpu.memory_space<vmem>>) semaphore(%arg8 : memref<!tpu.dma_semaphore, #tpu.memory_space<semaphore_mem>>)
    %dma_start3A_2038 = arith.constant 8320 : i32
    %dma_start3A_2039 = tpu.memref_slice %arg6[%dma_start3A_2038] : memref<10240xf32, #tpu.memory_space<vmem>> -> memref<128xf32, #tpu.memory_space<vmem>>
    %dma_start3A_2040 = arith.constant 8320 : i32
    %dma_start3A_2041 = tpu.memref_slice %arg5[%dma_start3A_2040] : memref<10240xi32, #tpu.memory_space<vmem>> -> memref<128xi32, #tpu.memory_space<vmem>>
    %dma_start3A_2042 = arith.constant 0 : i32
    %dma_start3A_2043 = tpu.memref_slice %arg3[%add3A_1452, %dma_start3A_2042] : memref<64x100000xf32, #tpu.memory_space<hbm>> -> memref<1x100000xf32, #tpu.memory_space<hbm>>
    %dma_start3A_2044 = tpu.memref_squeeze %dma_start3A_2043 : memref<1x100000xf32, #tpu.memory_space<hbm>> -> memref<100000xf32, #tpu.memory_space<hbm>>
    %dma_start3A_2045 = arith.constant 0 : i32
    %dma_start3A_2046 = tpu.memref_slice %dma_start3A_2044[%dma_start3A_2045] : memref<100000xf32, #tpu.memory_space<hbm>> -> memref<100000xf32, #tpu.memory_space<hbm>>
    tpu.enqueue_indirect_dma source(%dma_start3A_2046 : memref<100000xf32, #tpu.memory_space<hbm>>) target(%dma_start3A_2039 : memref<128xf32, #tpu.memory_space<vmem>>) offsets(%dma_start3A_2041 : memref<128xi32, #tpu.memory_space<vmem>>) semaphore(%arg8 : memref<!tpu.dma_semaphore, #tpu.memory_space<semaphore_mem>>)
    %dma_start3A_2047 = arith.constant 8448 : i32
    %dma_start3A_2048 = tpu.memref_slice %arg6[%dma_start3A_2047] : memref<10240xf32, #tpu.memory_space<vmem>> -> memref<128xf32, #tpu.memory_space<vmem>>
    %dma_start3A_2049 = arith.constant 8448 : i32
    %dma_start3A_2050 = tpu.memref_slice %arg5[%dma_start3A_2049] : memref<10240xi32, #tpu.memory_space<vmem>> -> memref<128xi32, #tpu.memory_space<vmem>>
    %dma_start3A_2051 = arith.constant 0 : i32
    %dma_start3A_2052 = tpu.memref_slice %arg3[%add3A_1452, %dma_start3A_2051] : memref<64x100000xf32, #tpu.memory_space<hbm>> -> memref<1x100000xf32, #tpu.memory_space<hbm>>
    %dma_start3A_2053 = tpu.memref_squeeze %dma_start3A_2052 : memref<1x100000xf32, #tpu.memory_space<hbm>> -> memref<100000xf32, #tpu.memory_space<hbm>>
    %dma_start3A_2054 = arith.constant 0 : i32
    %dma_start3A_2055 = tpu.memref_slice %dma_start3A_2053[%dma_start3A_2054] : memref<100000xf32, #tpu.memory_space<hbm>> -> memref<100000xf32, #tpu.memory_space<hbm>>
    tpu.enqueue_indirect_dma source(%dma_start3A_2055 : memref<100000xf32, #tpu.memory_space<hbm>>) target(%dma_start3A_2048 : memref<128xf32, #tpu.memory_space<vmem>>) offsets(%dma_start3A_2050 : memref<128xi32, #tpu.memory_space<vmem>>) semaphore(%arg8 : memref<!tpu.dma_semaphore, #tpu.memory_space<semaphore_mem>>)
    %dma_start3A_2056 = arith.constant 8576 : i32
    %dma_start3A_2057 = tpu.memref_slice %arg6[%dma_start3A_2056] : memref<10240xf32, #tpu.memory_space<vmem>> -> memref<128xf32, #tpu.memory_space<vmem>>
    %dma_start3A_2058 = arith.constant 8576 : i32
    %dma_start3A_2059 = tpu.memref_slice %arg5[%dma_start3A_2058] : memref<10240xi32, #tpu.memory_space<vmem>> -> memref<128xi32, #tpu.memory_space<vmem>>
    %dma_start3A_2060 = arith.constant 0 : i32
    %dma_start3A_2061 = tpu.memref_slice %arg3[%add3A_1452, %dma_start3A_2060] : memref<64x100000xf32, #tpu.memory_space<hbm>> -> memref<1x100000xf32, #tpu.memory_space<hbm>>
    %dma_start3A_2062 = tpu.memref_squeeze %dma_start3A_2061 : memref<1x100000xf32, #tpu.memory_space<hbm>> -> memref<100000xf32, #tpu.memory_space<hbm>>
    %dma_start3A_2063 = arith.constant 0 : i32
    %dma_start3A_2064 = tpu.memref_slice %dma_start3A_2062[%dma_start3A_2063] : memref<100000xf32, #tpu.memory_space<hbm>> -> memref<100000xf32, #tpu.memory_space<hbm>>
    tpu.enqueue_indirect_dma source(%dma_start3A_2064 : memref<100000xf32, #tpu.memory_space<hbm>>) target(%dma_start3A_2057 : memref<128xf32, #tpu.memory_space<vmem>>) offsets(%dma_start3A_2059 : memref<128xi32, #tpu.memory_space<vmem>>) semaphore(%arg8 : memref<!tpu.dma_semaphore, #tpu.memory_space<semaphore_mem>>)
    %dma_start3A_2065 = arith.constant 8704 : i32
    %dma_start3A_2066 = tpu.memref_slice %arg6[%dma_start3A_2065] : memref<10240xf32, #tpu.memory_space<vmem>> -> memref<128xf32, #tpu.memory_space<vmem>>
    %dma_start3A_2067 = arith.constant 8704 : i32
    %dma_start3A_2068 = tpu.memref_slice %arg5[%dma_start3A_2067] : memref<10240xi32, #tpu.memory_space<vmem>> -> memref<128xi32, #tpu.memory_space<vmem>>
    %dma_start3A_2069 = arith.constant 0 : i32
    %dma_start3A_2070 = tpu.memref_slice %arg3[%add3A_1452, %dma_start3A_2069] : memref<64x100000xf32, #tpu.memory_space<hbm>> -> memref<1x100000xf32, #tpu.memory_space<hbm>>
    %dma_start3A_2071 = tpu.memref_squeeze %dma_start3A_2070 : memref<1x100000xf32, #tpu.memory_space<hbm>> -> memref<100000xf32, #tpu.memory_space<hbm>>
    %dma_start3A_2072 = arith.constant 0 : i32
    %dma_start3A_2073 = tpu.memref_slice %dma_start3A_2071[%dma_start3A_2072] : memref<100000xf32, #tpu.memory_space<hbm>> -> memref<100000xf32, #tpu.memory_space<hbm>>
    tpu.enqueue_indirect_dma source(%dma_start3A_2073 : memref<100000xf32, #tpu.memory_space<hbm>>) target(%dma_start3A_2066 : memref<128xf32, #tpu.memory_space<vmem>>) offsets(%dma_start3A_2068 : memref<128xi32, #tpu.memory_space<vmem>>) semaphore(%arg8 : memref<!tpu.dma_semaphore, #tpu.memory_space<semaphore_mem>>)
    %dma_start3A_2074 = arith.constant 8832 : i32
    %dma_start3A_2075 = tpu.memref_slice %arg6[%dma_start3A_2074] : memref<10240xf32, #tpu.memory_space<vmem>> -> memref<128xf32, #tpu.memory_space<vmem>>
    %dma_start3A_2076 = arith.constant 8832 : i32
    %dma_start3A_2077 = tpu.memref_slice %arg5[%dma_start3A_2076] : memref<10240xi32, #tpu.memory_space<vmem>> -> memref<128xi32, #tpu.memory_space<vmem>>
    %dma_start3A_2078 = arith.constant 0 : i32
    %dma_start3A_2079 = tpu.memref_slice %arg3[%add3A_1452, %dma_start3A_2078] : memref<64x100000xf32, #tpu.memory_space<hbm>> -> memref<1x100000xf32, #tpu.memory_space<hbm>>
    %dma_start3A_2080 = tpu.memref_squeeze %dma_start3A_2079 : memref<1x100000xf32, #tpu.memory_space<hbm>> -> memref<100000xf32, #tpu.memory_space<hbm>>
    %dma_start3A_2081 = arith.constant 0 : i32
    %dma_start3A_2082 = tpu.memref_slice %dma_start3A_2080[%dma_start3A_2081] : memref<100000xf32, #tpu.memory_space<hbm>> -> memref<100000xf32, #tpu.memory_space<hbm>>
    tpu.enqueue_indirect_dma source(%dma_start3A_2082 : memref<100000xf32, #tpu.memory_space<hbm>>) target(%dma_start3A_2075 : memref<128xf32, #tpu.memory_space<vmem>>) offsets(%dma_start3A_2077 : memref<128xi32, #tpu.memory_space<vmem>>) semaphore(%arg8 : memref<!tpu.dma_semaphore, #tpu.memory_space<semaphore_mem>>)
    %dma_start3A_2083 = arith.constant 8960 : i32
    %dma_start3A_2084 = tpu.memref_slice %arg6[%dma_start3A_2083] : memref<10240xf32, #tpu.memory_space<vmem>> -> memref<128xf32, #tpu.memory_space<vmem>>
    %dma_start3A_2085 = arith.constant 8960 : i32
    %dma_start3A_2086 = tpu.memref_slice %arg5[%dma_start3A_2085] : memref<10240xi32, #tpu.memory_space<vmem>> -> memref<128xi32, #tpu.memory_space<vmem>>
    %dma_start3A_2087 = arith.constant 0 : i32
    %dma_start3A_2088 = tpu.memref_slice %arg3[%add3A_1452, %dma_start3A_2087] : memref<64x100000xf32, #tpu.memory_space<hbm>> -> memref<1x100000xf32, #tpu.memory_space<hbm>>
    %dma_start3A_2089 = tpu.memref_squeeze %dma_start3A_2088 : memref<1x100000xf32, #tpu.memory_space<hbm>> -> memref<100000xf32, #tpu.memory_space<hbm>>
    %dma_start3A_2090 = arith.constant 0 : i32
    %dma_start3A_2091 = tpu.memref_slice %dma_start3A_2089[%dma_start3A_2090] : memref<100000xf32, #tpu.memory_space<hbm>> -> memref<100000xf32, #tpu.memory_space<hbm>>
    tpu.enqueue_indirect_dma source(%dma_start3A_2091 : memref<100000xf32, #tpu.memory_space<hbm>>) target(%dma_start3A_2084 : memref<128xf32, #tpu.memory_space<vmem>>) offsets(%dma_start3A_2086 : memref<128xi32, #tpu.memory_space<vmem>>) semaphore(%arg8 : memref<!tpu.dma_semaphore, #tpu.memory_space<semaphore_mem>>)
    %dma_start3A_2092 = arith.constant 9088 : i32
    %dma_start3A_2093 = tpu.memref_slice %arg6[%dma_start3A_2092] : memref<10240xf32, #tpu.memory_space<vmem>> -> memref<128xf32, #tpu.memory_space<vmem>>
    %dma_start3A_2094 = arith.constant 9088 : i32
    %dma_start3A_2095 = tpu.memref_slice %arg5[%dma_start3A_2094] : memref<10240xi32, #tpu.memory_space<vmem>> -> memref<128xi32, #tpu.memory_space<vmem>>
    %dma_start3A_2096 = arith.constant 0 : i32
    %dma_start3A_2097 = tpu.memref_slice %arg3[%add3A_1452, %dma_start3A_2096] : memref<64x100000xf32, #tpu.memory_space<hbm>> -> memref<1x100000xf32, #tpu.memory_space<hbm>>
    %dma_start3A_2098 = tpu.memref_squeeze %dma_start3A_2097 : memref<1x100000xf32, #tpu.memory_space<hbm>> -> memref<100000xf32, #tpu.memory_space<hbm>>
    %dma_start3A_2099 = arith.constant 0 : i32
    %dma_start3A_2100 = tpu.memref_slice %dma_start3A_2098[%dma_start3A_2099] : memref<100000xf32, #tpu.memory_space<hbm>> -> memref<100000xf32, #tpu.memory_space<hbm>>
    tpu.enqueue_indirect_dma source(%dma_start3A_2100 : memref<100000xf32, #tpu.memory_space<hbm>>) target(%dma_start3A_2093 : memref<128xf32, #tpu.memory_space<vmem>>) offsets(%dma_start3A_2095 : memref<128xi32, #tpu.memory_space<vmem>>) semaphore(%arg8 : memref<!tpu.dma_semaphore, #tpu.memory_space<semaphore_mem>>)
    %dma_start3A_2101 = arith.constant 9216 : i32
    %dma_start3A_2102 = tpu.memref_slice %arg6[%dma_start3A_2101] : memref<10240xf32, #tpu.memory_space<vmem>> -> memref<128xf32, #tpu.memory_space<vmem>>
    %dma_start3A_2103 = arith.constant 9216 : i32
    %dma_start3A_2104 = tpu.memref_slice %arg5[%dma_start3A_2103] : memref<10240xi32, #tpu.memory_space<vmem>> -> memref<128xi32, #tpu.memory_space<vmem>>
    %dma_start3A_2105 = arith.constant 0 : i32
    %dma_start3A_2106 = tpu.memref_slice %arg3[%add3A_1452, %dma_start3A_2105] : memref<64x100000xf32, #tpu.memory_space<hbm>> -> memref<1x100000xf32, #tpu.memory_space<hbm>>
    %dma_start3A_2107 = tpu.memref_squeeze %dma_start3A_2106 : memref<1x100000xf32, #tpu.memory_space<hbm>> -> memref<100000xf32, #tpu.memory_space<hbm>>
    %dma_start3A_2108 = arith.constant 0 : i32
    %dma_start3A_2109 = tpu.memref_slice %dma_start3A_2107[%dma_start3A_2108] : memref<100000xf32, #tpu.memory_space<hbm>> -> memref<100000xf32, #tpu.memory_space<hbm>>
    tpu.enqueue_indirect_dma source(%dma_start3A_2109 : memref<100000xf32, #tpu.memory_space<hbm>>) target(%dma_start3A_2102 : memref<128xf32, #tpu.memory_space<vmem>>) offsets(%dma_start3A_2104 : memref<128xi32, #tpu.memory_space<vmem>>) semaphore(%arg8 : memref<!tpu.dma_semaphore, #tpu.memory_space<semaphore_mem>>)
    %dma_start3A_2110 = arith.constant 9344 : i32
    %dma_start3A_2111 = tpu.memref_slice %arg6[%dma_start3A_2110] : memref<10240xf32, #tpu.memory_space<vmem>> -> memref<128xf32, #tpu.memory_space<vmem>>
    %dma_start3A_2112 = arith.constant 9344 : i32
    %dma_start3A_2113 = tpu.memref_slice %arg5[%dma_start3A_2112] : memref<10240xi32, #tpu.memory_space<vmem>> -> memref<128xi32, #tpu.memory_space<vmem>>
    %dma_start3A_2114 = arith.constant 0 : i32
    %dma_start3A_2115 = tpu.memref_slice %arg3[%add3A_1452, %dma_start3A_2114] : memref<64x100000xf32, #tpu.memory_space<hbm>> -> memref<1x100000xf32, #tpu.memory_space<hbm>>
    %dma_start3A_2116 = tpu.memref_squeeze %dma_start3A_2115 : memref<1x100000xf32, #tpu.memory_space<hbm>> -> memref<100000xf32, #tpu.memory_space<hbm>>
    %dma_start3A_2117 = arith.constant 0 : i32
    %dma_start3A_2118 = tpu.memref_slice %dma_start3A_2116[%dma_start3A_2117] : memref<100000xf32, #tpu.memory_space<hbm>> -> memref<100000xf32, #tpu.memory_space<hbm>>
    tpu.enqueue_indirect_dma source(%dma_start3A_2118 : memref<100000xf32, #tpu.memory_space<hbm>>) target(%dma_start3A_2111 : memref<128xf32, #tpu.memory_space<vmem>>) offsets(%dma_start3A_2113 : memref<128xi32, #tpu.memory_space<vmem>>) semaphore(%arg8 : memref<!tpu.dma_semaphore, #tpu.memory_space<semaphore_mem>>)
    %dma_start3A_2119 = arith.constant 9472 : i32
    %dma_start3A_2120 = tpu.memref_slice %arg6[%dma_start3A_2119] : memref<10240xf32, #tpu.memory_space<vmem>> -> memref<128xf32, #tpu.memory_space<vmem>>
    %dma_start3A_2121 = arith.constant 9472 : i32
    %dma_start3A_2122 = tpu.memref_slice %arg5[%dma_start3A_2121] : memref<10240xi32, #tpu.memory_space<vmem>> -> memref<128xi32, #tpu.memory_space<vmem>>
    %dma_start3A_2123 = arith.constant 0 : i32
    %dma_start3A_2124 = tpu.memref_slice %arg3[%add3A_1452, %dma_start3A_2123] : memref<64x100000xf32, #tpu.memory_space<hbm>> -> memref<1x100000xf32, #tpu.memory_space<hbm>>
    %dma_start3A_2125 = tpu.memref_squeeze %dma_start3A_2124 : memref<1x100000xf32, #tpu.memory_space<hbm>> -> memref<100000xf32, #tpu.memory_space<hbm>>
    %dma_start3A_2126 = arith.constant 0 : i32
    %dma_start3A_2127 = tpu.memref_slice %dma_start3A_2125[%dma_start3A_2126] : memref<100000xf32, #tpu.memory_space<hbm>> -> memref<100000xf32, #tpu.memory_space<hbm>>
    tpu.enqueue_indirect_dma source(%dma_start3A_2127 : memref<100000xf32, #tpu.memory_space<hbm>>) target(%dma_start3A_2120 : memref<128xf32, #tpu.memory_space<vmem>>) offsets(%dma_start3A_2122 : memref<128xi32, #tpu.memory_space<vmem>>) semaphore(%arg8 : memref<!tpu.dma_semaphore, #tpu.memory_space<semaphore_mem>>)
    %dma_start3A_2128 = arith.constant 9600 : i32
    %dma_start3A_2129 = tpu.memref_slice %arg6[%dma_start3A_2128] : memref<10240xf32, #tpu.memory_space<vmem>> -> memref<128xf32, #tpu.memory_space<vmem>>
    %dma_start3A_2130 = arith.constant 9600 : i32
    %dma_start3A_2131 = tpu.memref_slice %arg5[%dma_start3A_2130] : memref<10240xi32, #tpu.memory_space<vmem>> -> memref<128xi32, #tpu.memory_space<vmem>>
    %dma_start3A_2132 = arith.constant 0 : i32
    %dma_start3A_2133 = tpu.memref_slice %arg3[%add3A_1452, %dma_start3A_2132] : memref<64x100000xf32, #tpu.memory_space<hbm>> -> memref<1x100000xf32, #tpu.memory_space<hbm>>
    %dma_start3A_2134 = tpu.memref_squeeze %dma_start3A_2133 : memref<1x100000xf32, #tpu.memory_space<hbm>> -> memref<100000xf32, #tpu.memory_space<hbm>>
    %dma_start3A_2135 = arith.constant 0 : i32
    %dma_start3A_2136 = tpu.memref_slice %dma_start3A_2134[%dma_start3A_2135] : memref<100000xf32, #tpu.memory_space<hbm>> -> memref<100000xf32, #tpu.memory_space<hbm>>
    tpu.enqueue_indirect_dma source(%dma_start3A_2136 : memref<100000xf32, #tpu.memory_space<hbm>>) target(%dma_start3A_2129 : memref<128xf32, #tpu.memory_space<vmem>>) offsets(%dma_start3A_2131 : memref<128xi32, #tpu.memory_space<vmem>>) semaphore(%arg8 : memref<!tpu.dma_semaphore, #tpu.memory_space<semaphore_mem>>)
    %dma_start3A_2137 = arith.constant 9728 : i32
    %dma_start3A_2138 = tpu.memref_slice %arg6[%dma_start3A_2137] : memref<10240xf32, #tpu.memory_space<vmem>> -> memref<128xf32, #tpu.memory_space<vmem>>
    %dma_start3A_2139 = arith.constant 9728 : i32
    %dma_start3A_2140 = tpu.memref_slice %arg5[%dma_start3A_2139] : memref<10240xi32, #tpu.memory_space<vmem>> -> memref<128xi32, #tpu.memory_space<vmem>>
    %dma_start3A_2141 = arith.constant 0 : i32
    %dma_start3A_2142 = tpu.memref_slice %arg3[%add3A_1452, %dma_start3A_2141] : memref<64x100000xf32, #tpu.memory_space<hbm>> -> memref<1x100000xf32, #tpu.memory_space<hbm>>
    %dma_start3A_2143 = tpu.memref_squeeze %dma_start3A_2142 : memref<1x100000xf32, #tpu.memory_space<hbm>> -> memref<100000xf32, #tpu.memory_space<hbm>>
    %dma_start3A_2144 = arith.constant 0 : i32
    %dma_start3A_2145 = tpu.memref_slice %dma_start3A_2143[%dma_start3A_2144] : memref<100000xf32, #tpu.memory_space<hbm>> -> memref<100000xf32, #tpu.memory_space<hbm>>
    tpu.enqueue_indirect_dma source(%dma_start3A_2145 : memref<100000xf32, #tpu.memory_space<hbm>>) target(%dma_start3A_2138 : memref<128xf32, #tpu.memory_space<vmem>>) offsets(%dma_start3A_2140 : memref<128xi32, #tpu.memory_space<vmem>>) semaphore(%arg8 : memref<!tpu.dma_semaphore, #tpu.memory_space<semaphore_mem>>)
    %dma_start3A_2146 = arith.constant 9856 : i32
    %dma_start3A_2147 = tpu.memref_slice %arg6[%dma_start3A_2146] : memref<10240xf32, #tpu.memory_space<vmem>> -> memref<128xf32, #tpu.memory_space<vmem>>
    %dma_start3A_2148 = arith.constant 9856 : i32
    %dma_start3A_2149 = tpu.memref_slice %arg5[%dma_start3A_2148] : memref<10240xi32, #tpu.memory_space<vmem>> -> memref<128xi32, #tpu.memory_space<vmem>>
    %dma_start3A_2150 = arith.constant 0 : i32
    %dma_start3A_2151 = tpu.memref_slice %arg3[%add3A_1452, %dma_start3A_2150] : memref<64x100000xf32, #tpu.memory_space<hbm>> -> memref<1x100000xf32, #tpu.memory_space<hbm>>
    %dma_start3A_2152 = tpu.memref_squeeze %dma_start3A_2151 : memref<1x100000xf32, #tpu.memory_space<hbm>> -> memref<100000xf32, #tpu.memory_space<hbm>>
    %dma_start3A_2153 = arith.constant 0 : i32
    %dma_start3A_2154 = tpu.memref_slice %dma_start3A_2152[%dma_start3A_2153] : memref<100000xf32, #tpu.memory_space<hbm>> -> memref<100000xf32, #tpu.memory_space<hbm>>
    tpu.enqueue_indirect_dma source(%dma_start3A_2154 : memref<100000xf32, #tpu.memory_space<hbm>>) target(%dma_start3A_2147 : memref<128xf32, #tpu.memory_space<vmem>>) offsets(%dma_start3A_2149 : memref<128xi32, #tpu.memory_space<vmem>>) semaphore(%arg8 : memref<!tpu.dma_semaphore, #tpu.memory_space<semaphore_mem>>)
    %dma_start3A_2155 = arith.constant 9984 : i32
    %dma_start3A_2156 = tpu.memref_slice %arg6[%dma_start3A_2155] : memref<10240xf32, #tpu.memory_space<vmem>> -> memref<128xf32, #tpu.memory_space<vmem>>
    %dma_start3A_2157 = arith.constant 9984 : i32
    %dma_start3A_2158 = tpu.memref_slice %arg5[%dma_start3A_2157] : memref<10240xi32, #tpu.memory_space<vmem>> -> memref<128xi32, #tpu.memory_space<vmem>>
    %dma_start3A_2159 = arith.constant 0 : i32
    %dma_start3A_2160 = tpu.memref_slice %arg3[%add3A_1452, %dma_start3A_2159] : memref<64x100000xf32, #tpu.memory_space<hbm>> -> memref<1x100000xf32, #tpu.memory_space<hbm>>
    %dma_start3A_2161 = tpu.memref_squeeze %dma_start3A_2160 : memref<1x100000xf32, #tpu.memory_space<hbm>> -> memref<100000xf32, #tpu.memory_space<hbm>>
    %dma_start3A_2162 = arith.constant 0 : i32
    %dma_start3A_2163 = tpu.memref_slice %dma_start3A_2161[%dma_start3A_2162] : memref<100000xf32, #tpu.memory_space<hbm>> -> memref<100000xf32, #tpu.memory_space<hbm>>
    tpu.enqueue_indirect_dma source(%dma_start3A_2163 : memref<100000xf32, #tpu.memory_space<hbm>>) target(%dma_start3A_2156 : memref<128xf32, #tpu.memory_space<vmem>>) offsets(%dma_start3A_2158 : memref<128xi32, #tpu.memory_space<vmem>>) semaphore(%arg8 : memref<!tpu.dma_semaphore, #tpu.memory_space<semaphore_mem>>)
    %dma_start3A_2164 = arith.constant 10112 : i32
    %dma_start3A_2165 = tpu.memref_slice %arg6[%dma_start3A_2164] : memref<10240xf32, #tpu.memory_space<vmem>> -> memref<128xf32, #tpu.memory_space<vmem>>
    %dma_start3A_2166 = arith.constant 10112 : i32
    %dma_start3A_2167 = tpu.memref_slice %arg5[%dma_start3A_2166] : memref<10240xi32, #tpu.memory_space<vmem>> -> memref<128xi32, #tpu.memory_space<vmem>>
    %dma_start3A_2168 = arith.constant 0 : i32
    %dma_start3A_2169 = tpu.memref_slice %arg3[%add3A_1452, %dma_start3A_2168] : memref<64x100000xf32, #tpu.memory_space<hbm>> -> memref<1x100000xf32, #tpu.memory_space<hbm>>
    %dma_start3A_2170 = tpu.memref_squeeze %dma_start3A_2169 : memref<1x100000xf32, #tpu.memory_space<hbm>> -> memref<100000xf32, #tpu.memory_space<hbm>>
    %dma_start3A_2171 = arith.constant 0 : i32
    %dma_start3A_2172 = tpu.memref_slice %dma_start3A_2170[%dma_start3A_2171] : memref<100000xf32, #tpu.memory_space<hbm>> -> memref<100000xf32, #tpu.memory_space<hbm>>
    tpu.enqueue_indirect_dma source(%dma_start3A_2172 : memref<100000xf32, #tpu.memory_space<hbm>>) target(%dma_start3A_2165 : memref<128xf32, #tpu.memory_space<vmem>>) offsets(%dma_start3A_2167 : memref<128xi32, #tpu.memory_space<vmem>>) semaphore(%arg8 : memref<!tpu.dma_semaphore, #tpu.memory_space<semaphore_mem>>)
    %dma_wait3A_2173 = arith.constant 0 : i32
    %dma_wait3A_2174 = tpu.memref_slice %arg6[%dma_wait3A_2173] : memref<10240xf32, #tpu.memory_space<vmem>> -> memref<128xf32, #tpu.memory_space<vmem>>
    %dma_wait3A_2175 = arith.constant 0 : i32
    %dma_wait3A_2176 = tpu.memref_slice %arg5[%dma_wait3A_2175] : memref<10240xi32, #tpu.memory_space<vmem>> -> memref<128xi32, #tpu.memory_space<vmem>>
    %dma_wait3A_2177 = arith.constant 0 : i32
    %dma_wait3A_2178 = tpu.memref_slice %arg3[%add3A_1452, %dma_wait3A_2177] : memref<64x100000xf32, #tpu.memory_space<hbm>> -> memref<1x100000xf32, #tpu.memory_space<hbm>>
    %dma_wait3A_2179 = tpu.memref_squeeze %dma_wait3A_2178 : memref<1x100000xf32, #tpu.memory_space<hbm>> -> memref<100000xf32, #tpu.memory_space<hbm>>
    %dma_wait3A_2180 = arith.constant 0 : i32
    %dma_wait3A_2181 = tpu.memref_slice %dma_wait3A_2179[%dma_wait3A_2180] : memref<100000xf32, #tpu.memory_space<hbm>> -> memref<100000xf32, #tpu.memory_space<hbm>>
    tpu.wait_indirect_dma semaphore(%arg8 : memref<!tpu.dma_semaphore, #tpu.memory_space<semaphore_mem>>) src(%dma_wait3A_2181 : memref<100000xf32, #tpu.memory_space<hbm>>) dst(%dma_wait3A_2174 : memref<128xf32, #tpu.memory_space<vmem>>)
    %dma_wait3A_2182 = arith.constant 128 : i32
    %dma_wait3A_2183 = tpu.memref_slice %arg6[%dma_wait3A_2182] : memref<10240xf32, #tpu.memory_space<vmem>> -> memref<128xf32, #tpu.memory_space<vmem>>
    %dma_wait3A_2184 = arith.constant 128 : i32
    %dma_wait3A_2185 = tpu.memref_slice %arg5[%dma_wait3A_2184] : memref<10240xi32, #tpu.memory_space<vmem>> -> memref<128xi32, #tpu.memory_space<vmem>>
    %dma_wait3A_2186 = arith.constant 0 : i32
    %dma_wait3A_2187 = tpu.memref_slice %arg3[%add3A_1452, %dma_wait3A_2186] : memref<64x100000xf32, #tpu.memory_space<hbm>> -> memref<1x100000xf32, #tpu.memory_space<hbm>>
    %dma_wait3A_2188 = tpu.memref_squeeze %dma_wait3A_2187 : memref<1x100000xf32, #tpu.memory_space<hbm>> -> memref<100000xf32, #tpu.memory_space<hbm>>
    %dma_wait3A_2189 = arith.constant 0 : i32
    %dma_wait3A_2190 = tpu.memref_slice %dma_wait3A_2188[%dma_wait3A_2189] : memref<100000xf32, #tpu.memory_space<hbm>> -> memref<100000xf32, #tpu.memory_space<hbm>>
    tpu.wait_indirect_dma semaphore(%arg8 : memref<!tpu.dma_semaphore, #tpu.memory_space<semaphore_mem>>) src(%dma_wait3A_2190 : memref<100000xf32, #tpu.memory_space<hbm>>) dst(%dma_wait3A_2183 : memref<128xf32, #tpu.memory_space<vmem>>)
    %dma_wait3A_2191 = arith.constant 256 : i32
    %dma_wait3A_2192 = tpu.memref_slice %arg6[%dma_wait3A_2191] : memref<10240xf32, #tpu.memory_space<vmem>> -> memref<128xf32, #tpu.memory_space<vmem>>
    %dma_wait3A_2193 = arith.constant 256 : i32
    %dma_wait3A_2194 = tpu.memref_slice %arg5[%dma_wait3A_2193] : memref<10240xi32, #tpu.memory_space<vmem>> -> memref<128xi32, #tpu.memory_space<vmem>>
    %dma_wait3A_2195 = arith.constant 0 : i32
    %dma_wait3A_2196 = tpu.memref_slice %arg3[%add3A_1452, %dma_wait3A_2195] : memref<64x100000xf32, #tpu.memory_space<hbm>> -> memref<1x100000xf32, #tpu.memory_space<hbm>>
    %dma_wait3A_2197 = tpu.memref_squeeze %dma_wait3A_2196 : memref<1x100000xf32, #tpu.memory_space<hbm>> -> memref<100000xf32, #tpu.memory_space<hbm>>
    %dma_wait3A_2198 = arith.constant 0 : i32
    %dma_wait3A_2199 = tpu.memref_slice %dma_wait3A_2197[%dma_wait3A_2198] : memref<100000xf32, #tpu.memory_space<hbm>> -> memref<100000xf32, #tpu.memory_space<hbm>>
    tpu.wait_indirect_dma semaphore(%arg8 : memref<!tpu.dma_semaphore, #tpu.memory_space<semaphore_mem>>) src(%dma_wait3A_2199 : memref<100000xf32, #tpu.memory_space<hbm>>) dst(%dma_wait3A_2192 : memref<128xf32, #tpu.memory_space<vmem>>)
    %dma_wait3A_2200 = arith.constant 384 : i32
    %dma_wait3A_2201 = tpu.memref_slice %arg6[%dma_wait3A_2200] : memref<10240xf32, #tpu.memory_space<vmem>> -> memref<128xf32, #tpu.memory_space<vmem>>
    %dma_wait3A_2202 = arith.constant 384 : i32
    %dma_wait3A_2203 = tpu.memref_slice %arg5[%dma_wait3A_2202] : memref<10240xi32, #tpu.memory_space<vmem>> -> memref<128xi32, #tpu.memory_space<vmem>>
    %dma_wait3A_2204 = arith.constant 0 : i32
    %dma_wait3A_2205 = tpu.memref_slice %arg3[%add3A_1452, %dma_wait3A_2204] : memref<64x100000xf32, #tpu.memory_space<hbm>> -> memref<1x100000xf32, #tpu.memory_space<hbm>>
    %dma_wait3A_2206 = tpu.memref_squeeze %dma_wait3A_2205 : memref<1x100000xf32, #tpu.memory_space<hbm>> -> memref<100000xf32, #tpu.memory_space<hbm>>
    %dma_wait3A_2207 = arith.constant 0 : i32
    %dma_wait3A_2208 = tpu.memref_slice %dma_wait3A_2206[%dma_wait3A_2207] : memref<100000xf32, #tpu.memory_space<hbm>> -> memref<100000xf32, #tpu.memory_space<hbm>>
    tpu.wait_indirect_dma semaphore(%arg8 : memref<!tpu.dma_semaphore, #tpu.memory_space<semaphore_mem>>) src(%dma_wait3A_2208 : memref<100000xf32, #tpu.memory_space<hbm>>) dst(%dma_wait3A_2201 : memref<128xf32, #tpu.memory_space<vmem>>)
    %dma_wait3A_2209 = arith.constant 512 : i32
    %dma_wait3A_2210 = tpu.memref_slice %arg6[%dma_wait3A_2209] : memref<10240xf32, #tpu.memory_space<vmem>> -> memref<128xf32, #tpu.memory_space<vmem>>
    %dma_wait3A_2211 = arith.constant 512 : i32
    %dma_wait3A_2212 = tpu.memref_slice %arg5[%dma_wait3A_2211] : memref<10240xi32, #tpu.memory_space<vmem>> -> memref<128xi32, #tpu.memory_space<vmem>>
    %dma_wait3A_2213 = arith.constant 0 : i32
    %dma_wait3A_2214 = tpu.memref_slice %arg3[%add3A_1452, %dma_wait3A_2213] : memref<64x100000xf32, #tpu.memory_space<hbm>> -> memref<1x100000xf32, #tpu.memory_space<hbm>>
    %dma_wait3A_2215 = tpu.memref_squeeze %dma_wait3A_2214 : memref<1x100000xf32, #tpu.memory_space<hbm>> -> memref<100000xf32, #tpu.memory_space<hbm>>
    %dma_wait3A_2216 = arith.constant 0 : i32
    %dma_wait3A_2217 = tpu.memref_slice %dma_wait3A_2215[%dma_wait3A_2216] : memref<100000xf32, #tpu.memory_space<hbm>> -> memref<100000xf32, #tpu.memory_space<hbm>>
    tpu.wait_indirect_dma semaphore(%arg8 : memref<!tpu.dma_semaphore, #tpu.memory_space<semaphore_mem>>) src(%dma_wait3A_2217 : memref<100000xf32, #tpu.memory_space<hbm>>) dst(%dma_wait3A_2210 : memref<128xf32, #tpu.memory_space<vmem>>)
    %dma_wait3A_2218 = arith.constant 640 : i32
    %dma_wait3A_2219 = tpu.memref_slice %arg6[%dma_wait3A_2218] : memref<10240xf32, #tpu.memory_space<vmem>> -> memref<128xf32, #tpu.memory_space<vmem>>
    %dma_wait3A_2220 = arith.constant 640 : i32
    %dma_wait3A_2221 = tpu.memref_slice %arg5[%dma_wait3A_2220] : memref<10240xi32, #tpu.memory_space<vmem>> -> memref<128xi32, #tpu.memory_space<vmem>>
    %dma_wait3A_2222 = arith.constant 0 : i32
    %dma_wait3A_2223 = tpu.memref_slice %arg3[%add3A_1452, %dma_wait3A_2222] : memref<64x100000xf32, #tpu.memory_space<hbm>> -> memref<1x100000xf32, #tpu.memory_space<hbm>>
    %dma_wait3A_2224 = tpu.memref_squeeze %dma_wait3A_2223 : memref<1x100000xf32, #tpu.memory_space<hbm>> -> memref<100000xf32, #tpu.memory_space<hbm>>
    %dma_wait3A_2225 = arith.constant 0 : i32
    %dma_wait3A_2226 = tpu.memref_slice %dma_wait3A_2224[%dma_wait3A_2225] : memref<100000xf32, #tpu.memory_space<hbm>> -> memref<100000xf32, #tpu.memory_space<hbm>>
    tpu.wait_indirect_dma semaphore(%arg8 : memref<!tpu.dma_semaphore, #tpu.memory_space<semaphore_mem>>) src(%dma_wait3A_2226 : memref<100000xf32, #tpu.memory_space<hbm>>) dst(%dma_wait3A_2219 : memref<128xf32, #tpu.memory_space<vmem>>)
    %dma_wait3A_2227 = arith.constant 768 : i32
    %dma_wait3A_2228 = tpu.memref_slice %arg6[%dma_wait3A_2227] : memref<10240xf32, #tpu.memory_space<vmem>> -> memref<128xf32, #tpu.memory_space<vmem>>
    %dma_wait3A_2229 = arith.constant 768 : i32
    %dma_wait3A_2230 = tpu.memref_slice %arg5[%dma_wait3A_2229] : memref<10240xi32, #tpu.memory_space<vmem>> -> memref<128xi32, #tpu.memory_space<vmem>>
    %dma_wait3A_2231 = arith.constant 0 : i32
    %dma_wait3A_2232 = tpu.memref_slice %arg3[%add3A_1452, %dma_wait3A_2231] : memref<64x100000xf32, #tpu.memory_space<hbm>> -> memref<1x100000xf32, #tpu.memory_space<hbm>>
    %dma_wait3A_2233 = tpu.memref_squeeze %dma_wait3A_2232 : memref<1x100000xf32, #tpu.memory_space<hbm>> -> memref<100000xf32, #tpu.memory_space<hbm>>
    %dma_wait3A_2234 = arith.constant 0 : i32
    %dma_wait3A_2235 = tpu.memref_slice %dma_wait3A_2233[%dma_wait3A_2234] : memref<100000xf32, #tpu.memory_space<hbm>> -> memref<100000xf32, #tpu.memory_space<hbm>>
    tpu.wait_indirect_dma semaphore(%arg8 : memref<!tpu.dma_semaphore, #tpu.memory_space<semaphore_mem>>) src(%dma_wait3A_2235 : memref<100000xf32, #tpu.memory_space<hbm>>) dst(%dma_wait3A_2228 : memref<128xf32, #tpu.memory_space<vmem>>)
    %dma_wait3A_2236 = arith.constant 896 : i32
    %dma_wait3A_2237 = tpu.memref_slice %arg6[%dma_wait3A_2236] : memref<10240xf32, #tpu.memory_space<vmem>> -> memref<128xf32, #tpu.memory_space<vmem>>
    %dma_wait3A_2238 = arith.constant 896 : i32
    %dma_wait3A_2239 = tpu.memref_slice %arg5[%dma_wait3A_2238] : memref<10240xi32, #tpu.memory_space<vmem>> -> memref<128xi32, #tpu.memory_space<vmem>>
    %dma_wait3A_2240 = arith.constant 0 : i32
    %dma_wait3A_2241 = tpu.memref_slice %arg3[%add3A_1452, %dma_wait3A_2240] : memref<64x100000xf32, #tpu.memory_space<hbm>> -> memref<1x100000xf32, #tpu.memory_space<hbm>>
    %dma_wait3A_2242 = tpu.memref_squeeze %dma_wait3A_2241 : memref<1x100000xf32, #tpu.memory_space<hbm>> -> memref<100000xf32, #tpu.memory_space<hbm>>
    %dma_wait3A_2243 = arith.constant 0 : i32
    %dma_wait3A_2244 = tpu.memref_slice %dma_wait3A_2242[%dma_wait3A_2243] : memref<100000xf32, #tpu.memory_space<hbm>> -> memref<100000xf32, #tpu.memory_space<hbm>>
    tpu.wait_indirect_dma semaphore(%arg8 : memref<!tpu.dma_semaphore, #tpu.memory_space<semaphore_mem>>) src(%dma_wait3A_2244 : memref<100000xf32, #tpu.memory_space<hbm>>) dst(%dma_wait3A_2237 : memref<128xf32, #tpu.memory_space<vmem>>)
    %dma_wait3A_2245 = arith.constant 1024 : i32
    %dma_wait3A_2246 = tpu.memref_slice %arg6[%dma_wait3A_2245] : memref<10240xf32, #tpu.memory_space<vmem>> -> memref<128xf32, #tpu.memory_space<vmem>>
    %dma_wait3A_2247 = arith.constant 1024 : i32
    %dma_wait3A_2248 = tpu.memref_slice %arg5[%dma_wait3A_2247] : memref<10240xi32, #tpu.memory_space<vmem>> -> memref<128xi32, #tpu.memory_space<vmem>>
    %dma_wait3A_2249 = arith.constant 0 : i32
    %dma_wait3A_2250 = tpu.memref_slice %arg3[%add3A_1452, %dma_wait3A_2249] : memref<64x100000xf32, #tpu.memory_space<hbm>> -> memref<1x100000xf32, #tpu.memory_space<hbm>>
    %dma_wait3A_2251 = tpu.memref_squeeze %dma_wait3A_2250 : memref<1x100000xf32, #tpu.memory_space<hbm>> -> memref<100000xf32, #tpu.memory_space<hbm>>
    %dma_wait3A_2252 = arith.constant 0 : i32
    %dma_wait3A_2253 = tpu.memref_slice %dma_wait3A_2251[%dma_wait3A_2252] : memref<100000xf32, #tpu.memory_space<hbm>> -> memref<100000xf32, #tpu.memory_space<hbm>>
    tpu.wait_indirect_dma semaphore(%arg8 : memref<!tpu.dma_semaphore, #tpu.memory_space<semaphore_mem>>) src(%dma_wait3A_2253 : memref<100000xf32, #tpu.memory_space<hbm>>) dst(%dma_wait3A_2246 : memref<128xf32, #tpu.memory_space<vmem>>)
    %dma_wait3A_2254 = arith.constant 1152 : i32
    %dma_wait3A_2255 = tpu.memref_slice %arg6[%dma_wait3A_2254] : memref<10240xf32, #tpu.memory_space<vmem>> -> memref<128xf32, #tpu.memory_space<vmem>>
    %dma_wait3A_2256 = arith.constant 1152 : i32
    %dma_wait3A_2257 = tpu.memref_slice %arg5[%dma_wait3A_2256] : memref<10240xi32, #tpu.memory_space<vmem>> -> memref<128xi32, #tpu.memory_space<vmem>>
    %dma_wait3A_2258 = arith.constant 0 : i32
    %dma_wait3A_2259 = tpu.memref_slice %arg3[%add3A_1452, %dma_wait3A_2258] : memref<64x100000xf32, #tpu.memory_space<hbm>> -> memref<1x100000xf32, #tpu.memory_space<hbm>>
    %dma_wait3A_2260 = tpu.memref_squeeze %dma_wait3A_2259 : memref<1x100000xf32, #tpu.memory_space<hbm>> -> memref<100000xf32, #tpu.memory_space<hbm>>
    %dma_wait3A_2261 = arith.constant 0 : i32
    %dma_wait3A_2262 = tpu.memref_slice %dma_wait3A_2260[%dma_wait3A_2261] : memref<100000xf32, #tpu.memory_space<hbm>> -> memref<100000xf32, #tpu.memory_space<hbm>>
    tpu.wait_indirect_dma semaphore(%arg8 : memref<!tpu.dma_semaphore, #tpu.memory_space<semaphore_mem>>) src(%dma_wait3A_2262 : memref<100000xf32, #tpu.memory_space<hbm>>) dst(%dma_wait3A_2255 : memref<128xf32, #tpu.memory_space<vmem>>)
    %dma_wait3A_2263 = arith.constant 1280 : i32
    %dma_wait3A_2264 = tpu.memref_slice %arg6[%dma_wait3A_2263] : memref<10240xf32, #tpu.memory_space<vmem>> -> memref<128xf32, #tpu.memory_space<vmem>>
    %dma_wait3A_2265 = arith.constant 1280 : i32
    %dma_wait3A_2266 = tpu.memref_slice %arg5[%dma_wait3A_2265] : memref<10240xi32, #tpu.memory_space<vmem>> -> memref<128xi32, #tpu.memory_space<vmem>>
    %dma_wait3A_2267 = arith.constant 0 : i32
    %dma_wait3A_2268 = tpu.memref_slice %arg3[%add3A_1452, %dma_wait3A_2267] : memref<64x100000xf32, #tpu.memory_space<hbm>> -> memref<1x100000xf32, #tpu.memory_space<hbm>>
    %dma_wait3A_2269 = tpu.memref_squeeze %dma_wait3A_2268 : memref<1x100000xf32, #tpu.memory_space<hbm>> -> memref<100000xf32, #tpu.memory_space<hbm>>
    %dma_wait3A_2270 = arith.constant 0 : i32
    %dma_wait3A_2271 = tpu.memref_slice %dma_wait3A_2269[%dma_wait3A_2270] : memref<100000xf32, #tpu.memory_space<hbm>> -> memref<100000xf32, #tpu.memory_space<hbm>>
    tpu.wait_indirect_dma semaphore(%arg8 : memref<!tpu.dma_semaphore, #tpu.memory_space<semaphore_mem>>) src(%dma_wait3A_2271 : memref<100000xf32, #tpu.memory_space<hbm>>) dst(%dma_wait3A_2264 : memref<128xf32, #tpu.memory_space<vmem>>)
    %dma_wait3A_2272 = arith.constant 1408 : i32
    %dma_wait3A_2273 = tpu.memref_slice %arg6[%dma_wait3A_2272] : memref<10240xf32, #tpu.memory_space<vmem>> -> memref<128xf32, #tpu.memory_space<vmem>>
    %dma_wait3A_2274 = arith.constant 1408 : i32
    %dma_wait3A_2275 = tpu.memref_slice %arg5[%dma_wait3A_2274] : memref<10240xi32, #tpu.memory_space<vmem>> -> memref<128xi32, #tpu.memory_space<vmem>>
    %dma_wait3A_2276 = arith.constant 0 : i32
    %dma_wait3A_2277 = tpu.memref_slice %arg3[%add3A_1452, %dma_wait3A_2276] : memref<64x100000xf32, #tpu.memory_space<hbm>> -> memref<1x100000xf32, #tpu.memory_space<hbm>>
    %dma_wait3A_2278 = tpu.memref_squeeze %dma_wait3A_2277 : memref<1x100000xf32, #tpu.memory_space<hbm>> -> memref<100000xf32, #tpu.memory_space<hbm>>
    %dma_wait3A_2279 = arith.constant 0 : i32
    %dma_wait3A_2280 = tpu.memref_slice %dma_wait3A_2278[%dma_wait3A_2279] : memref<100000xf32, #tpu.memory_space<hbm>> -> memref<100000xf32, #tpu.memory_space<hbm>>
    tpu.wait_indirect_dma semaphore(%arg8 : memref<!tpu.dma_semaphore, #tpu.memory_space<semaphore_mem>>) src(%dma_wait3A_2280 : memref<100000xf32, #tpu.memory_space<hbm>>) dst(%dma_wait3A_2273 : memref<128xf32, #tpu.memory_space<vmem>>)
    %dma_wait3A_2281 = arith.constant 1536 : i32
    %dma_wait3A_2282 = tpu.memref_slice %arg6[%dma_wait3A_2281] : memref<10240xf32, #tpu.memory_space<vmem>> -> memref<128xf32, #tpu.memory_space<vmem>>
    %dma_wait3A_2283 = arith.constant 1536 : i32
    %dma_wait3A_2284 = tpu.memref_slice %arg5[%dma_wait3A_2283] : memref<10240xi32, #tpu.memory_space<vmem>> -> memref<128xi32, #tpu.memory_space<vmem>>
    %dma_wait3A_2285 = arith.constant 0 : i32
    %dma_wait3A_2286 = tpu.memref_slice %arg3[%add3A_1452, %dma_wait3A_2285] : memref<64x100000xf32, #tpu.memory_space<hbm>> -> memref<1x100000xf32, #tpu.memory_space<hbm>>
    %dma_wait3A_2287 = tpu.memref_squeeze %dma_wait3A_2286 : memref<1x100000xf32, #tpu.memory_space<hbm>> -> memref<100000xf32, #tpu.memory_space<hbm>>
    %dma_wait3A_2288 = arith.constant 0 : i32
    %dma_wait3A_2289 = tpu.memref_slice %dma_wait3A_2287[%dma_wait3A_2288] : memref<100000xf32, #tpu.memory_space<hbm>> -> memref<100000xf32, #tpu.memory_space<hbm>>
    tpu.wait_indirect_dma semaphore(%arg8 : memref<!tpu.dma_semaphore, #tpu.memory_space<semaphore_mem>>) src(%dma_wait3A_2289 : memref<100000xf32, #tpu.memory_space<hbm>>) dst(%dma_wait3A_2282 : memref<128xf32, #tpu.memory_space<vmem>>)
    %dma_wait3A_2290 = arith.constant 1664 : i32
    %dma_wait3A_2291 = tpu.memref_slice %arg6[%dma_wait3A_2290] : memref<10240xf32, #tpu.memory_space<vmem>> -> memref<128xf32, #tpu.memory_space<vmem>>
    %dma_wait3A_2292 = arith.constant 1664 : i32
    %dma_wait3A_2293 = tpu.memref_slice %arg5[%dma_wait3A_2292] : memref<10240xi32, #tpu.memory_space<vmem>> -> memref<128xi32, #tpu.memory_space<vmem>>
    %dma_wait3A_2294 = arith.constant 0 : i32
    %dma_wait3A_2295 = tpu.memref_slice %arg3[%add3A_1452, %dma_wait3A_2294] : memref<64x100000xf32, #tpu.memory_space<hbm>> -> memref<1x100000xf32, #tpu.memory_space<hbm>>
    %dma_wait3A_2296 = tpu.memref_squeeze %dma_wait3A_2295 : memref<1x100000xf32, #tpu.memory_space<hbm>> -> memref<100000xf32, #tpu.memory_space<hbm>>
    %dma_wait3A_2297 = arith.constant 0 : i32
    %dma_wait3A_2298 = tpu.memref_slice %dma_wait3A_2296[%dma_wait3A_2297] : memref<100000xf32, #tpu.memory_space<hbm>> -> memref<100000xf32, #tpu.memory_space<hbm>>
    tpu.wait_indirect_dma semaphore(%arg8 : memref<!tpu.dma_semaphore, #tpu.memory_space<semaphore_mem>>) src(%dma_wait3A_2298 : memref<100000xf32, #tpu.memory_space<hbm>>) dst(%dma_wait3A_2291 : memref<128xf32, #tpu.memory_space<vmem>>)
    %dma_wait3A_2299 = arith.constant 1792 : i32
    %dma_wait3A_2300 = tpu.memref_slice %arg6[%dma_wait3A_2299] : memref<10240xf32, #tpu.memory_space<vmem>> -> memref<128xf32, #tpu.memory_space<vmem>>
    %dma_wait3A_2301 = arith.constant 1792 : i32
    %dma_wait3A_2302 = tpu.memref_slice %arg5[%dma_wait3A_2301] : memref<10240xi32, #tpu.memory_space<vmem>> -> memref<128xi32, #tpu.memory_space<vmem>>
    %dma_wait3A_2303 = arith.constant 0 : i32
    %dma_wait3A_2304 = tpu.memref_slice %arg3[%add3A_1452, %dma_wait3A_2303] : memref<64x100000xf32, #tpu.memory_space<hbm>> -> memref<1x100000xf32, #tpu.memory_space<hbm>>
    %dma_wait3A_2305 = tpu.memref_squeeze %dma_wait3A_2304 : memref<1x100000xf32, #tpu.memory_space<hbm>> -> memref<100000xf32, #tpu.memory_space<hbm>>
    %dma_wait3A_2306 = arith.constant 0 : i32
    %dma_wait3A_2307 = tpu.memref_slice %dma_wait3A_2305[%dma_wait3A_2306] : memref<100000xf32, #tpu.memory_space<hbm>> -> memref<100000xf32, #tpu.memory_space<hbm>>
    tpu.wait_indirect_dma semaphore(%arg8 : memref<!tpu.dma_semaphore, #tpu.memory_space<semaphore_mem>>) src(%dma_wait3A_2307 : memref<100000xf32, #tpu.memory_space<hbm>>) dst(%dma_wait3A_2300 : memref<128xf32, #tpu.memory_space<vmem>>)
    %dma_wait3A_2308 = arith.constant 1920 : i32
    %dma_wait3A_2309 = tpu.memref_slice %arg6[%dma_wait3A_2308] : memref<10240xf32, #tpu.memory_space<vmem>> -> memref<128xf32, #tpu.memory_space<vmem>>
    %dma_wait3A_2310 = arith.constant 1920 : i32
    %dma_wait3A_2311 = tpu.memref_slice %arg5[%dma_wait3A_2310] : memref<10240xi32, #tpu.memory_space<vmem>> -> memref<128xi32, #tpu.memory_space<vmem>>
    %dma_wait3A_2312 = arith.constant 0 : i32
    %dma_wait3A_2313 = tpu.memref_slice %arg3[%add3A_1452, %dma_wait3A_2312] : memref<64x100000xf32, #tpu.memory_space<hbm>> -> memref<1x100000xf32, #tpu.memory_space<hbm>>
    %dma_wait3A_2314 = tpu.memref_squeeze %dma_wait3A_2313 : memref<1x100000xf32, #tpu.memory_space<hbm>> -> memref<100000xf32, #tpu.memory_space<hbm>>
    %dma_wait3A_2315 = arith.constant 0 : i32
    %dma_wait3A_2316 = tpu.memref_slice %dma_wait3A_2314[%dma_wait3A_2315] : memref<100000xf32, #tpu.memory_space<hbm>> -> memref<100000xf32, #tpu.memory_space<hbm>>
    tpu.wait_indirect_dma semaphore(%arg8 : memref<!tpu.dma_semaphore, #tpu.memory_space<semaphore_mem>>) src(%dma_wait3A_2316 : memref<100000xf32, #tpu.memory_space<hbm>>) dst(%dma_wait3A_2309 : memref<128xf32, #tpu.memory_space<vmem>>)
    %dma_wait3A_2317 = arith.constant 2048 : i32
    %dma_wait3A_2318 = tpu.memref_slice %arg6[%dma_wait3A_2317] : memref<10240xf32, #tpu.memory_space<vmem>> -> memref<128xf32, #tpu.memory_space<vmem>>
    %dma_wait3A_2319 = arith.constant 2048 : i32
    %dma_wait3A_2320 = tpu.memref_slice %arg5[%dma_wait3A_2319] : memref<10240xi32, #tpu.memory_space<vmem>> -> memref<128xi32, #tpu.memory_space<vmem>>
    %dma_wait3A_2321 = arith.constant 0 : i32
    %dma_wait3A_2322 = tpu.memref_slice %arg3[%add3A_1452, %dma_wait3A_2321] : memref<64x100000xf32, #tpu.memory_space<hbm>> -> memref<1x100000xf32, #tpu.memory_space<hbm>>
    %dma_wait3A_2323 = tpu.memref_squeeze %dma_wait3A_2322 : memref<1x100000xf32, #tpu.memory_space<hbm>> -> memref<100000xf32, #tpu.memory_space<hbm>>
    %dma_wait3A_2324 = arith.constant 0 : i32
    %dma_wait3A_2325 = tpu.memref_slice %dma_wait3A_2323[%dma_wait3A_2324] : memref<100000xf32, #tpu.memory_space<hbm>> -> memref<100000xf32, #tpu.memory_space<hbm>>
    tpu.wait_indirect_dma semaphore(%arg8 : memref<!tpu.dma_semaphore, #tpu.memory_space<semaphore_mem>>) src(%dma_wait3A_2325 : memref<100000xf32, #tpu.memory_space<hbm>>) dst(%dma_wait3A_2318 : memref<128xf32, #tpu.memory_space<vmem>>)
    %dma_wait3A_2326 = arith.constant 2176 : i32
    %dma_wait3A_2327 = tpu.memref_slice %arg6[%dma_wait3A_2326] : memref<10240xf32, #tpu.memory_space<vmem>> -> memref<128xf32, #tpu.memory_space<vmem>>
    %dma_wait3A_2328 = arith.constant 2176 : i32
    %dma_wait3A_2329 = tpu.memref_slice %arg5[%dma_wait3A_2328] : memref<10240xi32, #tpu.memory_space<vmem>> -> memref<128xi32, #tpu.memory_space<vmem>>
    %dma_wait3A_2330 = arith.constant 0 : i32
    %dma_wait3A_2331 = tpu.memref_slice %arg3[%add3A_1452, %dma_wait3A_2330] : memref<64x100000xf32, #tpu.memory_space<hbm>> -> memref<1x100000xf32, #tpu.memory_space<hbm>>
    %dma_wait3A_2332 = tpu.memref_squeeze %dma_wait3A_2331 : memref<1x100000xf32, #tpu.memory_space<hbm>> -> memref<100000xf32, #tpu.memory_space<hbm>>
    %dma_wait3A_2333 = arith.constant 0 : i32
    %dma_wait3A_2334 = tpu.memref_slice %dma_wait3A_2332[%dma_wait3A_2333] : memref<100000xf32, #tpu.memory_space<hbm>> -> memref<100000xf32, #tpu.memory_space<hbm>>
    tpu.wait_indirect_dma semaphore(%arg8 : memref<!tpu.dma_semaphore, #tpu.memory_space<semaphore_mem>>) src(%dma_wait3A_2334 : memref<100000xf32, #tpu.memory_space<hbm>>) dst(%dma_wait3A_2327 : memref<128xf32, #tpu.memory_space<vmem>>)
    %dma_wait3A_2335 = arith.constant 2304 : i32
    %dma_wait3A_2336 = tpu.memref_slice %arg6[%dma_wait3A_2335] : memref<10240xf32, #tpu.memory_space<vmem>> -> memref<128xf32, #tpu.memory_space<vmem>>
    %dma_wait3A_2337 = arith.constant 2304 : i32
    %dma_wait3A_2338 = tpu.memref_slice %arg5[%dma_wait3A_2337] : memref<10240xi32, #tpu.memory_space<vmem>> -> memref<128xi32, #tpu.memory_space<vmem>>
    %dma_wait3A_2339 = arith.constant 0 : i32
    %dma_wait3A_2340 = tpu.memref_slice %arg3[%add3A_1452, %dma_wait3A_2339] : memref<64x100000xf32, #tpu.memory_space<hbm>> -> memref<1x100000xf32, #tpu.memory_space<hbm>>
    %dma_wait3A_2341 = tpu.memref_squeeze %dma_wait3A_2340 : memref<1x100000xf32, #tpu.memory_space<hbm>> -> memref<100000xf32, #tpu.memory_space<hbm>>
    %dma_wait3A_2342 = arith.constant 0 : i32
    %dma_wait3A_2343 = tpu.memref_slice %dma_wait3A_2341[%dma_wait3A_2342] : memref<100000xf32, #tpu.memory_space<hbm>> -> memref<100000xf32, #tpu.memory_space<hbm>>
    tpu.wait_indirect_dma semaphore(%arg8 : memref<!tpu.dma_semaphore, #tpu.memory_space<semaphore_mem>>) src(%dma_wait3A_2343 : memref<100000xf32, #tpu.memory_space<hbm>>) dst(%dma_wait3A_2336 : memref<128xf32, #tpu.memory_space<vmem>>)
    %dma_wait3A_2344 = arith.constant 2432 : i32
    %dma_wait3A_2345 = tpu.memref_slice %arg6[%dma_wait3A_2344] : memref<10240xf32, #tpu.memory_space<vmem>> -> memref<128xf32, #tpu.memory_space<vmem>>
    %dma_wait3A_2346 = arith.constant 2432 : i32
    %dma_wait3A_2347 = tpu.memref_slice %arg5[%dma_wait3A_2346] : memref<10240xi32, #tpu.memory_space<vmem>> -> memref<128xi32, #tpu.memory_space<vmem>>
    %dma_wait3A_2348 = arith.constant 0 : i32
    %dma_wait3A_2349 = tpu.memref_slice %arg3[%add3A_1452, %dma_wait3A_2348] : memref<64x100000xf32, #tpu.memory_space<hbm>> -> memref<1x100000xf32, #tpu.memory_space<hbm>>
    %dma_wait3A_2350 = tpu.memref_squeeze %dma_wait3A_2349 : memref<1x100000xf32, #tpu.memory_space<hbm>> -> memref<100000xf32, #tpu.memory_space<hbm>>
    %dma_wait3A_2351 = arith.constant 0 : i32
    %dma_wait3A_2352 = tpu.memref_slice %dma_wait3A_2350[%dma_wait3A_2351] : memref<100000xf32, #tpu.memory_space<hbm>> -> memref<100000xf32, #tpu.memory_space<hbm>>
    tpu.wait_indirect_dma semaphore(%arg8 : memref<!tpu.dma_semaphore, #tpu.memory_space<semaphore_mem>>) src(%dma_wait3A_2352 : memref<100000xf32, #tpu.memory_space<hbm>>) dst(%dma_wait3A_2345 : memref<128xf32, #tpu.memory_space<vmem>>)
    %dma_wait3A_2353 = arith.constant 2560 : i32
    %dma_wait3A_2354 = tpu.memref_slice %arg6[%dma_wait3A_2353] : memref<10240xf32, #tpu.memory_space<vmem>> -> memref<128xf32, #tpu.memory_space<vmem>>
    %dma_wait3A_2355 = arith.constant 2560 : i32
    %dma_wait3A_2356 = tpu.memref_slice %arg5[%dma_wait3A_2355] : memref<10240xi32, #tpu.memory_space<vmem>> -> memref<128xi32, #tpu.memory_space<vmem>>
    %dma_wait3A_2357 = arith.constant 0 : i32
    %dma_wait3A_2358 = tpu.memref_slice %arg3[%add3A_1452, %dma_wait3A_2357] : memref<64x100000xf32, #tpu.memory_space<hbm>> -> memref<1x100000xf32, #tpu.memory_space<hbm>>
    %dma_wait3A_2359 = tpu.memref_squeeze %dma_wait3A_2358 : memref<1x100000xf32, #tpu.memory_space<hbm>> -> memref<100000xf32, #tpu.memory_space<hbm>>
    %dma_wait3A_2360 = arith.constant 0 : i32
    %dma_wait3A_2361 = tpu.memref_slice %dma_wait3A_2359[%dma_wait3A_2360] : memref<100000xf32, #tpu.memory_space<hbm>> -> memref<100000xf32, #tpu.memory_space<hbm>>
    tpu.wait_indirect_dma semaphore(%arg8 : memref<!tpu.dma_semaphore, #tpu.memory_space<semaphore_mem>>) src(%dma_wait3A_2361 : memref<100000xf32, #tpu.memory_space<hbm>>) dst(%dma_wait3A_2354 : memref<128xf32, #tpu.memory_space<vmem>>)
    %dma_wait3A_2362 = arith.constant 2688 : i32
    %dma_wait3A_2363 = tpu.memref_slice %arg6[%dma_wait3A_2362] : memref<10240xf32, #tpu.memory_space<vmem>> -> memref<128xf32, #tpu.memory_space<vmem>>
    %dma_wait3A_2364 = arith.constant 2688 : i32
    %dma_wait3A_2365 = tpu.memref_slice %arg5[%dma_wait3A_2364] : memref<10240xi32, #tpu.memory_space<vmem>> -> memref<128xi32, #tpu.memory_space<vmem>>
    %dma_wait3A_2366 = arith.constant 0 : i32
    %dma_wait3A_2367 = tpu.memref_slice %arg3[%add3A_1452, %dma_wait3A_2366] : memref<64x100000xf32, #tpu.memory_space<hbm>> -> memref<1x100000xf32, #tpu.memory_space<hbm>>
    %dma_wait3A_2368 = tpu.memref_squeeze %dma_wait3A_2367 : memref<1x100000xf32, #tpu.memory_space<hbm>> -> memref<100000xf32, #tpu.memory_space<hbm>>
    %dma_wait3A_2369 = arith.constant 0 : i32
    %dma_wait3A_2370 = tpu.memref_slice %dma_wait3A_2368[%dma_wait3A_2369] : memref<100000xf32, #tpu.memory_space<hbm>> -> memref<100000xf32, #tpu.memory_space<hbm>>
    tpu.wait_indirect_dma semaphore(%arg8 : memref<!tpu.dma_semaphore, #tpu.memory_space<semaphore_mem>>) src(%dma_wait3A_2370 : memref<100000xf32, #tpu.memory_space<hbm>>) dst(%dma_wait3A_2363 : memref<128xf32, #tpu.memory_space<vmem>>)
    %dma_wait3A_2371 = arith.constant 2816 : i32
    %dma_wait3A_2372 = tpu.memref_slice %arg6[%dma_wait3A_2371] : memref<10240xf32, #tpu.memory_space<vmem>> -> memref<128xf32, #tpu.memory_space<vmem>>
    %dma_wait3A_2373 = arith.constant 2816 : i32
    %dma_wait3A_2374 = tpu.memref_slice %arg5[%dma_wait3A_2373] : memref<10240xi32, #tpu.memory_space<vmem>> -> memref<128xi32, #tpu.memory_space<vmem>>
    %dma_wait3A_2375 = arith.constant 0 : i32
    %dma_wait3A_2376 = tpu.memref_slice %arg3[%add3A_1452, %dma_wait3A_2375] : memref<64x100000xf32, #tpu.memory_space<hbm>> -> memref<1x100000xf32, #tpu.memory_space<hbm>>
    %dma_wait3A_2377 = tpu.memref_squeeze %dma_wait3A_2376 : memref<1x100000xf32, #tpu.memory_space<hbm>> -> memref<100000xf32, #tpu.memory_space<hbm>>
    %dma_wait3A_2378 = arith.constant 0 : i32
    %dma_wait3A_2379 = tpu.memref_slice %dma_wait3A_2377[%dma_wait3A_2378] : memref<100000xf32, #tpu.memory_space<hbm>> -> memref<100000xf32, #tpu.memory_space<hbm>>
    tpu.wait_indirect_dma semaphore(%arg8 : memref<!tpu.dma_semaphore, #tpu.memory_space<semaphore_mem>>) src(%dma_wait3A_2379 : memref<100000xf32, #tpu.memory_space<hbm>>) dst(%dma_wait3A_2372 : memref<128xf32, #tpu.memory_space<vmem>>)
    %dma_wait3A_2380 = arith.constant 2944 : i32
    %dma_wait3A_2381 = tpu.memref_slice %arg6[%dma_wait3A_2380] : memref<10240xf32, #tpu.memory_space<vmem>> -> memref<128xf32, #tpu.memory_space<vmem>>
    %dma_wait3A_2382 = arith.constant 2944 : i32
    %dma_wait3A_2383 = tpu.memref_slice %arg5[%dma_wait3A_2382] : memref<10240xi32, #tpu.memory_space<vmem>> -> memref<128xi32, #tpu.memory_space<vmem>>
    %dma_wait3A_2384 = arith.constant 0 : i32
    %dma_wait3A_2385 = tpu.memref_slice %arg3[%add3A_1452, %dma_wait3A_2384] : memref<64x100000xf32, #tpu.memory_space<hbm>> -> memref<1x100000xf32, #tpu.memory_space<hbm>>
    %dma_wait3A_2386 = tpu.memref_squeeze %dma_wait3A_2385 : memref<1x100000xf32, #tpu.memory_space<hbm>> -> memref<100000xf32, #tpu.memory_space<hbm>>
    %dma_wait3A_2387 = arith.constant 0 : i32
    %dma_wait3A_2388 = tpu.memref_slice %dma_wait3A_2386[%dma_wait3A_2387] : memref<100000xf32, #tpu.memory_space<hbm>> -> memref<100000xf32, #tpu.memory_space<hbm>>
    tpu.wait_indirect_dma semaphore(%arg8 : memref<!tpu.dma_semaphore, #tpu.memory_space<semaphore_mem>>) src(%dma_wait3A_2388 : memref<100000xf32, #tpu.memory_space<hbm>>) dst(%dma_wait3A_2381 : memref<128xf32, #tpu.memory_space<vmem>>)
    %dma_wait3A_2389 = arith.constant 3072 : i32
    %dma_wait3A_2390 = tpu.memref_slice %arg6[%dma_wait3A_2389] : memref<10240xf32, #tpu.memory_space<vmem>> -> memref<128xf32, #tpu.memory_space<vmem>>
    %dma_wait3A_2391 = arith.constant 3072 : i32
    %dma_wait3A_2392 = tpu.memref_slice %arg5[%dma_wait3A_2391] : memref<10240xi32, #tpu.memory_space<vmem>> -> memref<128xi32, #tpu.memory_space<vmem>>
    %dma_wait3A_2393 = arith.constant 0 : i32
    %dma_wait3A_2394 = tpu.memref_slice %arg3[%add3A_1452, %dma_wait3A_2393] : memref<64x100000xf32, #tpu.memory_space<hbm>> -> memref<1x100000xf32, #tpu.memory_space<hbm>>
    %dma_wait3A_2395 = tpu.memref_squeeze %dma_wait3A_2394 : memref<1x100000xf32, #tpu.memory_space<hbm>> -> memref<100000xf32, #tpu.memory_space<hbm>>
    %dma_wait3A_2396 = arith.constant 0 : i32
    %dma_wait3A_2397 = tpu.memref_slice %dma_wait3A_2395[%dma_wait3A_2396] : memref<100000xf32, #tpu.memory_space<hbm>> -> memref<100000xf32, #tpu.memory_space<hbm>>
    tpu.wait_indirect_dma semaphore(%arg8 : memref<!tpu.dma_semaphore, #tpu.memory_space<semaphore_mem>>) src(%dma_wait3A_2397 : memref<100000xf32, #tpu.memory_space<hbm>>) dst(%dma_wait3A_2390 : memref<128xf32, #tpu.memory_space<vmem>>)
    %dma_wait3A_2398 = arith.constant 3200 : i32
    %dma_wait3A_2399 = tpu.memref_slice %arg6[%dma_wait3A_2398] : memref<10240xf32, #tpu.memory_space<vmem>> -> memref<128xf32, #tpu.memory_space<vmem>>
    %dma_wait3A_2400 = arith.constant 3200 : i32
    %dma_wait3A_2401 = tpu.memref_slice %arg5[%dma_wait3A_2400] : memref<10240xi32, #tpu.memory_space<vmem>> -> memref<128xi32, #tpu.memory_space<vmem>>
    %dma_wait3A_2402 = arith.constant 0 : i32
    %dma_wait3A_2403 = tpu.memref_slice %arg3[%add3A_1452, %dma_wait3A_2402] : memref<64x100000xf32, #tpu.memory_space<hbm>> -> memref<1x100000xf32, #tpu.memory_space<hbm>>
    %dma_wait3A_2404 = tpu.memref_squeeze %dma_wait3A_2403 : memref<1x100000xf32, #tpu.memory_space<hbm>> -> memref<100000xf32, #tpu.memory_space<hbm>>
    %dma_wait3A_2405 = arith.constant 0 : i32
    %dma_wait3A_2406 = tpu.memref_slice %dma_wait3A_2404[%dma_wait3A_2405] : memref<100000xf32, #tpu.memory_space<hbm>> -> memref<100000xf32, #tpu.memory_space<hbm>>
    tpu.wait_indirect_dma semaphore(%arg8 : memref<!tpu.dma_semaphore, #tpu.memory_space<semaphore_mem>>) src(%dma_wait3A_2406 : memref<100000xf32, #tpu.memory_space<hbm>>) dst(%dma_wait3A_2399 : memref<128xf32, #tpu.memory_space<vmem>>)
    %dma_wait3A_2407 = arith.constant 3328 : i32
    %dma_wait3A_2408 = tpu.memref_slice %arg6[%dma_wait3A_2407] : memref<10240xf32, #tpu.memory_space<vmem>> -> memref<128xf32, #tpu.memory_space<vmem>>
    %dma_wait3A_2409 = arith.constant 3328 : i32
    %dma_wait3A_2410 = tpu.memref_slice %arg5[%dma_wait3A_2409] : memref<10240xi32, #tpu.memory_space<vmem>> -> memref<128xi32, #tpu.memory_space<vmem>>
    %dma_wait3A_2411 = arith.constant 0 : i32
    %dma_wait3A_2412 = tpu.memref_slice %arg3[%add3A_1452, %dma_wait3A_2411] : memref<64x100000xf32, #tpu.memory_space<hbm>> -> memref<1x100000xf32, #tpu.memory_space<hbm>>
    %dma_wait3A_2413 = tpu.memref_squeeze %dma_wait3A_2412 : memref<1x100000xf32, #tpu.memory_space<hbm>> -> memref<100000xf32, #tpu.memory_space<hbm>>
    %dma_wait3A_2414 = arith.constant 0 : i32
    %dma_wait3A_2415 = tpu.memref_slice %dma_wait3A_2413[%dma_wait3A_2414] : memref<100000xf32, #tpu.memory_space<hbm>> -> memref<100000xf32, #tpu.memory_space<hbm>>
    tpu.wait_indirect_dma semaphore(%arg8 : memref<!tpu.dma_semaphore, #tpu.memory_space<semaphore_mem>>) src(%dma_wait3A_2415 : memref<100000xf32, #tpu.memory_space<hbm>>) dst(%dma_wait3A_2408 : memref<128xf32, #tpu.memory_space<vmem>>)
    %dma_wait3A_2416 = arith.constant 3456 : i32
    %dma_wait3A_2417 = tpu.memref_slice %arg6[%dma_wait3A_2416] : memref<10240xf32, #tpu.memory_space<vmem>> -> memref<128xf32, #tpu.memory_space<vmem>>
    %dma_wait3A_2418 = arith.constant 3456 : i32
    %dma_wait3A_2419 = tpu.memref_slice %arg5[%dma_wait3A_2418] : memref<10240xi32, #tpu.memory_space<vmem>> -> memref<128xi32, #tpu.memory_space<vmem>>
    %dma_wait3A_2420 = arith.constant 0 : i32
    %dma_wait3A_2421 = tpu.memref_slice %arg3[%add3A_1452, %dma_wait3A_2420] : memref<64x100000xf32, #tpu.memory_space<hbm>> -> memref<1x100000xf32, #tpu.memory_space<hbm>>
    %dma_wait3A_2422 = tpu.memref_squeeze %dma_wait3A_2421 : memref<1x100000xf32, #tpu.memory_space<hbm>> -> memref<100000xf32, #tpu.memory_space<hbm>>
    %dma_wait3A_2423 = arith.constant 0 : i32
    %dma_wait3A_2424 = tpu.memref_slice %dma_wait3A_2422[%dma_wait3A_2423] : memref<100000xf32, #tpu.memory_space<hbm>> -> memref<100000xf32, #tpu.memory_space<hbm>>
    tpu.wait_indirect_dma semaphore(%arg8 : memref<!tpu.dma_semaphore, #tpu.memory_space<semaphore_mem>>) src(%dma_wait3A_2424 : memref<100000xf32, #tpu.memory_space<hbm>>) dst(%dma_wait3A_2417 : memref<128xf32, #tpu.memory_space<vmem>>)
    %dma_wait3A_2425 = arith.constant 3584 : i32
    %dma_wait3A_2426 = tpu.memref_slice %arg6[%dma_wait3A_2425] : memref<10240xf32, #tpu.memory_space<vmem>> -> memref<128xf32, #tpu.memory_space<vmem>>
    %dma_wait3A_2427 = arith.constant 3584 : i32
    %dma_wait3A_2428 = tpu.memref_slice %arg5[%dma_wait3A_2427] : memref<10240xi32, #tpu.memory_space<vmem>> -> memref<128xi32, #tpu.memory_space<vmem>>
    %dma_wait3A_2429 = arith.constant 0 : i32
    %dma_wait3A_2430 = tpu.memref_slice %arg3[%add3A_1452, %dma_wait3A_2429] : memref<64x100000xf32, #tpu.memory_space<hbm>> -> memref<1x100000xf32, #tpu.memory_space<hbm>>
    %dma_wait3A_2431 = tpu.memref_squeeze %dma_wait3A_2430 : memref<1x100000xf32, #tpu.memory_space<hbm>> -> memref<100000xf32, #tpu.memory_space<hbm>>
    %dma_wait3A_2432 = arith.constant 0 : i32
    %dma_wait3A_2433 = tpu.memref_slice %dma_wait3A_2431[%dma_wait3A_2432] : memref<100000xf32, #tpu.memory_space<hbm>> -> memref<100000xf32, #tpu.memory_space<hbm>>
    tpu.wait_indirect_dma semaphore(%arg8 : memref<!tpu.dma_semaphore, #tpu.memory_space<semaphore_mem>>) src(%dma_wait3A_2433 : memref<100000xf32, #tpu.memory_space<hbm>>) dst(%dma_wait3A_2426 : memref<128xf32, #tpu.memory_space<vmem>>)
    %dma_wait3A_2434 = arith.constant 3712 : i32
    %dma_wait3A_2435 = tpu.memref_slice %arg6[%dma_wait3A_2434] : memref<10240xf32, #tpu.memory_space<vmem>> -> memref<128xf32, #tpu.memory_space<vmem>>
    %dma_wait3A_2436 = arith.constant 3712 : i32
    %dma_wait3A_2437 = tpu.memref_slice %arg5[%dma_wait3A_2436] : memref<10240xi32, #tpu.memory_space<vmem>> -> memref<128xi32, #tpu.memory_space<vmem>>
    %dma_wait3A_2438 = arith.constant 0 : i32
    %dma_wait3A_2439 = tpu.memref_slice %arg3[%add3A_1452, %dma_wait3A_2438] : memref<64x100000xf32, #tpu.memory_space<hbm>> -> memref<1x100000xf32, #tpu.memory_space<hbm>>
    %dma_wait3A_2440 = tpu.memref_squeeze %dma_wait3A_2439 : memref<1x100000xf32, #tpu.memory_space<hbm>> -> memref<100000xf32, #tpu.memory_space<hbm>>
    %dma_wait3A_2441 = arith.constant 0 : i32
    %dma_wait3A_2442 = tpu.memref_slice %dma_wait3A_2440[%dma_wait3A_2441] : memref<100000xf32, #tpu.memory_space<hbm>> -> memref<100000xf32, #tpu.memory_space<hbm>>
    tpu.wait_indirect_dma semaphore(%arg8 : memref<!tpu.dma_semaphore, #tpu.memory_space<semaphore_mem>>) src(%dma_wait3A_2442 : memref<100000xf32, #tpu.memory_space<hbm>>) dst(%dma_wait3A_2435 : memref<128xf32, #tpu.memory_space<vmem>>)
    %dma_wait3A_2443 = arith.constant 3840 : i32
    %dma_wait3A_2444 = tpu.memref_slice %arg6[%dma_wait3A_2443] : memref<10240xf32, #tpu.memory_space<vmem>> -> memref<128xf32, #tpu.memory_space<vmem>>
    %dma_wait3A_2445 = arith.constant 3840 : i32
    %dma_wait3A_2446 = tpu.memref_slice %arg5[%dma_wait3A_2445] : memref<10240xi32, #tpu.memory_space<vmem>> -> memref<128xi32, #tpu.memory_space<vmem>>
    %dma_wait3A_2447 = arith.constant 0 : i32
    %dma_wait3A_2448 = tpu.memref_slice %arg3[%add3A_1452, %dma_wait3A_2447] : memref<64x100000xf32, #tpu.memory_space<hbm>> -> memref<1x100000xf32, #tpu.memory_space<hbm>>
    %dma_wait3A_2449 = tpu.memref_squeeze %dma_wait3A_2448 : memref<1x100000xf32, #tpu.memory_space<hbm>> -> memref<100000xf32, #tpu.memory_space<hbm>>
    %dma_wait3A_2450 = arith.constant 0 : i32
    %dma_wait3A_2451 = tpu.memref_slice %dma_wait3A_2449[%dma_wait3A_2450] : memref<100000xf32, #tpu.memory_space<hbm>> -> memref<100000xf32, #tpu.memory_space<hbm>>
    tpu.wait_indirect_dma semaphore(%arg8 : memref<!tpu.dma_semaphore, #tpu.memory_space<semaphore_mem>>) src(%dma_wait3A_2451 : memref<100000xf32, #tpu.memory_space<hbm>>) dst(%dma_wait3A_2444 : memref<128xf32, #tpu.memory_space<vmem>>)
    %dma_wait3A_2452 = arith.constant 3968 : i32
    %dma_wait3A_2453 = tpu.memref_slice %arg6[%dma_wait3A_2452] : memref<10240xf32, #tpu.memory_space<vmem>> -> memref<128xf32, #tpu.memory_space<vmem>>
    %dma_wait3A_2454 = arith.constant 3968 : i32
    %dma_wait3A_2455 = tpu.memref_slice %arg5[%dma_wait3A_2454] : memref<10240xi32, #tpu.memory_space<vmem>> -> memref<128xi32, #tpu.memory_space<vmem>>
    %dma_wait3A_2456 = arith.constant 0 : i32
    %dma_wait3A_2457 = tpu.memref_slice %arg3[%add3A_1452, %dma_wait3A_2456] : memref<64x100000xf32, #tpu.memory_space<hbm>> -> memref<1x100000xf32, #tpu.memory_space<hbm>>
    %dma_wait3A_2458 = tpu.memref_squeeze %dma_wait3A_2457 : memref<1x100000xf32, #tpu.memory_space<hbm>> -> memref<100000xf32, #tpu.memory_space<hbm>>
    %dma_wait3A_2459 = arith.constant 0 : i32
    %dma_wait3A_2460 = tpu.memref_slice %dma_wait3A_2458[%dma_wait3A_2459] : memref<100000xf32, #tpu.memory_space<hbm>> -> memref<100000xf32, #tpu.memory_space<hbm>>
    tpu.wait_indirect_dma semaphore(%arg8 : memref<!tpu.dma_semaphore, #tpu.memory_space<semaphore_mem>>) src(%dma_wait3A_2460 : memref<100000xf32, #tpu.memory_space<hbm>>) dst(%dma_wait3A_2453 : memref<128xf32, #tpu.memory_space<vmem>>)
    %dma_wait3A_2461 = arith.constant 4096 : i32
    %dma_wait3A_2462 = tpu.memref_slice %arg6[%dma_wait3A_2461] : memref<10240xf32, #tpu.memory_space<vmem>> -> memref<128xf32, #tpu.memory_space<vmem>>
    %dma_wait3A_2463 = arith.constant 4096 : i32
    %dma_wait3A_2464 = tpu.memref_slice %arg5[%dma_wait3A_2463] : memref<10240xi32, #tpu.memory_space<vmem>> -> memref<128xi32, #tpu.memory_space<vmem>>
    %dma_wait3A_2465 = arith.constant 0 : i32
    %dma_wait3A_2466 = tpu.memref_slice %arg3[%add3A_1452, %dma_wait3A_2465] : memref<64x100000xf32, #tpu.memory_space<hbm>> -> memref<1x100000xf32, #tpu.memory_space<hbm>>
    %dma_wait3A_2467 = tpu.memref_squeeze %dma_wait3A_2466 : memref<1x100000xf32, #tpu.memory_space<hbm>> -> memref<100000xf32, #tpu.memory_space<hbm>>
    %dma_wait3A_2468 = arith.constant 0 : i32
    %dma_wait3A_2469 = tpu.memref_slice %dma_wait3A_2467[%dma_wait3A_2468] : memref<100000xf32, #tpu.memory_space<hbm>> -> memref<100000xf32, #tpu.memory_space<hbm>>
    tpu.wait_indirect_dma semaphore(%arg8 : memref<!tpu.dma_semaphore, #tpu.memory_space<semaphore_mem>>) src(%dma_wait3A_2469 : memref<100000xf32, #tpu.memory_space<hbm>>) dst(%dma_wait3A_2462 : memref<128xf32, #tpu.memory_space<vmem>>)
    %dma_wait3A_2470 = arith.constant 4224 : i32
    %dma_wait3A_2471 = tpu.memref_slice %arg6[%dma_wait3A_2470] : memref<10240xf32, #tpu.memory_space<vmem>> -> memref<128xf32, #tpu.memory_space<vmem>>
    %dma_wait3A_2472 = arith.constant 4224 : i32
    %dma_wait3A_2473 = tpu.memref_slice %arg5[%dma_wait3A_2472] : memref<10240xi32, #tpu.memory_space<vmem>> -> memref<128xi32, #tpu.memory_space<vmem>>
    %dma_wait3A_2474 = arith.constant 0 : i32
    %dma_wait3A_2475 = tpu.memref_slice %arg3[%add3A_1452, %dma_wait3A_2474] : memref<64x100000xf32, #tpu.memory_space<hbm>> -> memref<1x100000xf32, #tpu.memory_space<hbm>>
    %dma_wait3A_2476 = tpu.memref_squeeze %dma_wait3A_2475 : memref<1x100000xf32, #tpu.memory_space<hbm>> -> memref<100000xf32, #tpu.memory_space<hbm>>
    %dma_wait3A_2477 = arith.constant 0 : i32
    %dma_wait3A_2478 = tpu.memref_slice %dma_wait3A_2476[%dma_wait3A_2477] : memref<100000xf32, #tpu.memory_space<hbm>> -> memref<100000xf32, #tpu.memory_space<hbm>>
    tpu.wait_indirect_dma semaphore(%arg8 : memref<!tpu.dma_semaphore, #tpu.memory_space<semaphore_mem>>) src(%dma_wait3A_2478 : memref<100000xf32, #tpu.memory_space<hbm>>) dst(%dma_wait3A_2471 : memref<128xf32, #tpu.memory_space<vmem>>)
    %dma_wait3A_2479 = arith.constant 4352 : i32
    %dma_wait3A_2480 = tpu.memref_slice %arg6[%dma_wait3A_2479] : memref<10240xf32, #tpu.memory_space<vmem>> -> memref<128xf32, #tpu.memory_space<vmem>>
    %dma_wait3A_2481 = arith.constant 4352 : i32
    %dma_wait3A_2482 = tpu.memref_slice %arg5[%dma_wait3A_2481] : memref<10240xi32, #tpu.memory_space<vmem>> -> memref<128xi32, #tpu.memory_space<vmem>>
    %dma_wait3A_2483 = arith.constant 0 : i32
    %dma_wait3A_2484 = tpu.memref_slice %arg3[%add3A_1452, %dma_wait3A_2483] : memref<64x100000xf32, #tpu.memory_space<hbm>> -> memref<1x100000xf32, #tpu.memory_space<hbm>>
    %dma_wait3A_2485 = tpu.memref_squeeze %dma_wait3A_2484 : memref<1x100000xf32, #tpu.memory_space<hbm>> -> memref<100000xf32, #tpu.memory_space<hbm>>
    %dma_wait3A_2486 = arith.constant 0 : i32
    %dma_wait3A_2487 = tpu.memref_slice %dma_wait3A_2485[%dma_wait3A_2486] : memref<100000xf32, #tpu.memory_space<hbm>> -> memref<100000xf32, #tpu.memory_space<hbm>>
    tpu.wait_indirect_dma semaphore(%arg8 : memref<!tpu.dma_semaphore, #tpu.memory_space<semaphore_mem>>) src(%dma_wait3A_2487 : memref<100000xf32, #tpu.memory_space<hbm>>) dst(%dma_wait3A_2480 : memref<128xf32, #tpu.memory_space<vmem>>)
    %dma_wait3A_2488 = arith.constant 4480 : i32
    %dma_wait3A_2489 = tpu.memref_slice %arg6[%dma_wait3A_2488] : memref<10240xf32, #tpu.memory_space<vmem>> -> memref<128xf32, #tpu.memory_space<vmem>>
    %dma_wait3A_2490 = arith.constant 4480 : i32
    %dma_wait3A_2491 = tpu.memref_slice %arg5[%dma_wait3A_2490] : memref<10240xi32, #tpu.memory_space<vmem>> -> memref<128xi32, #tpu.memory_space<vmem>>
    %dma_wait3A_2492 = arith.constant 0 : i32
    %dma_wait3A_2493 = tpu.memref_slice %arg3[%add3A_1452, %dma_wait3A_2492] : memref<64x100000xf32, #tpu.memory_space<hbm>> -> memref<1x100000xf32, #tpu.memory_space<hbm>>
    %dma_wait3A_2494 = tpu.memref_squeeze %dma_wait3A_2493 : memref<1x100000xf32, #tpu.memory_space<hbm>> -> memref<100000xf32, #tpu.memory_space<hbm>>
    %dma_wait3A_2495 = arith.constant 0 : i32
    %dma_wait3A_2496 = tpu.memref_slice %dma_wait3A_2494[%dma_wait3A_2495] : memref<100000xf32, #tpu.memory_space<hbm>> -> memref<100000xf32, #tpu.memory_space<hbm>>
    tpu.wait_indirect_dma semaphore(%arg8 : memref<!tpu.dma_semaphore, #tpu.memory_space<semaphore_mem>>) src(%dma_wait3A_2496 : memref<100000xf32, #tpu.memory_space<hbm>>) dst(%dma_wait3A_2489 : memref<128xf32, #tpu.memory_space<vmem>>)
    %dma_wait3A_2497 = arith.constant 4608 : i32
    %dma_wait3A_2498 = tpu.memref_slice %arg6[%dma_wait3A_2497] : memref<10240xf32, #tpu.memory_space<vmem>> -> memref<128xf32, #tpu.memory_space<vmem>>
    %dma_wait3A_2499 = arith.constant 4608 : i32
    %dma_wait3A_2500 = tpu.memref_slice %arg5[%dma_wait3A_2499] : memref<10240xi32, #tpu.memory_space<vmem>> -> memref<128xi32, #tpu.memory_space<vmem>>
    %dma_wait3A_2501 = arith.constant 0 : i32
    %dma_wait3A_2502 = tpu.memref_slice %arg3[%add3A_1452, %dma_wait3A_2501] : memref<64x100000xf32, #tpu.memory_space<hbm>> -> memref<1x100000xf32, #tpu.memory_space<hbm>>
    %dma_wait3A_2503 = tpu.memref_squeeze %dma_wait3A_2502 : memref<1x100000xf32, #tpu.memory_space<hbm>> -> memref<100000xf32, #tpu.memory_space<hbm>>
    %dma_wait3A_2504 = arith.constant 0 : i32
    %dma_wait3A_2505 = tpu.memref_slice %dma_wait3A_2503[%dma_wait3A_2504] : memref<100000xf32, #tpu.memory_space<hbm>> -> memref<100000xf32, #tpu.memory_space<hbm>>
    tpu.wait_indirect_dma semaphore(%arg8 : memref<!tpu.dma_semaphore, #tpu.memory_space<semaphore_mem>>) src(%dma_wait3A_2505 : memref<100000xf32, #tpu.memory_space<hbm>>) dst(%dma_wait3A_2498 : memref<128xf32, #tpu.memory_space<vmem>>)
    %dma_wait3A_2506 = arith.constant 4736 : i32
    %dma_wait3A_2507 = tpu.memref_slice %arg6[%dma_wait3A_2506] : memref<10240xf32, #tpu.memory_space<vmem>> -> memref<128xf32, #tpu.memory_space<vmem>>
    %dma_wait3A_2508 = arith.constant 4736 : i32
    %dma_wait3A_2509 = tpu.memref_slice %arg5[%dma_wait3A_2508] : memref<10240xi32, #tpu.memory_space<vmem>> -> memref<128xi32, #tpu.memory_space<vmem>>
    %dma_wait3A_2510 = arith.constant 0 : i32
    %dma_wait3A_2511 = tpu.memref_slice %arg3[%add3A_1452, %dma_wait3A_2510] : memref<64x100000xf32, #tpu.memory_space<hbm>> -> memref<1x100000xf32, #tpu.memory_space<hbm>>
    %dma_wait3A_2512 = tpu.memref_squeeze %dma_wait3A_2511 : memref<1x100000xf32, #tpu.memory_space<hbm>> -> memref<100000xf32, #tpu.memory_space<hbm>>
    %dma_wait3A_2513 = arith.constant 0 : i32
    %dma_wait3A_2514 = tpu.memref_slice %dma_wait3A_2512[%dma_wait3A_2513] : memref<100000xf32, #tpu.memory_space<hbm>> -> memref<100000xf32, #tpu.memory_space<hbm>>
    tpu.wait_indirect_dma semaphore(%arg8 : memref<!tpu.dma_semaphore, #tpu.memory_space<semaphore_mem>>) src(%dma_wait3A_2514 : memref<100000xf32, #tpu.memory_space<hbm>>) dst(%dma_wait3A_2507 : memref<128xf32, #tpu.memory_space<vmem>>)
    %dma_wait3A_2515 = arith.constant 4864 : i32
    %dma_wait3A_2516 = tpu.memref_slice %arg6[%dma_wait3A_2515] : memref<10240xf32, #tpu.memory_space<vmem>> -> memref<128xf32, #tpu.memory_space<vmem>>
    %dma_wait3A_2517 = arith.constant 4864 : i32
    %dma_wait3A_2518 = tpu.memref_slice %arg5[%dma_wait3A_2517] : memref<10240xi32, #tpu.memory_space<vmem>> -> memref<128xi32, #tpu.memory_space<vmem>>
    %dma_wait3A_2519 = arith.constant 0 : i32
    %dma_wait3A_2520 = tpu.memref_slice %arg3[%add3A_1452, %dma_wait3A_2519] : memref<64x100000xf32, #tpu.memory_space<hbm>> -> memref<1x100000xf32, #tpu.memory_space<hbm>>
    %dma_wait3A_2521 = tpu.memref_squeeze %dma_wait3A_2520 : memref<1x100000xf32, #tpu.memory_space<hbm>> -> memref<100000xf32, #tpu.memory_space<hbm>>
    %dma_wait3A_2522 = arith.constant 0 : i32
    %dma_wait3A_2523 = tpu.memref_slice %dma_wait3A_2521[%dma_wait3A_2522] : memref<100000xf32, #tpu.memory_space<hbm>> -> memref<100000xf32, #tpu.memory_space<hbm>>
    tpu.wait_indirect_dma semaphore(%arg8 : memref<!tpu.dma_semaphore, #tpu.memory_space<semaphore_mem>>) src(%dma_wait3A_2523 : memref<100000xf32, #tpu.memory_space<hbm>>) dst(%dma_wait3A_2516 : memref<128xf32, #tpu.memory_space<vmem>>)
    %dma_wait3A_2524 = arith.constant 4992 : i32
    %dma_wait3A_2525 = tpu.memref_slice %arg6[%dma_wait3A_2524] : memref<10240xf32, #tpu.memory_space<vmem>> -> memref<128xf32, #tpu.memory_space<vmem>>
    %dma_wait3A_2526 = arith.constant 4992 : i32
    %dma_wait3A_2527 = tpu.memref_slice %arg5[%dma_wait3A_2526] : memref<10240xi32, #tpu.memory_space<vmem>> -> memref<128xi32, #tpu.memory_space<vmem>>
    %dma_wait3A_2528 = arith.constant 0 : i32
    %dma_wait3A_2529 = tpu.memref_slice %arg3[%add3A_1452, %dma_wait3A_2528] : memref<64x100000xf32, #tpu.memory_space<hbm>> -> memref<1x100000xf32, #tpu.memory_space<hbm>>
    %dma_wait3A_2530 = tpu.memref_squeeze %dma_wait3A_2529 : memref<1x100000xf32, #tpu.memory_space<hbm>> -> memref<100000xf32, #tpu.memory_space<hbm>>
    %dma_wait3A_2531 = arith.constant 0 : i32
    %dma_wait3A_2532 = tpu.memref_slice %dma_wait3A_2530[%dma_wait3A_2531] : memref<100000xf32, #tpu.memory_space<hbm>> -> memref<100000xf32, #tpu.memory_space<hbm>>
    tpu.wait_indirect_dma semaphore(%arg8 : memref<!tpu.dma_semaphore, #tpu.memory_space<semaphore_mem>>) src(%dma_wait3A_2532 : memref<100000xf32, #tpu.memory_space<hbm>>) dst(%dma_wait3A_2525 : memref<128xf32, #tpu.memory_space<vmem>>)
    %dma_wait3A_2533 = arith.constant 5120 : i32
    %dma_wait3A_2534 = tpu.memref_slice %arg6[%dma_wait3A_2533] : memref<10240xf32, #tpu.memory_space<vmem>> -> memref<128xf32, #tpu.memory_space<vmem>>
    %dma_wait3A_2535 = arith.constant 5120 : i32
    %dma_wait3A_2536 = tpu.memref_slice %arg5[%dma_wait3A_2535] : memref<10240xi32, #tpu.memory_space<vmem>> -> memref<128xi32, #tpu.memory_space<vmem>>
    %dma_wait3A_2537 = arith.constant 0 : i32
    %dma_wait3A_2538 = tpu.memref_slice %arg3[%add3A_1452, %dma_wait3A_2537] : memref<64x100000xf32, #tpu.memory_space<hbm>> -> memref<1x100000xf32, #tpu.memory_space<hbm>>
    %dma_wait3A_2539 = tpu.memref_squeeze %dma_wait3A_2538 : memref<1x100000xf32, #tpu.memory_space<hbm>> -> memref<100000xf32, #tpu.memory_space<hbm>>
    %dma_wait3A_2540 = arith.constant 0 : i32
    %dma_wait3A_2541 = tpu.memref_slice %dma_wait3A_2539[%dma_wait3A_2540] : memref<100000xf32, #tpu.memory_space<hbm>> -> memref<100000xf32, #tpu.memory_space<hbm>>
    tpu.wait_indirect_dma semaphore(%arg8 : memref<!tpu.dma_semaphore, #tpu.memory_space<semaphore_mem>>) src(%dma_wait3A_2541 : memref<100000xf32, #tpu.memory_space<hbm>>) dst(%dma_wait3A_2534 : memref<128xf32, #tpu.memory_space<vmem>>)
    %dma_wait3A_2542 = arith.constant 5248 : i32
    %dma_wait3A_2543 = tpu.memref_slice %arg6[%dma_wait3A_2542] : memref<10240xf32, #tpu.memory_space<vmem>> -> memref<128xf32, #tpu.memory_space<vmem>>
    %dma_wait3A_2544 = arith.constant 5248 : i32
    %dma_wait3A_2545 = tpu.memref_slice %arg5[%dma_wait3A_2544] : memref<10240xi32, #tpu.memory_space<vmem>> -> memref<128xi32, #tpu.memory_space<vmem>>
    %dma_wait3A_2546 = arith.constant 0 : i32
    %dma_wait3A_2547 = tpu.memref_slice %arg3[%add3A_1452, %dma_wait3A_2546] : memref<64x100000xf32, #tpu.memory_space<hbm>> -> memref<1x100000xf32, #tpu.memory_space<hbm>>
    %dma_wait3A_2548 = tpu.memref_squeeze %dma_wait3A_2547 : memref<1x100000xf32, #tpu.memory_space<hbm>> -> memref<100000xf32, #tpu.memory_space<hbm>>
    %dma_wait3A_2549 = arith.constant 0 : i32
    %dma_wait3A_2550 = tpu.memref_slice %dma_wait3A_2548[%dma_wait3A_2549] : memref<100000xf32, #tpu.memory_space<hbm>> -> memref<100000xf32, #tpu.memory_space<hbm>>
    tpu.wait_indirect_dma semaphore(%arg8 : memref<!tpu.dma_semaphore, #tpu.memory_space<semaphore_mem>>) src(%dma_wait3A_2550 : memref<100000xf32, #tpu.memory_space<hbm>>) dst(%dma_wait3A_2543 : memref<128xf32, #tpu.memory_space<vmem>>)
    %dma_wait3A_2551 = arith.constant 5376 : i32
    %dma_wait3A_2552 = tpu.memref_slice %arg6[%dma_wait3A_2551] : memref<10240xf32, #tpu.memory_space<vmem>> -> memref<128xf32, #tpu.memory_space<vmem>>
    %dma_wait3A_2553 = arith.constant 5376 : i32
    %dma_wait3A_2554 = tpu.memref_slice %arg5[%dma_wait3A_2553] : memref<10240xi32, #tpu.memory_space<vmem>> -> memref<128xi32, #tpu.memory_space<vmem>>
    %dma_wait3A_2555 = arith.constant 0 : i32
    %dma_wait3A_2556 = tpu.memref_slice %arg3[%add3A_1452, %dma_wait3A_2555] : memref<64x100000xf32, #tpu.memory_space<hbm>> -> memref<1x100000xf32, #tpu.memory_space<hbm>>
    %dma_wait3A_2557 = tpu.memref_squeeze %dma_wait3A_2556 : memref<1x100000xf32, #tpu.memory_space<hbm>> -> memref<100000xf32, #tpu.memory_space<hbm>>
    %dma_wait3A_2558 = arith.constant 0 : i32
    %dma_wait3A_2559 = tpu.memref_slice %dma_wait3A_2557[%dma_wait3A_2558] : memref<100000xf32, #tpu.memory_space<hbm>> -> memref<100000xf32, #tpu.memory_space<hbm>>
    tpu.wait_indirect_dma semaphore(%arg8 : memref<!tpu.dma_semaphore, #tpu.memory_space<semaphore_mem>>) src(%dma_wait3A_2559 : memref<100000xf32, #tpu.memory_space<hbm>>) dst(%dma_wait3A_2552 : memref<128xf32, #tpu.memory_space<vmem>>)
    %dma_wait3A_2560 = arith.constant 5504 : i32
    %dma_wait3A_2561 = tpu.memref_slice %arg6[%dma_wait3A_2560] : memref<10240xf32, #tpu.memory_space<vmem>> -> memref<128xf32, #tpu.memory_space<vmem>>
    %dma_wait3A_2562 = arith.constant 5504 : i32
    %dma_wait3A_2563 = tpu.memref_slice %arg5[%dma_wait3A_2562] : memref<10240xi32, #tpu.memory_space<vmem>> -> memref<128xi32, #tpu.memory_space<vmem>>
    %dma_wait3A_2564 = arith.constant 0 : i32
    %dma_wait3A_2565 = tpu.memref_slice %arg3[%add3A_1452, %dma_wait3A_2564] : memref<64x100000xf32, #tpu.memory_space<hbm>> -> memref<1x100000xf32, #tpu.memory_space<hbm>>
    %dma_wait3A_2566 = tpu.memref_squeeze %dma_wait3A_2565 : memref<1x100000xf32, #tpu.memory_space<hbm>> -> memref<100000xf32, #tpu.memory_space<hbm>>
    %dma_wait3A_2567 = arith.constant 0 : i32
    %dma_wait3A_2568 = tpu.memref_slice %dma_wait3A_2566[%dma_wait3A_2567] : memref<100000xf32, #tpu.memory_space<hbm>> -> memref<100000xf32, #tpu.memory_space<hbm>>
    tpu.wait_indirect_dma semaphore(%arg8 : memref<!tpu.dma_semaphore, #tpu.memory_space<semaphore_mem>>) src(%dma_wait3A_2568 : memref<100000xf32, #tpu.memory_space<hbm>>) dst(%dma_wait3A_2561 : memref<128xf32, #tpu.memory_space<vmem>>)
    %dma_wait3A_2569 = arith.constant 5632 : i32
    %dma_wait3A_2570 = tpu.memref_slice %arg6[%dma_wait3A_2569] : memref<10240xf32, #tpu.memory_space<vmem>> -> memref<128xf32, #tpu.memory_space<vmem>>
    %dma_wait3A_2571 = arith.constant 5632 : i32
    %dma_wait3A_2572 = tpu.memref_slice %arg5[%dma_wait3A_2571] : memref<10240xi32, #tpu.memory_space<vmem>> -> memref<128xi32, #tpu.memory_space<vmem>>
    %dma_wait3A_2573 = arith.constant 0 : i32
    %dma_wait3A_2574 = tpu.memref_slice %arg3[%add3A_1452, %dma_wait3A_2573] : memref<64x100000xf32, #tpu.memory_space<hbm>> -> memref<1x100000xf32, #tpu.memory_space<hbm>>
    %dma_wait3A_2575 = tpu.memref_squeeze %dma_wait3A_2574 : memref<1x100000xf32, #tpu.memory_space<hbm>> -> memref<100000xf32, #tpu.memory_space<hbm>>
    %dma_wait3A_2576 = arith.constant 0 : i32
    %dma_wait3A_2577 = tpu.memref_slice %dma_wait3A_2575[%dma_wait3A_2576] : memref<100000xf32, #tpu.memory_space<hbm>> -> memref<100000xf32, #tpu.memory_space<hbm>>
    tpu.wait_indirect_dma semaphore(%arg8 : memref<!tpu.dma_semaphore, #tpu.memory_space<semaphore_mem>>) src(%dma_wait3A_2577 : memref<100000xf32, #tpu.memory_space<hbm>>) dst(%dma_wait3A_2570 : memref<128xf32, #tpu.memory_space<vmem>>)
    %dma_wait3A_2578 = arith.constant 5760 : i32
    %dma_wait3A_2579 = tpu.memref_slice %arg6[%dma_wait3A_2578] : memref<10240xf32, #tpu.memory_space<vmem>> -> memref<128xf32, #tpu.memory_space<vmem>>
    %dma_wait3A_2580 = arith.constant 5760 : i32
    %dma_wait3A_2581 = tpu.memref_slice %arg5[%dma_wait3A_2580] : memref<10240xi32, #tpu.memory_space<vmem>> -> memref<128xi32, #tpu.memory_space<vmem>>
    %dma_wait3A_2582 = arith.constant 0 : i32
    %dma_wait3A_2583 = tpu.memref_slice %arg3[%add3A_1452, %dma_wait3A_2582] : memref<64x100000xf32, #tpu.memory_space<hbm>> -> memref<1x100000xf32, #tpu.memory_space<hbm>>
    %dma_wait3A_2584 = tpu.memref_squeeze %dma_wait3A_2583 : memref<1x100000xf32, #tpu.memory_space<hbm>> -> memref<100000xf32, #tpu.memory_space<hbm>>
    %dma_wait3A_2585 = arith.constant 0 : i32
    %dma_wait3A_2586 = tpu.memref_slice %dma_wait3A_2584[%dma_wait3A_2585] : memref<100000xf32, #tpu.memory_space<hbm>> -> memref<100000xf32, #tpu.memory_space<hbm>>
    tpu.wait_indirect_dma semaphore(%arg8 : memref<!tpu.dma_semaphore, #tpu.memory_space<semaphore_mem>>) src(%dma_wait3A_2586 : memref<100000xf32, #tpu.memory_space<hbm>>) dst(%dma_wait3A_2579 : memref<128xf32, #tpu.memory_space<vmem>>)
    %dma_wait3A_2587 = arith.constant 5888 : i32
    %dma_wait3A_2588 = tpu.memref_slice %arg6[%dma_wait3A_2587] : memref<10240xf32, #tpu.memory_space<vmem>> -> memref<128xf32, #tpu.memory_space<vmem>>
    %dma_wait3A_2589 = arith.constant 5888 : i32
    %dma_wait3A_2590 = tpu.memref_slice %arg5[%dma_wait3A_2589] : memref<10240xi32, #tpu.memory_space<vmem>> -> memref<128xi32, #tpu.memory_space<vmem>>
    %dma_wait3A_2591 = arith.constant 0 : i32
    %dma_wait3A_2592 = tpu.memref_slice %arg3[%add3A_1452, %dma_wait3A_2591] : memref<64x100000xf32, #tpu.memory_space<hbm>> -> memref<1x100000xf32, #tpu.memory_space<hbm>>
    %dma_wait3A_2593 = tpu.memref_squeeze %dma_wait3A_2592 : memref<1x100000xf32, #tpu.memory_space<hbm>> -> memref<100000xf32, #tpu.memory_space<hbm>>
    %dma_wait3A_2594 = arith.constant 0 : i32
    %dma_wait3A_2595 = tpu.memref_slice %dma_wait3A_2593[%dma_wait3A_2594] : memref<100000xf32, #tpu.memory_space<hbm>> -> memref<100000xf32, #tpu.memory_space<hbm>>
    tpu.wait_indirect_dma semaphore(%arg8 : memref<!tpu.dma_semaphore, #tpu.memory_space<semaphore_mem>>) src(%dma_wait3A_2595 : memref<100000xf32, #tpu.memory_space<hbm>>) dst(%dma_wait3A_2588 : memref<128xf32, #tpu.memory_space<vmem>>)
    %dma_wait3A_2596 = arith.constant 6016 : i32
    %dma_wait3A_2597 = tpu.memref_slice %arg6[%dma_wait3A_2596] : memref<10240xf32, #tpu.memory_space<vmem>> -> memref<128xf32, #tpu.memory_space<vmem>>
    %dma_wait3A_2598 = arith.constant 6016 : i32
    %dma_wait3A_2599 = tpu.memref_slice %arg5[%dma_wait3A_2598] : memref<10240xi32, #tpu.memory_space<vmem>> -> memref<128xi32, #tpu.memory_space<vmem>>
    %dma_wait3A_2600 = arith.constant 0 : i32
    %dma_wait3A_2601 = tpu.memref_slice %arg3[%add3A_1452, %dma_wait3A_2600] : memref<64x100000xf32, #tpu.memory_space<hbm>> -> memref<1x100000xf32, #tpu.memory_space<hbm>>
    %dma_wait3A_2602 = tpu.memref_squeeze %dma_wait3A_2601 : memref<1x100000xf32, #tpu.memory_space<hbm>> -> memref<100000xf32, #tpu.memory_space<hbm>>
    %dma_wait3A_2603 = arith.constant 0 : i32
    %dma_wait3A_2604 = tpu.memref_slice %dma_wait3A_2602[%dma_wait3A_2603] : memref<100000xf32, #tpu.memory_space<hbm>> -> memref<100000xf32, #tpu.memory_space<hbm>>
    tpu.wait_indirect_dma semaphore(%arg8 : memref<!tpu.dma_semaphore, #tpu.memory_space<semaphore_mem>>) src(%dma_wait3A_2604 : memref<100000xf32, #tpu.memory_space<hbm>>) dst(%dma_wait3A_2597 : memref<128xf32, #tpu.memory_space<vmem>>)
    %dma_wait3A_2605 = arith.constant 6144 : i32
    %dma_wait3A_2606 = tpu.memref_slice %arg6[%dma_wait3A_2605] : memref<10240xf32, #tpu.memory_space<vmem>> -> memref<128xf32, #tpu.memory_space<vmem>>
    %dma_wait3A_2607 = arith.constant 6144 : i32
    %dma_wait3A_2608 = tpu.memref_slice %arg5[%dma_wait3A_2607] : memref<10240xi32, #tpu.memory_space<vmem>> -> memref<128xi32, #tpu.memory_space<vmem>>
    %dma_wait3A_2609 = arith.constant 0 : i32
    %dma_wait3A_2610 = tpu.memref_slice %arg3[%add3A_1452, %dma_wait3A_2609] : memref<64x100000xf32, #tpu.memory_space<hbm>> -> memref<1x100000xf32, #tpu.memory_space<hbm>>
    %dma_wait3A_2611 = tpu.memref_squeeze %dma_wait3A_2610 : memref<1x100000xf32, #tpu.memory_space<hbm>> -> memref<100000xf32, #tpu.memory_space<hbm>>
    %dma_wait3A_2612 = arith.constant 0 : i32
    %dma_wait3A_2613 = tpu.memref_slice %dma_wait3A_2611[%dma_wait3A_2612] : memref<100000xf32, #tpu.memory_space<hbm>> -> memref<100000xf32, #tpu.memory_space<hbm>>
    tpu.wait_indirect_dma semaphore(%arg8 : memref<!tpu.dma_semaphore, #tpu.memory_space<semaphore_mem>>) src(%dma_wait3A_2613 : memref<100000xf32, #tpu.memory_space<hbm>>) dst(%dma_wait3A_2606 : memref<128xf32, #tpu.memory_space<vmem>>)
    %dma_wait3A_2614 = arith.constant 6272 : i32
    %dma_wait3A_2615 = tpu.memref_slice %arg6[%dma_wait3A_2614] : memref<10240xf32, #tpu.memory_space<vmem>> -> memref<128xf32, #tpu.memory_space<vmem>>
    %dma_wait3A_2616 = arith.constant 6272 : i32
    %dma_wait3A_2617 = tpu.memref_slice %arg5[%dma_wait3A_2616] : memref<10240xi32, #tpu.memory_space<vmem>> -> memref<128xi32, #tpu.memory_space<vmem>>
    %dma_wait3A_2618 = arith.constant 0 : i32
    %dma_wait3A_2619 = tpu.memref_slice %arg3[%add3A_1452, %dma_wait3A_2618] : memref<64x100000xf32, #tpu.memory_space<hbm>> -> memref<1x100000xf32, #tpu.memory_space<hbm>>
    %dma_wait3A_2620 = tpu.memref_squeeze %dma_wait3A_2619 : memref<1x100000xf32, #tpu.memory_space<hbm>> -> memref<100000xf32, #tpu.memory_space<hbm>>
    %dma_wait3A_2621 = arith.constant 0 : i32
    %dma_wait3A_2622 = tpu.memref_slice %dma_wait3A_2620[%dma_wait3A_2621] : memref<100000xf32, #tpu.memory_space<hbm>> -> memref<100000xf32, #tpu.memory_space<hbm>>
    tpu.wait_indirect_dma semaphore(%arg8 : memref<!tpu.dma_semaphore, #tpu.memory_space<semaphore_mem>>) src(%dma_wait3A_2622 : memref<100000xf32, #tpu.memory_space<hbm>>) dst(%dma_wait3A_2615 : memref<128xf32, #tpu.memory_space<vmem>>)
    %dma_wait3A_2623 = arith.constant 6400 : i32
    %dma_wait3A_2624 = tpu.memref_slice %arg6[%dma_wait3A_2623] : memref<10240xf32, #tpu.memory_space<vmem>> -> memref<128xf32, #tpu.memory_space<vmem>>
    %dma_wait3A_2625 = arith.constant 6400 : i32
    %dma_wait3A_2626 = tpu.memref_slice %arg5[%dma_wait3A_2625] : memref<10240xi32, #tpu.memory_space<vmem>> -> memref<128xi32, #tpu.memory_space<vmem>>
    %dma_wait3A_2627 = arith.constant 0 : i32
    %dma_wait3A_2628 = tpu.memref_slice %arg3[%add3A_1452, %dma_wait3A_2627] : memref<64x100000xf32, #tpu.memory_space<hbm>> -> memref<1x100000xf32, #tpu.memory_space<hbm>>
    %dma_wait3A_2629 = tpu.memref_squeeze %dma_wait3A_2628 : memref<1x100000xf32, #tpu.memory_space<hbm>> -> memref<100000xf32, #tpu.memory_space<hbm>>
    %dma_wait3A_2630 = arith.constant 0 : i32
    %dma_wait3A_2631 = tpu.memref_slice %dma_wait3A_2629[%dma_wait3A_2630] : memref<100000xf32, #tpu.memory_space<hbm>> -> memref<100000xf32, #tpu.memory_space<hbm>>
    tpu.wait_indirect_dma semaphore(%arg8 : memref<!tpu.dma_semaphore, #tpu.memory_space<semaphore_mem>>) src(%dma_wait3A_2631 : memref<100000xf32, #tpu.memory_space<hbm>>) dst(%dma_wait3A_2624 : memref<128xf32, #tpu.memory_space<vmem>>)
    %dma_wait3A_2632 = arith.constant 6528 : i32
    %dma_wait3A_2633 = tpu.memref_slice %arg6[%dma_wait3A_2632] : memref<10240xf32, #tpu.memory_space<vmem>> -> memref<128xf32, #tpu.memory_space<vmem>>
    %dma_wait3A_2634 = arith.constant 6528 : i32
    %dma_wait3A_2635 = tpu.memref_slice %arg5[%dma_wait3A_2634] : memref<10240xi32, #tpu.memory_space<vmem>> -> memref<128xi32, #tpu.memory_space<vmem>>
    %dma_wait3A_2636 = arith.constant 0 : i32
    %dma_wait3A_2637 = tpu.memref_slice %arg3[%add3A_1452, %dma_wait3A_2636] : memref<64x100000xf32, #tpu.memory_space<hbm>> -> memref<1x100000xf32, #tpu.memory_space<hbm>>
    %dma_wait3A_2638 = tpu.memref_squeeze %dma_wait3A_2637 : memref<1x100000xf32, #tpu.memory_space<hbm>> -> memref<100000xf32, #tpu.memory_space<hbm>>
    %dma_wait3A_2639 = arith.constant 0 : i32
    %dma_wait3A_2640 = tpu.memref_slice %dma_wait3A_2638[%dma_wait3A_2639] : memref<100000xf32, #tpu.memory_space<hbm>> -> memref<100000xf32, #tpu.memory_space<hbm>>
    tpu.wait_indirect_dma semaphore(%arg8 : memref<!tpu.dma_semaphore, #tpu.memory_space<semaphore_mem>>) src(%dma_wait3A_2640 : memref<100000xf32, #tpu.memory_space<hbm>>) dst(%dma_wait3A_2633 : memref<128xf32, #tpu.memory_space<vmem>>)
    %dma_wait3A_2641 = arith.constant 6656 : i32
    %dma_wait3A_2642 = tpu.memref_slice %arg6[%dma_wait3A_2641] : memref<10240xf32, #tpu.memory_space<vmem>> -> memref<128xf32, #tpu.memory_space<vmem>>
    %dma_wait3A_2643 = arith.constant 6656 : i32
    %dma_wait3A_2644 = tpu.memref_slice %arg5[%dma_wait3A_2643] : memref<10240xi32, #tpu.memory_space<vmem>> -> memref<128xi32, #tpu.memory_space<vmem>>
    %dma_wait3A_2645 = arith.constant 0 : i32
    %dma_wait3A_2646 = tpu.memref_slice %arg3[%add3A_1452, %dma_wait3A_2645] : memref<64x100000xf32, #tpu.memory_space<hbm>> -> memref<1x100000xf32, #tpu.memory_space<hbm>>
    %dma_wait3A_2647 = tpu.memref_squeeze %dma_wait3A_2646 : memref<1x100000xf32, #tpu.memory_space<hbm>> -> memref<100000xf32, #tpu.memory_space<hbm>>
    %dma_wait3A_2648 = arith.constant 0 : i32
    %dma_wait3A_2649 = tpu.memref_slice %dma_wait3A_2647[%dma_wait3A_2648] : memref<100000xf32, #tpu.memory_space<hbm>> -> memref<100000xf32, #tpu.memory_space<hbm>>
    tpu.wait_indirect_dma semaphore(%arg8 : memref<!tpu.dma_semaphore, #tpu.memory_space<semaphore_mem>>) src(%dma_wait3A_2649 : memref<100000xf32, #tpu.memory_space<hbm>>) dst(%dma_wait3A_2642 : memref<128xf32, #tpu.memory_space<vmem>>)
    %dma_wait3A_2650 = arith.constant 6784 : i32
    %dma_wait3A_2651 = tpu.memref_slice %arg6[%dma_wait3A_2650] : memref<10240xf32, #tpu.memory_space<vmem>> -> memref<128xf32, #tpu.memory_space<vmem>>
    %dma_wait3A_2652 = arith.constant 6784 : i32
    %dma_wait3A_2653 = tpu.memref_slice %arg5[%dma_wait3A_2652] : memref<10240xi32, #tpu.memory_space<vmem>> -> memref<128xi32, #tpu.memory_space<vmem>>
    %dma_wait3A_2654 = arith.constant 0 : i32
    %dma_wait3A_2655 = tpu.memref_slice %arg3[%add3A_1452, %dma_wait3A_2654] : memref<64x100000xf32, #tpu.memory_space<hbm>> -> memref<1x100000xf32, #tpu.memory_space<hbm>>
    %dma_wait3A_2656 = tpu.memref_squeeze %dma_wait3A_2655 : memref<1x100000xf32, #tpu.memory_space<hbm>> -> memref<100000xf32, #tpu.memory_space<hbm>>
    %dma_wait3A_2657 = arith.constant 0 : i32
    %dma_wait3A_2658 = tpu.memref_slice %dma_wait3A_2656[%dma_wait3A_2657] : memref<100000xf32, #tpu.memory_space<hbm>> -> memref<100000xf32, #tpu.memory_space<hbm>>
    tpu.wait_indirect_dma semaphore(%arg8 : memref<!tpu.dma_semaphore, #tpu.memory_space<semaphore_mem>>) src(%dma_wait3A_2658 : memref<100000xf32, #tpu.memory_space<hbm>>) dst(%dma_wait3A_2651 : memref<128xf32, #tpu.memory_space<vmem>>)
    %dma_wait3A_2659 = arith.constant 6912 : i32
    %dma_wait3A_2660 = tpu.memref_slice %arg6[%dma_wait3A_2659] : memref<10240xf32, #tpu.memory_space<vmem>> -> memref<128xf32, #tpu.memory_space<vmem>>
    %dma_wait3A_2661 = arith.constant 6912 : i32
    %dma_wait3A_2662 = tpu.memref_slice %arg5[%dma_wait3A_2661] : memref<10240xi32, #tpu.memory_space<vmem>> -> memref<128xi32, #tpu.memory_space<vmem>>
    %dma_wait3A_2663 = arith.constant 0 : i32
    %dma_wait3A_2664 = tpu.memref_slice %arg3[%add3A_1452, %dma_wait3A_2663] : memref<64x100000xf32, #tpu.memory_space<hbm>> -> memref<1x100000xf32, #tpu.memory_space<hbm>>
    %dma_wait3A_2665 = tpu.memref_squeeze %dma_wait3A_2664 : memref<1x100000xf32, #tpu.memory_space<hbm>> -> memref<100000xf32, #tpu.memory_space<hbm>>
    %dma_wait3A_2666 = arith.constant 0 : i32
    %dma_wait3A_2667 = tpu.memref_slice %dma_wait3A_2665[%dma_wait3A_2666] : memref<100000xf32, #tpu.memory_space<hbm>> -> memref<100000xf32, #tpu.memory_space<hbm>>
    tpu.wait_indirect_dma semaphore(%arg8 : memref<!tpu.dma_semaphore, #tpu.memory_space<semaphore_mem>>) src(%dma_wait3A_2667 : memref<100000xf32, #tpu.memory_space<hbm>>) dst(%dma_wait3A_2660 : memref<128xf32, #tpu.memory_space<vmem>>)
    %dma_wait3A_2668 = arith.constant 7040 : i32
    %dma_wait3A_2669 = tpu.memref_slice %arg6[%dma_wait3A_2668] : memref<10240xf32, #tpu.memory_space<vmem>> -> memref<128xf32, #tpu.memory_space<vmem>>
    %dma_wait3A_2670 = arith.constant 7040 : i32
    %dma_wait3A_2671 = tpu.memref_slice %arg5[%dma_wait3A_2670] : memref<10240xi32, #tpu.memory_space<vmem>> -> memref<128xi32, #tpu.memory_space<vmem>>
    %dma_wait3A_2672 = arith.constant 0 : i32
    %dma_wait3A_2673 = tpu.memref_slice %arg3[%add3A_1452, %dma_wait3A_2672] : memref<64x100000xf32, #tpu.memory_space<hbm>> -> memref<1x100000xf32, #tpu.memory_space<hbm>>
    %dma_wait3A_2674 = tpu.memref_squeeze %dma_wait3A_2673 : memref<1x100000xf32, #tpu.memory_space<hbm>> -> memref<100000xf32, #tpu.memory_space<hbm>>
    %dma_wait3A_2675 = arith.constant 0 : i32
    %dma_wait3A_2676 = tpu.memref_slice %dma_wait3A_2674[%dma_wait3A_2675] : memref<100000xf32, #tpu.memory_space<hbm>> -> memref<100000xf32, #tpu.memory_space<hbm>>
    tpu.wait_indirect_dma semaphore(%arg8 : memref<!tpu.dma_semaphore, #tpu.memory_space<semaphore_mem>>) src(%dma_wait3A_2676 : memref<100000xf32, #tpu.memory_space<hbm>>) dst(%dma_wait3A_2669 : memref<128xf32, #tpu.memory_space<vmem>>)
    %dma_wait3A_2677 = arith.constant 7168 : i32
    %dma_wait3A_2678 = tpu.memref_slice %arg6[%dma_wait3A_2677] : memref<10240xf32, #tpu.memory_space<vmem>> -> memref<128xf32, #tpu.memory_space<vmem>>
    %dma_wait3A_2679 = arith.constant 7168 : i32
    %dma_wait3A_2680 = tpu.memref_slice %arg5[%dma_wait3A_2679] : memref<10240xi32, #tpu.memory_space<vmem>> -> memref<128xi32, #tpu.memory_space<vmem>>
    %dma_wait3A_2681 = arith.constant 0 : i32
    %dma_wait3A_2682 = tpu.memref_slice %arg3[%add3A_1452, %dma_wait3A_2681] : memref<64x100000xf32, #tpu.memory_space<hbm>> -> memref<1x100000xf32, #tpu.memory_space<hbm>>
    %dma_wait3A_2683 = tpu.memref_squeeze %dma_wait3A_2682 : memref<1x100000xf32, #tpu.memory_space<hbm>> -> memref<100000xf32, #tpu.memory_space<hbm>>
    %dma_wait3A_2684 = arith.constant 0 : i32
    %dma_wait3A_2685 = tpu.memref_slice %dma_wait3A_2683[%dma_wait3A_2684] : memref<100000xf32, #tpu.memory_space<hbm>> -> memref<100000xf32, #tpu.memory_space<hbm>>
    tpu.wait_indirect_dma semaphore(%arg8 : memref<!tpu.dma_semaphore, #tpu.memory_space<semaphore_mem>>) src(%dma_wait3A_2685 : memref<100000xf32, #tpu.memory_space<hbm>>) dst(%dma_wait3A_2678 : memref<128xf32, #tpu.memory_space<vmem>>)
    %dma_wait3A_2686 = arith.constant 7296 : i32
    %dma_wait3A_2687 = tpu.memref_slice %arg6[%dma_wait3A_2686] : memref<10240xf32, #tpu.memory_space<vmem>> -> memref<128xf32, #tpu.memory_space<vmem>>
    %dma_wait3A_2688 = arith.constant 7296 : i32
    %dma_wait3A_2689 = tpu.memref_slice %arg5[%dma_wait3A_2688] : memref<10240xi32, #tpu.memory_space<vmem>> -> memref<128xi32, #tpu.memory_space<vmem>>
    %dma_wait3A_2690 = arith.constant 0 : i32
    %dma_wait3A_2691 = tpu.memref_slice %arg3[%add3A_1452, %dma_wait3A_2690] : memref<64x100000xf32, #tpu.memory_space<hbm>> -> memref<1x100000xf32, #tpu.memory_space<hbm>>
    %dma_wait3A_2692 = tpu.memref_squeeze %dma_wait3A_2691 : memref<1x100000xf32, #tpu.memory_space<hbm>> -> memref<100000xf32, #tpu.memory_space<hbm>>
    %dma_wait3A_2693 = arith.constant 0 : i32
    %dma_wait3A_2694 = tpu.memref_slice %dma_wait3A_2692[%dma_wait3A_2693] : memref<100000xf32, #tpu.memory_space<hbm>> -> memref<100000xf32, #tpu.memory_space<hbm>>
    tpu.wait_indirect_dma semaphore(%arg8 : memref<!tpu.dma_semaphore, #tpu.memory_space<semaphore_mem>>) src(%dma_wait3A_2694 : memref<100000xf32, #tpu.memory_space<hbm>>) dst(%dma_wait3A_2687 : memref<128xf32, #tpu.memory_space<vmem>>)
    %dma_wait3A_2695 = arith.constant 7424 : i32
    %dma_wait3A_2696 = tpu.memref_slice %arg6[%dma_wait3A_2695] : memref<10240xf32, #tpu.memory_space<vmem>> -> memref<128xf32, #tpu.memory_space<vmem>>
    %dma_wait3A_2697 = arith.constant 7424 : i32
    %dma_wait3A_2698 = tpu.memref_slice %arg5[%dma_wait3A_2697] : memref<10240xi32, #tpu.memory_space<vmem>> -> memref<128xi32, #tpu.memory_space<vmem>>
    %dma_wait3A_2699 = arith.constant 0 : i32
    %dma_wait3A_2700 = tpu.memref_slice %arg3[%add3A_1452, %dma_wait3A_2699] : memref<64x100000xf32, #tpu.memory_space<hbm>> -> memref<1x100000xf32, #tpu.memory_space<hbm>>
    %dma_wait3A_2701 = tpu.memref_squeeze %dma_wait3A_2700 : memref<1x100000xf32, #tpu.memory_space<hbm>> -> memref<100000xf32, #tpu.memory_space<hbm>>
    %dma_wait3A_2702 = arith.constant 0 : i32
    %dma_wait3A_2703 = tpu.memref_slice %dma_wait3A_2701[%dma_wait3A_2702] : memref<100000xf32, #tpu.memory_space<hbm>> -> memref<100000xf32, #tpu.memory_space<hbm>>
    tpu.wait_indirect_dma semaphore(%arg8 : memref<!tpu.dma_semaphore, #tpu.memory_space<semaphore_mem>>) src(%dma_wait3A_2703 : memref<100000xf32, #tpu.memory_space<hbm>>) dst(%dma_wait3A_2696 : memref<128xf32, #tpu.memory_space<vmem>>)
    %dma_wait3A_2704 = arith.constant 7552 : i32
    %dma_wait3A_2705 = tpu.memref_slice %arg6[%dma_wait3A_2704] : memref<10240xf32, #tpu.memory_space<vmem>> -> memref<128xf32, #tpu.memory_space<vmem>>
    %dma_wait3A_2706 = arith.constant 7552 : i32
    %dma_wait3A_2707 = tpu.memref_slice %arg5[%dma_wait3A_2706] : memref<10240xi32, #tpu.memory_space<vmem>> -> memref<128xi32, #tpu.memory_space<vmem>>
    %dma_wait3A_2708 = arith.constant 0 : i32
    %dma_wait3A_2709 = tpu.memref_slice %arg3[%add3A_1452, %dma_wait3A_2708] : memref<64x100000xf32, #tpu.memory_space<hbm>> -> memref<1x100000xf32, #tpu.memory_space<hbm>>
    %dma_wait3A_2710 = tpu.memref_squeeze %dma_wait3A_2709 : memref<1x100000xf32, #tpu.memory_space<hbm>> -> memref<100000xf32, #tpu.memory_space<hbm>>
    %dma_wait3A_2711 = arith.constant 0 : i32
    %dma_wait3A_2712 = tpu.memref_slice %dma_wait3A_2710[%dma_wait3A_2711] : memref<100000xf32, #tpu.memory_space<hbm>> -> memref<100000xf32, #tpu.memory_space<hbm>>
    tpu.wait_indirect_dma semaphore(%arg8 : memref<!tpu.dma_semaphore, #tpu.memory_space<semaphore_mem>>) src(%dma_wait3A_2712 : memref<100000xf32, #tpu.memory_space<hbm>>) dst(%dma_wait3A_2705 : memref<128xf32, #tpu.memory_space<vmem>>)
    %dma_wait3A_2713 = arith.constant 7680 : i32
    %dma_wait3A_2714 = tpu.memref_slice %arg6[%dma_wait3A_2713] : memref<10240xf32, #tpu.memory_space<vmem>> -> memref<128xf32, #tpu.memory_space<vmem>>
    %dma_wait3A_2715 = arith.constant 7680 : i32
    %dma_wait3A_2716 = tpu.memref_slice %arg5[%dma_wait3A_2715] : memref<10240xi32, #tpu.memory_space<vmem>> -> memref<128xi32, #tpu.memory_space<vmem>>
    %dma_wait3A_2717 = arith.constant 0 : i32
    %dma_wait3A_2718 = tpu.memref_slice %arg3[%add3A_1452, %dma_wait3A_2717] : memref<64x100000xf32, #tpu.memory_space<hbm>> -> memref<1x100000xf32, #tpu.memory_space<hbm>>
    %dma_wait3A_2719 = tpu.memref_squeeze %dma_wait3A_2718 : memref<1x100000xf32, #tpu.memory_space<hbm>> -> memref<100000xf32, #tpu.memory_space<hbm>>
    %dma_wait3A_2720 = arith.constant 0 : i32
    %dma_wait3A_2721 = tpu.memref_slice %dma_wait3A_2719[%dma_wait3A_2720] : memref<100000xf32, #tpu.memory_space<hbm>> -> memref<100000xf32, #tpu.memory_space<hbm>>
    tpu.wait_indirect_dma semaphore(%arg8 : memref<!tpu.dma_semaphore, #tpu.memory_space<semaphore_mem>>) src(%dma_wait3A_2721 : memref<100000xf32, #tpu.memory_space<hbm>>) dst(%dma_wait3A_2714 : memref<128xf32, #tpu.memory_space<vmem>>)
    %dma_wait3A_2722 = arith.constant 7808 : i32
    %dma_wait3A_2723 = tpu.memref_slice %arg6[%dma_wait3A_2722] : memref<10240xf32, #tpu.memory_space<vmem>> -> memref<128xf32, #tpu.memory_space<vmem>>
    %dma_wait3A_2724 = arith.constant 7808 : i32
    %dma_wait3A_2725 = tpu.memref_slice %arg5[%dma_wait3A_2724] : memref<10240xi32, #tpu.memory_space<vmem>> -> memref<128xi32, #tpu.memory_space<vmem>>
    %dma_wait3A_2726 = arith.constant 0 : i32
    %dma_wait3A_2727 = tpu.memref_slice %arg3[%add3A_1452, %dma_wait3A_2726] : memref<64x100000xf32, #tpu.memory_space<hbm>> -> memref<1x100000xf32, #tpu.memory_space<hbm>>
    %dma_wait3A_2728 = tpu.memref_squeeze %dma_wait3A_2727 : memref<1x100000xf32, #tpu.memory_space<hbm>> -> memref<100000xf32, #tpu.memory_space<hbm>>
    %dma_wait3A_2729 = arith.constant 0 : i32
    %dma_wait3A_2730 = tpu.memref_slice %dma_wait3A_2728[%dma_wait3A_2729] : memref<100000xf32, #tpu.memory_space<hbm>> -> memref<100000xf32, #tpu.memory_space<hbm>>
    tpu.wait_indirect_dma semaphore(%arg8 : memref<!tpu.dma_semaphore, #tpu.memory_space<semaphore_mem>>) src(%dma_wait3A_2730 : memref<100000xf32, #tpu.memory_space<hbm>>) dst(%dma_wait3A_2723 : memref<128xf32, #tpu.memory_space<vmem>>)
    %dma_wait3A_2731 = arith.constant 7936 : i32
    %dma_wait3A_2732 = tpu.memref_slice %arg6[%dma_wait3A_2731] : memref<10240xf32, #tpu.memory_space<vmem>> -> memref<128xf32, #tpu.memory_space<vmem>>
    %dma_wait3A_2733 = arith.constant 7936 : i32
    %dma_wait3A_2734 = tpu.memref_slice %arg5[%dma_wait3A_2733] : memref<10240xi32, #tpu.memory_space<vmem>> -> memref<128xi32, #tpu.memory_space<vmem>>
    %dma_wait3A_2735 = arith.constant 0 : i32
    %dma_wait3A_2736 = tpu.memref_slice %arg3[%add3A_1452, %dma_wait3A_2735] : memref<64x100000xf32, #tpu.memory_space<hbm>> -> memref<1x100000xf32, #tpu.memory_space<hbm>>
    %dma_wait3A_2737 = tpu.memref_squeeze %dma_wait3A_2736 : memref<1x100000xf32, #tpu.memory_space<hbm>> -> memref<100000xf32, #tpu.memory_space<hbm>>
    %dma_wait3A_2738 = arith.constant 0 : i32
    %dma_wait3A_2739 = tpu.memref_slice %dma_wait3A_2737[%dma_wait3A_2738] : memref<100000xf32, #tpu.memory_space<hbm>> -> memref<100000xf32, #tpu.memory_space<hbm>>
    tpu.wait_indirect_dma semaphore(%arg8 : memref<!tpu.dma_semaphore, #tpu.memory_space<semaphore_mem>>) src(%dma_wait3A_2739 : memref<100000xf32, #tpu.memory_space<hbm>>) dst(%dma_wait3A_2732 : memref<128xf32, #tpu.memory_space<vmem>>)
    %dma_wait3A_2740 = arith.constant 8064 : i32
    %dma_wait3A_2741 = tpu.memref_slice %arg6[%dma_wait3A_2740] : memref<10240xf32, #tpu.memory_space<vmem>> -> memref<128xf32, #tpu.memory_space<vmem>>
    %dma_wait3A_2742 = arith.constant 8064 : i32
    %dma_wait3A_2743 = tpu.memref_slice %arg5[%dma_wait3A_2742] : memref<10240xi32, #tpu.memory_space<vmem>> -> memref<128xi32, #tpu.memory_space<vmem>>
    %dma_wait3A_2744 = arith.constant 0 : i32
    %dma_wait3A_2745 = tpu.memref_slice %arg3[%add3A_1452, %dma_wait3A_2744] : memref<64x100000xf32, #tpu.memory_space<hbm>> -> memref<1x100000xf32, #tpu.memory_space<hbm>>
    %dma_wait3A_2746 = tpu.memref_squeeze %dma_wait3A_2745 : memref<1x100000xf32, #tpu.memory_space<hbm>> -> memref<100000xf32, #tpu.memory_space<hbm>>
    %dma_wait3A_2747 = arith.constant 0 : i32
    %dma_wait3A_2748 = tpu.memref_slice %dma_wait3A_2746[%dma_wait3A_2747] : memref<100000xf32, #tpu.memory_space<hbm>> -> memref<100000xf32, #tpu.memory_space<hbm>>
    tpu.wait_indirect_dma semaphore(%arg8 : memref<!tpu.dma_semaphore, #tpu.memory_space<semaphore_mem>>) src(%dma_wait3A_2748 : memref<100000xf32, #tpu.memory_space<hbm>>) dst(%dma_wait3A_2741 : memref<128xf32, #tpu.memory_space<vmem>>)
    %dma_wait3A_2749 = arith.constant 8192 : i32
    %dma_wait3A_2750 = tpu.memref_slice %arg6[%dma_wait3A_2749] : memref<10240xf32, #tpu.memory_space<vmem>> -> memref<128xf32, #tpu.memory_space<vmem>>
    %dma_wait3A_2751 = arith.constant 8192 : i32
    %dma_wait3A_2752 = tpu.memref_slice %arg5[%dma_wait3A_2751] : memref<10240xi32, #tpu.memory_space<vmem>> -> memref<128xi32, #tpu.memory_space<vmem>>
    %dma_wait3A_2753 = arith.constant 0 : i32
    %dma_wait3A_2754 = tpu.memref_slice %arg3[%add3A_1452, %dma_wait3A_2753] : memref<64x100000xf32, #tpu.memory_space<hbm>> -> memref<1x100000xf32, #tpu.memory_space<hbm>>
    %dma_wait3A_2755 = tpu.memref_squeeze %dma_wait3A_2754 : memref<1x100000xf32, #tpu.memory_space<hbm>> -> memref<100000xf32, #tpu.memory_space<hbm>>
    %dma_wait3A_2756 = arith.constant 0 : i32
    %dma_wait3A_2757 = tpu.memref_slice %dma_wait3A_2755[%dma_wait3A_2756] : memref<100000xf32, #tpu.memory_space<hbm>> -> memref<100000xf32, #tpu.memory_space<hbm>>
    tpu.wait_indirect_dma semaphore(%arg8 : memref<!tpu.dma_semaphore, #tpu.memory_space<semaphore_mem>>) src(%dma_wait3A_2757 : memref<100000xf32, #tpu.memory_space<hbm>>) dst(%dma_wait3A_2750 : memref<128xf32, #tpu.memory_space<vmem>>)
    %dma_wait3A_2758 = arith.constant 8320 : i32
    %dma_wait3A_2759 = tpu.memref_slice %arg6[%dma_wait3A_2758] : memref<10240xf32, #tpu.memory_space<vmem>> -> memref<128xf32, #tpu.memory_space<vmem>>
    %dma_wait3A_2760 = arith.constant 8320 : i32
    %dma_wait3A_2761 = tpu.memref_slice %arg5[%dma_wait3A_2760] : memref<10240xi32, #tpu.memory_space<vmem>> -> memref<128xi32, #tpu.memory_space<vmem>>
    %dma_wait3A_2762 = arith.constant 0 : i32
    %dma_wait3A_2763 = tpu.memref_slice %arg3[%add3A_1452, %dma_wait3A_2762] : memref<64x100000xf32, #tpu.memory_space<hbm>> -> memref<1x100000xf32, #tpu.memory_space<hbm>>
    %dma_wait3A_2764 = tpu.memref_squeeze %dma_wait3A_2763 : memref<1x100000xf32, #tpu.memory_space<hbm>> -> memref<100000xf32, #tpu.memory_space<hbm>>
    %dma_wait3A_2765 = arith.constant 0 : i32
    %dma_wait3A_2766 = tpu.memref_slice %dma_wait3A_2764[%dma_wait3A_2765] : memref<100000xf32, #tpu.memory_space<hbm>> -> memref<100000xf32, #tpu.memory_space<hbm>>
    tpu.wait_indirect_dma semaphore(%arg8 : memref<!tpu.dma_semaphore, #tpu.memory_space<semaphore_mem>>) src(%dma_wait3A_2766 : memref<100000xf32, #tpu.memory_space<hbm>>) dst(%dma_wait3A_2759 : memref<128xf32, #tpu.memory_space<vmem>>)
    %dma_wait3A_2767 = arith.constant 8448 : i32
    %dma_wait3A_2768 = tpu.memref_slice %arg6[%dma_wait3A_2767] : memref<10240xf32, #tpu.memory_space<vmem>> -> memref<128xf32, #tpu.memory_space<vmem>>
    %dma_wait3A_2769 = arith.constant 8448 : i32
    %dma_wait3A_2770 = tpu.memref_slice %arg5[%dma_wait3A_2769] : memref<10240xi32, #tpu.memory_space<vmem>> -> memref<128xi32, #tpu.memory_space<vmem>>
    %dma_wait3A_2771 = arith.constant 0 : i32
    %dma_wait3A_2772 = tpu.memref_slice %arg3[%add3A_1452, %dma_wait3A_2771] : memref<64x100000xf32, #tpu.memory_space<hbm>> -> memref<1x100000xf32, #tpu.memory_space<hbm>>
    %dma_wait3A_2773 = tpu.memref_squeeze %dma_wait3A_2772 : memref<1x100000xf32, #tpu.memory_space<hbm>> -> memref<100000xf32, #tpu.memory_space<hbm>>
    %dma_wait3A_2774 = arith.constant 0 : i32
    %dma_wait3A_2775 = tpu.memref_slice %dma_wait3A_2773[%dma_wait3A_2774] : memref<100000xf32, #tpu.memory_space<hbm>> -> memref<100000xf32, #tpu.memory_space<hbm>>
    tpu.wait_indirect_dma semaphore(%arg8 : memref<!tpu.dma_semaphore, #tpu.memory_space<semaphore_mem>>) src(%dma_wait3A_2775 : memref<100000xf32, #tpu.memory_space<hbm>>) dst(%dma_wait3A_2768 : memref<128xf32, #tpu.memory_space<vmem>>)
    %dma_wait3A_2776 = arith.constant 8576 : i32
    %dma_wait3A_2777 = tpu.memref_slice %arg6[%dma_wait3A_2776] : memref<10240xf32, #tpu.memory_space<vmem>> -> memref<128xf32, #tpu.memory_space<vmem>>
    %dma_wait3A_2778 = arith.constant 8576 : i32
    %dma_wait3A_2779 = tpu.memref_slice %arg5[%dma_wait3A_2778] : memref<10240xi32, #tpu.memory_space<vmem>> -> memref<128xi32, #tpu.memory_space<vmem>>
    %dma_wait3A_2780 = arith.constant 0 : i32
    %dma_wait3A_2781 = tpu.memref_slice %arg3[%add3A_1452, %dma_wait3A_2780] : memref<64x100000xf32, #tpu.memory_space<hbm>> -> memref<1x100000xf32, #tpu.memory_space<hbm>>
    %dma_wait3A_2782 = tpu.memref_squeeze %dma_wait3A_2781 : memref<1x100000xf32, #tpu.memory_space<hbm>> -> memref<100000xf32, #tpu.memory_space<hbm>>
    %dma_wait3A_2783 = arith.constant 0 : i32
    %dma_wait3A_2784 = tpu.memref_slice %dma_wait3A_2782[%dma_wait3A_2783] : memref<100000xf32, #tpu.memory_space<hbm>> -> memref<100000xf32, #tpu.memory_space<hbm>>
    tpu.wait_indirect_dma semaphore(%arg8 : memref<!tpu.dma_semaphore, #tpu.memory_space<semaphore_mem>>) src(%dma_wait3A_2784 : memref<100000xf32, #tpu.memory_space<hbm>>) dst(%dma_wait3A_2777 : memref<128xf32, #tpu.memory_space<vmem>>)
    %dma_wait3A_2785 = arith.constant 8704 : i32
    %dma_wait3A_2786 = tpu.memref_slice %arg6[%dma_wait3A_2785] : memref<10240xf32, #tpu.memory_space<vmem>> -> memref<128xf32, #tpu.memory_space<vmem>>
    %dma_wait3A_2787 = arith.constant 8704 : i32
    %dma_wait3A_2788 = tpu.memref_slice %arg5[%dma_wait3A_2787] : memref<10240xi32, #tpu.memory_space<vmem>> -> memref<128xi32, #tpu.memory_space<vmem>>
    %dma_wait3A_2789 = arith.constant 0 : i32
    %dma_wait3A_2790 = tpu.memref_slice %arg3[%add3A_1452, %dma_wait3A_2789] : memref<64x100000xf32, #tpu.memory_space<hbm>> -> memref<1x100000xf32, #tpu.memory_space<hbm>>
    %dma_wait3A_2791 = tpu.memref_squeeze %dma_wait3A_2790 : memref<1x100000xf32, #tpu.memory_space<hbm>> -> memref<100000xf32, #tpu.memory_space<hbm>>
    %dma_wait3A_2792 = arith.constant 0 : i32
    %dma_wait3A_2793 = tpu.memref_slice %dma_wait3A_2791[%dma_wait3A_2792] : memref<100000xf32, #tpu.memory_space<hbm>> -> memref<100000xf32, #tpu.memory_space<hbm>>
    tpu.wait_indirect_dma semaphore(%arg8 : memref<!tpu.dma_semaphore, #tpu.memory_space<semaphore_mem>>) src(%dma_wait3A_2793 : memref<100000xf32, #tpu.memory_space<hbm>>) dst(%dma_wait3A_2786 : memref<128xf32, #tpu.memory_space<vmem>>)
    %dma_wait3A_2794 = arith.constant 8832 : i32
    %dma_wait3A_2795 = tpu.memref_slice %arg6[%dma_wait3A_2794] : memref<10240xf32, #tpu.memory_space<vmem>> -> memref<128xf32, #tpu.memory_space<vmem>>
    %dma_wait3A_2796 = arith.constant 8832 : i32
    %dma_wait3A_2797 = tpu.memref_slice %arg5[%dma_wait3A_2796] : memref<10240xi32, #tpu.memory_space<vmem>> -> memref<128xi32, #tpu.memory_space<vmem>>
    %dma_wait3A_2798 = arith.constant 0 : i32
    %dma_wait3A_2799 = tpu.memref_slice %arg3[%add3A_1452, %dma_wait3A_2798] : memref<64x100000xf32, #tpu.memory_space<hbm>> -> memref<1x100000xf32, #tpu.memory_space<hbm>>
    %dma_wait3A_2800 = tpu.memref_squeeze %dma_wait3A_2799 : memref<1x100000xf32, #tpu.memory_space<hbm>> -> memref<100000xf32, #tpu.memory_space<hbm>>
    %dma_wait3A_2801 = arith.constant 0 : i32
    %dma_wait3A_2802 = tpu.memref_slice %dma_wait3A_2800[%dma_wait3A_2801] : memref<100000xf32, #tpu.memory_space<hbm>> -> memref<100000xf32, #tpu.memory_space<hbm>>
    tpu.wait_indirect_dma semaphore(%arg8 : memref<!tpu.dma_semaphore, #tpu.memory_space<semaphore_mem>>) src(%dma_wait3A_2802 : memref<100000xf32, #tpu.memory_space<hbm>>) dst(%dma_wait3A_2795 : memref<128xf32, #tpu.memory_space<vmem>>)
    %dma_wait3A_2803 = arith.constant 8960 : i32
    %dma_wait3A_2804 = tpu.memref_slice %arg6[%dma_wait3A_2803] : memref<10240xf32, #tpu.memory_space<vmem>> -> memref<128xf32, #tpu.memory_space<vmem>>
    %dma_wait3A_2805 = arith.constant 8960 : i32
    %dma_wait3A_2806 = tpu.memref_slice %arg5[%dma_wait3A_2805] : memref<10240xi32, #tpu.memory_space<vmem>> -> memref<128xi32, #tpu.memory_space<vmem>>
    %dma_wait3A_2807 = arith.constant 0 : i32
    %dma_wait3A_2808 = tpu.memref_slice %arg3[%add3A_1452, %dma_wait3A_2807] : memref<64x100000xf32, #tpu.memory_space<hbm>> -> memref<1x100000xf32, #tpu.memory_space<hbm>>
    %dma_wait3A_2809 = tpu.memref_squeeze %dma_wait3A_2808 : memref<1x100000xf32, #tpu.memory_space<hbm>> -> memref<100000xf32, #tpu.memory_space<hbm>>
    %dma_wait3A_2810 = arith.constant 0 : i32
    %dma_wait3A_2811 = tpu.memref_slice %dma_wait3A_2809[%dma_wait3A_2810] : memref<100000xf32, #tpu.memory_space<hbm>> -> memref<100000xf32, #tpu.memory_space<hbm>>
    tpu.wait_indirect_dma semaphore(%arg8 : memref<!tpu.dma_semaphore, #tpu.memory_space<semaphore_mem>>) src(%dma_wait3A_2811 : memref<100000xf32, #tpu.memory_space<hbm>>) dst(%dma_wait3A_2804 : memref<128xf32, #tpu.memory_space<vmem>>)
    %dma_wait3A_2812 = arith.constant 9088 : i32
    %dma_wait3A_2813 = tpu.memref_slice %arg6[%dma_wait3A_2812] : memref<10240xf32, #tpu.memory_space<vmem>> -> memref<128xf32, #tpu.memory_space<vmem>>
    %dma_wait3A_2814 = arith.constant 9088 : i32
    %dma_wait3A_2815 = tpu.memref_slice %arg5[%dma_wait3A_2814] : memref<10240xi32, #tpu.memory_space<vmem>> -> memref<128xi32, #tpu.memory_space<vmem>>
    %dma_wait3A_2816 = arith.constant 0 : i32
    %dma_wait3A_2817 = tpu.memref_slice %arg3[%add3A_1452, %dma_wait3A_2816] : memref<64x100000xf32, #tpu.memory_space<hbm>> -> memref<1x100000xf32, #tpu.memory_space<hbm>>
    %dma_wait3A_2818 = tpu.memref_squeeze %dma_wait3A_2817 : memref<1x100000xf32, #tpu.memory_space<hbm>> -> memref<100000xf32, #tpu.memory_space<hbm>>
    %dma_wait3A_2819 = arith.constant 0 : i32
    %dma_wait3A_2820 = tpu.memref_slice %dma_wait3A_2818[%dma_wait3A_2819] : memref<100000xf32, #tpu.memory_space<hbm>> -> memref<100000xf32, #tpu.memory_space<hbm>>
    tpu.wait_indirect_dma semaphore(%arg8 : memref<!tpu.dma_semaphore, #tpu.memory_space<semaphore_mem>>) src(%dma_wait3A_2820 : memref<100000xf32, #tpu.memory_space<hbm>>) dst(%dma_wait3A_2813 : memref<128xf32, #tpu.memory_space<vmem>>)
    %dma_wait3A_2821 = arith.constant 9216 : i32
    %dma_wait3A_2822 = tpu.memref_slice %arg6[%dma_wait3A_2821] : memref<10240xf32, #tpu.memory_space<vmem>> -> memref<128xf32, #tpu.memory_space<vmem>>
    %dma_wait3A_2823 = arith.constant 9216 : i32
    %dma_wait3A_2824 = tpu.memref_slice %arg5[%dma_wait3A_2823] : memref<10240xi32, #tpu.memory_space<vmem>> -> memref<128xi32, #tpu.memory_space<vmem>>
    %dma_wait3A_2825 = arith.constant 0 : i32
    %dma_wait3A_2826 = tpu.memref_slice %arg3[%add3A_1452, %dma_wait3A_2825] : memref<64x100000xf32, #tpu.memory_space<hbm>> -> memref<1x100000xf32, #tpu.memory_space<hbm>>
    %dma_wait3A_2827 = tpu.memref_squeeze %dma_wait3A_2826 : memref<1x100000xf32, #tpu.memory_space<hbm>> -> memref<100000xf32, #tpu.memory_space<hbm>>
    %dma_wait3A_2828 = arith.constant 0 : i32
    %dma_wait3A_2829 = tpu.memref_slice %dma_wait3A_2827[%dma_wait3A_2828] : memref<100000xf32, #tpu.memory_space<hbm>> -> memref<100000xf32, #tpu.memory_space<hbm>>
    tpu.wait_indirect_dma semaphore(%arg8 : memref<!tpu.dma_semaphore, #tpu.memory_space<semaphore_mem>>) src(%dma_wait3A_2829 : memref<100000xf32, #tpu.memory_space<hbm>>) dst(%dma_wait3A_2822 : memref<128xf32, #tpu.memory_space<vmem>>)
    %dma_wait3A_2830 = arith.constant 9344 : i32
    %dma_wait3A_2831 = tpu.memref_slice %arg6[%dma_wait3A_2830] : memref<10240xf32, #tpu.memory_space<vmem>> -> memref<128xf32, #tpu.memory_space<vmem>>
    %dma_wait3A_2832 = arith.constant 9344 : i32
    %dma_wait3A_2833 = tpu.memref_slice %arg5[%dma_wait3A_2832] : memref<10240xi32, #tpu.memory_space<vmem>> -> memref<128xi32, #tpu.memory_space<vmem>>
    %dma_wait3A_2834 = arith.constant 0 : i32
    %dma_wait3A_2835 = tpu.memref_slice %arg3[%add3A_1452, %dma_wait3A_2834] : memref<64x100000xf32, #tpu.memory_space<hbm>> -> memref<1x100000xf32, #tpu.memory_space<hbm>>
    %dma_wait3A_2836 = tpu.memref_squeeze %dma_wait3A_2835 : memref<1x100000xf32, #tpu.memory_space<hbm>> -> memref<100000xf32, #tpu.memory_space<hbm>>
    %dma_wait3A_2837 = arith.constant 0 : i32
    %dma_wait3A_2838 = tpu.memref_slice %dma_wait3A_2836[%dma_wait3A_2837] : memref<100000xf32, #tpu.memory_space<hbm>> -> memref<100000xf32, #tpu.memory_space<hbm>>
    tpu.wait_indirect_dma semaphore(%arg8 : memref<!tpu.dma_semaphore, #tpu.memory_space<semaphore_mem>>) src(%dma_wait3A_2838 : memref<100000xf32, #tpu.memory_space<hbm>>) dst(%dma_wait3A_2831 : memref<128xf32, #tpu.memory_space<vmem>>)
    %dma_wait3A_2839 = arith.constant 9472 : i32
    %dma_wait3A_2840 = tpu.memref_slice %arg6[%dma_wait3A_2839] : memref<10240xf32, #tpu.memory_space<vmem>> -> memref<128xf32, #tpu.memory_space<vmem>>
    %dma_wait3A_2841 = arith.constant 9472 : i32
    %dma_wait3A_2842 = tpu.memref_slice %arg5[%dma_wait3A_2841] : memref<10240xi32, #tpu.memory_space<vmem>> -> memref<128xi32, #tpu.memory_space<vmem>>
    %dma_wait3A_2843 = arith.constant 0 : i32
    %dma_wait3A_2844 = tpu.memref_slice %arg3[%add3A_1452, %dma_wait3A_2843] : memref<64x100000xf32, #tpu.memory_space<hbm>> -> memref<1x100000xf32, #tpu.memory_space<hbm>>
    %dma_wait3A_2845 = tpu.memref_squeeze %dma_wait3A_2844 : memref<1x100000xf32, #tpu.memory_space<hbm>> -> memref<100000xf32, #tpu.memory_space<hbm>>
    %dma_wait3A_2846 = arith.constant 0 : i32
    %dma_wait3A_2847 = tpu.memref_slice %dma_wait3A_2845[%dma_wait3A_2846] : memref<100000xf32, #tpu.memory_space<hbm>> -> memref<100000xf32, #tpu.memory_space<hbm>>
    tpu.wait_indirect_dma semaphore(%arg8 : memref<!tpu.dma_semaphore, #tpu.memory_space<semaphore_mem>>) src(%dma_wait3A_2847 : memref<100000xf32, #tpu.memory_space<hbm>>) dst(%dma_wait3A_2840 : memref<128xf32, #tpu.memory_space<vmem>>)
    %dma_wait3A_2848 = arith.constant 9600 : i32
    %dma_wait3A_2849 = tpu.memref_slice %arg6[%dma_wait3A_2848] : memref<10240xf32, #tpu.memory_space<vmem>> -> memref<128xf32, #tpu.memory_space<vmem>>
    %dma_wait3A_2850 = arith.constant 9600 : i32
    %dma_wait3A_2851 = tpu.memref_slice %arg5[%dma_wait3A_2850] : memref<10240xi32, #tpu.memory_space<vmem>> -> memref<128xi32, #tpu.memory_space<vmem>>
    %dma_wait3A_2852 = arith.constant 0 : i32
    %dma_wait3A_2853 = tpu.memref_slice %arg3[%add3A_1452, %dma_wait3A_2852] : memref<64x100000xf32, #tpu.memory_space<hbm>> -> memref<1x100000xf32, #tpu.memory_space<hbm>>
    %dma_wait3A_2854 = tpu.memref_squeeze %dma_wait3A_2853 : memref<1x100000xf32, #tpu.memory_space<hbm>> -> memref<100000xf32, #tpu.memory_space<hbm>>
    %dma_wait3A_2855 = arith.constant 0 : i32
    %dma_wait3A_2856 = tpu.memref_slice %dma_wait3A_2854[%dma_wait3A_2855] : memref<100000xf32, #tpu.memory_space<hbm>> -> memref<100000xf32, #tpu.memory_space<hbm>>
    tpu.wait_indirect_dma semaphore(%arg8 : memref<!tpu.dma_semaphore, #tpu.memory_space<semaphore_mem>>) src(%dma_wait3A_2856 : memref<100000xf32, #tpu.memory_space<hbm>>) dst(%dma_wait3A_2849 : memref<128xf32, #tpu.memory_space<vmem>>)
    %dma_wait3A_2857 = arith.constant 9728 : i32
    %dma_wait3A_2858 = tpu.memref_slice %arg6[%dma_wait3A_2857] : memref<10240xf32, #tpu.memory_space<vmem>> -> memref<128xf32, #tpu.memory_space<vmem>>
    %dma_wait3A_2859 = arith.constant 9728 : i32
    %dma_wait3A_2860 = tpu.memref_slice %arg5[%dma_wait3A_2859] : memref<10240xi32, #tpu.memory_space<vmem>> -> memref<128xi32, #tpu.memory_space<vmem>>
    %dma_wait3A_2861 = arith.constant 0 : i32
    %dma_wait3A_2862 = tpu.memref_slice %arg3[%add3A_1452, %dma_wait3A_2861] : memref<64x100000xf32, #tpu.memory_space<hbm>> -> memref<1x100000xf32, #tpu.memory_space<hbm>>
    %dma_wait3A_2863 = tpu.memref_squeeze %dma_wait3A_2862 : memref<1x100000xf32, #tpu.memory_space<hbm>> -> memref<100000xf32, #tpu.memory_space<hbm>>
    %dma_wait3A_2864 = arith.constant 0 : i32
    %dma_wait3A_2865 = tpu.memref_slice %dma_wait3A_2863[%dma_wait3A_2864] : memref<100000xf32, #tpu.memory_space<hbm>> -> memref<100000xf32, #tpu.memory_space<hbm>>
    tpu.wait_indirect_dma semaphore(%arg8 : memref<!tpu.dma_semaphore, #tpu.memory_space<semaphore_mem>>) src(%dma_wait3A_2865 : memref<100000xf32, #tpu.memory_space<hbm>>) dst(%dma_wait3A_2858 : memref<128xf32, #tpu.memory_space<vmem>>)
    %dma_wait3A_2866 = arith.constant 9856 : i32
    %dma_wait3A_2867 = tpu.memref_slice %arg6[%dma_wait3A_2866] : memref<10240xf32, #tpu.memory_space<vmem>> -> memref<128xf32, #tpu.memory_space<vmem>>
    %dma_wait3A_2868 = arith.constant 9856 : i32
    %dma_wait3A_2869 = tpu.memref_slice %arg5[%dma_wait3A_2868] : memref<10240xi32, #tpu.memory_space<vmem>> -> memref<128xi32, #tpu.memory_space<vmem>>
    %dma_wait3A_2870 = arith.constant 0 : i32
    %dma_wait3A_2871 = tpu.memref_slice %arg3[%add3A_1452, %dma_wait3A_2870] : memref<64x100000xf32, #tpu.memory_space<hbm>> -> memref<1x100000xf32, #tpu.memory_space<hbm>>
    %dma_wait3A_2872 = tpu.memref_squeeze %dma_wait3A_2871 : memref<1x100000xf32, #tpu.memory_space<hbm>> -> memref<100000xf32, #tpu.memory_space<hbm>>
    %dma_wait3A_2873 = arith.constant 0 : i32
    %dma_wait3A_2874 = tpu.memref_slice %dma_wait3A_2872[%dma_wait3A_2873] : memref<100000xf32, #tpu.memory_space<hbm>> -> memref<100000xf32, #tpu.memory_space<hbm>>
    tpu.wait_indirect_dma semaphore(%arg8 : memref<!tpu.dma_semaphore, #tpu.memory_space<semaphore_mem>>) src(%dma_wait3A_2874 : memref<100000xf32, #tpu.memory_space<hbm>>) dst(%dma_wait3A_2867 : memref<128xf32, #tpu.memory_space<vmem>>)
    %dma_wait3A_2875 = arith.constant 9984 : i32
    %dma_wait3A_2876 = tpu.memref_slice %arg6[%dma_wait3A_2875] : memref<10240xf32, #tpu.memory_space<vmem>> -> memref<128xf32, #tpu.memory_space<vmem>>
    %dma_wait3A_2877 = arith.constant 9984 : i32
    %dma_wait3A_2878 = tpu.memref_slice %arg5[%dma_wait3A_2877] : memref<10240xi32, #tpu.memory_space<vmem>> -> memref<128xi32, #tpu.memory_space<vmem>>
    %dma_wait3A_2879 = arith.constant 0 : i32
    %dma_wait3A_2880 = tpu.memref_slice %arg3[%add3A_1452, %dma_wait3A_2879] : memref<64x100000xf32, #tpu.memory_space<hbm>> -> memref<1x100000xf32, #tpu.memory_space<hbm>>
    %dma_wait3A_2881 = tpu.memref_squeeze %dma_wait3A_2880 : memref<1x100000xf32, #tpu.memory_space<hbm>> -> memref<100000xf32, #tpu.memory_space<hbm>>
    %dma_wait3A_2882 = arith.constant 0 : i32
    %dma_wait3A_2883 = tpu.memref_slice %dma_wait3A_2881[%dma_wait3A_2882] : memref<100000xf32, #tpu.memory_space<hbm>> -> memref<100000xf32, #tpu.memory_space<hbm>>
    tpu.wait_indirect_dma semaphore(%arg8 : memref<!tpu.dma_semaphore, #tpu.memory_space<semaphore_mem>>) src(%dma_wait3A_2883 : memref<100000xf32, #tpu.memory_space<hbm>>) dst(%dma_wait3A_2876 : memref<128xf32, #tpu.memory_space<vmem>>)
    %dma_wait3A_2884 = arith.constant 10112 : i32
    %dma_wait3A_2885 = tpu.memref_slice %arg6[%dma_wait3A_2884] : memref<10240xf32, #tpu.memory_space<vmem>> -> memref<128xf32, #tpu.memory_space<vmem>>
    %dma_wait3A_2886 = arith.constant 10112 : i32
    %dma_wait3A_2887 = tpu.memref_slice %arg5[%dma_wait3A_2886] : memref<10240xi32, #tpu.memory_space<vmem>> -> memref<128xi32, #tpu.memory_space<vmem>>
    %dma_wait3A_2888 = arith.constant 0 : i32
    %dma_wait3A_2889 = tpu.memref_slice %arg3[%add3A_1452, %dma_wait3A_2888] : memref<64x100000xf32, #tpu.memory_space<hbm>> -> memref<1x100000xf32, #tpu.memory_space<hbm>>
    %dma_wait3A_2890 = tpu.memref_squeeze %dma_wait3A_2889 : memref<1x100000xf32, #tpu.memory_space<hbm>> -> memref<100000xf32, #tpu.memory_space<hbm>>
    %dma_wait3A_2891 = arith.constant 0 : i32
    %dma_wait3A_2892 = tpu.memref_slice %dma_wait3A_2890[%dma_wait3A_2891] : memref<100000xf32, #tpu.memory_space<hbm>> -> memref<100000xf32, #tpu.memory_space<hbm>>
    tpu.wait_indirect_dma semaphore(%arg8 : memref<!tpu.dma_semaphore, #tpu.memory_space<semaphore_mem>>) src(%dma_wait3A_2892 : memref<100000xf32, #tpu.memory_space<hbm>>) dst(%dma_wait3A_2885 : memref<128xf32, #tpu.memory_space<vmem>>)
    %scan3A_2893 = arith.constant 0 : i32
    %scan3A_2894 = arith.constant 0 : i32
    %scan3A_2895 = arith.constant 64 : i32
    %scan3A_2896 = arith.addi %scan3A_2894, %scan3A_2895 : i32
    %scan3A_2897 = arith.constant 1 : i32
    scf.for %scan3A_2902 = %scan3A_2894 to %scan3A_2896 step %scan3A_2897  : i32 {
      %mul3A_2903 = arith.constant 16 : i32
      %mul3A_2904 = arith.muli %scan3A_2902, %mul3A_2903 : i32
      %mul3A_2905 = arith.constant 16 : i32
      %mul3A_2906 = arith.muli %scan3A_2902, %mul3A_2905 : i32
      %get3A = arith.index_cast %mul3A_2906 : i32 to index
      %get3A_2907 = tpu.vector_load %arg6[%get3A] {strides = array<i32>} : memref<10240xf32, #tpu.memory_space<vmem>>, vector<16xf32>,
      %get3A_2908 = vector.shape_cast %get3A_2907 : vector<16xf32> to vector<16xf32>
      %mul3A_2909 = arith.constant 16 : i32
      %mul3A_2910 = arith.muli %scan3A_2902, %mul3A_2909 : i32
      %add3A_2911 = arith.constant 1024 : i32
      %add3A_2912 = arith.addi %add3A_2911, %mul3A_2910 : i32
      %get3A_2913 = arith.index_cast %add3A_2912 : i32 to index
      %get3A_2914 = tpu.vector_load %arg6[%get3A_2913] {strides = array<i32>} : memref<10240xf32, #tpu.memory_space<vmem>>, vector<16xf32>,
      %get3A_2915 = vector.shape_cast %get3A_2914 : vector<16xf32> to vector<16xf32>
      %add3A_2916 = arith.addf %get3A_2908, %get3A_2915 : vector<16xf32>
      %mul3A_2917 = arith.constant 16 : i32
      %mul3A_2918 = arith.muli %scan3A_2902, %mul3A_2917 : i32
      %add3A_2919 = arith.constant 2048 : i32
      %add3A_2920 = arith.addi %add3A_2919, %mul3A_2918 : i32
      %get3A_2921 = arith.index_cast %add3A_2920 : i32 to index
      %get3A_2922 = tpu.vector_load %arg6[%get3A_2921] {strides = array<i32>} : memref<10240xf32, #tpu.memory_space<vmem>>, vector<16xf32>,
      %get3A_2923 = vector.shape_cast %get3A_2922 : vector<16xf32> to vector<16xf32>
      %add3A_2924 = arith.addf %add3A_2916, %get3A_2923 : vector<16xf32>
      %mul3A_2925 = arith.constant 16 : i32
      %mul3A_2926 = arith.muli %scan3A_2902, %mul3A_2925 : i32
      %add3A_2927 = arith.constant 3072 : i32
      %add3A_2928 = arith.addi %add3A_2927, %mul3A_2926 : i32
      %get3A_2929 = arith.index_cast %add3A_2928 : i32 to index
      %get3A_2930 = tpu.vector_load %arg6[%get3A_2929] {strides = array<i32>} : memref<10240xf32, #tpu.memory_space<vmem>>, vector<16xf32>,
      %get3A_2931 = vector.shape_cast %get3A_2930 : vector<16xf32> to vector<16xf32>
      %add3A_2932 = arith.addf %add3A_2924, %get3A_2931 : vector<16xf32>
      %mul3A_2933 = arith.constant 16 : i32
      %mul3A_2934 = arith.muli %scan3A_2902, %mul3A_2933 : i32
      %add3A_2935 = arith.constant 4096 : i32
      %add3A_2936 = arith.addi %add3A_2935, %mul3A_2934 : i32
      %get3A_2937 = arith.index_cast %add3A_2936 : i32 to index
      %get3A_2938 = tpu.vector_load %arg6[%get3A_2937] {strides = array<i32>} : memref<10240xf32, #tpu.memory_space<vmem>>, vector<16xf32>,
      %get3A_2939 = vector.shape_cast %get3A_2938 : vector<16xf32> to vector<16xf32>
      %add3A_2940 = arith.addf %add3A_2932, %get3A_2939 : vector<16xf32>
      %mul3A_2941 = arith.constant 16 : i32
      %mul3A_2942 = arith.muli %scan3A_2902, %mul3A_2941 : i32
      %add3A_2943 = arith.constant 5120 : i32
      %add3A_2944 = arith.addi %add3A_2943, %mul3A_2942 : i32
      %get3A_2945 = arith.index_cast %add3A_2944 : i32 to index
      %get3A_2946 = tpu.vector_load %arg6[%get3A_2945] {strides = array<i32>} : memref<10240xf32, #tpu.memory_space<vmem>>, vector<16xf32>,
      %get3A_2947 = vector.shape_cast %get3A_2946 : vector<16xf32> to vector<16xf32>
      %add3A_2948 = arith.addf %add3A_2940, %get3A_2947 : vector<16xf32>
      %mul3A_2949 = arith.constant 16 : i32
      %mul3A_2950 = arith.muli %scan3A_2902, %mul3A_2949 : i32
      %add3A_2951 = arith.constant 6144 : i32
      %add3A_2952 = arith.addi %add3A_2951, %mul3A_2950 : i32
      %get3A_2953 = arith.index_cast %add3A_2952 : i32 to index
      %get3A_2954 = tpu.vector_load %arg6[%get3A_2953] {strides = array<i32>} : memref<10240xf32, #tpu.memory_space<vmem>>, vector<16xf32>,
      %get3A_2955 = vector.shape_cast %get3A_2954 : vector<16xf32> to vector<16xf32>
      %add3A_2956 = arith.addf %add3A_2948, %get3A_2955 : vector<16xf32>
      %mul3A_2957 = arith.constant 16 : i32
      %mul3A_2958 = arith.muli %scan3A_2902, %mul3A_2957 : i32
      %add3A_2959 = arith.constant 7168 : i32
      %add3A_2960 = arith.addi %add3A_2959, %mul3A_2958 : i32
      %get3A_2961 = arith.index_cast %add3A_2960 : i32 to index
      %get3A_2962 = tpu.vector_load %arg6[%get3A_2961] {strides = array<i32>} : memref<10240xf32, #tpu.memory_space<vmem>>, vector<16xf32>,
      %get3A_2963 = vector.shape_cast %get3A_2962 : vector<16xf32> to vector<16xf32>
      %add3A_2964 = arith.addf %add3A_2956, %get3A_2963 : vector<16xf32>
      %mul3A_2965 = arith.constant 16 : i32
      %mul3A_2966 = arith.muli %scan3A_2902, %mul3A_2965 : i32
      %add3A_2967 = arith.constant 8192 : i32
      %add3A_2968 = arith.addi %add3A_2967, %mul3A_2966 : i32
      %get3A_2969 = arith.index_cast %add3A_2968 : i32 to index
      %get3A_2970 = tpu.vector_load %arg6[%get3A_2969] {strides = array<i32>} : memref<10240xf32, #tpu.memory_space<vmem>>, vector<16xf32>,
      %get3A_2971 = vector.shape_cast %get3A_2970 : vector<16xf32> to vector<16xf32>
      %add3A_2972 = arith.addf %add3A_2964, %get3A_2971 : vector<16xf32>
      %mul3A_2973 = arith.constant 16 : i32
      %mul3A_2974 = arith.muli %scan3A_2902, %mul3A_2973 : i32
      %add3A_2975 = arith.constant 9216 : i32
      %add3A_2976 = arith.addi %add3A_2975, %mul3A_2974 : i32
      %get3A_2977 = arith.index_cast %add3A_2976 : i32 to index
      %get3A_2978 = tpu.vector_load %arg6[%get3A_2977] {strides = array<i32>} : memref<10240xf32, #tpu.memory_space<vmem>>, vector<16xf32>,
      %get3A_2979 = vector.shape_cast %get3A_2978 : vector<16xf32> to vector<16xf32>
      %add3A_2980 = arith.addf %add3A_2972, %get3A_2979 : vector<16xf32>
      %mul3A_2981 = arith.constant 1.000000e-01 : f32
      %mul3A_2982 = vector.broadcast %mul3A_2981 : f32 to vector<16xf32>
      %mul3A_2983 = arith.mulf %add3A_2980, %mul3A_2982 : vector<16xf32>
      %swap3A = arith.index_cast %scan3A_1449 : i32 to index
      %swap3A_2984 = arith.index_cast %mul3A_2904 : i32 to index
      %swap3A_2985 = tpu.vector_load %arg7[%swap3A, %swap3A_2984] {strides = array<i32>} : memref<2x1024xf32, #tpu.memory_space<vmem>>, vector<1x16xf32>,
      %swap3A_2986 = vector.shape_cast %swap3A_2985 : vector<1x16xf32> to vector<16xf32>
      %swap3A_2987 = vector.shape_cast %mul3A_2983 : vector<16xf32> to vector<1x16xf32>
      tpu.vector_store %arg7[%swap3A, %swap3A_2984], %swap3A_2987 {strides = array<i32>} : memref<2x1024xf32, #tpu.memory_space<vmem>>, vector<1x16xf32>,
    }
    %scan3A_2898 = arith.constant 64 : i32
    %scan3A_2899 = arith.constant 2 : i32
    %mul3A_2900 = arith.constant 2 : i32
    %mul3A_2901 = arith.muli %add3A, %mul3A_2900 : i32
    "tpu.region"() ({
      %run_scoped3A = tpu.sem_alloc : memref<!tpu.dma_semaphore, #tpu.memory_space<semaphore_mem>>
      %dma_start3A_2902 = arith.constant 0 : i32
      %dma_start3A_2903 = tpu.memref_slice %arg4[%mul3A_2901, %dma_start3A_2902] : memref<64x1024xf32, #tpu.memory_space<hbm>> -> memref<2x1024xf32, #tpu.memory_space<hbm>>
      %dma_start3A_2904 = arith.constant 0 : i32
      %dma_start3A_2905 = tpu.memref_slice %arg4[%mul3A_2901, %dma_start3A_2904] : memref<64x1024xf32, #tpu.memory_space<hbm>> -> memref<2x1024xf32, #tpu.memory_space<hbm>>
      tpu.enqueue_dma source(%arg7 : memref<2x1024xf32, #tpu.memory_space<vmem>>) target(%dma_start3A_2905 : memref<2x1024xf32, #tpu.memory_space<hbm>>) target_semaphore(%run_scoped3A : memref<!tpu.dma_semaphore, #tpu.memory_space<semaphore_mem>>)
      %dma_wait3A_2906 = arith.constant 0 : i32
      %dma_wait3A_2907 = tpu.memref_slice %arg4[%mul3A_2901, %dma_wait3A_2906] : memref<64x1024xf32, #tpu.memory_space<hbm>> -> memref<2x1024xf32, #tpu.memory_space<hbm>>
      %dma_wait3A_2908 = arith.constant 0 : i32
      %dma_wait3A_2909 = tpu.memref_slice %arg4[%mul3A_2901, %dma_wait3A_2908] : memref<64x1024xf32, #tpu.memory_space<hbm>> -> memref<2x1024xf32, #tpu.memory_space<hbm>>
      tpu.wait_dma2 semaphore(%run_scoped3A : memref<!tpu.dma_semaphore, #tpu.memory_space<semaphore_mem>>) src(%arg7 : memref<2x1024xf32, #tpu.memory_space<vmem>>) dst(%dma_wait3A_2909 : memref<2x1024xf32, #tpu.memory_space<hbm>>)
      tpu.yield
    }) : () -> ()
    return
  }
}

module attributes {stable_mosaic.version = 14 : i64} {
  func.func @_proj_body(%arg0: i32, %arg1: memref<64x2048xf32, #tpu.memory_space<vmem>>, %arg2: memref<64x1024xbf16, #tpu.memory_space<vmem>>, %arg3: memref<2048x1024xf32, #tpu.memory_space<vmem>>) attributes {dimension_semantics = [#tpu.dimension_semantics<arbitrary>], iteration_bounds = array<i64: 49>, scalar_prefetch = 0 : i64, scratch_operands = 0 : i64, tpu.core_type = #tpu.core_type<tc>, window_params = [{transform_indices = @transform_0, window_bounds = array<i64: 64, 2048>}, {pipeline_mode = #tpu.pipeline_mode<synchronous>, transform_indices = @transform_1, window_bounds = array<i64: 64, 1024>}, {transform_indices = @transform_2, window_bounds = array<i64: 2048, 1024>}]} {
    %get3A = arith.constant 0 : index
    %get3A_0 = arith.constant 0 : index
    %get3A_1 = vector.load %arg1[%get3A, %get3A_0] : memref<64x2048xf32, #tpu.memory_space<vmem>>, vector<64x2048xf32>
    %convert_element_type3A = arith.truncf %get3A_1 : vector<64x2048xf32> to vector<64x2048xbf16>
    %get3A_2 = arith.constant 0 : index
    %get3A_3 = arith.constant 0 : index
    %get3A_4 = vector.load %arg2[%get3A_2, %get3A_3] : memref<64x1024xbf16, #tpu.memory_space<vmem>>, vector<64x1024xbf16>
    %dot_general3A = arith.constant dense<0.000000e+00> : vector<2048x1024xf32>
    %dot_general3A_5 = tpu.matmul %convert_element_type3A, %get3A_4, %dot_general3A {dimension_numbers = #tpu.dot_dimension_numbers<[0], [0], [1], [1], [0, 1, 1, 1], [], []>, transpose_lhs_hint = false} : vector<64x2048xbf16>, vector<64x1024xbf16>, vector<2048x1024xf32> -> vector<2048x1024xf32>
    %swap3A = arith.constant 0 : index
    %swap3A_6 = arith.constant 0 : index
    %swap3A_7 = vector.load %arg3[%swap3A, %swap3A_6] : memref<2048x1024xf32, #tpu.memory_space<vmem>>, vector<2048x1024xf32>
    tpu.vector_store %arg3[%swap3A, %swap3A_6], %dot_general3A_5 {strides = array<i32>} : memref<2048x1024xf32, #tpu.memory_space<vmem>>, vector<2048x1024xf32>,
    return
  }
  func.func @transform_0(%arg0: i32) -> (i32, i32) {
    %c0_i32 = arith.constant 0 : i32
    %c0_i32_0 = arith.constant 0 : i32
    return %c0_i32, %arg0 : i32, i32
  }
  func.func @transform_1(%arg0: i32) -> (i32, i32) {
    %c0_i32 = arith.constant 0 : i32
    %c0_i32_0 = arith.constant 0 : i32
    %c0_i32_1 = arith.constant 0 : i32
    return %c0_i32, %c0_i32_0 : i32, i32
  }
  func.func @transform_2(%arg0: i32) -> (i32, i32) {
    %c0_i32 = arith.constant 0 : i32
    %c0_i32_0 = arith.constant 0 : i32
    return %arg0, %c0_i32 : i32, i32
  }
}

</mosaic_0001>

<sc_bundles>
// kernel: kernel.4.cloned.1.call-start
scs
__scs_entry_jumppad:
0x0: {  	(pc) =	sbr.rel $0x88, $3  }
0x1: {  	(tag) =	ssettag $0x0;
	lr =	simm.s32 $0x1  }
0x2: {  	[smem:$0x3F9E] =	sst lr;
	_ =	strace $0xD0000000  }
0x3: {  	_ = 	snop  }
0x4: {  	_ = 	snop  }
0x5: {  	_ = 	snop  }
0x6: {  	_ = 	snop  }
0x7: {  	_ = 	snop  }
__scs_overlays_trampoline_lowered:
0x8: {  	[smem:$0x3FAD] =	sst s0  }
0x9: {  	[smem:$0x3FAE] =	sst s1  }
0xa: {  	[smem:$0x3FAF] =	sst s2  }
0xb: {  	[smem:$0x3FB0] =	sst s3  }
0xc: {  	[smem:$0x3FB1] =	sst s4  }
0xd: {  	[smem:$0x3FB2] =	sst s5  }
0xe: {  	[smem:$0x3FB3] =	sst s6  }
0xf: {  	[smem:$0x3FB4] =	sst s7  }
0x10: {  	[smem:$0x3FB5] =	sst s8  }
0x11: {  	[smem:$0x3FB6] =	sst s9;
	s0 =	simm.s32 @!p0 $0x0  }
0x12: {  	s1 =	sld [smem:$0x3F9C];
	s0 =	simm.s32 @p0 $0x1  }
0x13: {  	[smem:$0x3FB7] =	sst s0;
	s0 =	simm.s32 @!p1 $0x0  }
0x14: {  	s2 =	sld [smem:$0x3F9B];
	s0 =	simm.s32 @p1 $0x1  }
0x15: {  	[smem:$0x3FB8] =	sst s0;
	s0 =	simm.s32 @!p2 $0x0  }
0x16: {  	s3 =	sld [smem:$0x3FDB];
	s0 =	simm.s32 @p2 $0x1  }
0x17: {  	s4 =	simm.s32 $0x1BF5;
	[smem:$0x3FBA] =	sst s0  }
0x18: {  	s0 =	sld [smem:$0x3F9D];
	_ =	swait.ge [sflag:s4], $0x0  }
0x19: {  	s7 =	sld [smem:$0x3F9E]  }
0x1a: {  	s8 =	sadd.s32 $0xFFFFE003, lr  }
0x1b: {  	s9 =	sadd.s32 $0xFFFFFEF7, lr;
	s5 =	simm.s32 $0xFFFFFFFF;
	p2 =	slt.u32 s8, $0xFFFFF086  }
0x1c: {  	p1 =	slt.u32 s9, $0xF7A;
	s5 =	simm.s32 @!p2 $0x0  }
0x1d: {  	s5 =	simm.s32 @p1 $0x1;
	p0 =	seq.s32 s7, s2  }
0x1e: {  	s7 =	smul.u32 @!p0 $0xF7A, s2;
	p2 =	seq.s32 @!p0 s5, $0x0  }
0x1f: {  	s9 =	smul.u32 $0xF7A, s1;
	s8 =	simm.s32 @!p0 $0x1BF5;
	p2 =	por !p2, p0  }
0x20: {  	[sflag:s8] =	ssyncset.s32 @!p0 $0xFFFFF086;
	s6 =	sadd.s32 @!p0 s3, s7;
	s7 =	simm.s32 @!p0 $0x108  }
0x21: {  	s3 =	sadd.s32 s3, s9;
	s6 =	sadd.s32 @!p0 $0x88, s6;
	s7 =	simm.s32 @p2 $0x1082  }
0x22: {  	[simem:s7], [sflag:s8] =	dma.local @!p0 [hbm:s6], $0xF7A  }
0x23: {  	s9 =	sor.u32 $0xD0000000, s2;
	s6 =	simm.s32 $0x108;
	_ =	swait.ge @!p0 [sflag:s8], $0x0  }
0x24: {  	s3 =	sadd.s32 $0x88, s3;
	s6 =	simm.s32 @!p1 $0x1082;
	[sflag:s4] =	ssyncset.s32 $0xFFFFF086  }
0x25: {  	[simem:s6], [sflag:s4] =	dma.local [hbm:s3], $0xF7A  }
0x26: {  	[smem:$0x3F9E] =	sst s1;
	(tag) =	ssettag s2;
	_ =	strace s9  }
0x27: {  	s1 =	sld [smem:$0x3FAE]  }
0x28: {  	s2 =	sld [smem:$0x3FAF]  }
0x29: {  	s4 =	sld [smem:$0x3FB1]  }
0x2a: {  	p0 =	seq.s32 s5, $0x0;
	s5 =	sld [smem:$0x3FB2]  }
0x2b: {  	s6 =	sld [smem:$0x3FB3]  }
0x2c: {  	s7 =	sld [smem:$0x3FB4]  }
0x2d: {  	s3 =	simm.s32 $0x108;
	s8 =	sld [smem:$0x3FB5]  }
0x2e: {  	s3 =	simm.s32 @!p0 $0x1082;
	s9 =	sld [smem:$0x3FB6]  }
0x2f: {  	lr =	sadd.s32 s0, s3;
	s0 =	sld [smem:$0x3FAD]  }
0x30: {  	s3 =	sld [smem:$0x3FB0]  }
0x31: {  	[smem:$0x3FB9] =	sst s10  }
0x32: {  	s10 =	sld [smem:$0x3FB7];
	_ =	sdelay $0x3  }
0x33: {  	p0 =	seq.s32 s10, $0x1;
	s10 =	sld [smem:$0x3FB9];
	_ =	sdelay $0x3  }
0x34: {  	[smem:$0x3FB9] =	sst s10  }
0x35: {  	s10 =	sld [smem:$0x3FB8];
	_ =	sdelay $0x3  }
0x36: {  	p1 =	seq.s32 s10, $0x1;
	s10 =	sld [smem:$0x3FB9];
	_ =	sdelay $0x3  }
0x37: {  	[smem:$0x3FB9] =	sst s10  }
0x38: {  	s10 =	sld [smem:$0x3FBA]  }
0x39: {  	_ = 	snop;
	(pc) =	sbr.ind lr, $3  }
0x3a: {  	_ = 	snop  }
0x3b: {  	_ = 	snop  }
0x3c: {  	p2 =	seq.s32 s10, $0x1;
	s10 =	sld [smem:$0x3FB9]  }
0x3d: {  	_ =	shalt  }
0x3e: {  	_ =	shalt  }
0x3f: {  	_ =	shalt  }
0x40: {  	_ =	shalt  }
0x41: {  	_ =	shalt  }
0x42: {  	_ =	shalt  }
0x43: {  	_ =	shalt  }
0x44: {  	_ =	shalt  }
0x45: {  	_ =	shalt  }
0x46: {  	_ =	shalt  }
0x47: {  	_ =	shalt  }
0x48: {  	_ =	shalt  }
0x49: {  	_ =	shalt  }
0x4a: {  	_ =	shalt  }
0x4b: {  	_ =	shalt  }
0x4c: {  	_ =	shalt  }
0x4d: {  	_ =	shalt  }
0x4e: {  	_ =	shalt  }
0x4f: {  	_ =	shalt  }
0x50: {  	_ =	shalt  }
0x51: {  	_ =	shalt  }
0x52: {  	_ =	shalt  }
0x53: {  	_ =	shalt  }
0x54: {  	_ =	shalt  }
0x55: {  	_ =	shalt  }
0x56: {  	_ =	shalt  }
0x57: {  	_ =	shalt  }
0x58: {  	_ =	shalt  }
0x59: {  	_ =	shalt  }
0x5a: {  	_ =	shalt  }
0x5b: {  	_ =	shalt  }
0x5c: {  	_ =	shalt  }
0x5d: {  	_ =	shalt  }
0x5e: {  	_ =	shalt  }
0x5f: {  	_ =	shalt  }
0x60: {  	_ =	shalt  }
0x61: {  	_ =	shalt  }
0x62: {  	_ =	shalt  }
0x63: {  	_ =	shalt  }
0x64: {  	_ =	shalt  }
0x65: {  	_ =	shalt  }
0x66: {  	_ =	shalt  }
0x67: {  	_ =	shalt  }
0x68: {  	_ =	shalt  }
0x69: {  	_ =	shalt  }
0x6a: {  	_ =	shalt  }
0x6b: {  	_ =	shalt  }
0x6c: {  	_ =	shalt  }
0x6d: {  	_ =	shalt  }
0x6e: {  	_ =	shalt  }
0x6f: {  	_ =	shalt  }
0x70: {  	_ =	shalt  }
0x71: {  	_ =	shalt  }
0x72: {  	_ =	shalt  }
0x73: {  	_ =	shalt  }
0x74: {  	_ =	shalt  }
0x75: {  	_ =	shalt  }
0x76: {  	_ =	shalt  }
0x77: {  	_ =	shalt  }
0x78: {  	_ =	shalt  }
0x79: {  	_ =	shalt  }
0x7a: {  	_ =	shalt  }
0x7b: {  	_ =	shalt  }
0x7c: {  	_ =	shalt  }
0x7d: {  	_ =	shalt  }
0x7e: {  	_ =	shalt  }
0x7f: {  	_ =	shalt  }
0x80: {  	_ =	shalt  }
0x81: {  	_ =	shalt  }
0x82: {  	_ =	shalt  }
0x83: {  	_ =	shalt  }
0x84: {  	_ =	shalt  }
0x85: {  	_ =	shalt  }
0x86: {  	_ =	shalt  }
0x87: {  	_ =	shalt  }
.Lfunc_end0:
.L_simem_size_0:
called_computation_lowered:
.L_overlay_start_0:
0x88: {  	s2 =	sld [smem:$0x3FD9]  }
0x89: {  	s3 =	sld [smem:$0x3FFE];
	_ =	sdelay $0x1  }
0x8a: {  	s1 =	srdreg.scid  }
0x8b: {  	s0 =	sand.u32 $0x1, s1  }
0x8c: {  	s17 =	sshll.u32 s0, $0xA;
	s2 =	sadd.s32 s3, s2  }
0x8d: {  	s2 =	sadd.s32 s2, s17  }
0x8e: {  	[smem:$0x3FC5] =	sst s2  }
0x8f: {  	_ = 	snop  }
0x90: {  	s2 =	sld [smem:$0x3FD0];
	(tm) =	ssettm $0x1  }
0x91: {  	s18 =	sld [smem:$0x3FFB];
	_ =	sdelay $0x3  }
0x92: {  	_ =	strace s18  }
0x93: {  	s3 =	sld [smem:$0x3FFC];
	_ =	sdelay $0x3  }
0x94: {  	_ =	strace s3  }
0x95: {  	s3 =	sld [smem:$0x3FFD];
	_ =	sdelay $0x3  }
0x96: {  	_ =	strace s3  }
0x97: {  	_ =	strace $0x8FFFFFFF  }
0x98: {  	s19 =	sld [smem:$0x3FDB];
	_ =	sdelay $0x1  }
0x99: {  	s4 =	simm.s32 $_scs_section_size  }
0x9a: {  	s5 =	simm.s32 $_size__tile_overlayer_lowered;
	s6 =	simm.s32 $_tile_overlayer_lowered  }
0x9b: {  	s22 =	simm.s32 $0x1BFF;
	s21 =	sshll.u32 s6, $0x1;
	s3 =	sadd.s32 s4, s19  }
0x9c: {  	s7 =	simm.s32 $0x0;
	s20 =	sshll.u32 s5, $0x1;
	s5 =	sadd.s32 s21, s3  }
0x9d: {  	[timem:s7], [sflag:s22] =	dma.local [hbm:s5], s20  }
0x9e: {  	_ =	swait.ge [sflag:s22], s20  }
0x9f: {  	s4 =	ssub.s32 $0x0, s20;
	[sflag:s22] =	ssyncset.done $0x0  }
0xa0: {  	[sflag:s22] =	ssyncadd.s32 s4;
	_ =	sdelay $0x1  }
0xa1: {  	s23 =	simm.s32 $0x1B8B  }
0xa2: {  	_ =	swait.ge [sflag:s23], $0x1  }
0xa3: {  	[sflag:s23] =	ssyncset.done $0x0  }
0xa4: {  	s25 =	simm.s32 $0x1B8E;
	s24 =	sld [smem:$0x3FFE];
	[sflag:s23] =	ssyncadd.s32 $0xFFFFFFFF  }
0xa5: {  	s26 =	simm.s32 $execute0_lowered;
	[smem:$0x3FD2] =	sst s25  }
0xa6: {  	s5 =	sshll.u32 s26, $0x1;
	_ =	strace $0x80000046;
	[dreg:$0x1] =	wrdreg $0xFFFFFFFF  }
0xa7: {  	s28 =	simm.s32 $_size_execute0_lowered;
	s3 =	sadd.s32 s3, s5;
	[dreg:$0x0] =	wrdreg $0x0  }
0xa8: {  	s5 =	sshll.u32 s28, $0x1;
	[dreg:$0x2] =	wrdreg s3  }
0xa9: {  	[dreg:$0x3] =	wrdreg s5  }
0xaa: {  	[dreg:$0x4] =	wrdreg $0xC0  }
0xab: {  	_ =	task [dreg:s7], $0x5FFFF  }
0xac: {  	[dreg:$0x1] =	wrdreg $0xFFFFFFFF  }
0xad: {  	[dreg:$0x0] =	wrdreg $0x60  }
0xae: {  	[dreg:$0x2] =	wrdreg s24  }
0xaf: {  	[dreg:$0x3] =	wrdreg s2  }
0xb0: {  	[dreg:$0x4] =	wrdreg $0x9  }
0xb1: {  	_ =	task.clear_ibuf [dreg:s7], $0x5FFFF;
	_ =	strace $0x90000046  }
0xb2: {  	s29 =	simm.s32 $0x9;
	_ =	strace $0x80000048  }
0xb3: {  	_ =	swait.ge [sflag:s29], $0x1  }
0xb4: {  	[sflag:s29] =	ssyncadd.s32 $0xFFFFFFFF  }
0xb5: {  	_ =	strace $0x90000048  }
0xb6: {  	_ =	sfence  }
0xb7: {  	s30 =	sld [smem:$0x0];
	_ =	sdelay $0x2  }
0xb8: {  	s31 =	sshll.u32 s1, $0xD;
	s1 =	sshrl.u32 s1, $0x2  }
0xb9: {  	s3 =	sand.u32 $0x4000, s31;
	s1 =	sadd.s32 s1, s30  }
0xba: {  	s0 =	sor.u32 s3, s0;
	s1 =	sshll.u32 s1, $0x11  }
0xbb: {  	s0 =	sor.u32 s1, s0  }
0xbc: {  	s0 =	sadd.s32 $0x8F2B, s0  }
0xbd: {  	[sflag:s0] =	ssyncadd.remote.s32 $0x1  }
0xbe: {  	_ =	sfence.sel $0xFFFF  }
0xbf: {  	[dreg:$0x0] =	wrdreg $0xFFFFFFFF;
	(pc) =	sbr.abs _section_cstart, $3  }
0xc0: {  	[dreg:$0x1] =	wrdreg $0xFFFFFFFF  }
0xc1: {  	_ =	task.clear_ibuf [dreg:s7], $0x2FFFF;
	_ =	strace $0x9FFFFFFF  }
0xc2: {  	(tm) =	ssettm $0x7FFFFFFF  }
0xc3: {  	_ =	shalt  }
tec
execute0_lowered:
.L_overlay_start_1:
0x0: {  	(tag) =	ssettag $0x1  }
0x1: {  	s0 =	srdreg.scid;
	s1 =	rddreg [dreg:$0x0]  }
0x2: {  	s2 =	stileid.u32;
	s3 =	rddreg [dreg:$0x1]  }
0x3: {  	s8 =	simm.s32 $0x2;
	s9 =	simm.s32 $0x80;
	s20 =	simm.s32 $0x2300  }
0x4: {  	s21 =	simm.s32 $0x4B00;
	s22 =	simm.s32 $0x2380;
	s23 =	simm.s32 $0x2400  }
0x5: {  	s7 =	simm.s32 $0x4C00;
	s24 =	simm.s32 $0x2480;
	s28 =	simm.s32 $0x4D00  }
0x6: {  	s29 =	simm.s32 $0x2580;
	s30 =	simm.s32 $0x4D80;
	s31 =	simm.s32 $0x2600  }
0x7: {  	s10 =	simm.s32 $0x4E80;
	s11 =	simm.s32 $0x2700;
	s12 =	simm.s32 $0x2780  }
0x8: {  	s13 =	simm.s32 $0x4F80;
	s14 =	simm.s32 $0x1;
	s15 =	simm.s32 $0x0  }
0x9: {  	s0 =	sand.u32 $0x1, s0;
	s4 =	sshll.u32 s2, $0x2;
	s2 =	simm.s32 $0x0  }
0xa: {  	s6 =	sadd.s32 $0x400, s1;
	s5 =	sshll.u32 s0, $0x1;
	[smem:$0x7FF] =	sst s2  }
0xb: {  	s0 =	ssub.s32 $0x2, s0;
	s4 =	sor.u32 s5, s4;
	_ =	strace $0x80000047  }
0xc: {  	[dreg:$0x3] =	wrdreg s6;
	s26 =	sshrl.u32 s0, $0x1;
	s5 =	smul.u32 $0x186A0, s4  }
0xd: {  	s6 =	simm.s32 $0x4B80;
	s25 =	sshll.u32 s4, $0x7;
	s4 =	smul.u32 $0x30D4, s4  }
0xe: {  	s0 =	ssub.s32 s0, s26;
	s26 =	simm.s32 $0x2500;
	s1 =	sadd.s32 s25, s1  }
0xf: {  	s0 =	smax.u32 s0, $0x1;
	s25 =	simm.s32 $0x4C80;
	s5 =	sshrl.u32 s5, $0x3  }
0x10: {  	s4 =	sadd.s32 s3, s4;
	s1 =	sadd.s32 $0xA00, s1;
	[dreg:$0x5] =	wrdreg s0  }
0x11: {  	s0 =	simm.s32 $0x2680;
	s5 =	sadd.s32 s3, s5;
	[dreg:$0x4] =	wrdreg s1  }
0x12: {  	s1 =	simm.s32 $0x4E00;
	s3 =	simm.s32 $0x4F00;
	s5 =	sadd.s32 $0x30D4, s5  }
.LBB2_1:
0x13: {  	s16 =	rddreg [dreg:$0x3]  }
0x14: {  	[tilespmem:s2], [sflag:$0x2] =	stream.linear.gather [hbm4b:s16+s2], $0x2800, $0x38;
	[tilespmem:$0x5800] =	vst v63  }
0x15: {  	_ =	swait.ge [sflag:s8], $0x2800  }
0x16: {  	[sflag:s8] =	ssyncset.done $0x0  }
0x17: {  	s17 =	simm.s32 $0x2800;
	[sflag:s8] =	ssyncadd.s32 $0xFFFFD800  }
0x18: {  	[tilespmem:s17], [sflag:$0x1] =	stream.indirect.gather [hbm4b:s4+s9], $0x1, s2, s9, $0xb8;
	[tilespmem:$0x5800] =	vst v63  }
0x19: {  	s18 =	simm.s32 $0x2880  }
0x1a: {  	[tilespmem:s18], [sflag:$0x1] =	stream.indirect.gather [hbm4b:s4+s9], $0x1, s9, s9, $0xb8;
	[tilespmem:$0x5800] =	vst v63  }
0x1b: {  	s19 =	simm.s32 $0x100;
	s17 =	simm.s32 $0x2900  }
0x1c: {  	[tilespmem:s17], [sflag:$0x1] =	stream.indirect.gather [hbm4b:s4+s9], $0x1, s19, s9, $0xb8;
	[tilespmem:$0x5800] =	vst v63  }
0x1d: {  	s18 =	simm.s32 $0x180;
	s19 =	simm.s32 $0x2980  }
0x1e: {  	[tilespmem:s19], [sflag:$0x1] =	stream.indirect.gather [hbm4b:s4+s9], $0x1, s18, s9, $0xb8;
	[tilespmem:$0x5800] =	vst v63  }
0x1f: {  	s18 =	simm.s32 $0x200;
	s19 =	simm.s32 $0x2A00  }
0x20: {  	[tilespmem:s19], [sflag:$0x1] =	stream.indirect.gather [hbm4b:s4+s9], $0x1, s18, s9, $0xb8;
	[tilespmem:$0x5800] =	vst v63  }
0x21: {  	s18 =	simm.s32 $0x280;
	s19 =	simm.s32 $0x2A80  }
0x22: {  	[tilespmem:s19], [sflag:$0x1] =	stream.indirect.gather [hbm4b:s4+s9], $0x1, s18, s9, $0xb8;
	[tilespmem:$0x5800] =	vst v63  }
0x23: {  	s18 =	simm.s32 $0x300;
	s19 =	simm.s32 $0x2B00  }
0x24: {  	[tilespmem:s19], [sflag:$0x1] =	stream.indirect.gather [hbm4b:s4+s9], $0x1, s18, s9, $0xb8;
	[tilespmem:$0x5800] =	vst v63  }
0x25: {  	s18 =	simm.s32 $0x380;
	s19 =	simm.s32 $0x2B80  }
0x26: {  	[tilespmem:s19], [sflag:$0x1] =	stream.indirect.gather [hbm4b:s4+s9], $0x1, s18, s9, $0xb8;
	[tilespmem:$0x5800] =	vst v63  }
0x27: {  	s18 =	simm.s32 $0x400;
	s19 =	simm.s32 $0x2C00  }
0x28: {  	[tilespmem:s19], [sflag:$0x1] =	stream.indirect.gather [hbm4b:s4+s9], $0x1, s18, s9, $0xb8;
	[tilespmem:$0x5800] =	vst v63  }
0x29: {  	s18 =	simm.s32 $0x480;
	s19 =	simm.s32 $0x2C80  }
0x2a: {  	[tilespmem:s19], [sflag:$0x1] =	stream.indirect.gather [hbm4b:s4+s9], $0x1, s18, s9, $0xb8;
	[tilespmem:$0x5800] =	vst v63  }
0x2b: {  	s18 =	simm.s32 $0x500;
	s19 =	simm.s32 $0x2D00  }
0x2c: {  	[tilespmem:s19], [sflag:$0x1] =	stream.indirect.gather [hbm4b:s4+s9], $0x1, s18, s9, $0xb8;
	[tilespmem:$0x5800] =	vst v63  }
0x2d: {  	s18 =	simm.s32 $0x580;
	s19 =	simm.s32 $0x2D80  }
0x2e: {  	[tilespmem:s19], [sflag:$0x1] =	stream.indirect.gather [hbm4b:s4+s9], $0x1, s18, s9, $0xb8;
	[tilespmem:$0x5800] =	vst v63  }
0x2f: {  	s18 =	simm.s32 $0x600;
	s19 =	simm.s32 $0x2E00  }
0x30: {  	[tilespmem:s19], [sflag:$0x1] =	stream.indirect.gather [hbm4b:s4+s9], $0x1, s18, s9, $0xb8;
	[tilespmem:$0x5800] =	vst v63  }
0x31: {  	s18 =	simm.s32 $0x680;
	s19 =	simm.s32 $0x2E80  }
0x32: {  	[tilespmem:s19], [sflag:$0x1] =	stream.indirect.gather [hbm4b:s4+s9], $0x1, s18, s9, $0xb8;
	[tilespmem:$0x5800] =	vst v63  }
0x33: {  	s18 =	simm.s32 $0x700;
	s19 =	simm.s32 $0x2F00  }
0x34: {  	[tilespmem:s19], [sflag:$0x1] =	stream.indirect.gather [hbm4b:s4+s9], $0x1, s18, s9, $0xb8;
	[tilespmem:$0x5800] =	vst v63  }
0x35: {  	s18 =	simm.s32 $0x780;
	s19 =	simm.s32 $0x2F80  }
0x36: {  	[tilespmem:s19], [sflag:$0x1] =	stream.indirect.gather [hbm4b:s4+s9], $0x1, s18, s9, $0xb8;
	[tilespmem:$0x5800] =	vst v63  }
0x37: {  	s18 =	simm.s32 $0x800;
	s19 =	simm.s32 $0x3000  }
0x38: {  	[tilespmem:s19], [sflag:$0x1] =	stream.indirect.gather [hbm4b:s4+s9], $0x1, s18, s9, $0xb8;
	[tilespmem:$0x5800] =	vst v63  }
0x39: {  	s18 =	simm.s32 $0x880;
	s19 =	simm.s32 $0x3080  }
0x3a: {  	[tilespmem:s19], [sflag:$0x1] =	stream.indirect.gather [hbm4b:s4+s9], $0x1, s18, s9, $0xb8;
	[tilespmem:$0x5800] =	vst v63  }
0x3b: {  	s18 =	simm.s32 $0x900;
	s19 =	simm.s32 $0x3100  }
0x3c: {  	[tilespmem:s19], [sflag:$0x1] =	stream.indirect.gather [hbm4b:s4+s9], $0x1, s18, s9, $0xb8;
	[tilespmem:$0x5800] =	vst v63  }
0x3d: {  	s18 =	simm.s32 $0x980;
	s19 =	simm.s32 $0x3180  }
0x3e: {  	[tilespmem:s19], [sflag:$0x1] =	stream.indirect.gather [hbm4b:s4+s9], $0x1, s18, s9, $0xb8;
	[tilespmem:$0x5800] =	vst v63  }
0x3f: {  	s18 =	simm.s32 $0xA00;
	s19 =	simm.s32 $0x3200  }
0x40: {  	[tilespmem:s19], [sflag:$0x1] =	stream.indirect.gather [hbm4b:s4+s9], $0x1, s18, s9, $0xb8;
	[tilespmem:$0x5800] =	vst v63  }
0x41: {  	s18 =	simm.s32 $0xA80;
	s19 =	simm.s32 $0x3280  }
0x42: {  	[tilespmem:s19], [sflag:$0x1] =	stream.indirect.gather [hbm4b:s4+s9], $0x1, s18, s9, $0xb8;
	[tilespmem:$0x5800] =	vst v63  }
0x43: {  	s18 =	simm.s32 $0xB00;
	s19 =	simm.s32 $0x3300  }
0x44: {  	[tilespmem:s19], [sflag:$0x1] =	stream.indirect.gather [hbm4b:s4+s9], $0x1, s18, s9, $0xb8;
	[tilespmem:$0x5800] =	vst v63  }
0x45: {  	s18 =	simm.s32 $0xB80;
	s19 =	simm.s32 $0x3380  }
0x46: {  	[tilespmem:s19], [sflag:$0x1] =	stream.indirect.gather [hbm4b:s4+s9], $0x1, s18, s9, $0xb8;
	[tilespmem:$0x5800] =	vst v63  }
0x47: {  	s18 =	simm.s32 $0xC00;
	s19 =	simm.s32 $0x3400  }
0x48: {  	[tilespmem:s19], [sflag:$0x1] =	stream.indirect.gather [hbm4b:s4+s9], $0x1, s18, s9, $0xb8;
	[tilespmem:$0x5800] =	vst v63  }
0x49: {  	s18 =	simm.s32 $0xC80;
	s19 =	simm.s32 $0x3480  }
0x4a: {  	[tilespmem:s19], [sflag:$0x1] =	stream.indirect.gather [hbm4b:s4+s9], $0x1, s18, s9, $0xb8;
	[tilespmem:$0x5800] =	vst v63  }
0x4b: {  	s18 =	simm.s32 $0xD00;
	s19 =	simm.s32 $0x3500  }
0x4c: {  	[tilespmem:s19], [sflag:$0x1] =	stream.indirect.gather [hbm4b:s4+s9], $0x1, s18, s9, $0xb8;
	[tilespmem:$0x5800] =	vst v63  }
0x4d: {  	s18 =	simm.s32 $0xD80;
	s19 =	simm.s32 $0x3580  }
0x4e: {  	[tilespmem:s19], [sflag:$0x1] =	stream.indirect.gather [hbm4b:s4+s9], $0x1, s18, s9, $0xb8;
	[tilespmem:$0x5800] =	vst v63  }
0x4f: {  	s18 =	simm.s32 $0xE00;
	s19 =	simm.s32 $0x3600  }
0x50: {  	[tilespmem:s19], [sflag:$0x1] =	stream.indirect.gather [hbm4b:s4+s9], $0x1, s18, s9, $0xb8;
	[tilespmem:$0x5800] =	vst v63  }
0x51: {  	s18 =	simm.s32 $0xE80;
	s19 =	simm.s32 $0x3680  }
0x52: {  	[tilespmem:s19], [sflag:$0x1] =	stream.indirect.gather [hbm4b:s4+s9], $0x1, s18, s9, $0xb8;
	[tilespmem:$0x5800] =	vst v63  }
0x53: {  	s18 =	simm.s32 $0xF00;
	s19 =	simm.s32 $0x3700  }
0x54: {  	[tilespmem:s19], [sflag:$0x1] =	stream.indirect.gather [hbm4b:s4+s9], $0x1, s18, s9, $0xb8;
	[tilespmem:$0x5800] =	vst v63  }
0x55: {  	s18 =	simm.s32 $0xF80;
	s19 =	simm.s32 $0x3780  }
0x56: {  	[tilespmem:s19], [sflag:$0x1] =	stream.indirect.gather [hbm4b:s4+s9], $0x1, s18, s9, $0xb8;
	[tilespmem:$0x5800] =	vst v63  }
0x57: {  	s18 =	simm.s32 $0x1000;
	s19 =	simm.s32 $0x3800  }
0x58: {  	[tilespmem:s19], [sflag:$0x1] =	stream.indirect.gather [hbm4b:s4+s9], $0x1, s18, s9, $0xb8;
	[tilespmem:$0x5800] =	vst v63  }
0x59: {  	s18 =	simm.s32 $0x1080;
	s19 =	simm.s32 $0x3880  }
0x5a: {  	[tilespmem:s19], [sflag:$0x1] =	stream.indirect.gather [hbm4b:s4+s9], $0x1, s18, s9, $0xb8;
	[tilespmem:$0x5800] =	vst v63  }
0x5b: {  	s18 =	simm.s32 $0x1100;
	s19 =	simm.s32 $0x3900  }
0x5c: {  	[tilespmem:s19], [sflag:$0x1] =	stream.indirect.gather [hbm4b:s4+s9], $0x1, s18, s9, $0xb8;
	[tilespmem:$0x5800] =	vst v63  }
0x5d: {  	s18 =	simm.s32 $0x1180;
	s19 =	simm.s32 $0x3980  }
0x5e: {  	[tilespmem:s19], [sflag:$0x1] =	stream.indirect.gather [hbm4b:s4+s9], $0x1, s18, s9, $0xb8;
	[tilespmem:$0x5800] =	vst v63  }
0x5f: {  	s18 =	simm.s32 $0x1200;
	s19 =	simm.s32 $0x3A00  }
0x60: {  	[tilespmem:s19], [sflag:$0x1] =	stream.indirect.gather [hbm4b:s4+s9], $0x1, s18, s9, $0xb8;
	[tilespmem:$0x5800] =	vst v63  }
0x61: {  	s18 =	simm.s32 $0x1280;
	s19 =	simm.s32 $0x3A80  }
0x62: {  	[tilespmem:s19], [sflag:$0x1] =	stream.indirect.gather [hbm4b:s4+s9], $0x1, s18, s9, $0xb8;
	[tilespmem:$0x5800] =	vst v63  }
0x63: {  	s18 =	simm.s32 $0x1300;
	s19 =	simm.s32 $0x3B00  }
0x64: {  	[tilespmem:s19], [sflag:$0x1] =	stream.indirect.gather [hbm4b:s4+s9], $0x1, s18, s9, $0xb8;
	[tilespmem:$0x5800] =	vst v63  }
0x65: {  	s18 =	simm.s32 $0x1380;
	s19 =	simm.s32 $0x3B80  }
0x66: {  	[tilespmem:s19], [sflag:$0x1] =	stream.indirect.gather [hbm4b:s4+s9], $0x1, s18, s9, $0xb8;
	[tilespmem:$0x5800] =	vst v63  }
0x67: {  	s18 =	simm.s32 $0x1400;
	s19 =	simm.s32 $0x3C00  }
0x68: {  	[tilespmem:s19], [sflag:$0x1] =	stream.indirect.gather [hbm4b:s4+s9], $0x1, s18, s9, $0xb8;
	[tilespmem:$0x5800] =	vst v63  }
0x69: {  	s18 =	simm.s32 $0x1480;
	s19 =	simm.s32 $0x3C80  }
0x6a: {  	[tilespmem:s19], [sflag:$0x1] =	stream.indirect.gather [hbm4b:s4+s9], $0x1, s18, s9, $0xb8;
	[tilespmem:$0x5800] =	vst v63  }
0x6b: {  	s18 =	simm.s32 $0x1500;
	s19 =	simm.s32 $0x3D00  }
0x6c: {  	[tilespmem:s19], [sflag:$0x1] =	stream.indirect.gather [hbm4b:s4+s9], $0x1, s18, s9, $0xb8;
	[tilespmem:$0x5800] =	vst v63  }
0x6d: {  	s18 =	simm.s32 $0x1580;
	s19 =	simm.s32 $0x3D80  }
0x6e: {  	[tilespmem:s19], [sflag:$0x1] =	stream.indirect.gather [hbm4b:s4+s9], $0x1, s18, s9, $0xb8;
	[tilespmem:$0x5800] =	vst v63  }
0x6f: {  	s18 =	simm.s32 $0x1600;
	s19 =	simm.s32 $0x3E00  }
0x70: {  	[tilespmem:s19], [sflag:$0x1] =	stream.indirect.gather [hbm4b:s4+s9], $0x1, s18, s9, $0xb8;
	[tilespmem:$0x5800] =	vst v63  }
0x71: {  	s18 =	simm.s32 $0x1680;
	s19 =	simm.s32 $0x3E80  }
0x72: {  	[tilespmem:s19], [sflag:$0x1] =	stream.indirect.gather [hbm4b:s4+s9], $0x1, s18, s9, $0xb8;
	[tilespmem:$0x5800] =	vst v63  }
0x73: {  	s18 =	simm.s32 $0x1700;
	s19 =	simm.s32 $0x3F00  }
0x74: {  	[tilespmem:s19], [sflag:$0x1] =	stream.indirect.gather [hbm4b:s4+s9], $0x1, s18, s9, $0xb8;
	[tilespmem:$0x5800] =	vst v63  }
0x75: {  	s18 =	simm.s32 $0x1780;
	s19 =	simm.s32 $0x3F80  }
0x76: {  	[tilespmem:s19], [sflag:$0x1] =	stream.indirect.gather [hbm4b:s4+s9], $0x1, s18, s9, $0xb8;
	[tilespmem:$0x5800] =	vst v63  }
0x77: {  	s18 =	simm.s32 $0x1800;
	s19 =	simm.s32 $0x4000  }
0x78: {  	[tilespmem:s19], [sflag:$0x1] =	stream.indirect.gather [hbm4b:s4+s9], $0x1, s18, s9, $0xb8;
	[tilespmem:$0x5800] =	vst v63  }
0x79: {  	s18 =	simm.s32 $0x1880;
	s19 =	simm.s32 $0x4080  }
0x7a: {  	[tilespmem:s19], [sflag:$0x1] =	stream.indirect.gather [hbm4b:s4+s9], $0x1, s18, s9, $0xb8;
	[tilespmem:$0x5800] =	vst v63  }
0x7b: {  	s18 =	simm.s32 $0x1900;
	s19 =	simm.s32 $0x4100  }
0x7c: {  	[tilespmem:s19], [sflag:$0x1] =	stream.indirect.gather [hbm4b:s4+s9], $0x1, s18, s9, $0xb8;
	[tilespmem:$0x5800] =	vst v63  }
0x7d: {  	s18 =	simm.s32 $0x1980;
	s19 =	simm.s32 $0x4180  }
0x7e: {  	[tilespmem:s19], [sflag:$0x1] =	stream.indirect.gather [hbm4b:s4+s9], $0x1, s18, s9, $0xb8;
	[tilespmem:$0x5800] =	vst v63  }
0x7f: {  	s18 =	simm.s32 $0x1A00;
	s19 =	simm.s32 $0x4200  }
0x80: {  	[tilespmem:s19], [sflag:$0x1] =	stream.indirect.gather [hbm4b:s4+s9], $0x1, s18, s9, $0xb8;
	[tilespmem:$0x5800] =	vst v63  }
0x81: {  	s18 =	simm.s32 $0x1A80;
	s19 =	simm.s32 $0x4280  }
0x82: {  	[tilespmem:s19], [sflag:$0x1] =	stream.indirect.gather [hbm4b:s4+s9], $0x1, s18, s9, $0xb8;
	[tilespmem:$0x5800] =	vst v63  }
0x83: {  	s18 =	simm.s32 $0x1B00;
	s19 =	simm.s32 $0x4300  }
0x84: {  	[tilespmem:s19], [sflag:$0x1] =	stream.indirect.gather [hbm4b:s4+s9], $0x1, s18, s9, $0xb8;
	[tilespmem:$0x5800] =	vst v63  }
0x85: {  	s18 =	simm.s32 $0x1B80;
	s19 =	simm.s32 $0x4380  }
0x86: {  	[tilespmem:s19], [sflag:$0x1] =	stream.indirect.gather [hbm4b:s4+s9], $0x1, s18, s9, $0xb8;
	[tilespmem:$0x5800] =	vst v63  }
0x87: {  	s18 =	simm.s32 $0x1C00;
	s19 =	simm.s32 $0x4400  }
0x88: {  	[tilespmem:s19], [sflag:$0x1] =	stream.indirect.gather [hbm4b:s4+s9], $0x1, s18, s9, $0xb8;
	[tilespmem:$0x5800] =	vst v63  }
0x89: {  	s18 =	simm.s32 $0x1C80;
	s19 =	simm.s32 $0x4480  }
0x8a: {  	[tilespmem:s19], [sflag:$0x1] =	stream.indirect.gather [hbm4b:s4+s9], $0x1, s18, s9, $0xb8;
	[tilespmem:$0x5800] =	vst v63  }
0x8b: {  	s18 =	simm.s32 $0x1D00;
	s19 =	simm.s32 $0x4500  }
0x8c: {  	[tilespmem:s19], [sflag:$0x1] =	stream.indirect.gather [hbm4b:s4+s9], $0x1, s18, s9, $0xb8;
	[tilespmem:$0x5800] =	vst v63  }
0x8d: {  	s18 =	simm.s32 $0x1D80;
	s19 =	simm.s32 $0x4580  }
0x8e: {  	[tilespmem:s19], [sflag:$0x1] =	stream.indirect.gather [hbm4b:s4+s9], $0x1, s18, s9, $0xb8;
	[tilespmem:$0x5800] =	vst v63  }
0x8f: {  	s18 =	simm.s32 $0x1E00;
	s19 =	simm.s32 $0x4600  }
0x90: {  	[tilespmem:s19], [sflag:$0x1] =	stream.indirect.gather [hbm4b:s4+s9], $0x1, s18, s9, $0xb8;
	[tilespmem:$0x5800] =	vst v63  }
0x91: {  	s18 =	simm.s32 $0x1E80;
	s19 =	simm.s32 $0x4680  }
0x92: {  	[tilespmem:s19], [sflag:$0x1] =	stream.indirect.gather [hbm4b:s4+s9], $0x1, s18, s9, $0xb8;
	[tilespmem:$0x5800] =	vst v63  }
0x93: {  	s18 =	simm.s32 $0x1F00;
	s19 =	simm.s32 $0x4700  }
0x94: {  	[tilespmem:s19], [sflag:$0x1] =	stream.indirect.gather [hbm4b:s4+s9], $0x1, s18, s9, $0xb8;
	[tilespmem:$0x5800] =	vst v63  }
0x95: {  	s18 =	simm.s32 $0x1F80;
	s19 =	simm.s32 $0x4780  }
0x96: {  	[tilespmem:s19], [sflag:$0x1] =	stream.indirect.gather [hbm4b:s4+s9], $0x1, s18, s9, $0xb8;
	[tilespmem:$0x5800] =	vst v63  }
0x97: {  	s18 =	simm.s32 $0x2000;
	s19 =	simm.s32 $0x4800  }
0x98: {  	[tilespmem:s19], [sflag:$0x1] =	stream.indirect.gather [hbm4b:s4+s9], $0x1, s18, s9, $0xb8;
	[tilespmem:$0x5800] =	vst v63  }
0x99: {  	s18 =	simm.s32 $0x2080;
	s19 =	simm.s32 $0x4880  }
0x9a: {  	[tilespmem:s19], [sflag:$0x1] =	stream.indirect.gather [hbm4b:s4+s9], $0x1, s18, s9, $0xb8;
	[tilespmem:$0x5800] =	vst v63  }
0x9b: {  	s18 =	simm.s32 $0x2100;
	s19 =	simm.s32 $0x4900  }
0x9c: {  	[tilespmem:s19], [sflag:$0x1] =	stream.indirect.gather [hbm4b:s4+s9], $0x1, s18, s9, $0xb8;
	[tilespmem:$0x5800] =	vst v63  }
0x9d: {  	s18 =	simm.s32 $0x2180;
	s19 =	simm.s32 $0x4980  }
0x9e: {  	[tilespmem:s19], [sflag:$0x1] =	stream.indirect.gather [hbm4b:s4+s9], $0x1, s18, s9, $0xb8;
	[tilespmem:$0x5800] =	vst v63  }
0x9f: {  	s18 =	simm.s32 $0x2200;
	s19 =	simm.s32 $0x4A00  }
0xa0: {  	[tilespmem:s19], [sflag:$0x1] =	stream.indirect.gather [hbm4b:s4+s9], $0x1, s18, s9, $0xb8;
	[tilespmem:$0x5800] =	vst v63  }
0xa1: {  	s18 =	simm.s32 $0x2280;
	s19 =	simm.s32 $0x4A80  }
0xa2: {  	[tilespmem:s19], [sflag:$0x1] =	stream.indirect.gather [hbm4b:s4+s9], $0x1, s18, s9, $0xb8;
	[tilespmem:$0x5800] =	vst v63  }
0xa3: {  	_ = 	snop  }
0xa4: {  	[tilespmem:s21], [sflag:$0x1] =	stream.indirect.gather [hbm4b:s4+s9], $0x1, s20, s9, $0xb8;
	[tilespmem:$0x5800] =	vst v63  }
0xa5: {  	_ = 	snop  }
0xa6: {  	[tilespmem:s6], [sflag:$0x1] =	stream.indirect.gather [hbm4b:s4+s9], $0x1, s22, s9, $0xb8;
	[tilespmem:$0x5800] =	vst v63  }
0xa7: {  	_ = 	snop  }
0xa8: {  	[tilespmem:s7], [sflag:$0x1] =	stream.indirect.gather [hbm4b:s4+s9], $0x1, s23, s9, $0xb8;
	[tilespmem:$0x5800] =	vst v63  }
0xa9: {  	_ = 	snop  }
0xaa: {  	[tilespmem:s25], [sflag:$0x1] =	stream.indirect.gather [hbm4b:s4+s9], $0x1, s24, s9, $0xb8;
	[tilespmem:$0x5800] =	vst v63  }
0xab: {  	_ = 	snop  }
0xac: {  	[tilespmem:s28], [sflag:$0x1] =	stream.indirect.gather [hbm4b:s4+s9], $0x1, s26, s9, $0xb8;
	[tilespmem:$0x5800] =	vst v63  }
0xad: {  	_ = 	snop  }
0xae: {  	[tilespmem:s30], [sflag:$0x1] =	stream.indirect.gather [hbm4b:s4+s9], $0x1, s29, s9, $0xb8;
	[tilespmem:$0x5800] =	vst v63  }
0xaf: {  	_ = 	snop  }
0xb0: {  	[tilespmem:s1], [sflag:$0x1] =	stream.indirect.gather [hbm4b:s4+s9], $0x1, s31, s9, $0xb8;
	[tilespmem:$0x5800] =	vst v63  }
0xb1: {  	_ = 	snop  }
0xb2: {  	[tilespmem:s10], [sflag:$0x1] =	stream.indirect.gather [hbm4b:s4+s9], $0x1, s0, s9, $0xb8;
	[tilespmem:$0x5800] =	vst v63  }
0xb3: {  	_ = 	snop  }
0xb4: {  	[tilespmem:s3], [sflag:$0x1] =	stream.indirect.gather [hbm4b:s4+s9], $0x1, s11, s9, $0xb8;
	[tilespmem:$0x5800] =	vst v63  }
0xb5: {  	_ = 	snop  }
0xb6: {  	[tilespmem:s13], [sflag:$0x1] =	stream.indirect.gather [hbm4b:s4+s9], $0x1, s12, s9, $0xb8;
	[tilespmem:$0x5800] =	vst v63  }
0xb7: {  	_ =	swait.ge [sflag:s14], $0x80  }
0xb8: {  	[sflag:s14] =	ssyncset.done $0x0  }
0xb9: {  	[sflag:s14] =	ssyncadd.s32 $0xFFFFFF80  }
0xba: {  	_ =	swait.ge [sflag:s14], $0x80  }
0xbb: {  	[sflag:s14] =	ssyncset.done $0x0  }
0xbc: {  	[sflag:s14] =	ssyncadd.s32 $0xFFFFFF80  }
0xbd: {  	_ =	swait.ge [sflag:s14], $0x80  }
0xbe: {  	[sflag:s14] =	ssyncset.done $0x0  }
0xbf: {  	[sflag:s14] =	ssyncadd.s32 $0xFFFFFF80  }
0xc0: {  	_ =	swait.ge [sflag:s14], $0x80  }
0xc1: {  	[sflag:s14] =	ssyncset.done $0x0  }
0xc2: {  	[sflag:s14] =	ssyncadd.s32 $0xFFFFFF80  }
0xc3: {  	_ =	swait.ge [sflag:s14], $0x80  }
0xc4: {  	[sflag:s14] =	ssyncset.done $0x0  }
0xc5: {  	[sflag:s14] =	ssyncadd.s32 $0xFFFFFF80  }
0xc6: {  	_ =	swait.ge [sflag:s14], $0x80  }
0xc7: {  	[sflag:s14] =	ssyncset.done $0x0  }
0xc8: {  	[sflag:s14] =	ssyncadd.s32 $0xFFFFFF80  }
0xc9: {  	_ =	swait.ge [sflag:s14], $0x80  }
0xca: {  	[sflag:s14] =	ssyncset.done $0x0  }
0xcb: {  	[sflag:s14] =	ssyncadd.s32 $0xFFFFFF80  }
0xcc: {  	_ =	swait.ge [sflag:s14], $0x80  }
0xcd: {  	[sflag:s14] =	ssyncset.done $0x0  }
0xce: {  	[sflag:s14] =	ssyncadd.s32 $0xFFFFFF80  }
0xcf: {  	_ =	swait.ge [sflag:s14], $0x80  }
0xd0: {  	[sflag:s14] =	ssyncset.done $0x0  }
0xd1: {  	[sflag:s14] =	ssyncadd.s32 $0xFFFFFF80  }
0xd2: {  	_ =	swait.ge [sflag:s14], $0x80  }
0xd3: {  	[sflag:s14] =	ssyncset.done $0x0  }
0xd4: {  	[sflag:s14] =	ssyncadd.s32 $0xFFFFFF80  }
0xd5: {  	_ =	swait.ge [sflag:s14], $0x80  }
0xd6: {  	[sflag:s14] =	ssyncset.done $0x0  }
0xd7: {  	[sflag:s14] =	ssyncadd.s32 $0xFFFFFF80  }
0xd8: {  	_ =	swait.ge [sflag:s14], $0x80  }
0xd9: {  	[sflag:s14] =	ssyncset.done $0x0  }
0xda: {  	[sflag:s14] =	ssyncadd.s32 $0xFFFFFF80  }
0xdb: {  	_ =	swait.ge [sflag:s14], $0x80  }
0xdc: {  	[sflag:s14] =	ssyncset.done $0x0  }
0xdd: {  	[sflag:s14] =	ssyncadd.s32 $0xFFFFFF80  }
0xde: {  	_ =	swait.ge [sflag:s14], $0x80  }
0xdf: {  	[sflag:s14] =	ssyncset.done $0x0  }
0xe0: {  	[sflag:s14] =	ssyncadd.s32 $0xFFFFFF80  }
0xe1: {  	_ =	swait.ge [sflag:s14], $0x80  }
0xe2: {  	[sflag:s14] =	ssyncset.done $0x0  }
0xe3: {  	[sflag:s14] =	ssyncadd.s32 $0xFFFFFF80  }
0xe4: {  	_ =	swait.ge [sflag:s14], $0x80  }
0xe5: {  	[sflag:s14] =	ssyncset.done $0x0  }
0xe6: {  	[sflag:s14] =	ssyncadd.s32 $0xFFFFFF80  }
0xe7: {  	_ =	swait.ge [sflag:s14], $0x80  }
0xe8: {  	[sflag:s14] =	ssyncset.done $0x0  }
0xe9: {  	[sflag:s14] =	ssyncadd.s32 $0xFFFFFF80  }
0xea: {  	_ =	swait.ge [sflag:s14], $0x80  }
0xeb: {  	[sflag:s14] =	ssyncset.done $0x0  }
0xec: {  	[sflag:s14] =	ssyncadd.s32 $0xFFFFFF80  }
0xed: {  	_ =	swait.ge [sflag:s14], $0x80  }
0xee: {  	[sflag:s14] =	ssyncset.done $0x0  }
0xef: {  	[sflag:s14] =	ssyncadd.s32 $0xFFFFFF80  }
0xf0: {  	_ =	swait.ge [sflag:s14], $0x80  }
0xf1: {  	[sflag:s14] =	ssyncset.done $0x0  }
0xf2: {  	[sflag:s14] =	ssyncadd.s32 $0xFFFFFF80  }
0xf3: {  	_ =	swait.ge [sflag:s14], $0x80  }
0xf4: {  	[sflag:s14] =	ssyncset.done $0x0  }
0xf5: {  	[sflag:s14] =	ssyncadd.s32 $0xFFFFFF80  }
0xf6: {  	_ =	swait.ge [sflag:s14], $0x80  }
0xf7: {  	[sflag:s14] =	ssyncset.done $0x0  }
0xf8: {  	[sflag:s14] =	ssyncadd.s32 $0xFFFFFF80  }
0xf9: {  	_ =	swait.ge [sflag:s14], $0x80  }
0xfa: {  	[sflag:s14] =	ssyncset.done $0x0  }
0xfb: {  	[sflag:s14] =	ssyncadd.s32 $0xFFFFFF80  }
0xfc: {  	_ =	swait.ge [sflag:s14], $0x80  }
0xfd: {  	[sflag:s14] =	ssyncset.done $0x0  }
0xfe: {  	[sflag:s14] =	ssyncadd.s32 $0xFFFFFF80  }
0xff: {  	_ =	swait.ge [sflag:s14], $0x80  }
0x100: {  	[sflag:s14] =	ssyncset.done $0x0  }
0x101: {  	[sflag:s14] =	ssyncadd.s32 $0xFFFFFF80  }
0x102: {  	_ =	swait.ge [sflag:s14], $0x80  }
0x103: {  	[sflag:s14] =	ssyncset.done $0x0  }
0x104: {  	[sflag:s14] =	ssyncadd.s32 $0xFFFFFF80  }
0x105: {  	_ =	swait.ge [sflag:s14], $0x80  }
0x106: {  	[sflag:s14] =	ssyncset.done $0x0  }
0x107: {  	[sflag:s14] =	ssyncadd.s32 $0xFFFFFF80  }
0x108: {  	_ =	swait.ge [sflag:s14], $0x80  }
0x109: {  	[sflag:s14] =	ssyncset.done $0x0  }
0x10a: {  	[sflag:s14] =	ssyncadd.s32 $0xFFFFFF80  }
0x10b: {  	_ =	swait.ge [sflag:s14], $0x80  }
0x10c: {  	[sflag:s14] =	ssyncset.done $0x0  }
0x10d: {  	[sflag:s14] =	ssyncadd.s32 $0xFFFFFF80  }
0x10e: {  	_ =	swait.ge [sflag:s14], $0x80  }
0x10f: {  	[sflag:s14] =	ssyncset.done $0x0  }
0x110: {  	[sflag:s14] =	ssyncadd.s32 $0xFFFFFF80  }
0x111: {  	_ =	swait.ge [sflag:s14], $0x80  }
0x112: {  	[sflag:s14] =	ssyncset.done $0x0  }
0x113: {  	[sflag:s14] =	ssyncadd.s32 $0xFFFFFF80  }
0x114: {  	_ =	swait.ge [sflag:s14], $0x80  }
0x115: {  	[sflag:s14] =	ssyncset.done $0x0  }
0x116: {  	[sflag:s14] =	ssyncadd.s32 $0xFFFFFF80  }
0x117: {  	_ =	swait.ge [sflag:s14], $0x80  }
0x118: {  	[sflag:s14] =	ssyncset.done $0x0  }
0x119: {  	[sflag:s14] =	ssyncadd.s32 $0xFFFFFF80  }
0x11a: {  	_ =	swait.ge [sflag:s14], $0x80  }
0x11b: {  	[sflag:s14] =	ssyncset.done $0x0  }
0x11c: {  	[sflag:s14] =	ssyncadd.s32 $0xFFFFFF80  }
0x11d: {  	_ =	swait.ge [sflag:s14], $0x80  }
0x11e: {  	[sflag:s14] =	ssyncset.done $0x0  }
0x11f: {  	[sflag:s14] =	ssyncadd.s32 $0xFFFFFF80  }
0x120: {  	_ =	swait.ge [sflag:s14], $0x80  }
0x121: {  	[sflag:s14] =	ssyncset.done $0x0  }
0x122: {  	[sflag:s14] =	ssyncadd.s32 $0xFFFFFF80  }
0x123: {  	_ =	swait.ge [sflag:s14], $0x80  }
0x124: {  	[sflag:s14] =	ssyncset.done $0x0  }
0x125: {  	[sflag:s14] =	ssyncadd.s32 $0xFFFFFF80  }
0x126: {  	_ =	swait.ge [sflag:s14], $0x80  }
0x127: {  	[sflag:s14] =	ssyncset.done $0x0  }
0x128: {  	[sflag:s14] =	ssyncadd.s32 $0xFFFFFF80  }
0x129: {  	_ =	swait.ge [sflag:s14], $0x80  }
0x12a: {  	[sflag:s14] =	ssyncset.done $0x0  }
0x12b: {  	[sflag:s14] =	ssyncadd.s32 $0xFFFFFF80  }
0x12c: {  	_ =	swait.ge [sflag:s14], $0x80  }
0x12d: {  	[sflag:s14] =	ssyncset.done $0x0  }
0x12e: {  	[sflag:s14] =	ssyncadd.s32 $0xFFFFFF80  }
0x12f: {  	_ =	swait.ge [sflag:s14], $0x80  }
0x130: {  	[sflag:s14] =	ssyncset.done $0x0  }
0x131: {  	[sflag:s14] =	ssyncadd.s32 $0xFFFFFF80  }
0x132: {  	_ =	swait.ge [sflag:s14], $0x80  }
0x133: {  	[sflag:s14] =	ssyncset.done $0x0  }
0x134: {  	[sflag:s14] =	ssyncadd.s32 $0xFFFFFF80  }
0x135: {  	_ =	swait.ge [sflag:s14], $0x80  }
0x136: {  	[sflag:s14] =	ssyncset.done $0x0  }
0x137: {  	[sflag:s14] =	ssyncadd.s32 $0xFFFFFF80  }
0x138: {  	_ =	swait.ge [sflag:s14], $0x80  }
0x139: {  	[sflag:s14] =	ssyncset.done $0x0  }
0x13a: {  	[sflag:s14] =	ssyncadd.s32 $0xFFFFFF80  }
0x13b: {  	_ =	swait.ge [sflag:s14], $0x80  }
0x13c: {  	[sflag:s14] =	ssyncset.done $0x0  }
0x13d: {  	[sflag:s14] =	ssyncadd.s32 $0xFFFFFF80  }
0x13e: {  	_ =	swait.ge [sflag:s14], $0x80  }
0x13f: {  	[sflag:s14] =	ssyncset.done $0x0  }
0x140: {  	[sflag:s14] =	ssyncadd.s32 $0xFFFFFF80  }
0x141: {  	_ =	swait.ge [sflag:s14], $0x80  }
0x142: {  	[sflag:s14] =	ssyncset.done $0x0  }
0x143: {  	[sflag:s14] =	ssyncadd.s32 $0xFFFFFF80  }
0x144: {  	_ =	swait.ge [sflag:s14], $0x80  }
0x145: {  	[sflag:s14] =	ssyncset.done $0x0  }
0x146: {  	[sflag:s14] =	ssyncadd.s32 $0xFFFFFF80  }
0x147: {  	_ =	swait.ge [sflag:s14], $0x80  }
0x148: {  	[sflag:s14] =	ssyncset.done $0x0  }
0x149: {  	[sflag:s14] =	ssyncadd.s32 $0xFFFFFF80  }
0x14a: {  	_ =	swait.ge [sflag:s14], $0x80  }
0x14b: {  	[sflag:s14] =	ssyncset.done $0x0  }
0x14c: {  	[sflag:s14] =	ssyncadd.s32 $0xFFFFFF80  }
0x14d: {  	_ =	swait.ge [sflag:s14], $0x80  }
0x14e: {  	[sflag:s14] =	ssyncset.done $0x0  }
0x14f: {  	[sflag:s14] =	ssyncadd.s32 $0xFFFFFF80  }
0x150: {  	_ =	swait.ge [sflag:s14], $0x80  }
0x151: {  	[sflag:s14] =	ssyncset.done $0x0  }
0x152: {  	[sflag:s14] =	ssyncadd.s32 $0xFFFFFF80  }
0x153: {  	_ =	swait.ge [sflag:s14], $0x80  }
0x154: {  	[sflag:s14] =	ssyncset.done $0x0  }
0x155: {  	[sflag:s14] =	ssyncadd.s32 $0xFFFFFF80  }
0x156: {  	_ =	swait.ge [sflag:s14], $0x80  }
0x157: {  	[sflag:s14] =	ssyncset.done $0x0  }
0x158: {  	[sflag:s14] =	ssyncadd.s32 $0xFFFFFF80  }
0x159: {  	_ =	swait.ge [sflag:s14], $0x80  }
0x15a: {  	[sflag:s14] =	ssyncset.done $0x0  }
0x15b: {  	[sflag:s14] =	ssyncadd.s32 $0xFFFFFF80  }
0x15c: {  	_ =	swait.ge [sflag:s14], $0x80  }
0x15d: {  	[sflag:s14] =	ssyncset.done $0x0  }
0x15e: {  	[sflag:s14] =	ssyncadd.s32 $0xFFFFFF80  }
0x15f: {  	_ =	swait.ge [sflag:s14], $0x80  }
0x160: {  	[sflag:s14] =	ssyncset.done $0x0  }
0x161: {  	[sflag:s14] =	ssyncadd.s32 $0xFFFFFF80  }
0x162: {  	_ =	swait.ge [sflag:s14], $0x80  }
0x163: {  	[sflag:s14] =	ssyncset.done $0x0  }
0x164: {  	[sflag:s14] =	ssyncadd.s32 $0xFFFFFF80  }
0x165: {  	_ =	swait.ge [sflag:s14], $0x80  }
0x166: {  	[sflag:s14] =	ssyncset.done $0x0  }
0x167: {  	[sflag:s14] =	ssyncadd.s32 $0xFFFFFF80  }
0x168: {  	_ =	swait.ge [sflag:s14], $0x80  }
0x169: {  	[sflag:s14] =	ssyncset.done $0x0  }
0x16a: {  	[sflag:s14] =	ssyncadd.s32 $0xFFFFFF80  }
0x16b: {  	_ =	swait.ge [sflag:s14], $0x80  }
0x16c: {  	[sflag:s14] =	ssyncset.done $0x0  }
0x16d: {  	[sflag:s14] =	ssyncadd.s32 $0xFFFFFF80  }
0x16e: {  	_ =	swait.ge [sflag:s14], $0x80  }
0x16f: {  	[sflag:s14] =	ssyncset.done $0x0  }
0x170: {  	[sflag:s14] =	ssyncadd.s32 $0xFFFFFF80  }
0x171: {  	_ =	swait.ge [sflag:s14], $0x80  }
0x172: {  	[sflag:s14] =	ssyncset.done $0x0  }
0x173: {  	[sflag:s14] =	ssyncadd.s32 $0xFFFFFF80  }
0x174: {  	_ =	swait.ge [sflag:s14], $0x80  }
0x175: {  	[sflag:s14] =	ssyncset.done $0x0  }
0x176: {  	[sflag:s14] =	ssyncadd.s32 $0xFFFFFF80  }
0x177: {  	_ =	swait.ge [sflag:s14], $0x80  }
0x178: {  	[sflag:s14] =	ssyncset.done $0x0  }
0x179: {  	[sflag:s14] =	ssyncadd.s32 $0xFFFFFF80  }
0x17a: {  	_ =	swait.ge [sflag:s14], $0x80  }
0x17b: {  	[sflag:s14] =	ssyncset.done $0x0  }
0x17c: {  	[sflag:s14] =	ssyncadd.s32 $0xFFFFFF80  }
0x17d: {  	_ =	swait.ge [sflag:s14], $0x80  }
0x17e: {  	[sflag:s14] =	ssyncset.done $0x0  }
0x17f: {  	[sflag:s14] =	ssyncadd.s32 $0xFFFFFF80  }
0x180: {  	_ =	swait.ge [sflag:s14], $0x80  }
0x181: {  	[sflag:s14] =	ssyncset.done $0x0  }
0x182: {  	[sflag:s14] =	ssyncadd.s32 $0xFFFFFF80  }
0x183: {  	_ =	swait.ge [sflag:s14], $0x80  }
0x184: {  	[sflag:s14] =	ssyncset.done $0x0  }
0x185: {  	[sflag:s14] =	ssyncadd.s32 $0xFFFFFF80  }
0x186: {  	_ =	swait.ge [sflag:s14], $0x80  }
0x187: {  	[sflag:s14] =	ssyncset.done $0x0  }
0x188: {  	[sflag:s14] =	ssyncadd.s32 $0xFFFFFF80  }
0x189: {  	_ =	swait.ge [sflag:s14], $0x80  }
0x18a: {  	[sflag:s14] =	ssyncset.done $0x0  }
0x18b: {  	[sflag:s14] =	ssyncadd.s32 $0xFFFFFF80  }
0x18c: {  	_ =	swait.ge [sflag:s14], $0x80  }
0x18d: {  	[sflag:s14] =	ssyncset.done $0x0  }
0x18e: {  	[sflag:s14] =	ssyncadd.s32 $0xFFFFFF80  }
0x18f: {  	_ =	swait.ge [sflag:s14], $0x80  }
0x190: {  	[sflag:s14] =	ssyncset.done $0x0  }
0x191: {  	[sflag:s14] =	ssyncadd.s32 $0xFFFFFF80  }
0x192: {  	_ =	swait.ge [sflag:s14], $0x80  }
0x193: {  	[sflag:s14] =	ssyncset.done $0x0  }
0x194: {  	[sflag:s14] =	ssyncadd.s32 $0xFFFFFF80  }
0x195: {  	_ =	swait.ge [sflag:s14], $0x80  }
0x196: {  	[sflag:s14] =	ssyncset.done $0x0  }
0x197: {  	[sflag:s14] =	ssyncadd.s32 $0xFFFFFF80  }
0x198: {  	_ =	swait.ge [sflag:s14], $0x80  }
0x199: {  	[sflag:s14] =	ssyncset.done $0x0  }
0x19a: {  	[sflag:s14] =	ssyncadd.s32 $0xFFFFFF80  }
0x19b: {  	_ =	swait.ge [sflag:s14], $0x80  }
0x19c: {  	[sflag:s14] =	ssyncset.done $0x0  }
0x19d: {  	[sflag:s14] =	ssyncadd.s32 $0xFFFFFF80  }
0x19e: {  	_ =	swait.ge [sflag:s14], $0x80  }
0x19f: {  	[sflag:s14] =	ssyncset.done $0x0  }
0x1a0: {  	[sflag:s14] =	ssyncadd.s32 $0xFFFFFF80  }
0x1a1: {  	_ =	swait.ge [sflag:s14], $0x80  }
0x1a2: {  	[sflag:s14] =	ssyncset.done $0x0  }
0x1a3: {  	[sflag:s14] =	ssyncadd.s32 $0xFFFFFF80  }
0x1a4: {  	_ =	swait.ge [sflag:s14], $0x80  }
0x1a5: {  	[sflag:s14] =	ssyncset.done $0x0  }
0x1a6: {  	s17 =	simm.s32 $0x0;
	[sflag:s14] =	ssyncadd.s32 $0xFFFFFF80  }
0x1a7: {  	v0 =	vld [tilespmem:s17+$0x2800]  }
0x1a8: {  	v1 =	vld [tilespmem:s17+$0x2C00];
	_ =	sdelay $0x1  }
0x1a9: {  	v2 =	vld [tilespmem:s17+$0x3000];
	_ =	sdelay $0x1  }
0x1aa: {  	v3 =	vld [tilespmem:s17+$0x3400]  }
0x1ab: {  	v0 =	vadd.f32 v1, v0  }
0x1ac: {  	v1 =	vld [tilespmem:s17+$0x3800]  }
0x1ad: {  	s16 =	simm.s32 $0x10;
	v4 =	vld [tilespmem:s17+$0x3C00];
	v0 =	vadd.f32 v2, v0  }
0x1ae: {  	v5 =	vld [tilespmem:s16+$0x2800]  }
0x1af: {  	v2 =	vld [tilespmem:s17+$0x4000];
	v0 =	vadd.f32 v3, v0  }
0x1b0: {  	v3 =	vld [tilespmem:s16+$0x2C00]  }
0x1b1: {  	v6 =	vld [tilespmem:s17+$0x4400];
	v0 =	vadd.f32 v1, v0  }
0x1b2: {  	v7 =	vld [tilespmem:s16+$0x3000]  }
0x1b3: {  	v8 =	vld [tilespmem:s17+$0x4800];
	v0 =	vadd.f32 v4, v0  }
0x1b4: {  	v9 =	vld [tilespmem:s16+$0x3400]  }
0x1b5: {  	v1 =	vld [tilespmem:s16+$0x3800];
	v4 =	vadd.f32 v3, v5;
	v2 =	vadd.f32 v2, v0  }
0x1b6: {  	v3 =	vld [tilespmem:s17+$0x4C00]  }
0x1b7: {  	v0 =	vld [tilespmem:s16+$0x4000];
	v5 =	vadd.f32 v7, v4;
	v6 =	vadd.f32 v6, v2  }
0x1b8: {  	s18 =	simm.s32 $0x20;
	v2 =	vld [tilespmem:s16+$0x3C00]  }
0x1b9: {  	s19 =	simm.s32 $0xC0;
	v4 =	vld [tilespmem:s18+$0x2800];
	v5 =	vadd.f32 v9, v5;
	v6 =	vadd.f32 v8, v6  }
.LBB2_2:
0x1ba: {  	p0 =	sne.s32 s19, $0xFC0;
	v7 =	vld [tilespmem:s18+$0x2C00]  }
0x1bb: {  	v1 =	vadd.f32 v1, v5;
	v5 =	vld [tilespmem:s16+$0x4400];
	v3 =	vadd.f32 v3, v6  }
0x1bc: {  	v6 =	vld [tilespmem:s18+$0x3000]  }
0x1bd: {  	v1 =	vadd.f32 v2, v1;
	v8 =	vld [tilespmem:s16+$0x4800];
	v2 =	vmul.f32 $1.000000010e-01, v3  }
0x1be: {  	v9 =	vld [tilespmem:s18+$0x3400]  }
.Ltmp0:
0x1bf: {  	v4 =	vadd.f32 v7, v4;
	v7 =	vadd.f32 v0, v1;
	v3 =	vld [tilespmem:s16+$0x4C00];
	[tilespmem:s17+$0x5000] =	vst v2;
	s17 =	smov.u32 s16;
	s16 =	smov.u32 s18;
	(pc) =	sbr.rel @p0 .LBB2_2-.Ltmp0, $4  }
0x1c0: {  	v1 =	vld [tilespmem:s16+$0x3800]  }
0x1c1: {  	v6 =	vadd.f32 v6, v4;
	v0 =	vld [tilespmem:s16+$0x4000];
	v7 =	vadd.f32 v5, v7  }
0x1c2: {  	s18 =	sshra.s32 s19, $0x2;
	v2 =	vld [tilespmem:s16+$0x3C00]  }
0x1c3: {  	s19 =	sadd.s32 $0x40, s19;
	v4 =	vld [tilespmem:s18+$0x2800];
	v5 =	vadd.f32 v9, v6;
	v6 =	vadd.f32 v8, v7  }
0x1c4: {  	v7 =	vld [tilespmem:s18+$0x2C00]  }
0x1c5: {  	v8 =	vld [tilespmem:s16+$0x4400];
	v3 =	vadd.f32 v3, v6  }
0x1c6: {  	v6 =	vld [tilespmem:s18+$0x3000]  }
0x1c7: {  	v9 =	vld [tilespmem:s16+$0x4800];
	v3 =	vmul.f32 $1.000000010e-01, v3  }
0x1c8: {  	v10 =	vld [tilespmem:s18+$0x3400]  }
0x1c9: {  	v11 =	vld [tilespmem:s16+$0x4C00];
	v4 =	vadd.f32 v7, v4;
	[tilespmem:s17+$0x5000] =	vst v3  }
0x1ca: {  	v3 =	vld [tilespmem:s18+$0x3800]  }
0x1cb: {  	v4 =	vadd.f32 v6, v4  }
0x1cc: {  	v6 =	vld [tilespmem:s18+$0x3C00]  }
0x1cd: {  	v4 =	vadd.f32 v10, v4  }
0x1ce: {  	v1 =	vadd.f32 v1, v5;
	v5 =	vld [tilespmem:s18+$0x4000]  }
0x1cf: {  	v3 =	vadd.f32 v3, v4  }
0x1d0: {  	v1 =	vadd.f32 v2, v1;
	v2 =	vld [tilespmem:s18+$0x4400]  }
0x1d1: {  	v3 =	vadd.f32 v6, v3  }
0x1d2: {  	v0 =	vadd.f32 v0, v1;
	v1 =	vld [tilespmem:s18+$0x4800]  }
0x1d3: {  	v3 =	vadd.f32 v5, v3  }
0x1d4: {  	v0 =	vadd.f32 v8, v0;
	v4 =	vld [tilespmem:s18+$0x4C00]  }
0x1d5: {  	v2 =	vadd.f32 v2, v3  }
0x1d6: {  	v0 =	vadd.f32 v9, v0  }
0x1d7: {  	v1 =	vadd.f32 v1, v2  }
0x1d8: {  	v0 =	vadd.f32 v11, v0  }
0x1d9: {  	v1 =	vadd.f32 v4, v1  }
0x1da: {  	v0 =	vmul.f32 $1.000000010e-01, v0  }
0x1db: {  	v1 =	vmul.f32 $1.000000010e-01, v1  }
0x1dc: {  	[tilespmem:s16+$0x5000] =	vst v0  }
0x1dd: {  	s19 =	simm.s32 $0x2800;
	[tilespmem:s18+$0x5000] =	vst v1;
	s18 =	simm.s32 $0x0  }
0x1de: {  	[tilespmem:s19], [sflag:$0x1] =	stream.indirect.gather [hbm4b:s5+s9], $0x1, s18, s9, $0xb8;
	[tilespmem:$0x5800] =	vst v63  }
0x1df: {  	s17 =	simm.s32 $0x2880  }
0x1e0: {  	[tilespmem:s17], [sflag:$0x1] =	stream.indirect.gather [hbm4b:s5+s9], $0x1, s9, s9, $0xb8;
	[tilespmem:$0x5800] =	vst v63  }
0x1e1: {  	s18 =	simm.s32 $0x100;
	s19 =	simm.s32 $0x2900  }
0x1e2: {  	[tilespmem:s19], [sflag:$0x1] =	stream.indirect.gather [hbm4b:s5+s9], $0x1, s18, s9, $0xb8;
	[tilespmem:$0x5800] =	vst v63  }
0x1e3: {  	s18 =	simm.s32 $0x180;
	s19 =	simm.s32 $0x2980  }
0x1e4: {  	[tilespmem:s19], [sflag:$0x1] =	stream.indirect.gather [hbm4b:s5+s9], $0x1, s18, s9, $0xb8;
	[tilespmem:$0x5800] =	vst v63  }
0x1e5: {  	s18 =	simm.s32 $0x200;
	s19 =	simm.s32 $0x2A00  }
0x1e6: {  	[tilespmem:s19], [sflag:$0x1] =	stream.indirect.gather [hbm4b:s5+s9], $0x1, s18, s9, $0xb8;
	[tilespmem:$0x5800] =	vst v63  }
0x1e7: {  	s18 =	simm.s32 $0x280;
	s19 =	simm.s32 $0x2A80  }
0x1e8: {  	[tilespmem:s19], [sflag:$0x1] =	stream.indirect.gather [hbm4b:s5+s9], $0x1, s18, s9, $0xb8;
	[tilespmem:$0x5800] =	vst v63  }
0x1e9: {  	s18 =	simm.s32 $0x300;
	s19 =	simm.s32 $0x2B00  }
0x1ea: {  	[tilespmem:s19], [sflag:$0x1] =	stream.indirect.gather [hbm4b:s5+s9], $0x1, s18, s9, $0xb8;
	[tilespmem:$0x5800] =	vst v63  }
0x1eb: {  	s18 =	simm.s32 $0x380;
	s19 =	simm.s32 $0x2B80  }
0x1ec: {  	[tilespmem:s19], [sflag:$0x1] =	stream.indirect.gather [hbm4b:s5+s9], $0x1, s18, s9, $0xb8;
	[tilespmem:$0x5800] =	vst v63  }
0x1ed: {  	s18 =	simm.s32 $0x400;
	s19 =	simm.s32 $0x2C00  }
0x1ee: {  	[tilespmem:s19], [sflag:$0x1] =	stream.indirect.gather [hbm4b:s5+s9], $0x1, s18, s9, $0xb8;
	[tilespmem:$0x5800] =	vst v63  }
0x1ef: {  	s18 =	simm.s32 $0x480;
	s19 =	simm.s32 $0x2C80  }
0x1f0: {  	[tilespmem:s19], [sflag:$0x1] =	stream.indirect.gather [hbm4b:s5+s9], $0x1, s18, s9, $0xb8;
	[tilespmem:$0x5800] =	vst v63  }
0x1f1: {  	s18 =	simm.s32 $0x500;
	s19 =	simm.s32 $0x2D00  }
0x1f2: {  	[tilespmem:s19], [sflag:$0x1] =	stream.indirect.gather [hbm4b:s5+s9], $0x1, s18, s9, $0xb8;
	[tilespmem:$0x5800] =	vst v63  }
0x1f3: {  	s18 =	simm.s32 $0x580;
	s19 =	simm.s32 $0x2D80  }
0x1f4: {  	[tilespmem:s19], [sflag:$0x1] =	stream.indirect.gather [hbm4b:s5+s9], $0x1, s18, s9, $0xb8;
	[tilespmem:$0x5800] =	vst v63  }
0x1f5: {  	s18 =	simm.s32 $0x600;
	s19 =	simm.s32 $0x2E00  }
0x1f6: {  	[tilespmem:s19], [sflag:$0x1] =	stream.indirect.gather [hbm4b:s5+s9], $0x1, s18, s9, $0xb8;
	[tilespmem:$0x5800] =	vst v63  }
0x1f7: {  	s18 =	simm.s32 $0x680;
	s19 =	simm.s32 $0x2E80  }
0x1f8: {  	[tilespmem:s19], [sflag:$0x1] =	stream.indirect.gather [hbm4b:s5+s9], $0x1, s18, s9, $0xb8;
	[tilespmem:$0x5800] =	vst v63  }
0x1f9: {  	s18 =	simm.s32 $0x700;
	s19 =	simm.s32 $0x2F00  }
0x1fa: {  	[tilespmem:s19], [sflag:$0x1] =	stream.indirect.gather [hbm4b:s5+s9], $0x1, s18, s9, $0xb8;
	[tilespmem:$0x5800] =	vst v63  }
0x1fb: {  	s18 =	simm.s32 $0x780;
	s19 =	simm.s32 $0x2F80  }
0x1fc: {  	[tilespmem:s19], [sflag:$0x1] =	stream.indirect.gather [hbm4b:s5+s9], $0x1, s18, s9, $0xb8;
	[tilespmem:$0x5800] =	vst v63  }
0x1fd: {  	s18 =	simm.s32 $0x800;
	s19 =	simm.s32 $0x3000  }
0x1fe: {  	[tilespmem:s19], [sflag:$0x1] =	stream.indirect.gather [hbm4b:s5+s9], $0x1, s18, s9, $0xb8;
	[tilespmem:$0x5800] =	vst v63  }
0x1ff: {  	s18 =	simm.s32 $0x880;
	s19 =	simm.s32 $0x3080  }
0x200: {  	[tilespmem:s19], [sflag:$0x1] =	stream.indirect.gather [hbm4b:s5+s9], $0x1, s18, s9, $0xb8;
	[tilespmem:$0x5800] =	vst v63  }
0x201: {  	s18 =	simm.s32 $0x900;
	s19 =	simm.s32 $0x3100  }
0x202: {  	[tilespmem:s19], [sflag:$0x1] =	stream.indirect.gather [hbm4b:s5+s9], $0x1, s18, s9, $0xb8;
	[tilespmem:$0x5800] =	vst v63  }
0x203: {  	s18 =	simm.s32 $0x980;
	s19 =	simm.s32 $0x3180  }
0x204: {  	[tilespmem:s19], [sflag:$0x1] =	stream.indirect.gather [hbm4b:s5+s9], $0x1, s18, s9, $0xb8;
	[tilespmem:$0x5800] =	vst v63  }
0x205: {  	s18 =	simm.s32 $0xA00;
	s19 =	simm.s32 $0x3200  }
0x206: {  	[tilespmem:s19], [sflag:$0x1] =	stream.indirect.gather [hbm4b:s5+s9], $0x1, s18, s9, $0xb8;
	[tilespmem:$0x5800] =	vst v63  }
0x207: {  	s18 =	simm.s32 $0xA80;
	s19 =	simm.s32 $0x3280  }
0x208: {  	[tilespmem:s19], [sflag:$0x1] =	stream.indirect.gather [hbm4b:s5+s9], $0x1, s18, s9, $0xb8;
	[tilespmem:$0x5800] =	vst v63  }
0x209: {  	s18 =	simm.s32 $0xB00;
	s19 =	simm.s32 $0x3300  }
0x20a: {  	[tilespmem:s19], [sflag:$0x1] =	stream.indirect.gather [hbm4b:s5+s9], $0x1, s18, s9, $0xb8;
	[tilespmem:$0x5800] =	vst v63  }
0x20b: {  	s18 =	simm.s32 $0xB80;
	s19 =	simm.s32 $0x3380  }
0x20c: {  	[tilespmem:s19], [sflag:$0x1] =	stream.indirect.gather [hbm4b:s5+s9], $0x1, s18, s9, $0xb8;
	[tilespmem:$0x5800] =	vst v63  }
0x20d: {  	s18 =	simm.s32 $0xC00;
	s19 =	simm.s32 $0x3400  }
0x20e: {  	[tilespmem:s19], [sflag:$0x1] =	stream.indirect.gather [hbm4b:s5+s9], $0x1, s18, s9, $0xb8;
	[tilespmem:$0x5800] =	vst v63  }
0x20f: {  	s18 =	simm.s32 $0xC80;
	s19 =	simm.s32 $0x3480  }
0x210: {  	[tilespmem:s19], [sflag:$0x1] =	stream.indirect.gather [hbm4b:s5+s9], $0x1, s18, s9, $0xb8;
	[tilespmem:$0x5800] =	vst v63  }
0x211: {  	s18 =	simm.s32 $0xD00;
	s19 =	simm.s32 $0x3500  }
0x212: {  	[tilespmem:s19], [sflag:$0x1] =	stream.indirect.gather [hbm4b:s5+s9], $0x1, s18, s9, $0xb8;
	[tilespmem:$0x5800] =	vst v63  }
0x213: {  	s18 =	simm.s32 $0xD80;
	s19 =	simm.s32 $0x3580  }
0x214: {  	[tilespmem:s19], [sflag:$0x1] =	stream.indirect.gather [hbm4b:s5+s9], $0x1, s18, s9, $0xb8;
	[tilespmem:$0x5800] =	vst v63  }
0x215: {  	s18 =	simm.s32 $0xE00;
	s19 =	simm.s32 $0x3600  }
0x216: {  	[tilespmem:s19], [sflag:$0x1] =	stream.indirect.gather [hbm4b:s5+s9], $0x1, s18, s9, $0xb8;
	[tilespmem:$0x5800] =	vst v63  }
0x217: {  	s18 =	simm.s32 $0xE80;
	s19 =	simm.s32 $0x3680  }
0x218: {  	[tilespmem:s19], [sflag:$0x1] =	stream.indirect.gather [hbm4b:s5+s9], $0x1, s18, s9, $0xb8;
	[tilespmem:$0x5800] =	vst v63  }
0x219: {  	s18 =	simm.s32 $0xF00;
	s19 =	simm.s32 $0x3700  }
0x21a: {  	[tilespmem:s19], [sflag:$0x1] =	stream.indirect.gather [hbm4b:s5+s9], $0x1, s18, s9, $0xb8;
	[tilespmem:$0x5800] =	vst v63  }
0x21b: {  	s18 =	simm.s32 $0xF80;
	s19 =	simm.s32 $0x3780  }
0x21c: {  	[tilespmem:s19], [sflag:$0x1] =	stream.indirect.gather [hbm4b:s5+s9], $0x1, s18, s9, $0xb8;
	[tilespmem:$0x5800] =	vst v63  }
0x21d: {  	s18 =	simm.s32 $0x1000;
	s19 =	simm.s32 $0x3800  }
0x21e: {  	[tilespmem:s19], [sflag:$0x1] =	stream.indirect.gather [hbm4b:s5+s9], $0x1, s18, s9, $0xb8;
	[tilespmem:$0x5800] =	vst v63  }
0x21f: {  	s18 =	simm.s32 $0x1080;
	s19 =	simm.s32 $0x3880  }
0x220: {  	[tilespmem:s19], [sflag:$0x1] =	stream.indirect.gather [hbm4b:s5+s9], $0x1, s18, s9, $0xb8;
	[tilespmem:$0x5800] =	vst v63  }
0x221: {  	s18 =	simm.s32 $0x1100;
	s19 =	simm.s32 $0x3900  }
0x222: {  	[tilespmem:s19], [sflag:$0x1] =	stream.indirect.gather [hbm4b:s5+s9], $0x1, s18, s9, $0xb8;
	[tilespmem:$0x5800] =	vst v63  }
0x223: {  	s18 =	simm.s32 $0x1180;
	s19 =	simm.s32 $0x3980  }
0x224: {  	[tilespmem:s19], [sflag:$0x1] =	stream.indirect.gather [hbm4b:s5+s9], $0x1, s18, s9, $0xb8;
	[tilespmem:$0x5800] =	vst v63  }
0x225: {  	s18 =	simm.s32 $0x1200;
	s19 =	simm.s32 $0x3A00  }
0x226: {  	[tilespmem:s19], [sflag:$0x1] =	stream.indirect.gather [hbm4b:s5+s9], $0x1, s18, s9, $0xb8;
	[tilespmem:$0x5800] =	vst v63  }
0x227: {  	s18 =	simm.s32 $0x1280;
	s19 =	simm.s32 $0x3A80  }
0x228: {  	[tilespmem:s19], [sflag:$0x1] =	stream.indirect.gather [hbm4b:s5+s9], $0x1, s18, s9, $0xb8;
	[tilespmem:$0x5800] =	vst v63  }
0x229: {  	s18 =	simm.s32 $0x1300;
	s19 =	simm.s32 $0x3B00  }
0x22a: {  	[tilespmem:s19], [sflag:$0x1] =	stream.indirect.gather [hbm4b:s5+s9], $0x1, s18, s9, $0xb8;
	[tilespmem:$0x5800] =	vst v63  }
0x22b: {  	s18 =	simm.s32 $0x1380;
	s19 =	simm.s32 $0x3B80  }
0x22c: {  	[tilespmem:s19], [sflag:$0x1] =	stream.indirect.gather [hbm4b:s5+s9], $0x1, s18, s9, $0xb8;
	[tilespmem:$0x5800] =	vst v63  }
0x22d: {  	s18 =	simm.s32 $0x1400;
	s19 =	simm.s32 $0x3C00  }
0x22e: {  	[tilespmem:s19], [sflag:$0x1] =	stream.indirect.gather [hbm4b:s5+s9], $0x1, s18, s9, $0xb8;
	[tilespmem:$0x5800] =	vst v63  }
0x22f: {  	s18 =	simm.s32 $0x1480;
	s19 =	simm.s32 $0x3C80  }
0x230: {  	[tilespmem:s19], [sflag:$0x1] =	stream.indirect.gather [hbm4b:s5+s9], $0x1, s18, s9, $0xb8;
	[tilespmem:$0x5800] =	vst v63  }
0x231: {  	s18 =	simm.s32 $0x1500;
	s19 =	simm.s32 $0x3D00  }
0x232: {  	[tilespmem:s19], [sflag:$0x1] =	stream.indirect.gather [hbm4b:s5+s9], $0x1, s18, s9, $0xb8;
	[tilespmem:$0x5800] =	vst v63  }
0x233: {  	s18 =	simm.s32 $0x1580;
	s19 =	simm.s32 $0x3D80  }
0x234: {  	[tilespmem:s19], [sflag:$0x1] =	stream.indirect.gather [hbm4b:s5+s9], $0x1, s18, s9, $0xb8;
	[tilespmem:$0x5800] =	vst v63  }
0x235: {  	s18 =	simm.s32 $0x1600;
	s19 =	simm.s32 $0x3E00  }
0x236: {  	[tilespmem:s19], [sflag:$0x1] =	stream.indirect.gather [hbm4b:s5+s9], $0x1, s18, s9, $0xb8;
	[tilespmem:$0x5800] =	vst v63  }
0x237: {  	s18 =	simm.s32 $0x1680;
	s19 =	simm.s32 $0x3E80  }
0x238: {  	[tilespmem:s19], [sflag:$0x1] =	stream.indirect.gather [hbm4b:s5+s9], $0x1, s18, s9, $0xb8;
	[tilespmem:$0x5800] =	vst v63  }
0x239: {  	s18 =	simm.s32 $0x1700;
	s19 =	simm.s32 $0x3F00  }
0x23a: {  	[tilespmem:s19], [sflag:$0x1] =	stream.indirect.gather [hbm4b:s5+s9], $0x1, s18, s9, $0xb8;
	[tilespmem:$0x5800] =	vst v63  }
0x23b: {  	s18 =	simm.s32 $0x1780;
	s19 =	simm.s32 $0x3F80  }
0x23c: {  	[tilespmem:s19], [sflag:$0x1] =	stream.indirect.gather [hbm4b:s5+s9], $0x1, s18, s9, $0xb8;
	[tilespmem:$0x5800] =	vst v63  }
0x23d: {  	s18 =	simm.s32 $0x1800;
	s19 =	simm.s32 $0x4000  }
0x23e: {  	[tilespmem:s19], [sflag:$0x1] =	stream.indirect.gather [hbm4b:s5+s9], $0x1, s18, s9, $0xb8;
	[tilespmem:$0x5800] =	vst v63  }
0x23f: {  	s18 =	simm.s32 $0x1880;
	s19 =	simm.s32 $0x4080  }
0x240: {  	[tilespmem:s19], [sflag:$0x1] =	stream.indirect.gather [hbm4b:s5+s9], $0x1, s18, s9, $0xb8;
	[tilespmem:$0x5800] =	vst v63  }
0x241: {  	s18 =	simm.s32 $0x1900;
	s19 =	simm.s32 $0x4100  }
0x242: {  	[tilespmem:s19], [sflag:$0x1] =	stream.indirect.gather [hbm4b:s5+s9], $0x1, s18, s9, $0xb8;
	[tilespmem:$0x5800] =	vst v63  }
0x243: {  	s18 =	simm.s32 $0x1980;
	s19 =	simm.s32 $0x4180  }
0x244: {  	[tilespmem:s19], [sflag:$0x1] =	stream.indirect.gather [hbm4b:s5+s9], $0x1, s18, s9, $0xb8;
	[tilespmem:$0x5800] =	vst v63  }
0x245: {  	s18 =	simm.s32 $0x1A00;
	s19 =	simm.s32 $0x4200  }
0x246: {  	[tilespmem:s19], [sflag:$0x1] =	stream.indirect.gather [hbm4b:s5+s9], $0x1, s18, s9, $0xb8;
	[tilespmem:$0x5800] =	vst v63  }
0x247: {  	s18 =	simm.s32 $0x1A80;
	s19 =	simm.s32 $0x4280  }
0x248: {  	[tilespmem:s19], [sflag:$0x1] =	stream.indirect.gather [hbm4b:s5+s9], $0x1, s18, s9, $0xb8;
	[tilespmem:$0x5800] =	vst v63  }
0x249: {  	s18 =	simm.s32 $0x1B00;
	s19 =	simm.s32 $0x4300  }
0x24a: {  	[tilespmem:s19], [sflag:$0x1] =	stream.indirect.gather [hbm4b:s5+s9], $0x1, s18, s9, $0xb8;
	[tilespmem:$0x5800] =	vst v63  }
0x24b: {  	s18 =	simm.s32 $0x1B80;
	s19 =	simm.s32 $0x4380  }
0x24c: {  	[tilespmem:s19], [sflag:$0x1] =	stream.indirect.gather [hbm4b:s5+s9], $0x1, s18, s9, $0xb8;
	[tilespmem:$0x5800] =	vst v63  }
0x24d: {  	s18 =	simm.s32 $0x1C00;
	s19 =	simm.s32 $0x4400  }
0x24e: {  	[tilespmem:s19], [sflag:$0x1] =	stream.indirect.gather [hbm4b:s5+s9], $0x1, s18, s9, $0xb8;
	[tilespmem:$0x5800] =	vst v63  }
0x24f: {  	s18 =	simm.s32 $0x1C80;
	s19 =	simm.s32 $0x4480  }
0x250: {  	[tilespmem:s19], [sflag:$0x1] =	stream.indirect.gather [hbm4b:s5+s9], $0x1, s18, s9, $0xb8;
	[tilespmem:$0x5800] =	vst v63  }
0x251: {  	s18 =	simm.s32 $0x1D00;
	s19 =	simm.s32 $0x4500  }
0x252: {  	[tilespmem:s19], [sflag:$0x1] =	stream.indirect.gather [hbm4b:s5+s9], $0x1, s18, s9, $0xb8;
	[tilespmem:$0x5800] =	vst v63  }
0x253: {  	s18 =	simm.s32 $0x1D80;
	s19 =	simm.s32 $0x4580  }
0x254: {  	[tilespmem:s19], [sflag:$0x1] =	stream.indirect.gather [hbm4b:s5+s9], $0x1, s18, s9, $0xb8;
	[tilespmem:$0x5800] =	vst v63  }
0x255: {  	s18 =	simm.s32 $0x1E00;
	s19 =	simm.s32 $0x4600  }
0x256: {  	[tilespmem:s19], [sflag:$0x1] =	stream.indirect.gather [hbm4b:s5+s9], $0x1, s18, s9, $0xb8;
	[tilespmem:$0x5800] =	vst v63  }
0x257: {  	s18 =	simm.s32 $0x1E80;
	s19 =	simm.s32 $0x4680  }
0x258: {  	[tilespmem:s19], [sflag:$0x1] =	stream.indirect.gather [hbm4b:s5+s9], $0x1, s18, s9, $0xb8;
	[tilespmem:$0x5800] =	vst v63  }
0x259: {  	s18 =	simm.s32 $0x1F00;
	s19 =	simm.s32 $0x4700  }
0x25a: {  	[tilespmem:s19], [sflag:$0x1] =	stream.indirect.gather [hbm4b:s5+s9], $0x1, s18, s9, $0xb8;
	[tilespmem:$0x5800] =	vst v63  }
0x25b: {  	s18 =	simm.s32 $0x1F80;
	s19 =	simm.s32 $0x4780  }
0x25c: {  	[tilespmem:s19], [sflag:$0x1] =	stream.indirect.gather [hbm4b:s5+s9], $0x1, s18, s9, $0xb8;
	[tilespmem:$0x5800] =	vst v63  }
0x25d: {  	s18 =	simm.s32 $0x2000;
	s19 =	simm.s32 $0x4800  }
0x25e: {  	[tilespmem:s19], [sflag:$0x1] =	stream.indirect.gather [hbm4b:s5+s9], $0x1, s18, s9, $0xb8;
	[tilespmem:$0x5800] =	vst v63  }
0x25f: {  	s18 =	simm.s32 $0x2080;
	s19 =	simm.s32 $0x4880  }
0x260: {  	[tilespmem:s19], [sflag:$0x1] =	stream.indirect.gather [hbm4b:s5+s9], $0x1, s18, s9, $0xb8;
	[tilespmem:$0x5800] =	vst v63  }
0x261: {  	s18 =	simm.s32 $0x2100;
	s19 =	simm.s32 $0x4900  }
0x262: {  	[tilespmem:s19], [sflag:$0x1] =	stream.indirect.gather [hbm4b:s5+s9], $0x1, s18, s9, $0xb8;
	[tilespmem:$0x5800] =	vst v63  }
0x263: {  	s18 =	simm.s32 $0x2180;
	s19 =	simm.s32 $0x4980  }
0x264: {  	[tilespmem:s19], [sflag:$0x1] =	stream.indirect.gather [hbm4b:s5+s9], $0x1, s18, s9, $0xb8;
	[tilespmem:$0x5800] =	vst v63  }
0x265: {  	s18 =	simm.s32 $0x2200;
	s19 =	simm.s32 $0x4A00  }
0x266: {  	[tilespmem:s19], [sflag:$0x1] =	stream.indirect.gather [hbm4b:s5+s9], $0x1, s18, s9, $0xb8;
	[tilespmem:$0x5800] =	vst v63  }
0x267: {  	s18 =	simm.s32 $0x2280;
	s19 =	simm.s32 $0x4A80  }
0x268: {  	[tilespmem:s19], [sflag:$0x1] =	stream.indirect.gather [hbm4b:s5+s9], $0x1, s18, s9, $0xb8;
	[tilespmem:$0x5800] =	vst v63  }
0x269: {  	_ = 	snop  }
0x26a: {  	[tilespmem:s21], [sflag:$0x1] =	stream.indirect.gather [hbm4b:s5+s9], $0x1, s20, s9, $0xb8;
	[tilespmem:$0x5800] =	vst v63  }
0x26b: {  	_ = 	snop  }
0x26c: {  	[tilespmem:s6], [sflag:$0x1] =	stream.indirect.gather [hbm4b:s5+s9], $0x1, s22, s9, $0xb8;
	[tilespmem:$0x5800] =	vst v63  }
0x26d: {  	_ = 	snop  }
0x26e: {  	[tilespmem:s7], [sflag:$0x1] =	stream.indirect.gather [hbm4b:s5+s9], $0x1, s23, s9, $0xb8;
	[tilespmem:$0x5800] =	vst v63  }
0x26f: {  	_ = 	snop  }
0x270: {  	[tilespmem:s25], [sflag:$0x1] =	stream.indirect.gather [hbm4b:s5+s9], $0x1, s24, s9, $0xb8;
	[tilespmem:$0x5800] =	vst v63  }
0x271: {  	_ = 	snop  }
0x272: {  	[tilespmem:s28], [sflag:$0x1] =	stream.indirect.gather [hbm4b:s5+s9], $0x1, s26, s9, $0xb8;
	[tilespmem:$0x5800] =	vst v63  }
0x273: {  	_ = 	snop  }
0x274: {  	[tilespmem:s30], [sflag:$0x1] =	stream.indirect.gather [hbm4b:s5+s9], $0x1, s29, s9, $0xb8;
	[tilespmem:$0x5800] =	vst v63  }
0x275: {  	_ = 	snop  }
0x276: {  	[tilespmem:s1], [sflag:$0x1] =	stream.indirect.gather [hbm4b:s5+s9], $0x1, s31, s9, $0xb8;
	[tilespmem:$0x5800] =	vst v63  }
0x277: {  	_ = 	snop  }
0x278: {  	[tilespmem:s10], [sflag:$0x1] =	stream.indirect.gather [hbm4b:s5+s9], $0x1, s0, s9, $0xb8;
	[tilespmem:$0x5800] =	vst v63  }
0x279: {  	_ = 	snop  }
0x27a: {  	[tilespmem:s3], [sflag:$0x1] =	stream.indirect.gather [hbm4b:s5+s9], $0x1, s11, s9, $0xb8;
	[tilespmem:$0x5800] =	vst v63  }
0x27b: {  	_ = 	snop  }
0x27c: {  	[tilespmem:s13], [sflag:$0x1] =	stream.indirect.gather [hbm4b:s5+s9], $0x1, s12, s9, $0xb8;
	[tilespmem:$0x5800] =	vst v63  }
0x27d: {  	_ =	swait.ge [sflag:s14], $0x80  }
0x27e: {  	[sflag:s14] =	ssyncset.done $0x0  }
0x27f: {  	[sflag:s14] =	ssyncadd.s32 $0xFFFFFF80  }
0x280: {  	_ =	swait.ge [sflag:s14], $0x80  }
0x281: {  	[sflag:s14] =	ssyncset.done $0x0  }
0x282: {  	[sflag:s14] =	ssyncadd.s32 $0xFFFFFF80  }
0x283: {  	_ =	swait.ge [sflag:s14], $0x80  }
0x284: {  	[sflag:s14] =	ssyncset.done $0x0  }
0x285: {  	[sflag:s14] =	ssyncadd.s32 $0xFFFFFF80  }
0x286: {  	_ =	swait.ge [sflag:s14], $0x80  }
0x287: {  	[sflag:s14] =	ssyncset.done $0x0  }
0x288: {  	[sflag:s14] =	ssyncadd.s32 $0xFFFFFF80  }
0x289: {  	_ =	swait.ge [sflag:s14], $0x80  }
0x28a: {  	[sflag:s14] =	ssyncset.done $0x0  }
0x28b: {  	[sflag:s14] =	ssyncadd.s32 $0xFFFFFF80  }
0x28c: {  	_ =	swait.ge [sflag:s14], $0x80  }
0x28d: {  	[sflag:s14] =	ssyncset.done $0x0  }
0x28e: {  	[sflag:s14] =	ssyncadd.s32 $0xFFFFFF80  }
0x28f: {  	_ =	swait.ge [sflag:s14], $0x80  }
0x290: {  	[sflag:s14] =	ssyncset.done $0x0  }
0x291: {  	[sflag:s14] =	ssyncadd.s32 $0xFFFFFF80  }
0x292: {  	_ =	swait.ge [sflag:s14], $0x80  }
0x293: {  	[sflag:s14] =	ssyncset.done $0x0  }
0x294: {  	[sflag:s14] =	ssyncadd.s32 $0xFFFFFF80  }
0x295: {  	_ =	swait.ge [sflag:s14], $0x80  }
0x296: {  	[sflag:s14] =	ssyncset.done $0x0  }
0x297: {  	[sflag:s14] =	ssyncadd.s32 $0xFFFFFF80  }
0x298: {  	_ =	swait.ge [sflag:s14], $0x80  }
0x299: {  	[sflag:s14] =	ssyncset.done $0x0  }
0x29a: {  	[sflag:s14] =	ssyncadd.s32 $0xFFFFFF80  }
0x29b: {  	_ =	swait.ge [sflag:s14], $0x80  }
0x29c: {  	[sflag:s14] =	ssyncset.done $0x0  }
0x29d: {  	[sflag:s14] =	ssyncadd.s32 $0xFFFFFF80  }
0x29e: {  	_ =	swait.ge [sflag:s14], $0x80  }
0x29f: {  	[sflag:s14] =	ssyncset.done $0x0  }
0x2a0: {  	[sflag:s14] =	ssyncadd.s32 $0xFFFFFF80  }
0x2a1: {  	_ =	swait.ge [sflag:s14], $0x80  }
0x2a2: {  	[sflag:s14] =	ssyncset.done $0x0  }
0x2a3: {  	[sflag:s14] =	ssyncadd.s32 $0xFFFFFF80  }
0x2a4: {  	_ =	swait.ge [sflag:s14], $0x80  }
0x2a5: {  	[sflag:s14] =	ssyncset.done $0x0  }
0x2a6: {  	[sflag:s14] =	ssyncadd.s32 $0xFFFFFF80  }
0x2a7: {  	_ =	swait.ge [sflag:s14], $0x80  }
0x2a8: {  	[sflag:s14] =	ssyncset.done $0x0  }
0x2a9: {  	[sflag:s14] =	ssyncadd.s32 $0xFFFFFF80  }
0x2aa: {  	_ =	swait.ge [sflag:s14], $0x80  }
0x2ab: {  	[sflag:s14] =	ssyncset.done $0x0  }
0x2ac: {  	[sflag:s14] =	ssyncadd.s32 $0xFFFFFF80  }
0x2ad: {  	_ =	swait.ge [sflag:s14], $0x80  }
0x2ae: {  	[sflag:s14] =	ssyncset.done $0x0  }
0x2af: {  	[sflag:s14] =	ssyncadd.s32 $0xFFFFFF80  }
0x2b0: {  	_ =	swait.ge [sflag:s14], $0x80  }
0x2b1: {  	[sflag:s14] =	ssyncset.done $0x0  }
0x2b2: {  	[sflag:s14] =	ssyncadd.s32 $0xFFFFFF80  }
0x2b3: {  	_ =	swait.ge [sflag:s14], $0x80  }
0x2b4: {  	[sflag:s14] =	ssyncset.done $0x0  }
0x2b5: {  	[sflag:s14] =	ssyncadd.s32 $0xFFFFFF80  }
0x2b6: {  	_ =	swait.ge [sflag:s14], $0x80  }
0x2b7: {  	[sflag:s14] =	ssyncset.done $0x0  }
0x2b8: {  	[sflag:s14] =	ssyncadd.s32 $0xFFFFFF80  }
0x2b9: {  	_ =	swait.ge [sflag:s14], $0x80  }
0x2ba: {  	[sflag:s14] =	ssyncset.done $0x0  }
0x2bb: {  	[sflag:s14] =	ssyncadd.s32 $0xFFFFFF80  }
0x2bc: {  	_ =	swait.ge [sflag:s14], $0x80  }
0x2bd: {  	[sflag:s14] =	ssyncset.done $0x0  }
0x2be: {  	[sflag:s14] =	ssyncadd.s32 $0xFFFFFF80  }
0x2bf: {  	_ =	swait.ge [sflag:s14], $0x80  }
0x2c0: {  	[sflag:s14] =	ssyncset.done $0x0  }
0x2c1: {  	[sflag:s14] =	ssyncadd.s32 $0xFFFFFF80  }
0x2c2: {  	_ =	swait.ge [sflag:s14], $0x80  }
0x2c3: {  	[sflag:s14] =	ssyncset.done $0x0  }
0x2c4: {  	[sflag:s14] =	ssyncadd.s32 $0xFFFFFF80  }
0x2c5: {  	_ =	swait.ge [sflag:s14], $0x80  }
0x2c6: {  	[sflag:s14] =	ssyncset.done $0x0  }
0x2c7: {  	[sflag:s14] =	ssyncadd.s32 $0xFFFFFF80  }
0x2c8: {  	_ =	swait.ge [sflag:s14], $0x80  }
0x2c9: {  	[sflag:s14] =	ssyncset.done $0x0  }
0x2ca: {  	[sflag:s14] =	ssyncadd.s32 $0xFFFFFF80  }
0x2cb: {  	_ =	swait.ge [sflag:s14], $0x80  }
0x2cc: {  	[sflag:s14] =	ssyncset.done $0x0  }
0x2cd: {  	[sflag:s14] =	ssyncadd.s32 $0xFFFFFF80  }
0x2ce: {  	_ =	swait.ge [sflag:s14], $0x80  }
0x2cf: {  	[sflag:s14] =	ssyncset.done $0x0  }
0x2d0: {  	[sflag:s14] =	ssyncadd.s32 $0xFFFFFF80  }
0x2d1: {  	_ =	swait.ge [sflag:s14], $0x80  }
0x2d2: {  	[sflag:s14] =	ssyncset.done $0x0  }
0x2d3: {  	[sflag:s14] =	ssyncadd.s32 $0xFFFFFF80  }
0x2d4: {  	_ =	swait.ge [sflag:s14], $0x80  }
0x2d5: {  	[sflag:s14] =	ssyncset.done $0x0  }
0x2d6: {  	[sflag:s14] =	ssyncadd.s32 $0xFFFFFF80  }
0x2d7: {  	_ =	swait.ge [sflag:s14], $0x80  }
0x2d8: {  	[sflag:s14] =	ssyncset.done $0x0  }
0x2d9: {  	[sflag:s14] =	ssyncadd.s32 $0xFFFFFF80  }
0x2da: {  	_ =	swait.ge [sflag:s14], $0x80  }
0x2db: {  	[sflag:s14] =	ssyncset.done $0x0  }
0x2dc: {  	[sflag:s14] =	ssyncadd.s32 $0xFFFFFF80  }
0x2dd: {  	_ =	swait.ge [sflag:s14], $0x80  }
0x2de: {  	[sflag:s14] =	ssyncset.done $0x0  }
0x2df: {  	[sflag:s14] =	ssyncadd.s32 $0xFFFFFF80  }
0x2e0: {  	_ =	swait.ge [sflag:s14], $0x80  }
0x2e1: {  	[sflag:s14] =	ssyncset.done $0x0  }
0x2e2: {  	[sflag:s14] =	ssyncadd.s32 $0xFFFFFF80  }
0x2e3: {  	_ =	swait.ge [sflag:s14], $0x80  }
0x2e4: {  	[sflag:s14] =	ssyncset.done $0x0  }
0x2e5: {  	[sflag:s14] =	ssyncadd.s32 $0xFFFFFF80  }
0x2e6: {  	_ =	swait.ge [sflag:s14], $0x80  }
0x2e7: {  	[sflag:s14] =	ssyncset.done $0x0  }
0x2e8: {  	[sflag:s14] =	ssyncadd.s32 $0xFFFFFF80  }
0x2e9: {  	_ =	swait.ge [sflag:s14], $0x80  }
0x2ea: {  	[sflag:s14] =	ssyncset.done $0x0  }
0x2eb: {  	[sflag:s14] =	ssyncadd.s32 $0xFFFFFF80  }
0x2ec: {  	_ =	swait.ge [sflag:s14], $0x80  }
0x2ed: {  	[sflag:s14] =	ssyncset.done $0x0  }
0x2ee: {  	[sflag:s14] =	ssyncadd.s32 $0xFFFFFF80  }
0x2ef: {  	_ =	swait.ge [sflag:s14], $0x80  }
0x2f0: {  	[sflag:s14] =	ssyncset.done $0x0  }
0x2f1: {  	[sflag:s14] =	ssyncadd.s32 $0xFFFFFF80  }
0x2f2: {  	_ =	swait.ge [sflag:s14], $0x80  }
0x2f3: {  	[sflag:s14] =	ssyncset.done $0x0  }
0x2f4: {  	[sflag:s14] =	ssyncadd.s32 $0xFFFFFF80  }
0x2f5: {  	_ =	swait.ge [sflag:s14], $0x80  }
0x2f6: {  	[sflag:s14] =	ssyncset.done $0x0  }
0x2f7: {  	[sflag:s14] =	ssyncadd.s32 $0xFFFFFF80  }
0x2f8: {  	_ =	swait.ge [sflag:s14], $0x80  }
0x2f9: {  	[sflag:s14] =	ssyncset.done $0x0  }
0x2fa: {  	[sflag:s14] =	ssyncadd.s32 $0xFFFFFF80  }
0x2fb: {  	_ =	swait.ge [sflag:s14], $0x80  }
0x2fc: {  	[sflag:s14] =	ssyncset.done $0x0  }
0x2fd: {  	[sflag:s14] =	ssyncadd.s32 $0xFFFFFF80  }
0x2fe: {  	_ =	swait.ge [sflag:s14], $0x80  }
0x2ff: {  	[sflag:s14] =	ssyncset.done $0x0  }
0x300: {  	[sflag:s14] =	ssyncadd.s32 $0xFFFFFF80  }
0x301: {  	_ =	swait.ge [sflag:s14], $0x80  }
0x302: {  	[sflag:s14] =	ssyncset.done $0x0  }
0x303: {  	[sflag:s14] =	ssyncadd.s32 $0xFFFFFF80  }
0x304: {  	_ =	swait.ge [sflag:s14], $0x80  }
0x305: {  	[sflag:s14] =	ssyncset.done $0x0  }
0x306: {  	[sflag:s14] =	ssyncadd.s32 $0xFFFFFF80  }
0x307: {  	_ =	swait.ge [sflag:s14], $0x80  }
0x308: {  	[sflag:s14] =	ssyncset.done $0x0  }
0x309: {  	[sflag:s14] =	ssyncadd.s32 $0xFFFFFF80  }
0x30a: {  	_ =	swait.ge [sflag:s14], $0x80  }
0x30b: {  	[sflag:s14] =	ssyncset.done $0x0  }
0x30c: {  	[sflag:s14] =	ssyncadd.s32 $0xFFFFFF80  }
0x30d: {  	_ =	swait.ge [sflag:s14], $0x80  }
0x30e: {  	[sflag:s14] =	ssyncset.done $0x0  }
0x30f: {  	[sflag:s14] =	ssyncadd.s32 $0xFFFFFF80  }
0x310: {  	_ =	swait.ge [sflag:s14], $0x80  }
0x311: {  	[sflag:s14] =	ssyncset.done $0x0  }
0x312: {  	[sflag:s14] =	ssyncadd.s32 $0xFFFFFF80  }
0x313: {  	_ =	swait.ge [sflag:s14], $0x80  }
0x314: {  	[sflag:s14] =	ssyncset.done $0x0  }
0x315: {  	[sflag:s14] =	ssyncadd.s32 $0xFFFFFF80  }
0x316: {  	_ =	swait.ge [sflag:s14], $0x80  }
0x317: {  	[sflag:s14] =	ssyncset.done $0x0  }
0x318: {  	[sflag:s14] =	ssyncadd.s32 $0xFFFFFF80  }
0x319: {  	_ =	swait.ge [sflag:s14], $0x80  }
0x31a: {  	[sflag:s14] =	ssyncset.done $0x0  }
0x31b: {  	[sflag:s14] =	ssyncadd.s32 $0xFFFFFF80  }
0x31c: {  	_ =	swait.ge [sflag:s14], $0x80  }
0x31d: {  	[sflag:s14] =	ssyncset.done $0x0  }
0x31e: {  	[sflag:s14] =	ssyncadd.s32 $0xFFFFFF80  }
0x31f: {  	_ =	swait.ge [sflag:s14], $0x80  }
0x320: {  	[sflag:s14] =	ssyncset.done $0x0  }
0x321: {  	[sflag:s14] =	ssyncadd.s32 $0xFFFFFF80  }
0x322: {  	_ =	swait.ge [sflag:s14], $0x80  }
0x323: {  	[sflag:s14] =	ssyncset.done $0x0  }
0x324: {  	[sflag:s14] =	ssyncadd.s32 $0xFFFFFF80  }
0x325: {  	_ =	swait.ge [sflag:s14], $0x80  }
0x326: {  	[sflag:s14] =	ssyncset.done $0x0  }
0x327: {  	[sflag:s14] =	ssyncadd.s32 $0xFFFFFF80  }
0x328: {  	_ =	swait.ge [sflag:s14], $0x80  }
0x329: {  	[sflag:s14] =	ssyncset.done $0x0  }
0x32a: {  	[sflag:s14] =	ssyncadd.s32 $0xFFFFFF80  }
0x32b: {  	_ =	swait.ge [sflag:s14], $0x80  }
0x32c: {  	[sflag:s14] =	ssyncset.done $0x0  }
0x32d: {  	[sflag:s14] =	ssyncadd.s32 $0xFFFFFF80  }
0x32e: {  	_ =	swait.ge [sflag:s14], $0x80  }
0x32f: {  	[sflag:s14] =	ssyncset.done $0x0  }
0x330: {  	[sflag:s14] =	ssyncadd.s32 $0xFFFFFF80  }
0x331: {  	_ =	swait.ge [sflag:s14], $0x80  }
0x332: {  	[sflag:s14] =	ssyncset.done $0x0  }
0x333: {  	[sflag:s14] =	ssyncadd.s32 $0xFFFFFF80  }
0x334: {  	_ =	swait.ge [sflag:s14], $0x80  }
0x335: {  	[sflag:s14] =	ssyncset.done $0x0  }
0x336: {  	[sflag:s14] =	ssyncadd.s32 $0xFFFFFF80  }
0x337: {  	_ =	swait.ge [sflag:s14], $0x80  }
0x338: {  	[sflag:s14] =	ssyncset.done $0x0  }
0x339: {  	[sflag:s14] =	ssyncadd.s32 $0xFFFFFF80  }
0x33a: {  	_ =	swait.ge [sflag:s14], $0x80  }
0x33b: {  	[sflag:s14] =	ssyncset.done $0x0  }
0x33c: {  	[sflag:s14] =	ssyncadd.s32 $0xFFFFFF80  }
0x33d: {  	_ =	swait.ge [sflag:s14], $0x80  }
0x33e: {  	[sflag:s14] =	ssyncset.done $0x0  }
0x33f: {  	[sflag:s14] =	ssyncadd.s32 $0xFFFFFF80  }
0x340: {  	_ =	swait.ge [sflag:s14], $0x80  }
0x341: {  	[sflag:s14] =	ssyncset.done $0x0  }
0x342: {  	[sflag:s14] =	ssyncadd.s32 $0xFFFFFF80  }
0x343: {  	_ =	swait.ge [sflag:s14], $0x80  }
0x344: {  	[sflag:s14] =	ssyncset.done $0x0  }
0x345: {  	[sflag:s14] =	ssyncadd.s32 $0xFFFFFF80  }
0x346: {  	_ =	swait.ge [sflag:s14], $0x80  }
0x347: {  	[sflag:s14] =	ssyncset.done $0x0  }
0x348: {  	[sflag:s14] =	ssyncadd.s32 $0xFFFFFF80  }
0x349: {  	_ =	swait.ge [sflag:s14], $0x80  }
0x34a: {  	[sflag:s14] =	ssyncset.done $0x0  }
0x34b: {  	[sflag:s14] =	ssyncadd.s32 $0xFFFFFF80  }
0x34c: {  	_ =	swait.ge [sflag:s14], $0x80  }
0x34d: {  	[sflag:s14] =	ssyncset.done $0x0  }
0x34e: {  	[sflag:s14] =	ssyncadd.s32 $0xFFFFFF80  }
0x34f: {  	_ =	swait.ge [sflag:s14], $0x80  }
0x350: {  	[sflag:s14] =	ssyncset.done $0x0  }
0x351: {  	[sflag:s14] =	ssyncadd.s32 $0xFFFFFF80  }
0x352: {  	_ =	swait.ge [sflag:s14], $0x80  }
0x353: {  	[sflag:s14] =	ssyncset.done $0x0  }
0x354: {  	[sflag:s14] =	ssyncadd.s32 $0xFFFFFF80  }
0x355: {  	_ =	swait.ge [sflag:s14], $0x80  }
0x356: {  	[sflag:s14] =	ssyncset.done $0x0  }
0x357: {  	[sflag:s14] =	ssyncadd.s32 $0xFFFFFF80  }
0x358: {  	_ =	swait.ge [sflag:s14], $0x80  }
0x359: {  	[sflag:s14] =	ssyncset.done $0x0  }
0x35a: {  	[sflag:s14] =	ssyncadd.s32 $0xFFFFFF80  }
0x35b: {  	_ =	swait.ge [sflag:s14], $0x80  }
0x35c: {  	[sflag:s14] =	ssyncset.done $0x0  }
0x35d: {  	[sflag:s14] =	ssyncadd.s32 $0xFFFFFF80  }
0x35e: {  	_ =	swait.ge [sflag:s14], $0x80  }
0x35f: {  	[sflag:s14] =	ssyncset.done $0x0  }
0x360: {  	[sflag:s14] =	ssyncadd.s32 $0xFFFFFF80  }
0x361: {  	_ =	swait.ge [sflag:s14], $0x80  }
0x362: {  	[sflag:s14] =	ssyncset.done $0x0  }
0x363: {  	[sflag:s14] =	ssyncadd.s32 $0xFFFFFF80  }
0x364: {  	_ =	swait.ge [sflag:s14], $0x80  }
0x365: {  	[sflag:s14] =	ssyncset.done $0x0  }
0x366: {  	[sflag:s14] =	ssyncadd.s32 $0xFFFFFF80  }
0x367: {  	_ =	swait.ge [sflag:s14], $0x80  }
0x368: {  	[sflag:s14] =	ssyncset.done $0x0  }
0x369: {  	[sflag:s14] =	ssyncadd.s32 $0xFFFFFF80  }
0x36a: {  	_ =	swait.ge [sflag:s14], $0x80  }
0x36b: {  	[sflag:s14] =	ssyncset.done $0x0  }
0x36c: {  	s17 =	simm.s32 $0x0;
	[sflag:s14] =	ssyncadd.s32 $0xFFFFFF80  }
0x36d: {  	v0 =	vld [tilespmem:s17+$0x2800]  }
0x36e: {  	v1 =	vld [tilespmem:s17+$0x2C00];
	_ =	sdelay $0x1  }
0x36f: {  	v2 =	vld [tilespmem:s17+$0x3000];
	_ =	sdelay $0x1  }
0x370: {  	v3 =	vld [tilespmem:s17+$0x3400]  }
0x371: {  	v0 =	vadd.f32 v1, v0  }
0x372: {  	v1 =	vld [tilespmem:s17+$0x3800]  }
0x373: {  	s16 =	simm.s32 $0x10;
	v4 =	vld [tilespmem:s17+$0x3C00];
	v0 =	vadd.f32 v2, v0  }
0x374: {  	v5 =	vld [tilespmem:s16+$0x2800]  }
0x375: {  	v2 =	vld [tilespmem:s17+$0x4000];
	v0 =	vadd.f32 v3, v0  }
0x376: {  	v3 =	vld [tilespmem:s16+$0x2C00]  }
0x377: {  	v6 =	vld [tilespmem:s17+$0x4400];
	v0 =	vadd.f32 v1, v0  }
0x378: {  	v7 =	vld [tilespmem:s16+$0x3000]  }
0x379: {  	v8 =	vld [tilespmem:s17+$0x4800];
	v0 =	vadd.f32 v4, v0  }
0x37a: {  	v63 =	vld [tilespmem:s16+$0x3400]  }
0x37b: {  	v1 =	vld [tilespmem:s16+$0x3800];
	v4 =	vadd.f32 v3, v5;
	v2 =	vadd.f32 v2, v0  }
0x37c: {  	v3 =	vld [tilespmem:s17+$0x4C00]  }
0x37d: {  	v0 =	vld [tilespmem:s16+$0x4000];
	v5 =	vadd.f32 v7, v4;
	v6 =	vadd.f32 v6, v2  }
0x37e: {  	s18 =	simm.s32 $0x20;
	v2 =	vld [tilespmem:s16+$0x3C00]  }
0x37f: {  	s19 =	simm.s32 $0xC0;
	v4 =	vld [tilespmem:s18+$0x2800];
	v5 =	vadd.f32 v63, v5;
	v6 =	vadd.f32 v8, v6  }
.LBB2_4:
0x380: {  	p0 =	sne.s32 s19, $0xFC0;
	v7 =	vld [tilespmem:s18+$0x2C00]  }
0x381: {  	v1 =	vadd.f32 v1, v5;
	v5 =	vld [tilespmem:s16+$0x4400];
	v3 =	vadd.f32 v3, v6  }
0x382: {  	v6 =	vld [tilespmem:s18+$0x3000]  }
0x383: {  	v1 =	vadd.f32 v2, v1;
	v8 =	vld [tilespmem:s16+$0x4800];
	v2 =	vmul.f32 $1.000000010e-01, v3  }
0x384: {  	v9 =	vld [tilespmem:s18+$0x3400]  }
.Ltmp1:
0x385: {  	v4 =	vadd.f32 v7, v4;
	v7 =	vadd.f32 v0, v1;
	v3 =	vld [tilespmem:s16+$0x4C00];
	[tilespmem:s17+$0x5400] =	vst v2;
	s17 =	smov.u32 s16;
	s16 =	smov.u32 s18;
	(pc) =	sbr.rel @p0 .LBB2_4-.Ltmp1, $4  }
0x386: {  	v1 =	vld [tilespmem:s16+$0x3800]  }
0x387: {  	v6 =	vadd.f32 v6, v4;
	v0 =	vld [tilespmem:s16+$0x4000];
	v7 =	vadd.f32 v5, v7  }
0x388: {  	s18 =	sshra.s32 s19, $0x2;
	v2 =	vld [tilespmem:s16+$0x3C00]  }
0x389: {  	s19 =	sadd.s32 $0x40, s19;
	v4 =	vld [tilespmem:s18+$0x2800];
	v5 =	vadd.f32 v9, v6;
	v6 =	vadd.f32 v8, v7  }
0x38a: {  	v7 =	vld [tilespmem:s18+$0x2C00]  }
0x38b: {  	v8 =	vld [tilespmem:s16+$0x4400];
	v3 =	vadd.f32 v3, v6  }
0x38c: {  	v58 =	vld [tilespmem:s18+$0x3000]  }
0x38d: {  	v9 =	vld [tilespmem:s16+$0x4800];
	v3 =	vmul.f32 $1.000000010e-01, v3  }
0x38e: {  	v10 =	vld [tilespmem:s18+$0x3400]  }
0x38f: {  	v11 =	vld [tilespmem:s16+$0x4C00];
	v4 =	vadd.f32 v7, v4;
	[tilespmem:s17+$0x5400] =	vst v3  }
0x390: {  	v3 =	vld [tilespmem:s18+$0x3800]  }
0x391: {  	v4 =	vadd.f32 v58, v4  }
0x392: {  	v59 =	vld [tilespmem:s18+$0x3C00]  }
0x393: {  	v4 =	vadd.f32 v10, v4  }
0x394: {  	v1 =	vadd.f32 v1, v5;
	v60 =	vld [tilespmem:s18+$0x4000]  }
0x395: {  	v3 =	vadd.f32 v3, v4  }
0x396: {  	v1 =	vadd.f32 v2, v1;
	v61 =	vld [tilespmem:s18+$0x4400]  }
0x397: {  	v3 =	vadd.f32 v59, v3  }
0x398: {  	v0 =	vadd.f32 v0, v1;
	v62 =	vld [tilespmem:s18+$0x4800]  }
0x399: {  	v3 =	vadd.f32 v60, v3  }
0x39a: {  	v63 =	vld [tilespmem:s18+$0x4C00];
	v0 =	vadd.f32 v8, v0  }
0x39b: {  	v2 =	vadd.f32 v61, v3  }
0x39c: {  	v0 =	vadd.f32 v9, v0  }
0x39d: {  	v1 =	vadd.f32 v62, v2  }
0x39e: {  	v0 =	vadd.f32 v11, v0  }
0x39f: {  	v1 =	vadd.f32 v63, v1  }
0x3a0: {  	v0 =	vmul.f32 $1.000000010e-01, v0  }
0x3a1: {  	v1 =	vmul.f32 $1.000000010e-01, v1  }
0x3a2: {  	[tilespmem:s16+$0x5400] =	vst v0  }
0x3a3: {  	s17 =	rddreg [dreg:$0x4];
	[tilespmem:s18+$0x5400] =	vst v1;
	s18 =	simm.s32 $0x5000  }
0x3a4: {  	[hbm4b:s17+s2] =	stream.linear.scatter [tilespmem:s18], [sflag:$0x2], $0x800, $0x38;
	[tilespmem:$0x5800] =	vst v63  }
0x3a5: {  	_ =	swait.ge [sflag:s8], $0x800  }
0x3a6: {  	s15 =	sadd.s32 $0x1, s15;
	s19 =	rddreg [dreg:$0x5]  }
0x3a7: {  	p0 =	sne.s32 s15, s19  }
.Ltmp2:
0x3a8: {  	_ = 	snop;
	(pc) =	sbr.rel @p0 .LBB2_1-.Ltmp2, $3  }
0x3a9: {  	_ =	sdelay $0x1  }
0x3aa: {  	[sflag:s8] =	ssyncset.done $0x0  }
0x3ab: {  	[sflag:s8] =	ssyncadd.s32 $0xFFFFF800  }
0x3ac: {  	_ =	sfence.sel $0x180000  }
0x3ad: {  	[bflag:$0x0] =	sbarrier.arrive $0xFFFF  }
0x3ae: {  	_ =	strace $0x90000047  }
0x3af: {  	s0 =	stileid.u32;
	[bflag:$0x2] =	sbarrier.arrive $0xFFFF  }
0x3b0: {  	p0 =	sne.s32 s0, $0x0;
	s0 =	rddreg [dreg:$0x2]  }
0x3b1: {  	s0 =	sadd.s32 @!p0 $0x100000, s0  }
0x3b2: {  	[sflag:s0] =	ssyncadd.tile.s32 @!p0 $0x1;
	_ =	shalt  }
.Lfunc_end2:
_tile_overlayer_lowered:
.L_overlay_start_2:
0x3b3: {  	(tag) =	ssettag $0x2  }
0x3b4: {  	s0 =	rddreg [dreg:$0x0];
	s2 =	stileid.u32  }
0x3b5: {  	s1 =	rddreg [dreg:$0x1];
	p0 =	sne.s32 s2, $0x0  }
0x3b6: {  	s3 =	rddreg [dreg:$0x2];
	[bflag:$0x3] =	sbarrier.arrive $0xFFFF;
	s2 =	simm.s32 @!p0 $0x1C02  }
0x3b7: {  	[timem:s3], [sflag:s2] =	dma.local @!p0 [hbm:s0], s1  }
0x3b8: {  	s0 =	simm.s32 @!p0 $0x2  }
0x3b9: {  	_ =	swait.ge @!p0 [sflag:s0], s1  }
0x3ba: {  	s1 =	ssub.s32 @!p0 $0x0, s1;
	[sflag:s0] =	ssyncset.done @!p0 $0x0  }
0x3bb: {  	[sflag:s0] =	ssyncadd.s32 @!p0 s1  }
0x3bc: {  	[bflag:$0x3] =	sbarrier.arrive $0xFFFF  }
0x3bd: {  	_ =	shalt  }

</sc_bundles>
